<compile_context>
chip_gen: v7x
topology: tpu7x:2x2x1
jax: 0.10.2.dev20260603
libtpu: 0.0.44.dev20260713+nightly
codegen_flags: <defaults>
</compile_context>

<pallas_src>
import functools

import jax
import jax.numpy as jnp
from jax import lax
from jax.experimental import pallas as pl
from jax.experimental.pallas import tpu as pltpu
from jax.experimental.pallas import tpu_sc as plsc

_B = 16384
_D = 32

_info = plsc.get_sparse_core_info()
_NC = _info.num_cores
_NS = _info.num_subcores
_NW = _NC * _NS
_B_PER_W = _B // _NW
_LANES = 16
_GH = 8
_NG = _B_PER_W // _GH


def _make_gather():
    mesh = plsc.VectorSubcoreMesh(core_axis_name="c", subcore_axis_name="s")

    @functools.partial(
        pl.kernel,
        mesh=mesh,
        out_type=jax.ShapeDtypeStruct((_D, _B), jnp.float32),
        compiler_params=pltpu.CompilerParams(needs_layout_passes=False),
        scratch_types=[
            pltpu.VMEM((_B_PER_W + _LANES,), jnp.int32),
            pltpu.VMEM((3, _GH, _D, 128), jnp.float32),
            pltpu.VMEM((_D * _B_PER_W,), jnp.float32),
            pltpu.SemaphoreType.DMA,
            pltpu.SemaphoreType.DMA,
            pltpu.SemaphoreType.DMA,
            pltpu.SemaphoreType.DMA,
        ],
    )
    def gather_kernel(idx_hbm, tab_t_hbm, dummy_hbm, out_t_hbm, idx_v, blk_v,
                      cols_v, sem0, sem1, sem2, osem):
        wid = lax.axis_index("s") * _NC + lax.axis_index("c")
        base = wid * _B_PER_W
        sems = [sem0, sem1, sem2]
        pltpu.sync_copy(idx_hbm.at[pl.ds(base, _B_PER_W)],
                        idx_v.at[pl.ds(0, _B_PER_W)])

        row16a = lax.iota(jnp.int32, _LANES)
        row16b = row16a + _LANES
        scat_a = row16a * _B_PER_W
        scat_b = row16b * _B_PER_W

        def fire(g, bank):
            vec = idx_v[pl.ds(g * _GH, _LANES)]
            for k in range(_GH):
                c = vec[k]
                q = pl.multiple_of(c & -128, 128)
                pltpu.async_copy(
                    tab_t_hbm.at[:, pl.ds(q, 128)],
                    blk_v.at[bank, k],
                    sems[bank],
                )

        def drain_and_extract(g, bank):
            pltpu.make_async_copy(
                dummy_hbm, blk_v.at[bank], sems[bank]
            ).wait()
            vec = idx_v[pl.ds(g * _GH, _LANES)] & 127
            for k in range(_GH):
                pos = g * _GH + k
                col_vec = jnp.full((_LANES,), vec[k], dtype=jnp.int32)
                va = plsc.load_gather(blk_v.at[bank, k], [row16a, col_vec])
                vb = plsc.load_gather(blk_v.at[bank, k], [row16b, col_vec])
                plsc.store_scatter(cols_v, [scat_a + pos], va)
                plsc.store_scatter(cols_v, [scat_b + pos], vb)

        fire(0, 0)
        fire(1, 1)

        def body(g):
            bank = lax.rem(g, 3)
            pl.when(bank == 0)(lambda: fire(g, 0))
            pl.when(bank == 1)(lambda: fire(g, 1))
            pl.when(bank == 2)(lambda: fire(g, 2))
            old = lax.rem(g + 1, 3)
            pl.when(old == 0)(lambda: drain_and_extract(g - 2, 0))
            pl.when(old == 1)(lambda: drain_and_extract(g - 2, 1))
            pl.when(old == 2)(lambda: drain_and_extract(g - 2, 2))

        pl.loop(2, _NG)(body)
        drain_and_extract(_NG - 2, (_NG - 2) % 3)
        drain_and_extract(_NG - 1, (_NG - 1) % 3)

        for d in range(_D):
            pltpu.async_copy(
                cols_v.at[pl.ds(d * _B_PER_W, _B_PER_W)],
                out_t_hbm.at[d, pl.ds(base, _B_PER_W)],
                osem,
            )
        for d in range(_D):
            pltpu.make_async_copy(
                cols_v.at[pl.ds(d * _B_PER_W, _B_PER_W)],
                out_t_hbm.at[d, pl.ds(base, _B_PER_W)],
                osem,
            ).wait()

    return gather_kernel


_gather = _make_gather()


def kernel(color_idx, table):
    idx = color_idx.astype(jnp.int32)
    dummy = jnp.zeros((_GH, _D, 128), jnp.float32)
    out_t = _gather(idx, table.T, dummy)
    return out_t.T

# --- scband reference (transcript-rebuilt; emitter-appended) ---
"""Pipeline reference for scband-color-embedding-78426102825088 (READ-ONLY COPY).

The authoritative reference and input builder live on the scoring server;
editing this copy changes nothing except your own understanding.
"""

import jax, jax.numpy as jnp
import numpy as np

NUM_COLORS = 1000000
EMBED_DIM = 32
BATCH = 16384


def setup_inputs(seed: int = 0) -> dict:
    key = jax.random.key(seed)
    k_idx, k_table = jax.random.split(key)
    color_idx = jax.random.randint(k_idx, (BATCH,), 0, NUM_COLORS, dtype=jnp.int64 if jax.config.jax_enable_x64 else jnp.int32)
    table = jax.random.normal(k_table, (NUM_COLORS, EMBED_DIM), dtype=jnp.float32)
    return {"color_idx": color_idx, "table": table}


def reference(color_idx, table):
    # nn.Embedding forward: row gather from the embedding table
    return jnp.take(table, color_idx, axis=0)

if __name__ == "__main__":
    import jax
    _d = setup_inputs()
    print(jax.jit(kernel)(*tuple(_d.values())))

</pallas_src>

<mosaic_0001>
#map = affine_map<(d0, d1) -> (0)>
#map1 = affine_map<(d0, d1) -> (0, 0)>
#map2 = affine_map<(d0, d1) -> (0, 0, 0)>
module attributes {stable_mosaic.version = 14 : i64} {
  func.func @gather_kernel(%arg0: i32, %arg1: i32, %arg2: memref<16384xi32, #tpu.memory_space<hbm>>, %arg3: memref<32x1000000xf32, #tpu.memory_space<hbm>>, %arg4: memref<8x32x128xf32, #tpu.memory_space<hbm>>, %arg5: memref<32x16384xf32, #tpu.memory_space<hbm>>, %arg6: memref<528xi32, #tpu.memory_space<vmem>>, %arg7: memref<3x8x32x128xf32, #tpu.memory_space<vmem>>, %arg8: memref<16384xf32, #tpu.memory_space<vmem>>, %arg9: memref<!tpu.dma_semaphore, #tpu.memory_space<semaphore_mem>>, %arg10: memref<!tpu.dma_semaphore, #tpu.memory_space<semaphore_mem>>, %arg11: memref<!tpu.dma_semaphore, #tpu.memory_space<semaphore_mem>>, %arg12: memref<!tpu.dma_semaphore, #tpu.memory_space<semaphore_mem>>) attributes {dimension_semantics = [#tpu.dimension_semantics<core_parallel>, #tpu.dimension_semantics<subcore_parallel>], iteration_bounds = array<i64: 2, 16>, scalar_prefetch = 0 : i64, scratch_operands = 7 : i64, tpu.core_type = #tpu.core_type<sc_vector_subcore>, window_params = [{transform_indices = #map}, {transform_indices = #map1}, {transform_indices = #map2}, {transform_indices = #map1}]} {
    %mul3A = arith.constant 2 : i32
    %mul3A_0 = arith.muli %arg1, %mul3A : i32
    %add3A = arith.addi %mul3A_0, %arg0 : i32
    %mul3A_1 = arith.constant 512 : i32
    %mul3A_2 = arith.muli %add3A, %mul3A_1 : i32
    "tpu.region"() ({
      %run_scoped3A = tpu.sem_alloc : memref<!tpu.dma_semaphore, #tpu.memory_space<semaphore_mem>>
      %dma_start3A_1291 = arith.constant 0 : i32
      %dma_start3A_1292 = tpu.memref_slice %arg6[%dma_start3A_1291] : memref<528xi32, #tpu.memory_space<vmem>> -> memref<512xi32, #tpu.memory_space<vmem>>
      %dma_start3A_1293 = tpu.memref_slice %arg2[%mul3A_2] : memref<16384xi32, #tpu.memory_space<hbm>> -> memref<512xi32, #tpu.memory_space<hbm>>
      %dma_start3A_1294 = arith.constant 0 : i32
      %dma_start3A_1295 = tpu.memref_slice %arg6[%dma_start3A_1294] : memref<528xi32, #tpu.memory_space<vmem>> -> memref<512xi32, #tpu.memory_space<vmem>>
      %dma_start3A_1296 = tpu.memref_slice %arg2[%mul3A_2] : memref<16384xi32, #tpu.memory_space<hbm>> -> memref<512xi32, #tpu.memory_space<hbm>>
      tpu.enqueue_dma source(%dma_start3A_1296 : memref<512xi32, #tpu.memory_space<hbm>>) target(%dma_start3A_1295 : memref<512xi32, #tpu.memory_space<vmem>>) target_semaphore(%run_scoped3A : memref<!tpu.dma_semaphore, #tpu.memory_space<semaphore_mem>>)
      %dma_wait3A_1297 = arith.constant 0 : i32
      %dma_wait3A_1298 = tpu.memref_slice %arg6[%dma_wait3A_1297] : memref<528xi32, #tpu.memory_space<vmem>> -> memref<512xi32, #tpu.memory_space<vmem>>
      %dma_wait3A_1299 = tpu.memref_slice %arg2[%mul3A_2] : memref<16384xi32, #tpu.memory_space<hbm>> -> memref<512xi32, #tpu.memory_space<hbm>>
      %dma_wait3A_1300 = arith.constant 0 : i32
      %dma_wait3A_1301 = tpu.memref_slice %arg6[%dma_wait3A_1300] : memref<528xi32, #tpu.memory_space<vmem>> -> memref<512xi32, #tpu.memory_space<vmem>>
      %dma_wait3A_1302 = tpu.memref_slice %arg2[%mul3A_2] : memref<16384xi32, #tpu.memory_space<hbm>> -> memref<512xi32, #tpu.memory_space<hbm>>
      tpu.wait_dma2 semaphore(%run_scoped3A : memref<!tpu.dma_semaphore, #tpu.memory_space<semaphore_mem>>) src(%dma_wait3A_1302 : memref<512xi32, #tpu.memory_space<hbm>>) dst(%dma_wait3A_1301 : memref<512xi32, #tpu.memory_space<vmem>>)
      tpu.yield
    }) : () -> ()
    %iota3A = tpu.iota {dimensions = array<i32: 0>} : vector<16xi32>
    %add3A_3 = arith.constant 16 : i32
    %add3A_4 = vector.broadcast %add3A_3 : i32 to vector<16xi32>
    %add3A_5 = arith.addi %iota3A, %add3A_4 : vector<16xi32>
    %mul3A_6 = arith.constant 512 : i32
    %mul3A_7 = vector.broadcast %mul3A_6 : i32 to vector<16xi32>
    %mul3A_8 = arith.muli %iota3A, %mul3A_7 : vector<16xi32>
    %mul3A_9 = arith.constant 512 : i32
    %mul3A_10 = vector.broadcast %mul3A_9 : i32 to vector<16xi32>
    %mul3A_11 = arith.muli %add3A_5, %mul3A_10 : vector<16xi32>
    %get3A = arith.constant 0 : index
    %get3A_12 = tpu.vector_load %arg6[%get3A] {strides = array<i32>} : memref<528xi32, #tpu.memory_space<vmem>>, vector<16xi32>,
    %slice3A = vector.extract_strided_slice %get3A_12 {offsets = [0], sizes = [1], strides = [1]} : vector<16xi32> to vector<1xi32>
    %squeeze3A = vector.extract %slice3A[0] : i32 from vector<1xi32>
    %and3A = arith.constant -128 : i32
    %and3A_13 = arith.andi %squeeze3A, %and3A : i32
    %multiple_of3A = tpu.assume_multiple %and3A_13, 128 : i32
    %dma_start3A = arith.constant 0 : i32
    %dma_start3A_14 = arith.constant 0 : i32
    %dma_start3A_15 = arith.constant 0 : i32
    %dma_start3A_16 = arith.constant 0 : i32
    %dma_start3A_17 = tpu.memref_slice %arg7[%dma_start3A, %dma_start3A_14, %dma_start3A_15, %dma_start3A_16] : memref<3x8x32x128xf32, #tpu.memory_space<vmem>> -> memref<1x1x32x128xf32, #tpu.memory_space<vmem>>
    %dma_start3A_18 = tpu.memref_squeeze %dma_start3A_17 : memref<1x1x32x128xf32, #tpu.memory_space<vmem>> -> memref<32x128xf32, #tpu.memory_space<vmem>>
    %dma_start3A_19 = arith.constant 0 : i32
    %dma_start3A_20 = tpu.memref_slice %arg3[%dma_start3A_19, %multiple_of3A] : memref<32x1000000xf32, #tpu.memory_space<hbm>> -> memref<32x128xf32, #tpu.memory_space<hbm>>
    %dma_start3A_21 = arith.constant 0 : i32
    %dma_start3A_22 = arith.constant 0 : i32
    %dma_start3A_23 = tpu.memref_slice %arg7[%dma_start3A, %dma_start3A_14, %dma_start3A_21, %dma_start3A_22] : memref<3x8x32x128xf32, #tpu.memory_space<vmem>> -> memref<1x1x32x128xf32, #tpu.memory_space<vmem>>
    %dma_start3A_24 = tpu.memref_squeeze %dma_start3A_23 : memref<1x1x32x128xf32, #tpu.memory_space<vmem>> -> memref<32x128xf32, #tpu.memory_space<vmem>>
    %dma_start3A_25 = arith.constant 0 : i32
    %dma_start3A_26 = tpu.memref_slice %arg3[%dma_start3A_25, %multiple_of3A] : memref<32x1000000xf32, #tpu.memory_space<hbm>> -> memref<32x128xf32, #tpu.memory_space<hbm>>
    tpu.enqueue_dma source(%dma_start3A_26 : memref<32x128xf32, #tpu.memory_space<hbm>>) target(%dma_start3A_24 : memref<32x128xf32, #tpu.memory_space<vmem>>) target_semaphore(%arg9 : memref<!tpu.dma_semaphore, #tpu.memory_space<semaphore_mem>>)
    %slice3A_27 = vector.extract_strided_slice %get3A_12 {offsets = [1], sizes = [1], strides = [1]} : vector<16xi32> to vector<1xi32>
    %squeeze3A_28 = vector.extract %slice3A_27[0] : i32 from vector<1xi32>
    %and3A_29 = arith.constant -128 : i32
    %and3A_30 = arith.andi %squeeze3A_28, %and3A_29 : i32
    %multiple_of3A_31 = tpu.assume_multiple %and3A_30, 128 : i32
    %dma_start3A_32 = arith.constant 0 : i32
    %dma_start3A_33 = arith.constant 1 : i32
    %dma_start3A_34 = arith.constant 0 : i32
    %dma_start3A_35 = arith.constant 0 : i32
    %dma_start3A_36 = tpu.memref_slice %arg7[%dma_start3A_32, %dma_start3A_33, %dma_start3A_34, %dma_start3A_35] : memref<3x8x32x128xf32, #tpu.memory_space<vmem>> -> memref<1x1x32x128xf32, #tpu.memory_space<vmem>>
    %dma_start3A_37 = tpu.memref_squeeze %dma_start3A_36 : memref<1x1x32x128xf32, #tpu.memory_space<vmem>> -> memref<32x128xf32, #tpu.memory_space<vmem>>
    %dma_start3A_38 = arith.constant 0 : i32
    %dma_start3A_39 = tpu.memref_slice %arg3[%dma_start3A_38, %multiple_of3A_31] : memref<32x1000000xf32, #tpu.memory_space<hbm>> -> memref<32x128xf32, #tpu.memory_space<hbm>>
    %dma_start3A_40 = arith.constant 0 : i32
    %dma_start3A_41 = arith.constant 0 : i32
    %dma_start3A_42 = tpu.memref_slice %arg7[%dma_start3A_32, %dma_start3A_33, %dma_start3A_40, %dma_start3A_41] : memref<3x8x32x128xf32, #tpu.memory_space<vmem>> -> memref<1x1x32x128xf32, #tpu.memory_space<vmem>>
    %dma_start3A_43 = tpu.memref_squeeze %dma_start3A_42 : memref<1x1x32x128xf32, #tpu.memory_space<vmem>> -> memref<32x128xf32, #tpu.memory_space<vmem>>
    %dma_start3A_44 = arith.constant 0 : i32
    %dma_start3A_45 = tpu.memref_slice %arg3[%dma_start3A_44, %multiple_of3A_31] : memref<32x1000000xf32, #tpu.memory_space<hbm>> -> memref<32x128xf32, #tpu.memory_space<hbm>>
    tpu.enqueue_dma source(%dma_start3A_45 : memref<32x128xf32, #tpu.memory_space<hbm>>) target(%dma_start3A_43 : memref<32x128xf32, #tpu.memory_space<vmem>>) target_semaphore(%arg9 : memref<!tpu.dma_semaphore, #tpu.memory_space<semaphore_mem>>)
    %slice3A_46 = vector.extract_strided_slice %get3A_12 {offsets = [2], sizes = [1], strides = [1]} : vector<16xi32> to vector<1xi32>
    %squeeze3A_47 = vector.extract %slice3A_46[0] : i32 from vector<1xi32>
    %and3A_48 = arith.constant -128 : i32
    %and3A_49 = arith.andi %squeeze3A_47, %and3A_48 : i32
    %multiple_of3A_50 = tpu.assume_multiple %and3A_49, 128 : i32
    %dma_start3A_51 = arith.constant 0 : i32
    %dma_start3A_52 = arith.constant 2 : i32
    %dma_start3A_53 = arith.constant 0 : i32
    %dma_start3A_54 = arith.constant 0 : i32
    %dma_start3A_55 = tpu.memref_slice %arg7[%dma_start3A_51, %dma_start3A_52, %dma_start3A_53, %dma_start3A_54] : memref<3x8x32x128xf32, #tpu.memory_space<vmem>> -> memref<1x1x32x128xf32, #tpu.memory_space<vmem>>
    %dma_start3A_56 = tpu.memref_squeeze %dma_start3A_55 : memref<1x1x32x128xf32, #tpu.memory_space<vmem>> -> memref<32x128xf32, #tpu.memory_space<vmem>>
    %dma_start3A_57 = arith.constant 0 : i32
    %dma_start3A_58 = tpu.memref_slice %arg3[%dma_start3A_57, %multiple_of3A_50] : memref<32x1000000xf32, #tpu.memory_space<hbm>> -> memref<32x128xf32, #tpu.memory_space<hbm>>
    %dma_start3A_59 = arith.constant 0 : i32
    %dma_start3A_60 = arith.constant 0 : i32
    %dma_start3A_61 = tpu.memref_slice %arg7[%dma_start3A_51, %dma_start3A_52, %dma_start3A_59, %dma_start3A_60] : memref<3x8x32x128xf32, #tpu.memory_space<vmem>> -> memref<1x1x32x128xf32, #tpu.memory_space<vmem>>
    %dma_start3A_62 = tpu.memref_squeeze %dma_start3A_61 : memref<1x1x32x128xf32, #tpu.memory_space<vmem>> -> memref<32x128xf32, #tpu.memory_space<vmem>>
    %dma_start3A_63 = arith.constant 0 : i32
    %dma_start3A_64 = tpu.memref_slice %arg3[%dma_start3A_63, %multiple_of3A_50] : memref<32x1000000xf32, #tpu.memory_space<hbm>> -> memref<32x128xf32, #tpu.memory_space<hbm>>
    tpu.enqueue_dma source(%dma_start3A_64 : memref<32x128xf32, #tpu.memory_space<hbm>>) target(%dma_start3A_62 : memref<32x128xf32, #tpu.memory_space<vmem>>) target_semaphore(%arg9 : memref<!tpu.dma_semaphore, #tpu.memory_space<semaphore_mem>>)
    %slice3A_65 = vector.extract_strided_slice %get3A_12 {offsets = [3], sizes = [1], strides = [1]} : vector<16xi32> to vector<1xi32>
    %squeeze3A_66 = vector.extract %slice3A_65[0] : i32 from vector<1xi32>
    %and3A_67 = arith.constant -128 : i32
    %and3A_68 = arith.andi %squeeze3A_66, %and3A_67 : i32
    %multiple_of3A_69 = tpu.assume_multiple %and3A_68, 128 : i32
    %dma_start3A_70 = arith.constant 0 : i32
    %dma_start3A_71 = arith.constant 3 : i32
    %dma_start3A_72 = arith.constant 0 : i32
    %dma_start3A_73 = arith.constant 0 : i32
    %dma_start3A_74 = tpu.memref_slice %arg7[%dma_start3A_70, %dma_start3A_71, %dma_start3A_72, %dma_start3A_73] : memref<3x8x32x128xf32, #tpu.memory_space<vmem>> -> memref<1x1x32x128xf32, #tpu.memory_space<vmem>>
    %dma_start3A_75 = tpu.memref_squeeze %dma_start3A_74 : memref<1x1x32x128xf32, #tpu.memory_space<vmem>> -> memref<32x128xf32, #tpu.memory_space<vmem>>
    %dma_start3A_76 = arith.constant 0 : i32
    %dma_start3A_77 = tpu.memref_slice %arg3[%dma_start3A_76, %multiple_of3A_69] : memref<32x1000000xf32, #tpu.memory_space<hbm>> -> memref<32x128xf32, #tpu.memory_space<hbm>>
    %dma_start3A_78 = arith.constant 0 : i32
    %dma_start3A_79 = arith.constant 0 : i32
    %dma_start3A_80 = tpu.memref_slice %arg7[%dma_start3A_70, %dma_start3A_71, %dma_start3A_78, %dma_start3A_79] : memref<3x8x32x128xf32, #tpu.memory_space<vmem>> -> memref<1x1x32x128xf32, #tpu.memory_space<vmem>>
    %dma_start3A_81 = tpu.memref_squeeze %dma_start3A_80 : memref<1x1x32x128xf32, #tpu.memory_space<vmem>> -> memref<32x128xf32, #tpu.memory_space<vmem>>
    %dma_start3A_82 = arith.constant 0 : i32
    %dma_start3A_83 = tpu.memref_slice %arg3[%dma_start3A_82, %multiple_of3A_69] : memref<32x1000000xf32, #tpu.memory_space<hbm>> -> memref<32x128xf32, #tpu.memory_space<hbm>>
    tpu.enqueue_dma source(%dma_start3A_83 : memref<32x128xf32, #tpu.memory_space<hbm>>) target(%dma_start3A_81 : memref<32x128xf32, #tpu.memory_space<vmem>>) target_semaphore(%arg9 : memref<!tpu.dma_semaphore, #tpu.memory_space<semaphore_mem>>)
    %slice3A_84 = vector.extract_strided_slice %get3A_12 {offsets = [4], sizes = [1], strides = [1]} : vector<16xi32> to vector<1xi32>
    %squeeze3A_85 = vector.extract %slice3A_84[0] : i32 from vector<1xi32>
    %and3A_86 = arith.constant -128 : i32
    %and3A_87 = arith.andi %squeeze3A_85, %and3A_86 : i32
    %multiple_of3A_88 = tpu.assume_multiple %and3A_87, 128 : i32
    %dma_start3A_89 = arith.constant 0 : i32
    %dma_start3A_90 = arith.constant 4 : i32
    %dma_start3A_91 = arith.constant 0 : i32
    %dma_start3A_92 = arith.constant 0 : i32
    %dma_start3A_93 = tpu.memref_slice %arg7[%dma_start3A_89, %dma_start3A_90, %dma_start3A_91, %dma_start3A_92] : memref<3x8x32x128xf32, #tpu.memory_space<vmem>> -> memref<1x1x32x128xf32, #tpu.memory_space<vmem>>
    %dma_start3A_94 = tpu.memref_squeeze %dma_start3A_93 : memref<1x1x32x128xf32, #tpu.memory_space<vmem>> -> memref<32x128xf32, #tpu.memory_space<vmem>>
    %dma_start3A_95 = arith.constant 0 : i32
    %dma_start3A_96 = tpu.memref_slice %arg3[%dma_start3A_95, %multiple_of3A_88] : memref<32x1000000xf32, #tpu.memory_space<hbm>> -> memref<32x128xf32, #tpu.memory_space<hbm>>
    %dma_start3A_97 = arith.constant 0 : i32
    %dma_start3A_98 = arith.constant 0 : i32
    %dma_start3A_99 = tpu.memref_slice %arg7[%dma_start3A_89, %dma_start3A_90, %dma_start3A_97, %dma_start3A_98] : memref<3x8x32x128xf32, #tpu.memory_space<vmem>> -> memref<1x1x32x128xf32, #tpu.memory_space<vmem>>
    %dma_start3A_100 = tpu.memref_squeeze %dma_start3A_99 : memref<1x1x32x128xf32, #tpu.memory_space<vmem>> -> memref<32x128xf32, #tpu.memory_space<vmem>>
    %dma_start3A_101 = arith.constant 0 : i32
    %dma_start3A_102 = tpu.memref_slice %arg3[%dma_start3A_101, %multiple_of3A_88] : memref<32x1000000xf32, #tpu.memory_space<hbm>> -> memref<32x128xf32, #tpu.memory_space<hbm>>
    tpu.enqueue_dma source(%dma_start3A_102 : memref<32x128xf32, #tpu.memory_space<hbm>>) target(%dma_start3A_100 : memref<32x128xf32, #tpu.memory_space<vmem>>) target_semaphore(%arg9 : memref<!tpu.dma_semaphore, #tpu.memory_space<semaphore_mem>>)
    %slice3A_103 = vector.extract_strided_slice %get3A_12 {offsets = [5], sizes = [1], strides = [1]} : vector<16xi32> to vector<1xi32>
    %squeeze3A_104 = vector.extract %slice3A_103[0] : i32 from vector<1xi32>
    %and3A_105 = arith.constant -128 : i32
    %and3A_106 = arith.andi %squeeze3A_104, %and3A_105 : i32
    %multiple_of3A_107 = tpu.assume_multiple %and3A_106, 128 : i32
    %dma_start3A_108 = arith.constant 0 : i32
    %dma_start3A_109 = arith.constant 5 : i32
    %dma_start3A_110 = arith.constant 0 : i32
    %dma_start3A_111 = arith.constant 0 : i32
    %dma_start3A_112 = tpu.memref_slice %arg7[%dma_start3A_108, %dma_start3A_109, %dma_start3A_110, %dma_start3A_111] : memref<3x8x32x128xf32, #tpu.memory_space<vmem>> -> memref<1x1x32x128xf32, #tpu.memory_space<vmem>>
    %dma_start3A_113 = tpu.memref_squeeze %dma_start3A_112 : memref<1x1x32x128xf32, #tpu.memory_space<vmem>> -> memref<32x128xf32, #tpu.memory_space<vmem>>
    %dma_start3A_114 = arith.constant 0 : i32
    %dma_start3A_115 = tpu.memref_slice %arg3[%dma_start3A_114, %multiple_of3A_107] : memref<32x1000000xf32, #tpu.memory_space<hbm>> -> memref<32x128xf32, #tpu.memory_space<hbm>>
    %dma_start3A_116 = arith.constant 0 : i32
    %dma_start3A_117 = arith.constant 0 : i32
    %dma_start3A_118 = tpu.memref_slice %arg7[%dma_start3A_108, %dma_start3A_109, %dma_start3A_116, %dma_start3A_117] : memref<3x8x32x128xf32, #tpu.memory_space<vmem>> -> memref<1x1x32x128xf32, #tpu.memory_space<vmem>>
    %dma_start3A_119 = tpu.memref_squeeze %dma_start3A_118 : memref<1x1x32x128xf32, #tpu.memory_space<vmem>> -> memref<32x128xf32, #tpu.memory_space<vmem>>
    %dma_start3A_120 = arith.constant 0 : i32
    %dma_start3A_121 = tpu.memref_slice %arg3[%dma_start3A_120, %multiple_of3A_107] : memref<32x1000000xf32, #tpu.memory_space<hbm>> -> memref<32x128xf32, #tpu.memory_space<hbm>>
    tpu.enqueue_dma source(%dma_start3A_121 : memref<32x128xf32, #tpu.memory_space<hbm>>) target(%dma_start3A_119 : memref<32x128xf32, #tpu.memory_space<vmem>>) target_semaphore(%arg9 : memref<!tpu.dma_semaphore, #tpu.memory_space<semaphore_mem>>)
    %slice3A_122 = vector.extract_strided_slice %get3A_12 {offsets = [6], sizes = [1], strides = [1]} : vector<16xi32> to vector<1xi32>
    %squeeze3A_123 = vector.extract %slice3A_122[0] : i32 from vector<1xi32>
    %and3A_124 = arith.constant -128 : i32
    %and3A_125 = arith.andi %squeeze3A_123, %and3A_124 : i32
    %multiple_of3A_126 = tpu.assume_multiple %and3A_125, 128 : i32
    %dma_start3A_127 = arith.constant 0 : i32
    %dma_start3A_128 = arith.constant 6 : i32
    %dma_start3A_129 = arith.constant 0 : i32
    %dma_start3A_130 = arith.constant 0 : i32
    %dma_start3A_131 = tpu.memref_slice %arg7[%dma_start3A_127, %dma_start3A_128, %dma_start3A_129, %dma_start3A_130] : memref<3x8x32x128xf32, #tpu.memory_space<vmem>> -> memref<1x1x32x128xf32, #tpu.memory_space<vmem>>
    %dma_start3A_132 = tpu.memref_squeeze %dma_start3A_131 : memref<1x1x32x128xf32, #tpu.memory_space<vmem>> -> memref<32x128xf32, #tpu.memory_space<vmem>>
    %dma_start3A_133 = arith.constant 0 : i32
    %dma_start3A_134 = tpu.memref_slice %arg3[%dma_start3A_133, %multiple_of3A_126] : memref<32x1000000xf32, #tpu.memory_space<hbm>> -> memref<32x128xf32, #tpu.memory_space<hbm>>
    %dma_start3A_135 = arith.constant 0 : i32
    %dma_start3A_136 = arith.constant 0 : i32
    %dma_start3A_137 = tpu.memref_slice %arg7[%dma_start3A_127, %dma_start3A_128, %dma_start3A_135, %dma_start3A_136] : memref<3x8x32x128xf32, #tpu.memory_space<vmem>> -> memref<1x1x32x128xf32, #tpu.memory_space<vmem>>
    %dma_start3A_138 = tpu.memref_squeeze %dma_start3A_137 : memref<1x1x32x128xf32, #tpu.memory_space<vmem>> -> memref<32x128xf32, #tpu.memory_space<vmem>>
    %dma_start3A_139 = arith.constant 0 : i32
    %dma_start3A_140 = tpu.memref_slice %arg3[%dma_start3A_139, %multiple_of3A_126] : memref<32x1000000xf32, #tpu.memory_space<hbm>> -> memref<32x128xf32, #tpu.memory_space<hbm>>
    tpu.enqueue_dma source(%dma_start3A_140 : memref<32x128xf32, #tpu.memory_space<hbm>>) target(%dma_start3A_138 : memref<32x128xf32, #tpu.memory_space<vmem>>) target_semaphore(%arg9 : memref<!tpu.dma_semaphore, #tpu.memory_space<semaphore_mem>>)
    %slice3A_141 = vector.extract_strided_slice %get3A_12 {offsets = [7], sizes = [1], strides = [1]} : vector<16xi32> to vector<1xi32>
    %squeeze3A_142 = vector.extract %slice3A_141[0] : i32 from vector<1xi32>
    %and3A_143 = arith.constant -128 : i32
    %and3A_144 = arith.andi %squeeze3A_142, %and3A_143 : i32
    %multiple_of3A_145 = tpu.assume_multiple %and3A_144, 128 : i32
    %dma_start3A_146 = arith.constant 0 : i32
    %dma_start3A_147 = arith.constant 7 : i32
    %dma_start3A_148 = arith.constant 0 : i32
    %dma_start3A_149 = arith.constant 0 : i32
    %dma_start3A_150 = tpu.memref_slice %arg7[%dma_start3A_146, %dma_start3A_147, %dma_start3A_148, %dma_start3A_149] : memref<3x8x32x128xf32, #tpu.memory_space<vmem>> -> memref<1x1x32x128xf32, #tpu.memory_space<vmem>>
    %dma_start3A_151 = tpu.memref_squeeze %dma_start3A_150 : memref<1x1x32x128xf32, #tpu.memory_space<vmem>> -> memref<32x128xf32, #tpu.memory_space<vmem>>
    %dma_start3A_152 = arith.constant 0 : i32
    %dma_start3A_153 = tpu.memref_slice %arg3[%dma_start3A_152, %multiple_of3A_145] : memref<32x1000000xf32, #tpu.memory_space<hbm>> -> memref<32x128xf32, #tpu.memory_space<hbm>>
    %dma_start3A_154 = arith.constant 0 : i32
    %dma_start3A_155 = arith.constant 0 : i32
    %dma_start3A_156 = tpu.memref_slice %arg7[%dma_start3A_146, %dma_start3A_147, %dma_start3A_154, %dma_start3A_155] : memref<3x8x32x128xf32, #tpu.memory_space<vmem>> -> memref<1x1x32x128xf32, #tpu.memory_space<vmem>>
    %dma_start3A_157 = tpu.memref_squeeze %dma_start3A_156 : memref<1x1x32x128xf32, #tpu.memory_space<vmem>> -> memref<32x128xf32, #tpu.memory_space<vmem>>
    %dma_start3A_158 = arith.constant 0 : i32
    %dma_start3A_159 = tpu.memref_slice %arg3[%dma_start3A_158, %multiple_of3A_145] : memref<32x1000000xf32, #tpu.memory_space<hbm>> -> memref<32x128xf32, #tpu.memory_space<hbm>>
    tpu.enqueue_dma source(%dma_start3A_159 : memref<32x128xf32, #tpu.memory_space<hbm>>) target(%dma_start3A_157 : memref<32x128xf32, #tpu.memory_space<vmem>>) target_semaphore(%arg9 : memref<!tpu.dma_semaphore, #tpu.memory_space<semaphore_mem>>)
    %get3A_160 = arith.constant 8 : index
    %get3A_161 = tpu.vector_load %arg6[%get3A_160] {strides = array<i32>} : memref<528xi32, #tpu.memory_space<vmem>>, vector<16xi32>,
    %slice3A_162 = vector.extract_strided_slice %get3A_161 {offsets = [0], sizes = [1], strides = [1]} : vector<16xi32> to vector<1xi32>
    %squeeze3A_163 = vector.extract %slice3A_162[0] : i32 from vector<1xi32>
    %and3A_164 = arith.constant -128 : i32
    %and3A_165 = arith.andi %squeeze3A_163, %and3A_164 : i32
    %multiple_of3A_166 = tpu.assume_multiple %and3A_165, 128 : i32
    %dma_start3A_167 = arith.constant 1 : i32
    %dma_start3A_168 = arith.constant 0 : i32
    %dma_start3A_169 = arith.constant 0 : i32
    %dma_start3A_170 = arith.constant 0 : i32
    %dma_start3A_171 = tpu.memref_slice %arg7[%dma_start3A_167, %dma_start3A_168, %dma_start3A_169, %dma_start3A_170] : memref<3x8x32x128xf32, #tpu.memory_space<vmem>> -> memref<1x1x32x128xf32, #tpu.memory_space<vmem>>
    %dma_start3A_172 = tpu.memref_squeeze %dma_start3A_171 : memref<1x1x32x128xf32, #tpu.memory_space<vmem>> -> memref<32x128xf32, #tpu.memory_space<vmem>>
    %dma_start3A_173 = arith.constant 0 : i32
    %dma_start3A_174 = tpu.memref_slice %arg3[%dma_start3A_173, %multiple_of3A_166] : memref<32x1000000xf32, #tpu.memory_space<hbm>> -> memref<32x128xf32, #tpu.memory_space<hbm>>
    %dma_start3A_175 = arith.constant 0 : i32
    %dma_start3A_176 = arith.constant 0 : i32
    %dma_start3A_177 = tpu.memref_slice %arg7[%dma_start3A_167, %dma_start3A_168, %dma_start3A_175, %dma_start3A_176] : memref<3x8x32x128xf32, #tpu.memory_space<vmem>> -> memref<1x1x32x128xf32, #tpu.memory_space<vmem>>
    %dma_start3A_178 = tpu.memref_squeeze %dma_start3A_177 : memref<1x1x32x128xf32, #tpu.memory_space<vmem>> -> memref<32x128xf32, #tpu.memory_space<vmem>>
    %dma_start3A_179 = arith.constant 0 : i32
    %dma_start3A_180 = tpu.memref_slice %arg3[%dma_start3A_179, %multiple_of3A_166] : memref<32x1000000xf32, #tpu.memory_space<hbm>> -> memref<32x128xf32, #tpu.memory_space<hbm>>
    tpu.enqueue_dma source(%dma_start3A_180 : memref<32x128xf32, #tpu.memory_space<hbm>>) target(%dma_start3A_178 : memref<32x128xf32, #tpu.memory_space<vmem>>) target_semaphore(%arg10 : memref<!tpu.dma_semaphore, #tpu.memory_space<semaphore_mem>>)
    %slice3A_181 = vector.extract_strided_slice %get3A_161 {offsets = [1], sizes = [1], strides = [1]} : vector<16xi32> to vector<1xi32>
    %squeeze3A_182 = vector.extract %slice3A_181[0] : i32 from vector<1xi32>
    %and3A_183 = arith.constant -128 : i32
    %and3A_184 = arith.andi %squeeze3A_182, %and3A_183 : i32
    %multiple_of3A_185 = tpu.assume_multiple %and3A_184, 128 : i32
    %dma_start3A_186 = arith.constant 1 : i32
    %dma_start3A_187 = arith.constant 1 : i32
    %dma_start3A_188 = arith.constant 0 : i32
    %dma_start3A_189 = arith.constant 0 : i32
    %dma_start3A_190 = tpu.memref_slice %arg7[%dma_start3A_186, %dma_start3A_187, %dma_start3A_188, %dma_start3A_189] : memref<3x8x32x128xf32, #tpu.memory_space<vmem>> -> memref<1x1x32x128xf32, #tpu.memory_space<vmem>>
    %dma_start3A_191 = tpu.memref_squeeze %dma_start3A_190 : memref<1x1x32x128xf32, #tpu.memory_space<vmem>> -> memref<32x128xf32, #tpu.memory_space<vmem>>
    %dma_start3A_192 = arith.constant 0 : i32
    %dma_start3A_193 = tpu.memref_slice %arg3[%dma_start3A_192, %multiple_of3A_185] : memref<32x1000000xf32, #tpu.memory_space<hbm>> -> memref<32x128xf32, #tpu.memory_space<hbm>>
    %dma_start3A_194 = arith.constant 0 : i32
    %dma_start3A_195 = arith.constant 0 : i32
    %dma_start3A_196 = tpu.memref_slice %arg7[%dma_start3A_186, %dma_start3A_187, %dma_start3A_194, %dma_start3A_195] : memref<3x8x32x128xf32, #tpu.memory_space<vmem>> -> memref<1x1x32x128xf32, #tpu.memory_space<vmem>>
    %dma_start3A_197 = tpu.memref_squeeze %dma_start3A_196 : memref<1x1x32x128xf32, #tpu.memory_space<vmem>> -> memref<32x128xf32, #tpu.memory_space<vmem>>
    %dma_start3A_198 = arith.constant 0 : i32
    %dma_start3A_199 = tpu.memref_slice %arg3[%dma_start3A_198, %multiple_of3A_185] : memref<32x1000000xf32, #tpu.memory_space<hbm>> -> memref<32x128xf32, #tpu.memory_space<hbm>>
    tpu.enqueue_dma source(%dma_start3A_199 : memref<32x128xf32, #tpu.memory_space<hbm>>) target(%dma_start3A_197 : memref<32x128xf32, #tpu.memory_space<vmem>>) target_semaphore(%arg10 : memref<!tpu.dma_semaphore, #tpu.memory_space<semaphore_mem>>)
    %slice3A_200 = vector.extract_strided_slice %get3A_161 {offsets = [2], sizes = [1], strides = [1]} : vector<16xi32> to vector<1xi32>
    %squeeze3A_201 = vector.extract %slice3A_200[0] : i32 from vector<1xi32>
    %and3A_202 = arith.constant -128 : i32
    %and3A_203 = arith.andi %squeeze3A_201, %and3A_202 : i32
    %multiple_of3A_204 = tpu.assume_multiple %and3A_203, 128 : i32
    %dma_start3A_205 = arith.constant 1 : i32
    %dma_start3A_206 = arith.constant 2 : i32
    %dma_start3A_207 = arith.constant 0 : i32
    %dma_start3A_208 = arith.constant 0 : i32
    %dma_start3A_209 = tpu.memref_slice %arg7[%dma_start3A_205, %dma_start3A_206, %dma_start3A_207, %dma_start3A_208] : memref<3x8x32x128xf32, #tpu.memory_space<vmem>> -> memref<1x1x32x128xf32, #tpu.memory_space<vmem>>
    %dma_start3A_210 = tpu.memref_squeeze %dma_start3A_209 : memref<1x1x32x128xf32, #tpu.memory_space<vmem>> -> memref<32x128xf32, #tpu.memory_space<vmem>>
    %dma_start3A_211 = arith.constant 0 : i32
    %dma_start3A_212 = tpu.memref_slice %arg3[%dma_start3A_211, %multiple_of3A_204] : memref<32x1000000xf32, #tpu.memory_space<hbm>> -> memref<32x128xf32, #tpu.memory_space<hbm>>
    %dma_start3A_213 = arith.constant 0 : i32
    %dma_start3A_214 = arith.constant 0 : i32
    %dma_start3A_215 = tpu.memref_slice %arg7[%dma_start3A_205, %dma_start3A_206, %dma_start3A_213, %dma_start3A_214] : memref<3x8x32x128xf32, #tpu.memory_space<vmem>> -> memref<1x1x32x128xf32, #tpu.memory_space<vmem>>
    %dma_start3A_216 = tpu.memref_squeeze %dma_start3A_215 : memref<1x1x32x128xf32, #tpu.memory_space<vmem>> -> memref<32x128xf32, #tpu.memory_space<vmem>>
    %dma_start3A_217 = arith.constant 0 : i32
    %dma_start3A_218 = tpu.memref_slice %arg3[%dma_start3A_217, %multiple_of3A_204] : memref<32x1000000xf32, #tpu.memory_space<hbm>> -> memref<32x128xf32, #tpu.memory_space<hbm>>
    tpu.enqueue_dma source(%dma_start3A_218 : memref<32x128xf32, #tpu.memory_space<hbm>>) target(%dma_start3A_216 : memref<32x128xf32, #tpu.memory_space<vmem>>) target_semaphore(%arg10 : memref<!tpu.dma_semaphore, #tpu.memory_space<semaphore_mem>>)
    %slice3A_219 = vector.extract_strided_slice %get3A_161 {offsets = [3], sizes = [1], strides = [1]} : vector<16xi32> to vector<1xi32>
    %squeeze3A_220 = vector.extract %slice3A_219[0] : i32 from vector<1xi32>
    %and3A_221 = arith.constant -128 : i32
    %and3A_222 = arith.andi %squeeze3A_220, %and3A_221 : i32
    %multiple_of3A_223 = tpu.assume_multiple %and3A_222, 128 : i32
    %dma_start3A_224 = arith.constant 1 : i32
    %dma_start3A_225 = arith.constant 3 : i32
    %dma_start3A_226 = arith.constant 0 : i32
    %dma_start3A_227 = arith.constant 0 : i32
    %dma_start3A_228 = tpu.memref_slice %arg7[%dma_start3A_224, %dma_start3A_225, %dma_start3A_226, %dma_start3A_227] : memref<3x8x32x128xf32, #tpu.memory_space<vmem>> -> memref<1x1x32x128xf32, #tpu.memory_space<vmem>>
    %dma_start3A_229 = tpu.memref_squeeze %dma_start3A_228 : memref<1x1x32x128xf32, #tpu.memory_space<vmem>> -> memref<32x128xf32, #tpu.memory_space<vmem>>
    %dma_start3A_230 = arith.constant 0 : i32
    %dma_start3A_231 = tpu.memref_slice %arg3[%dma_start3A_230, %multiple_of3A_223] : memref<32x1000000xf32, #tpu.memory_space<hbm>> -> memref<32x128xf32, #tpu.memory_space<hbm>>
    %dma_start3A_232 = arith.constant 0 : i32
    %dma_start3A_233 = arith.constant 0 : i32
    %dma_start3A_234 = tpu.memref_slice %arg7[%dma_start3A_224, %dma_start3A_225, %dma_start3A_232, %dma_start3A_233] : memref<3x8x32x128xf32, #tpu.memory_space<vmem>> -> memref<1x1x32x128xf32, #tpu.memory_space<vmem>>
    %dma_start3A_235 = tpu.memref_squeeze %dma_start3A_234 : memref<1x1x32x128xf32, #tpu.memory_space<vmem>> -> memref<32x128xf32, #tpu.memory_space<vmem>>
    %dma_start3A_236 = arith.constant 0 : i32
    %dma_start3A_237 = tpu.memref_slice %arg3[%dma_start3A_236, %multiple_of3A_223] : memref<32x1000000xf32, #tpu.memory_space<hbm>> -> memref<32x128xf32, #tpu.memory_space<hbm>>
    tpu.enqueue_dma source(%dma_start3A_237 : memref<32x128xf32, #tpu.memory_space<hbm>>) target(%dma_start3A_235 : memref<32x128xf32, #tpu.memory_space<vmem>>) target_semaphore(%arg10 : memref<!tpu.dma_semaphore, #tpu.memory_space<semaphore_mem>>)
    %slice3A_238 = vector.extract_strided_slice %get3A_161 {offsets = [4], sizes = [1], strides = [1]} : vector<16xi32> to vector<1xi32>
    %squeeze3A_239 = vector.extract %slice3A_238[0] : i32 from vector<1xi32>
    %and3A_240 = arith.constant -128 : i32
    %and3A_241 = arith.andi %squeeze3A_239, %and3A_240 : i32
    %multiple_of3A_242 = tpu.assume_multiple %and3A_241, 128 : i32
    %dma_start3A_243 = arith.constant 1 : i32
    %dma_start3A_244 = arith.constant 4 : i32
    %dma_start3A_245 = arith.constant 0 : i32
    %dma_start3A_246 = arith.constant 0 : i32
    %dma_start3A_247 = tpu.memref_slice %arg7[%dma_start3A_243, %dma_start3A_244, %dma_start3A_245, %dma_start3A_246] : memref<3x8x32x128xf32, #tpu.memory_space<vmem>> -> memref<1x1x32x128xf32, #tpu.memory_space<vmem>>
    %dma_start3A_248 = tpu.memref_squeeze %dma_start3A_247 : memref<1x1x32x128xf32, #tpu.memory_space<vmem>> -> memref<32x128xf32, #tpu.memory_space<vmem>>
    %dma_start3A_249 = arith.constant 0 : i32
    %dma_start3A_250 = tpu.memref_slice %arg3[%dma_start3A_249, %multiple_of3A_242] : memref<32x1000000xf32, #tpu.memory_space<hbm>> -> memref<32x128xf32, #tpu.memory_space<hbm>>
    %dma_start3A_251 = arith.constant 0 : i32
    %dma_start3A_252 = arith.constant 0 : i32
    %dma_start3A_253 = tpu.memref_slice %arg7[%dma_start3A_243, %dma_start3A_244, %dma_start3A_251, %dma_start3A_252] : memref<3x8x32x128xf32, #tpu.memory_space<vmem>> -> memref<1x1x32x128xf32, #tpu.memory_space<vmem>>
    %dma_start3A_254 = tpu.memref_squeeze %dma_start3A_253 : memref<1x1x32x128xf32, #tpu.memory_space<vmem>> -> memref<32x128xf32, #tpu.memory_space<vmem>>
    %dma_start3A_255 = arith.constant 0 : i32
    %dma_start3A_256 = tpu.memref_slice %arg3[%dma_start3A_255, %multiple_of3A_242] : memref<32x1000000xf32, #tpu.memory_space<hbm>> -> memref<32x128xf32, #tpu.memory_space<hbm>>
    tpu.enqueue_dma source(%dma_start3A_256 : memref<32x128xf32, #tpu.memory_space<hbm>>) target(%dma_start3A_254 : memref<32x128xf32, #tpu.memory_space<vmem>>) target_semaphore(%arg10 : memref<!tpu.dma_semaphore, #tpu.memory_space<semaphore_mem>>)
    %slice3A_257 = vector.extract_strided_slice %get3A_161 {offsets = [5], sizes = [1], strides = [1]} : vector<16xi32> to vector<1xi32>
    %squeeze3A_258 = vector.extract %slice3A_257[0] : i32 from vector<1xi32>
    %and3A_259 = arith.constant -128 : i32
    %and3A_260 = arith.andi %squeeze3A_258, %and3A_259 : i32
    %multiple_of3A_261 = tpu.assume_multiple %and3A_260, 128 : i32
    %dma_start3A_262 = arith.constant 1 : i32
    %dma_start3A_263 = arith.constant 5 : i32
    %dma_start3A_264 = arith.constant 0 : i32
    %dma_start3A_265 = arith.constant 0 : i32
    %dma_start3A_266 = tpu.memref_slice %arg7[%dma_start3A_262, %dma_start3A_263, %dma_start3A_264, %dma_start3A_265] : memref<3x8x32x128xf32, #tpu.memory_space<vmem>> -> memref<1x1x32x128xf32, #tpu.memory_space<vmem>>
    %dma_start3A_267 = tpu.memref_squeeze %dma_start3A_266 : memref<1x1x32x128xf32, #tpu.memory_space<vmem>> -> memref<32x128xf32, #tpu.memory_space<vmem>>
    %dma_start3A_268 = arith.constant 0 : i32
    %dma_start3A_269 = tpu.memref_slice %arg3[%dma_start3A_268, %multiple_of3A_261] : memref<32x1000000xf32, #tpu.memory_space<hbm>> -> memref<32x128xf32, #tpu.memory_space<hbm>>
    %dma_start3A_270 = arith.constant 0 : i32
    %dma_start3A_271 = arith.constant 0 : i32
    %dma_start3A_272 = tpu.memref_slice %arg7[%dma_start3A_262, %dma_start3A_263, %dma_start3A_270, %dma_start3A_271] : memref<3x8x32x128xf32, #tpu.memory_space<vmem>> -> memref<1x1x32x128xf32, #tpu.memory_space<vmem>>
    %dma_start3A_273 = tpu.memref_squeeze %dma_start3A_272 : memref<1x1x32x128xf32, #tpu.memory_space<vmem>> -> memref<32x128xf32, #tpu.memory_space<vmem>>
    %dma_start3A_274 = arith.constant 0 : i32
    %dma_start3A_275 = tpu.memref_slice %arg3[%dma_start3A_274, %multiple_of3A_261] : memref<32x1000000xf32, #tpu.memory_space<hbm>> -> memref<32x128xf32, #tpu.memory_space<hbm>>
    tpu.enqueue_dma source(%dma_start3A_275 : memref<32x128xf32, #tpu.memory_space<hbm>>) target(%dma_start3A_273 : memref<32x128xf32, #tpu.memory_space<vmem>>) target_semaphore(%arg10 : memref<!tpu.dma_semaphore, #tpu.memory_space<semaphore_mem>>)
    %slice3A_276 = vector.extract_strided_slice %get3A_161 {offsets = [6], sizes = [1], strides = [1]} : vector<16xi32> to vector<1xi32>
    %squeeze3A_277 = vector.extract %slice3A_276[0] : i32 from vector<1xi32>
    %and3A_278 = arith.constant -128 : i32
    %and3A_279 = arith.andi %squeeze3A_277, %and3A_278 : i32
    %multiple_of3A_280 = tpu.assume_multiple %and3A_279, 128 : i32
    %dma_start3A_281 = arith.constant 1 : i32
    %dma_start3A_282 = arith.constant 6 : i32
    %dma_start3A_283 = arith.constant 0 : i32
    %dma_start3A_284 = arith.constant 0 : i32
    %dma_start3A_285 = tpu.memref_slice %arg7[%dma_start3A_281, %dma_start3A_282, %dma_start3A_283, %dma_start3A_284] : memref<3x8x32x128xf32, #tpu.memory_space<vmem>> -> memref<1x1x32x128xf32, #tpu.memory_space<vmem>>
    %dma_start3A_286 = tpu.memref_squeeze %dma_start3A_285 : memref<1x1x32x128xf32, #tpu.memory_space<vmem>> -> memref<32x128xf32, #tpu.memory_space<vmem>>
    %dma_start3A_287 = arith.constant 0 : i32
    %dma_start3A_288 = tpu.memref_slice %arg3[%dma_start3A_287, %multiple_of3A_280] : memref<32x1000000xf32, #tpu.memory_space<hbm>> -> memref<32x128xf32, #tpu.memory_space<hbm>>
    %dma_start3A_289 = arith.constant 0 : i32
    %dma_start3A_290 = arith.constant 0 : i32
    %dma_start3A_291 = tpu.memref_slice %arg7[%dma_start3A_281, %dma_start3A_282, %dma_start3A_289, %dma_start3A_290] : memref<3x8x32x128xf32, #tpu.memory_space<vmem>> -> memref<1x1x32x128xf32, #tpu.memory_space<vmem>>
    %dma_start3A_292 = tpu.memref_squeeze %dma_start3A_291 : memref<1x1x32x128xf32, #tpu.memory_space<vmem>> -> memref<32x128xf32, #tpu.memory_space<vmem>>
    %dma_start3A_293 = arith.constant 0 : i32
    %dma_start3A_294 = tpu.memref_slice %arg3[%dma_start3A_293, %multiple_of3A_280] : memref<32x1000000xf32, #tpu.memory_space<hbm>> -> memref<32x128xf32, #tpu.memory_space<hbm>>
    tpu.enqueue_dma source(%dma_start3A_294 : memref<32x128xf32, #tpu.memory_space<hbm>>) target(%dma_start3A_292 : memref<32x128xf32, #tpu.memory_space<vmem>>) target_semaphore(%arg10 : memref<!tpu.dma_semaphore, #tpu.memory_space<semaphore_mem>>)
    %slice3A_295 = vector.extract_strided_slice %get3A_161 {offsets = [7], sizes = [1], strides = [1]} : vector<16xi32> to vector<1xi32>
    %squeeze3A_296 = vector.extract %slice3A_295[0] : i32 from vector<1xi32>
    %and3A_297 = arith.constant -128 : i32
    %and3A_298 = arith.andi %squeeze3A_296, %and3A_297 : i32
    %multiple_of3A_299 = tpu.assume_multiple %and3A_298, 128 : i32
    %dma_start3A_300 = arith.constant 1 : i32
    %dma_start3A_301 = arith.constant 7 : i32
    %dma_start3A_302 = arith.constant 0 : i32
    %dma_start3A_303 = arith.constant 0 : i32
    %dma_start3A_304 = tpu.memref_slice %arg7[%dma_start3A_300, %dma_start3A_301, %dma_start3A_302, %dma_start3A_303] : memref<3x8x32x128xf32, #tpu.memory_space<vmem>> -> memref<1x1x32x128xf32, #tpu.memory_space<vmem>>
    %dma_start3A_305 = tpu.memref_squeeze %dma_start3A_304 : memref<1x1x32x128xf32, #tpu.memory_space<vmem>> -> memref<32x128xf32, #tpu.memory_space<vmem>>
    %dma_start3A_306 = arith.constant 0 : i32
    %dma_start3A_307 = tpu.memref_slice %arg3[%dma_start3A_306, %multiple_of3A_299] : memref<32x1000000xf32, #tpu.memory_space<hbm>> -> memref<32x128xf32, #tpu.memory_space<hbm>>
    %dma_start3A_308 = arith.constant 0 : i32
    %dma_start3A_309 = arith.constant 0 : i32
    %dma_start3A_310 = tpu.memref_slice %arg7[%dma_start3A_300, %dma_start3A_301, %dma_start3A_308, %dma_start3A_309] : memref<3x8x32x128xf32, #tpu.memory_space<vmem>> -> memref<1x1x32x128xf32, #tpu.memory_space<vmem>>
    %dma_start3A_311 = tpu.memref_squeeze %dma_start3A_310 : memref<1x1x32x128xf32, #tpu.memory_space<vmem>> -> memref<32x128xf32, #tpu.memory_space<vmem>>
    %dma_start3A_312 = arith.constant 0 : i32
    %dma_start3A_313 = tpu.memref_slice %arg3[%dma_start3A_312, %multiple_of3A_299] : memref<32x1000000xf32, #tpu.memory_space<hbm>> -> memref<32x128xf32, #tpu.memory_space<hbm>>
    tpu.enqueue_dma source(%dma_start3A_313 : memref<32x128xf32, #tpu.memory_space<hbm>>) target(%dma_start3A_311 : memref<32x128xf32, #tpu.memory_space<vmem>>) target_semaphore(%arg10 : memref<!tpu.dma_semaphore, #tpu.memory_space<semaphore_mem>>)
    %scan3A = arith.constant 0 : i32
    %scan3A_314 = arith.constant 62 : i32
    %scan3A_315 = arith.addi %scan3A, %scan3A_314 : i32
    %scan3A_316 = arith.constant 1 : i32
    scf.for %scan3A_1291 = %scan3A to %scan3A_315 step %scan3A_316  : i32 {
      %mul3A_1292 = arith.constant 1 : i32
      %mul3A_1293 = arith.muli %scan3A_1291, %mul3A_1292 : i32
      %add3A_1294 = arith.constant 2 : i32
      %add3A_1295 = arith.addi %add3A_1294, %mul3A_1293 : i32
      %rem3A = arith.constant 3 : i32
      %rem3A_1296 = arith.remsi %add3A_1295, %rem3A : i32
      %eq3A = arith.constant 0 : i32
      %eq3A_1297 = arith.cmpi eq, %rem3A_1296, %eq3A : i32
      %convert_element_type3A = arith.extui %eq3A_1297 : i1 to i32
      %cond3A = arith.constant 0 : i32
      %cond3A_1298 = arith.cmpi ne, %convert_element_type3A, %cond3A : i32
      scf.if %cond3A_1298 {
        %mul3A_1328 = arith.constant 8 : i32
        %mul3A_1329 = arith.muli %add3A_1295, %mul3A_1328 : i32
        %get3A_1330 = arith.index_cast %mul3A_1329 : i32 to index
        %get3A_1331 = tpu.vector_load %arg6[%get3A_1330] {strides = array<i32>} : memref<528xi32, #tpu.memory_space<vmem>>, vector<16xi32>,
        %slice3A_1332 = vector.extract_strided_slice %get3A_1331 {offsets = [0], sizes = [1], strides = [1]} : vector<16xi32> to vector<1xi32>
        %squeeze3A_1333 = vector.extract %slice3A_1332[0] : i32 from vector<1xi32>
        %and3A_1334 = arith.constant -128 : i32
        %and3A_1335 = arith.andi %squeeze3A_1333, %and3A_1334 : i32
        %multiple_of3A_1336 = tpu.assume_multiple %and3A_1335, 128 : i32
        %dma_start3A_1337 = arith.constant 0 : i32
        %dma_start3A_1338 = arith.constant 0 : i32
        %dma_start3A_1339 = arith.constant 0 : i32
        %dma_start3A_1340 = arith.constant 0 : i32
        %dma_start3A_1341 = tpu.memref_slice %arg7[%dma_start3A_1337, %dma_start3A_1338, %dma_start3A_1339, %dma_start3A_1340] : memref<3x8x32x128xf32, #tpu.memory_space<vmem>> -> memref<1x1x32x128xf32, #tpu.memory_space<vmem>>
        %dma_start3A_1342 = tpu.memref_squeeze %dma_start3A_1341 : memref<1x1x32x128xf32, #tpu.memory_space<vmem>> -> memref<32x128xf32, #tpu.memory_space<vmem>>
        %dma_start3A_1343 = arith.constant 0 : i32
        %dma_start3A_1344 = tpu.memref_slice %arg3[%dma_start3A_1343, %multiple_of3A_1336] : memref<32x1000000xf32, #tpu.memory_space<hbm>> -> memref<32x128xf32, #tpu.memory_space<hbm>>
        %dma_start3A_1345 = arith.constant 0 : i32
        %dma_start3A_1346 = arith.constant 0 : i32
        %dma_start3A_1347 = tpu.memref_slice %arg7[%dma_start3A_1337, %dma_start3A_1338, %dma_start3A_1345, %dma_start3A_1346] : memref<3x8x32x128xf32, #tpu.memory_space<vmem>> -> memref<1x1x32x128xf32, #tpu.memory_space<vmem>>
        %dma_start3A_1348 = tpu.memref_squeeze %dma_start3A_1347 : memref<1x1x32x128xf32, #tpu.memory_space<vmem>> -> memref<32x128xf32, #tpu.memory_space<vmem>>
        %dma_start3A_1349 = arith.constant 0 : i32
        %dma_start3A_1350 = tpu.memref_slice %arg3[%dma_start3A_1349, %multiple_of3A_1336] : memref<32x1000000xf32, #tpu.memory_space<hbm>> -> memref<32x128xf32, #tpu.memory_space<hbm>>
        tpu.enqueue_dma source(%dma_start3A_1350 : memref<32x128xf32, #tpu.memory_space<hbm>>) target(%dma_start3A_1348 : memref<32x128xf32, #tpu.memory_space<vmem>>) target_semaphore(%arg9 : memref<!tpu.dma_semaphore, #tpu.memory_space<semaphore_mem>>)
        %slice3A_1351 = vector.extract_strided_slice %get3A_1331 {offsets = [1], sizes = [1], strides = [1]} : vector<16xi32> to vector<1xi32>
        %squeeze3A_1352 = vector.extract %slice3A_1351[0] : i32 from vector<1xi32>
        %and3A_1353 = arith.constant -128 : i32
        %and3A_1354 = arith.andi %squeeze3A_1352, %and3A_1353 : i32
        %multiple_of3A_1355 = tpu.assume_multiple %and3A_1354, 128 : i32
        %dma_start3A_1356 = arith.constant 0 : i32
        %dma_start3A_1357 = arith.constant 1 : i32
        %dma_start3A_1358 = arith.constant 0 : i32
        %dma_start3A_1359 = arith.constant 0 : i32
        %dma_start3A_1360 = tpu.memref_slice %arg7[%dma_start3A_1356, %dma_start3A_1357, %dma_start3A_1358, %dma_start3A_1359] : memref<3x8x32x128xf32, #tpu.memory_space<vmem>> -> memref<1x1x32x128xf32, #tpu.memory_space<vmem>>
        %dma_start3A_1361 = tpu.memref_squeeze %dma_start3A_1360 : memref<1x1x32x128xf32, #tpu.memory_space<vmem>> -> memref<32x128xf32, #tpu.memory_space<vmem>>
        %dma_start3A_1362 = arith.constant 0 : i32
        %dma_start3A_1363 = tpu.memref_slice %arg3[%dma_start3A_1362, %multiple_of3A_1355] : memref<32x1000000xf32, #tpu.memory_space<hbm>> -> memref<32x128xf32, #tpu.memory_space<hbm>>
        %dma_start3A_1364 = arith.constant 0 : i32
        %dma_start3A_1365 = arith.constant 0 : i32
        %dma_start3A_1366 = tpu.memref_slice %arg7[%dma_start3A_1356, %dma_start3A_1357, %dma_start3A_1364, %dma_start3A_1365] : memref<3x8x32x128xf32, #tpu.memory_space<vmem>> -> memref<1x1x32x128xf32, #tpu.memory_space<vmem>>
        %dma_start3A_1367 = tpu.memref_squeeze %dma_start3A_1366 : memref<1x1x32x128xf32, #tpu.memory_space<vmem>> -> memref<32x128xf32, #tpu.memory_space<vmem>>
        %dma_start3A_1368 = arith.constant 0 : i32
        %dma_start3A_1369 = tpu.memref_slice %arg3[%dma_start3A_1368, %multiple_of3A_1355] : memref<32x1000000xf32, #tpu.memory_space<hbm>> -> memref<32x128xf32, #tpu.memory_space<hbm>>
        tpu.enqueue_dma source(%dma_start3A_1369 : memref<32x128xf32, #tpu.memory_space<hbm>>) target(%dma_start3A_1367 : memref<32x128xf32, #tpu.memory_space<vmem>>) target_semaphore(%arg9 : memref<!tpu.dma_semaphore, #tpu.memory_space<semaphore_mem>>)
        %slice3A_1370 = vector.extract_strided_slice %get3A_1331 {offsets = [2], sizes = [1], strides = [1]} : vector<16xi32> to vector<1xi32>
        %squeeze3A_1371 = vector.extract %slice3A_1370[0] : i32 from vector<1xi32>
        %and3A_1372 = arith.constant -128 : i32
        %and3A_1373 = arith.andi %squeeze3A_1371, %and3A_1372 : i32
        %multiple_of3A_1374 = tpu.assume_multiple %and3A_1373, 128 : i32
        %dma_start3A_1375 = arith.constant 0 : i32
        %dma_start3A_1376 = arith.constant 2 : i32
        %dma_start3A_1377 = arith.constant 0 : i32
        %dma_start3A_1378 = arith.constant 0 : i32
        %dma_start3A_1379 = tpu.memref_slice %arg7[%dma_start3A_1375, %dma_start3A_1376, %dma_start3A_1377, %dma_start3A_1378] : memref<3x8x32x128xf32, #tpu.memory_space<vmem>> -> memref<1x1x32x128xf32, #tpu.memory_space<vmem>>
        %dma_start3A_1380 = tpu.memref_squeeze %dma_start3A_1379 : memref<1x1x32x128xf32, #tpu.memory_space<vmem>> -> memref<32x128xf32, #tpu.memory_space<vmem>>
        %dma_start3A_1381 = arith.constant 0 : i32
        %dma_start3A_1382 = tpu.memref_slice %arg3[%dma_start3A_1381, %multiple_of3A_1374] : memref<32x1000000xf32, #tpu.memory_space<hbm>> -> memref<32x128xf32, #tpu.memory_space<hbm>>
        %dma_start3A_1383 = arith.constant 0 : i32
        %dma_start3A_1384 = arith.constant 0 : i32
        %dma_start3A_1385 = tpu.memref_slice %arg7[%dma_start3A_1375, %dma_start3A_1376, %dma_start3A_1383, %dma_start3A_1384] : memref<3x8x32x128xf32, #tpu.memory_space<vmem>> -> memref<1x1x32x128xf32, #tpu.memory_space<vmem>>
        %dma_start3A_1386 = tpu.memref_squeeze %dma_start3A_1385 : memref<1x1x32x128xf32, #tpu.memory_space<vmem>> -> memref<32x128xf32, #tpu.memory_space<vmem>>
        %dma_start3A_1387 = arith.constant 0 : i32
        %dma_start3A_1388 = tpu.memref_slice %arg3[%dma_start3A_1387, %multiple_of3A_1374] : memref<32x1000000xf32, #tpu.memory_space<hbm>> -> memref<32x128xf32, #tpu.memory_space<hbm>>
        tpu.enqueue_dma source(%dma_start3A_1388 : memref<32x128xf32, #tpu.memory_space<hbm>>) target(%dma_start3A_1386 : memref<32x128xf32, #tpu.memory_space<vmem>>) target_semaphore(%arg9 : memref<!tpu.dma_semaphore, #tpu.memory_space<semaphore_mem>>)
        %slice3A_1389 = vector.extract_strided_slice %get3A_1331 {offsets = [3], sizes = [1], strides = [1]} : vector<16xi32> to vector<1xi32>
        %squeeze3A_1390 = vector.extract %slice3A_1389[0] : i32 from vector<1xi32>
        %and3A_1391 = arith.constant -128 : i32
        %and3A_1392 = arith.andi %squeeze3A_1390, %and3A_1391 : i32
        %multiple_of3A_1393 = tpu.assume_multiple %and3A_1392, 128 : i32
        %dma_start3A_1394 = arith.constant 0 : i32
        %dma_start3A_1395 = arith.constant 3 : i32
        %dma_start3A_1396 = arith.constant 0 : i32
        %dma_start3A_1397 = arith.constant 0 : i32
        %dma_start3A_1398 = tpu.memref_slice %arg7[%dma_start3A_1394, %dma_start3A_1395, %dma_start3A_1396, %dma_start3A_1397] : memref<3x8x32x128xf32, #tpu.memory_space<vmem>> -> memref<1x1x32x128xf32, #tpu.memory_space<vmem>>
        %dma_start3A_1399 = tpu.memref_squeeze %dma_start3A_1398 : memref<1x1x32x128xf32, #tpu.memory_space<vmem>> -> memref<32x128xf32, #tpu.memory_space<vmem>>
        %dma_start3A_1400 = arith.constant 0 : i32
        %dma_start3A_1401 = tpu.memref_slice %arg3[%dma_start3A_1400, %multiple_of3A_1393] : memref<32x1000000xf32, #tpu.memory_space<hbm>> -> memref<32x128xf32, #tpu.memory_space<hbm>>
        %dma_start3A_1402 = arith.constant 0 : i32
        %dma_start3A_1403 = arith.constant 0 : i32
        %dma_start3A_1404 = tpu.memref_slice %arg7[%dma_start3A_1394, %dma_start3A_1395, %dma_start3A_1402, %dma_start3A_1403] : memref<3x8x32x128xf32, #tpu.memory_space<vmem>> -> memref<1x1x32x128xf32, #tpu.memory_space<vmem>>
        %dma_start3A_1405 = tpu.memref_squeeze %dma_start3A_1404 : memref<1x1x32x128xf32, #tpu.memory_space<vmem>> -> memref<32x128xf32, #tpu.memory_space<vmem>>
        %dma_start3A_1406 = arith.constant 0 : i32
        %dma_start3A_1407 = tpu.memref_slice %arg3[%dma_start3A_1406, %multiple_of3A_1393] : memref<32x1000000xf32, #tpu.memory_space<hbm>> -> memref<32x128xf32, #tpu.memory_space<hbm>>
        tpu.enqueue_dma source(%dma_start3A_1407 : memref<32x128xf32, #tpu.memory_space<hbm>>) target(%dma_start3A_1405 : memref<32x128xf32, #tpu.memory_space<vmem>>) target_semaphore(%arg9 : memref<!tpu.dma_semaphore, #tpu.memory_space<semaphore_mem>>)
        %slice3A_1408 = vector.extract_strided_slice %get3A_1331 {offsets = [4], sizes = [1], strides = [1]} : vector<16xi32> to vector<1xi32>
        %squeeze3A_1409 = vector.extract %slice3A_1408[0] : i32 from vector<1xi32>
        %and3A_1410 = arith.constant -128 : i32
        %and3A_1411 = arith.andi %squeeze3A_1409, %and3A_1410 : i32
        %multiple_of3A_1412 = tpu.assume_multiple %and3A_1411, 128 : i32
        %dma_start3A_1413 = arith.constant 0 : i32
        %dma_start3A_1414 = arith.constant 4 : i32
        %dma_start3A_1415 = arith.constant 0 : i32
        %dma_start3A_1416 = arith.constant 0 : i32
        %dma_start3A_1417 = tpu.memref_slice %arg7[%dma_start3A_1413, %dma_start3A_1414, %dma_start3A_1415, %dma_start3A_1416] : memref<3x8x32x128xf32, #tpu.memory_space<vmem>> -> memref<1x1x32x128xf32, #tpu.memory_space<vmem>>
        %dma_start3A_1418 = tpu.memref_squeeze %dma_start3A_1417 : memref<1x1x32x128xf32, #tpu.memory_space<vmem>> -> memref<32x128xf32, #tpu.memory_space<vmem>>
        %dma_start3A_1419 = arith.constant 0 : i32
        %dma_start3A_1420 = tpu.memref_slice %arg3[%dma_start3A_1419, %multiple_of3A_1412] : memref<32x1000000xf32, #tpu.memory_space<hbm>> -> memref<32x128xf32, #tpu.memory_space<hbm>>
        %dma_start3A_1421 = arith.constant 0 : i32
        %dma_start3A_1422 = arith.constant 0 : i32
        %dma_start3A_1423 = tpu.memref_slice %arg7[%dma_start3A_1413, %dma_start3A_1414, %dma_start3A_1421, %dma_start3A_1422] : memref<3x8x32x128xf32, #tpu.memory_space<vmem>> -> memref<1x1x32x128xf32, #tpu.memory_space<vmem>>
        %dma_start3A_1424 = tpu.memref_squeeze %dma_start3A_1423 : memref<1x1x32x128xf32, #tpu.memory_space<vmem>> -> memref<32x128xf32, #tpu.memory_space<vmem>>
        %dma_start3A_1425 = arith.constant 0 : i32
        %dma_start3A_1426 = tpu.memref_slice %arg3[%dma_start3A_1425, %multiple_of3A_1412] : memref<32x1000000xf32, #tpu.memory_space<hbm>> -> memref<32x128xf32, #tpu.memory_space<hbm>>
        tpu.enqueue_dma source(%dma_start3A_1426 : memref<32x128xf32, #tpu.memory_space<hbm>>) target(%dma_start3A_1424 : memref<32x128xf32, #tpu.memory_space<vmem>>) target_semaphore(%arg9 : memref<!tpu.dma_semaphore, #tpu.memory_space<semaphore_mem>>)
        %slice3A_1427 = vector.extract_strided_slice %get3A_1331 {offsets = [5], sizes = [1], strides = [1]} : vector<16xi32> to vector<1xi32>
        %squeeze3A_1428 = vector.extract %slice3A_1427[0] : i32 from vector<1xi32>
        %and3A_1429 = arith.constant -128 : i32
        %and3A_1430 = arith.andi %squeeze3A_1428, %and3A_1429 : i32
        %multiple_of3A_1431 = tpu.assume_multiple %and3A_1430, 128 : i32
        %dma_start3A_1432 = arith.constant 0 : i32
        %dma_start3A_1433 = arith.constant 5 : i32
        %dma_start3A_1434 = arith.constant 0 : i32
        %dma_start3A_1435 = arith.constant 0 : i32
        %dma_start3A_1436 = tpu.memref_slice %arg7[%dma_start3A_1432, %dma_start3A_1433, %dma_start3A_1434, %dma_start3A_1435] : memref<3x8x32x128xf32, #tpu.memory_space<vmem>> -> memref<1x1x32x128xf32, #tpu.memory_space<vmem>>
        %dma_start3A_1437 = tpu.memref_squeeze %dma_start3A_1436 : memref<1x1x32x128xf32, #tpu.memory_space<vmem>> -> memref<32x128xf32, #tpu.memory_space<vmem>>
        %dma_start3A_1438 = arith.constant 0 : i32
        %dma_start3A_1439 = tpu.memref_slice %arg3[%dma_start3A_1438, %multiple_of3A_1431] : memref<32x1000000xf32, #tpu.memory_space<hbm>> -> memref<32x128xf32, #tpu.memory_space<hbm>>
        %dma_start3A_1440 = arith.constant 0 : i32
        %dma_start3A_1441 = arith.constant 0 : i32
        %dma_start3A_1442 = tpu.memref_slice %arg7[%dma_start3A_1432, %dma_start3A_1433, %dma_start3A_1440, %dma_start3A_1441] : memref<3x8x32x128xf32, #tpu.memory_space<vmem>> -> memref<1x1x32x128xf32, #tpu.memory_space<vmem>>
        %dma_start3A_1443 = tpu.memref_squeeze %dma_start3A_1442 : memref<1x1x32x128xf32, #tpu.memory_space<vmem>> -> memref<32x128xf32, #tpu.memory_space<vmem>>
        %dma_start3A_1444 = arith.constant 0 : i32
        %dma_start3A_1445 = tpu.memref_slice %arg3[%dma_start3A_1444, %multiple_of3A_1431] : memref<32x1000000xf32, #tpu.memory_space<hbm>> -> memref<32x128xf32, #tpu.memory_space<hbm>>
        tpu.enqueue_dma source(%dma_start3A_1445 : memref<32x128xf32, #tpu.memory_space<hbm>>) target(%dma_start3A_1443 : memref<32x128xf32, #tpu.memory_space<vmem>>) target_semaphore(%arg9 : memref<!tpu.dma_semaphore, #tpu.memory_space<semaphore_mem>>)
        %slice3A_1446 = vector.extract_strided_slice %get3A_1331 {offsets = [6], sizes = [1], strides = [1]} : vector<16xi32> to vector<1xi32>
        %squeeze3A_1447 = vector.extract %slice3A_1446[0] : i32 from vector<1xi32>
        %and3A_1448 = arith.constant -128 : i32
        %and3A_1449 = arith.andi %squeeze3A_1447, %and3A_1448 : i32
        %multiple_of3A_1450 = tpu.assume_multiple %and3A_1449, 128 : i32
        %dma_start3A_1451 = arith.constant 0 : i32
        %dma_start3A_1452 = arith.constant 6 : i32
        %dma_start3A_1453 = arith.constant 0 : i32
        %dma_start3A_1454 = arith.constant 0 : i32
        %dma_start3A_1455 = tpu.memref_slice %arg7[%dma_start3A_1451, %dma_start3A_1452, %dma_start3A_1453, %dma_start3A_1454] : memref<3x8x32x128xf32, #tpu.memory_space<vmem>> -> memref<1x1x32x128xf32, #tpu.memory_space<vmem>>
        %dma_start3A_1456 = tpu.memref_squeeze %dma_start3A_1455 : memref<1x1x32x128xf32, #tpu.memory_space<vmem>> -> memref<32x128xf32, #tpu.memory_space<vmem>>
        %dma_start3A_1457 = arith.constant 0 : i32
        %dma_start3A_1458 = tpu.memref_slice %arg3[%dma_start3A_1457, %multiple_of3A_1450] : memref<32x1000000xf32, #tpu.memory_space<hbm>> -> memref<32x128xf32, #tpu.memory_space<hbm>>
        %dma_start3A_1459 = arith.constant 0 : i32
        %dma_start3A_1460 = arith.constant 0 : i32
        %dma_start3A_1461 = tpu.memref_slice %arg7[%dma_start3A_1451, %dma_start3A_1452, %dma_start3A_1459, %dma_start3A_1460] : memref<3x8x32x128xf32, #tpu.memory_space<vmem>> -> memref<1x1x32x128xf32, #tpu.memory_space<vmem>>
        %dma_start3A_1462 = tpu.memref_squeeze %dma_start3A_1461 : memref<1x1x32x128xf32, #tpu.memory_space<vmem>> -> memref<32x128xf32, #tpu.memory_space<vmem>>
        %dma_start3A_1463 = arith.constant 0 : i32
        %dma_start3A_1464 = tpu.memref_slice %arg3[%dma_start3A_1463, %multiple_of3A_1450] : memref<32x1000000xf32, #tpu.memory_space<hbm>> -> memref<32x128xf32, #tpu.memory_space<hbm>>
        tpu.enqueue_dma source(%dma_start3A_1464 : memref<32x128xf32, #tpu.memory_space<hbm>>) target(%dma_start3A_1462 : memref<32x128xf32, #tpu.memory_space<vmem>>) target_semaphore(%arg9 : memref<!tpu.dma_semaphore, #tpu.memory_space<semaphore_mem>>)
        %slice3A_1465 = vector.extract_strided_slice %get3A_1331 {offsets = [7], sizes = [1], strides = [1]} : vector<16xi32> to vector<1xi32>
        %squeeze3A_1466 = vector.extract %slice3A_1465[0] : i32 from vector<1xi32>
        %and3A_1467 = arith.constant -128 : i32
        %and3A_1468 = arith.andi %squeeze3A_1466, %and3A_1467 : i32
        %multiple_of3A_1469 = tpu.assume_multiple %and3A_1468, 128 : i32
        %dma_start3A_1470 = arith.constant 0 : i32
        %dma_start3A_1471 = arith.constant 7 : i32
        %dma_start3A_1472 = arith.constant 0 : i32
        %dma_start3A_1473 = arith.constant 0 : i32
        %dma_start3A_1474 = tpu.memref_slice %arg7[%dma_start3A_1470, %dma_start3A_1471, %dma_start3A_1472, %dma_start3A_1473] : memref<3x8x32x128xf32, #tpu.memory_space<vmem>> -> memref<1x1x32x128xf32, #tpu.memory_space<vmem>>
        %dma_start3A_1475 = tpu.memref_squeeze %dma_start3A_1474 : memref<1x1x32x128xf32, #tpu.memory_space<vmem>> -> memref<32x128xf32, #tpu.memory_space<vmem>>
        %dma_start3A_1476 = arith.constant 0 : i32
        %dma_start3A_1477 = tpu.memref_slice %arg3[%dma_start3A_1476, %multiple_of3A_1469] : memref<32x1000000xf32, #tpu.memory_space<hbm>> -> memref<32x128xf32, #tpu.memory_space<hbm>>
        %dma_start3A_1478 = arith.constant 0 : i32
        %dma_start3A_1479 = arith.constant 0 : i32
        %dma_start3A_1480 = tpu.memref_slice %arg7[%dma_start3A_1470, %dma_start3A_1471, %dma_start3A_1478, %dma_start3A_1479] : memref<3x8x32x128xf32, #tpu.memory_space<vmem>> -> memref<1x1x32x128xf32, #tpu.memory_space<vmem>>
        %dma_start3A_1481 = tpu.memref_squeeze %dma_start3A_1480 : memref<1x1x32x128xf32, #tpu.memory_space<vmem>> -> memref<32x128xf32, #tpu.memory_space<vmem>>
        %dma_start3A_1482 = arith.constant 0 : i32
        %dma_start3A_1483 = tpu.memref_slice %arg3[%dma_start3A_1482, %multiple_of3A_1469] : memref<32x1000000xf32, #tpu.memory_space<hbm>> -> memref<32x128xf32, #tpu.memory_space<hbm>>
        tpu.enqueue_dma source(%dma_start3A_1483 : memref<32x128xf32, #tpu.memory_space<hbm>>) target(%dma_start3A_1481 : memref<32x128xf32, #tpu.memory_space<vmem>>) target_semaphore(%arg9 : memref<!tpu.dma_semaphore, #tpu.memory_space<semaphore_mem>>)
      } else {
      }
      %eq3A_1299 = arith.constant 1 : i32
      %eq3A_1300 = arith.cmpi eq, %rem3A_1296, %eq3A_1299 : i32
      %convert_element_type3A_1301 = arith.extui %eq3A_1300 : i1 to i32
      %cond3A_1302 = arith.constant 0 : i32
      %cond3A_1303 = arith.cmpi ne, %convert_element_type3A_1301, %cond3A_1302 : i32
      scf.if %cond3A_1303 {
        %mul3A_1328 = arith.constant 8 : i32
        %mul3A_1329 = arith.muli %add3A_1295, %mul3A_1328 : i32
        %get3A_1330 = arith.index_cast %mul3A_1329 : i32 to index
        %get3A_1331 = tpu.vector_load %arg6[%get3A_1330] {strides = array<i32>} : memref<528xi32, #tpu.memory_space<vmem>>, vector<16xi32>,
        %slice3A_1332 = vector.extract_strided_slice %get3A_1331 {offsets = [0], sizes = [1], strides = [1]} : vector<16xi32> to vector<1xi32>
        %squeeze3A_1333 = vector.extract %slice3A_1332[0] : i32 from vector<1xi32>
        %and3A_1334 = arith.constant -128 : i32
        %and3A_1335 = arith.andi %squeeze3A_1333, %and3A_1334 : i32
        %multiple_of3A_1336 = tpu.assume_multiple %and3A_1335, 128 : i32
        %dma_start3A_1337 = arith.constant 1 : i32
        %dma_start3A_1338 = arith.constant 0 : i32
        %dma_start3A_1339 = arith.constant 0 : i32
        %dma_start3A_1340 = arith.constant 0 : i32
        %dma_start3A_1341 = tpu.memref_slice %arg7[%dma_start3A_1337, %dma_start3A_1338, %dma_start3A_1339, %dma_start3A_1340] : memref<3x8x32x128xf32, #tpu.memory_space<vmem>> -> memref<1x1x32x128xf32, #tpu.memory_space<vmem>>
        %dma_start3A_1342 = tpu.memref_squeeze %dma_start3A_1341 : memref<1x1x32x128xf32, #tpu.memory_space<vmem>> -> memref<32x128xf32, #tpu.memory_space<vmem>>
        %dma_start3A_1343 = arith.constant 0 : i32
        %dma_start3A_1344 = tpu.memref_slice %arg3[%dma_start3A_1343, %multiple_of3A_1336] : memref<32x1000000xf32, #tpu.memory_space<hbm>> -> memref<32x128xf32, #tpu.memory_space<hbm>>
        %dma_start3A_1345 = arith.constant 0 : i32
        %dma_start3A_1346 = arith.constant 0 : i32
        %dma_start3A_1347 = tpu.memref_slice %arg7[%dma_start3A_1337, %dma_start3A_1338, %dma_start3A_1345, %dma_start3A_1346] : memref<3x8x32x128xf32, #tpu.memory_space<vmem>> -> memref<1x1x32x128xf32, #tpu.memory_space<vmem>>
        %dma_start3A_1348 = tpu.memref_squeeze %dma_start3A_1347 : memref<1x1x32x128xf32, #tpu.memory_space<vmem>> -> memref<32x128xf32, #tpu.memory_space<vmem>>
        %dma_start3A_1349 = arith.constant 0 : i32
        %dma_start3A_1350 = tpu.memref_slice %arg3[%dma_start3A_1349, %multiple_of3A_1336] : memref<32x1000000xf32, #tpu.memory_space<hbm>> -> memref<32x128xf32, #tpu.memory_space<hbm>>
        tpu.enqueue_dma source(%dma_start3A_1350 : memref<32x128xf32, #tpu.memory_space<hbm>>) target(%dma_start3A_1348 : memref<32x128xf32, #tpu.memory_space<vmem>>) target_semaphore(%arg10 : memref<!tpu.dma_semaphore, #tpu.memory_space<semaphore_mem>>)
        %slice3A_1351 = vector.extract_strided_slice %get3A_1331 {offsets = [1], sizes = [1], strides = [1]} : vector<16xi32> to vector<1xi32>
        %squeeze3A_1352 = vector.extract %slice3A_1351[0] : i32 from vector<1xi32>
        %and3A_1353 = arith.constant -128 : i32
        %and3A_1354 = arith.andi %squeeze3A_1352, %and3A_1353 : i32
        %multiple_of3A_1355 = tpu.assume_multiple %and3A_1354, 128 : i32
        %dma_start3A_1356 = arith.constant 1 : i32
        %dma_start3A_1357 = arith.constant 1 : i32
        %dma_start3A_1358 = arith.constant 0 : i32
        %dma_start3A_1359 = arith.constant 0 : i32
        %dma_start3A_1360 = tpu.memref_slice %arg7[%dma_start3A_1356, %dma_start3A_1357, %dma_start3A_1358, %dma_start3A_1359] : memref<3x8x32x128xf32, #tpu.memory_space<vmem>> -> memref<1x1x32x128xf32, #tpu.memory_space<vmem>>
        %dma_start3A_1361 = tpu.memref_squeeze %dma_start3A_1360 : memref<1x1x32x128xf32, #tpu.memory_space<vmem>> -> memref<32x128xf32, #tpu.memory_space<vmem>>
        %dma_start3A_1362 = arith.constant 0 : i32
        %dma_start3A_1363 = tpu.memref_slice %arg3[%dma_start3A_1362, %multiple_of3A_1355] : memref<32x1000000xf32, #tpu.memory_space<hbm>> -> memref<32x128xf32, #tpu.memory_space<hbm>>
        %dma_start3A_1364 = arith.constant 0 : i32
        %dma_start3A_1365 = arith.constant 0 : i32
        %dma_start3A_1366 = tpu.memref_slice %arg7[%dma_start3A_1356, %dma_start3A_1357, %dma_start3A_1364, %dma_start3A_1365] : memref<3x8x32x128xf32, #tpu.memory_space<vmem>> -> memref<1x1x32x128xf32, #tpu.memory_space<vmem>>
        %dma_start3A_1367 = tpu.memref_squeeze %dma_start3A_1366 : memref<1x1x32x128xf32, #tpu.memory_space<vmem>> -> memref<32x128xf32, #tpu.memory_space<vmem>>
        %dma_start3A_1368 = arith.constant 0 : i32
        %dma_start3A_1369 = tpu.memref_slice %arg3[%dma_start3A_1368, %multiple_of3A_1355] : memref<32x1000000xf32, #tpu.memory_space<hbm>> -> memref<32x128xf32, #tpu.memory_space<hbm>>
        tpu.enqueue_dma source(%dma_start3A_1369 : memref<32x128xf32, #tpu.memory_space<hbm>>) target(%dma_start3A_1367 : memref<32x128xf32, #tpu.memory_space<vmem>>) target_semaphore(%arg10 : memref<!tpu.dma_semaphore, #tpu.memory_space<semaphore_mem>>)
        %slice3A_1370 = vector.extract_strided_slice %get3A_1331 {offsets = [2], sizes = [1], strides = [1]} : vector<16xi32> to vector<1xi32>
        %squeeze3A_1371 = vector.extract %slice3A_1370[0] : i32 from vector<1xi32>
        %and3A_1372 = arith.constant -128 : i32
        %and3A_1373 = arith.andi %squeeze3A_1371, %and3A_1372 : i32
        %multiple_of3A_1374 = tpu.assume_multiple %and3A_1373, 128 : i32
        %dma_start3A_1375 = arith.constant 1 : i32
        %dma_start3A_1376 = arith.constant 2 : i32
        %dma_start3A_1377 = arith.constant 0 : i32
        %dma_start3A_1378 = arith.constant 0 : i32
        %dma_start3A_1379 = tpu.memref_slice %arg7[%dma_start3A_1375, %dma_start3A_1376, %dma_start3A_1377, %dma_start3A_1378] : memref<3x8x32x128xf32, #tpu.memory_space<vmem>> -> memref<1x1x32x128xf32, #tpu.memory_space<vmem>>
        %dma_start3A_1380 = tpu.memref_squeeze %dma_start3A_1379 : memref<1x1x32x128xf32, #tpu.memory_space<vmem>> -> memref<32x128xf32, #tpu.memory_space<vmem>>
        %dma_start3A_1381 = arith.constant 0 : i32
        %dma_start3A_1382 = tpu.memref_slice %arg3[%dma_start3A_1381, %multiple_of3A_1374] : memref<32x1000000xf32, #tpu.memory_space<hbm>> -> memref<32x128xf32, #tpu.memory_space<hbm>>
        %dma_start3A_1383 = arith.constant 0 : i32
        %dma_start3A_1384 = arith.constant 0 : i32
        %dma_start3A_1385 = tpu.memref_slice %arg7[%dma_start3A_1375, %dma_start3A_1376, %dma_start3A_1383, %dma_start3A_1384] : memref<3x8x32x128xf32, #tpu.memory_space<vmem>> -> memref<1x1x32x128xf32, #tpu.memory_space<vmem>>
        %dma_start3A_1386 = tpu.memref_squeeze %dma_start3A_1385 : memref<1x1x32x128xf32, #tpu.memory_space<vmem>> -> memref<32x128xf32, #tpu.memory_space<vmem>>
        %dma_start3A_1387 = arith.constant 0 : i32
        %dma_start3A_1388 = tpu.memref_slice %arg3[%dma_start3A_1387, %multiple_of3A_1374] : memref<32x1000000xf32, #tpu.memory_space<hbm>> -> memref<32x128xf32, #tpu.memory_space<hbm>>
        tpu.enqueue_dma source(%dma_start3A_1388 : memref<32x128xf32, #tpu.memory_space<hbm>>) target(%dma_start3A_1386 : memref<32x128xf32, #tpu.memory_space<vmem>>) target_semaphore(%arg10 : memref<!tpu.dma_semaphore, #tpu.memory_space<semaphore_mem>>)
        %slice3A_1389 = vector.extract_strided_slice %get3A_1331 {offsets = [3], sizes = [1], strides = [1]} : vector<16xi32> to vector<1xi32>
        %squeeze3A_1390 = vector.extract %slice3A_1389[0] : i32 from vector<1xi32>
        %and3A_1391 = arith.constant -128 : i32
        %and3A_1392 = arith.andi %squeeze3A_1390, %and3A_1391 : i32
        %multiple_of3A_1393 = tpu.assume_multiple %and3A_1392, 128 : i32
        %dma_start3A_1394 = arith.constant 1 : i32
        %dma_start3A_1395 = arith.constant 3 : i32
        %dma_start3A_1396 = arith.constant 0 : i32
        %dma_start3A_1397 = arith.constant 0 : i32
        %dma_start3A_1398 = tpu.memref_slice %arg7[%dma_start3A_1394, %dma_start3A_1395, %dma_start3A_1396, %dma_start3A_1397] : memref<3x8x32x128xf32, #tpu.memory_space<vmem>> -> memref<1x1x32x128xf32, #tpu.memory_space<vmem>>
        %dma_start3A_1399 = tpu.memref_squeeze %dma_start3A_1398 : memref<1x1x32x128xf32, #tpu.memory_space<vmem>> -> memref<32x128xf32, #tpu.memory_space<vmem>>
        %dma_start3A_1400 = arith.constant 0 : i32
        %dma_start3A_1401 = tpu.memref_slice %arg3[%dma_start3A_1400, %multiple_of3A_1393] : memref<32x1000000xf32, #tpu.memory_space<hbm>> -> memref<32x128xf32, #tpu.memory_space<hbm>>
        %dma_start3A_1402 = arith.constant 0 : i32
        %dma_start3A_1403 = arith.constant 0 : i32
        %dma_start3A_1404 = tpu.memref_slice %arg7[%dma_start3A_1394, %dma_start3A_1395, %dma_start3A_1402, %dma_start3A_1403] : memref<3x8x32x128xf32, #tpu.memory_space<vmem>> -> memref<1x1x32x128xf32, #tpu.memory_space<vmem>>
        %dma_start3A_1405 = tpu.memref_squeeze %dma_start3A_1404 : memref<1x1x32x128xf32, #tpu.memory_space<vmem>> -> memref<32x128xf32, #tpu.memory_space<vmem>>
        %dma_start3A_1406 = arith.constant 0 : i32
        %dma_start3A_1407 = tpu.memref_slice %arg3[%dma_start3A_1406, %multiple_of3A_1393] : memref<32x1000000xf32, #tpu.memory_space<hbm>> -> memref<32x128xf32, #tpu.memory_space<hbm>>
        tpu.enqueue_dma source(%dma_start3A_1407 : memref<32x128xf32, #tpu.memory_space<hbm>>) target(%dma_start3A_1405 : memref<32x128xf32, #tpu.memory_space<vmem>>) target_semaphore(%arg10 : memref<!tpu.dma_semaphore, #tpu.memory_space<semaphore_mem>>)
        %slice3A_1408 = vector.extract_strided_slice %get3A_1331 {offsets = [4], sizes = [1], strides = [1]} : vector<16xi32> to vector<1xi32>
        %squeeze3A_1409 = vector.extract %slice3A_1408[0] : i32 from vector<1xi32>
        %and3A_1410 = arith.constant -128 : i32
        %and3A_1411 = arith.andi %squeeze3A_1409, %and3A_1410 : i32
        %multiple_of3A_1412 = tpu.assume_multiple %and3A_1411, 128 : i32
        %dma_start3A_1413 = arith.constant 1 : i32
        %dma_start3A_1414 = arith.constant 4 : i32
        %dma_start3A_1415 = arith.constant 0 : i32
        %dma_start3A_1416 = arith.constant 0 : i32
        %dma_start3A_1417 = tpu.memref_slice %arg7[%dma_start3A_1413, %dma_start3A_1414, %dma_start3A_1415, %dma_start3A_1416] : memref<3x8x32x128xf32, #tpu.memory_space<vmem>> -> memref<1x1x32x128xf32, #tpu.memory_space<vmem>>
        %dma_start3A_1418 = tpu.memref_squeeze %dma_start3A_1417 : memref<1x1x32x128xf32, #tpu.memory_space<vmem>> -> memref<32x128xf32, #tpu.memory_space<vmem>>
        %dma_start3A_1419 = arith.constant 0 : i32
        %dma_start3A_1420 = tpu.memref_slice %arg3[%dma_start3A_1419, %multiple_of3A_1412] : memref<32x1000000xf32, #tpu.memory_space<hbm>> -> memref<32x128xf32, #tpu.memory_space<hbm>>
        %dma_start3A_1421 = arith.constant 0 : i32
        %dma_start3A_1422 = arith.constant 0 : i32
        %dma_start3A_1423 = tpu.memref_slice %arg7[%dma_start3A_1413, %dma_start3A_1414, %dma_start3A_1421, %dma_start3A_1422] : memref<3x8x32x128xf32, #tpu.memory_space<vmem>> -> memref<1x1x32x128xf32, #tpu.memory_space<vmem>>
        %dma_start3A_1424 = tpu.memref_squeeze %dma_start3A_1423 : memref<1x1x32x128xf32, #tpu.memory_space<vmem>> -> memref<32x128xf32, #tpu.memory_space<vmem>>
        %dma_start3A_1425 = arith.constant 0 : i32
        %dma_start3A_1426 = tpu.memref_slice %arg3[%dma_start3A_1425, %multiple_of3A_1412] : memref<32x1000000xf32, #tpu.memory_space<hbm>> -> memref<32x128xf32, #tpu.memory_space<hbm>>
        tpu.enqueue_dma source(%dma_start3A_1426 : memref<32x128xf32, #tpu.memory_space<hbm>>) target(%dma_start3A_1424 : memref<32x128xf32, #tpu.memory_space<vmem>>) target_semaphore(%arg10 : memref<!tpu.dma_semaphore, #tpu.memory_space<semaphore_mem>>)
        %slice3A_1427 = vector.extract_strided_slice %get3A_1331 {offsets = [5], sizes = [1], strides = [1]} : vector<16xi32> to vector<1xi32>
        %squeeze3A_1428 = vector.extract %slice3A_1427[0] : i32 from vector<1xi32>
        %and3A_1429 = arith.constant -128 : i32
        %and3A_1430 = arith.andi %squeeze3A_1428, %and3A_1429 : i32
        %multiple_of3A_1431 = tpu.assume_multiple %and3A_1430, 128 : i32
        %dma_start3A_1432 = arith.constant 1 : i32
        %dma_start3A_1433 = arith.constant 5 : i32
        %dma_start3A_1434 = arith.constant 0 : i32
        %dma_start3A_1435 = arith.constant 0 : i32
        %dma_start3A_1436 = tpu.memref_slice %arg7[%dma_start3A_1432, %dma_start3A_1433, %dma_start3A_1434, %dma_start3A_1435] : memref<3x8x32x128xf32, #tpu.memory_space<vmem>> -> memref<1x1x32x128xf32, #tpu.memory_space<vmem>>
        %dma_start3A_1437 = tpu.memref_squeeze %dma_start3A_1436 : memref<1x1x32x128xf32, #tpu.memory_space<vmem>> -> memref<32x128xf32, #tpu.memory_space<vmem>>
        %dma_start3A_1438 = arith.constant 0 : i32
        %dma_start3A_1439 = tpu.memref_slice %arg3[%dma_start3A_1438, %multiple_of3A_1431] : memref<32x1000000xf32, #tpu.memory_space<hbm>> -> memref<32x128xf32, #tpu.memory_space<hbm>>
        %dma_start3A_1440 = arith.constant 0 : i32
        %dma_start3A_1441 = arith.constant 0 : i32
        %dma_start3A_1442 = tpu.memref_slice %arg7[%dma_start3A_1432, %dma_start3A_1433, %dma_start3A_1440, %dma_start3A_1441] : memref<3x8x32x128xf32, #tpu.memory_space<vmem>> -> memref<1x1x32x128xf32, #tpu.memory_space<vmem>>
        %dma_start3A_1443 = tpu.memref_squeeze %dma_start3A_1442 : memref<1x1x32x128xf32, #tpu.memory_space<vmem>> -> memref<32x128xf32, #tpu.memory_space<vmem>>
        %dma_start3A_1444 = arith.constant 0 : i32
        %dma_start3A_1445 = tpu.memref_slice %arg3[%dma_start3A_1444, %multiple_of3A_1431] : memref<32x1000000xf32, #tpu.memory_space<hbm>> -> memref<32x128xf32, #tpu.memory_space<hbm>>
        tpu.enqueue_dma source(%dma_start3A_1445 : memref<32x128xf32, #tpu.memory_space<hbm>>) target(%dma_start3A_1443 : memref<32x128xf32, #tpu.memory_space<vmem>>) target_semaphore(%arg10 : memref<!tpu.dma_semaphore, #tpu.memory_space<semaphore_mem>>)
        %slice3A_1446 = vector.extract_strided_slice %get3A_1331 {offsets = [6], sizes = [1], strides = [1]} : vector<16xi32> to vector<1xi32>
        %squeeze3A_1447 = vector.extract %slice3A_1446[0] : i32 from vector<1xi32>
        %and3A_1448 = arith.constant -128 : i32
        %and3A_1449 = arith.andi %squeeze3A_1447, %and3A_1448 : i32
        %multiple_of3A_1450 = tpu.assume_multiple %and3A_1449, 128 : i32
        %dma_start3A_1451 = arith.constant 1 : i32
        %dma_start3A_1452 = arith.constant 6 : i32
        %dma_start3A_1453 = arith.constant 0 : i32
        %dma_start3A_1454 = arith.constant 0 : i32
        %dma_start3A_1455 = tpu.memref_slice %arg7[%dma_start3A_1451, %dma_start3A_1452, %dma_start3A_1453, %dma_start3A_1454] : memref<3x8x32x128xf32, #tpu.memory_space<vmem>> -> memref<1x1x32x128xf32, #tpu.memory_space<vmem>>
        %dma_start3A_1456 = tpu.memref_squeeze %dma_start3A_1455 : memref<1x1x32x128xf32, #tpu.memory_space<vmem>> -> memref<32x128xf32, #tpu.memory_space<vmem>>
        %dma_start3A_1457 = arith.constant 0 : i32
        %dma_start3A_1458 = tpu.memref_slice %arg3[%dma_start3A_1457, %multiple_of3A_1450] : memref<32x1000000xf32, #tpu.memory_space<hbm>> -> memref<32x128xf32, #tpu.memory_space<hbm>>
        %dma_start3A_1459 = arith.constant 0 : i32
        %dma_start3A_1460 = arith.constant 0 : i32
        %dma_start3A_1461 = tpu.memref_slice %arg7[%dma_start3A_1451, %dma_start3A_1452, %dma_start3A_1459, %dma_start3A_1460] : memref<3x8x32x128xf32, #tpu.memory_space<vmem>> -> memref<1x1x32x128xf32, #tpu.memory_space<vmem>>
        %dma_start3A_1462 = tpu.memref_squeeze %dma_start3A_1461 : memref<1x1x32x128xf32, #tpu.memory_space<vmem>> -> memref<32x128xf32, #tpu.memory_space<vmem>>
        %dma_start3A_1463 = arith.constant 0 : i32
        %dma_start3A_1464 = tpu.memref_slice %arg3[%dma_start3A_1463, %multiple_of3A_1450] : memref<32x1000000xf32, #tpu.memory_space<hbm>> -> memref<32x128xf32, #tpu.memory_space<hbm>>
        tpu.enqueue_dma source(%dma_start3A_1464 : memref<32x128xf32, #tpu.memory_space<hbm>>) target(%dma_start3A_1462 : memref<32x128xf32, #tpu.memory_space<vmem>>) target_semaphore(%arg10 : memref<!tpu.dma_semaphore, #tpu.memory_space<semaphore_mem>>)
        %slice3A_1465 = vector.extract_strided_slice %get3A_1331 {offsets = [7], sizes = [1], strides = [1]} : vector<16xi32> to vector<1xi32>
        %squeeze3A_1466 = vector.extract %slice3A_1465[0] : i32 from vector<1xi32>
        %and3A_1467 = arith.constant -128 : i32
        %and3A_1468 = arith.andi %squeeze3A_1466, %and3A_1467 : i32
        %multiple_of3A_1469 = tpu.assume_multiple %and3A_1468, 128 : i32
        %dma_start3A_1470 = arith.constant 1 : i32
        %dma_start3A_1471 = arith.constant 7 : i32
        %dma_start3A_1472 = arith.constant 0 : i32
        %dma_start3A_1473 = arith.constant 0 : i32
        %dma_start3A_1474 = tpu.memref_slice %arg7[%dma_start3A_1470, %dma_start3A_1471, %dma_start3A_1472, %dma_start3A_1473] : memref<3x8x32x128xf32, #tpu.memory_space<vmem>> -> memref<1x1x32x128xf32, #tpu.memory_space<vmem>>
        %dma_start3A_1475 = tpu.memref_squeeze %dma_start3A_1474 : memref<1x1x32x128xf32, #tpu.memory_space<vmem>> -> memref<32x128xf32, #tpu.memory_space<vmem>>
        %dma_start3A_1476 = arith.constant 0 : i32
        %dma_start3A_1477 = tpu.memref_slice %arg3[%dma_start3A_1476, %multiple_of3A_1469] : memref<32x1000000xf32, #tpu.memory_space<hbm>> -> memref<32x128xf32, #tpu.memory_space<hbm>>
        %dma_start3A_1478 = arith.constant 0 : i32
        %dma_start3A_1479 = arith.constant 0 : i32
        %dma_start3A_1480 = tpu.memref_slice %arg7[%dma_start3A_1470, %dma_start3A_1471, %dma_start3A_1478, %dma_start3A_1479] : memref<3x8x32x128xf32, #tpu.memory_space<vmem>> -> memref<1x1x32x128xf32, #tpu.memory_space<vmem>>
        %dma_start3A_1481 = tpu.memref_squeeze %dma_start3A_1480 : memref<1x1x32x128xf32, #tpu.memory_space<vmem>> -> memref<32x128xf32, #tpu.memory_space<vmem>>
        %dma_start3A_1482 = arith.constant 0 : i32
        %dma_start3A_1483 = tpu.memref_slice %arg3[%dma_start3A_1482, %multiple_of3A_1469] : memref<32x1000000xf32, #tpu.memory_space<hbm>> -> memref<32x128xf32, #tpu.memory_space<hbm>>
        tpu.enqueue_dma source(%dma_start3A_1483 : memref<32x128xf32, #tpu.memory_space<hbm>>) target(%dma_start3A_1481 : memref<32x128xf32, #tpu.memory_space<vmem>>) target_semaphore(%arg10 : memref<!tpu.dma_semaphore, #tpu.memory_space<semaphore_mem>>)
      } else {
      }
      %eq3A_1304 = arith.constant 2 : i32
      %eq3A_1305 = arith.cmpi eq, %rem3A_1296, %eq3A_1304 : i32
      %convert_element_type3A_1306 = arith.extui %eq3A_1305 : i1 to i32
      %cond3A_1307 = arith.constant 0 : i32
      %cond3A_1308 = arith.cmpi ne, %convert_element_type3A_1306, %cond3A_1307 : i32
      scf.if %cond3A_1308 {
        %mul3A_1328 = arith.constant 8 : i32
        %mul3A_1329 = arith.muli %add3A_1295, %mul3A_1328 : i32
        %get3A_1330 = arith.index_cast %mul3A_1329 : i32 to index
        %get3A_1331 = tpu.vector_load %arg6[%get3A_1330] {strides = array<i32>} : memref<528xi32, #tpu.memory_space<vmem>>, vector<16xi32>,
        %slice3A_1332 = vector.extract_strided_slice %get3A_1331 {offsets = [0], sizes = [1], strides = [1]} : vector<16xi32> to vector<1xi32>
        %squeeze3A_1333 = vector.extract %slice3A_1332[0] : i32 from vector<1xi32>
        %and3A_1334 = arith.constant -128 : i32
        %and3A_1335 = arith.andi %squeeze3A_1333, %and3A_1334 : i32
        %multiple_of3A_1336 = tpu.assume_multiple %and3A_1335, 128 : i32
        %dma_start3A_1337 = arith.constant 2 : i32
        %dma_start3A_1338 = arith.constant 0 : i32
        %dma_start3A_1339 = arith.constant 0 : i32
        %dma_start3A_1340 = arith.constant 0 : i32
        %dma_start3A_1341 = tpu.memref_slice %arg7[%dma_start3A_1337, %dma_start3A_1338, %dma_start3A_1339, %dma_start3A_1340] : memref<3x8x32x128xf32, #tpu.memory_space<vmem>> -> memref<1x1x32x128xf32, #tpu.memory_space<vmem>>
        %dma_start3A_1342 = tpu.memref_squeeze %dma_start3A_1341 : memref<1x1x32x128xf32, #tpu.memory_space<vmem>> -> memref<32x128xf32, #tpu.memory_space<vmem>>
        %dma_start3A_1343 = arith.constant 0 : i32
        %dma_start3A_1344 = tpu.memref_slice %arg3[%dma_start3A_1343, %multiple_of3A_1336] : memref<32x1000000xf32, #tpu.memory_space<hbm>> -> memref<32x128xf32, #tpu.memory_space<hbm>>
        %dma_start3A_1345 = arith.constant 0 : i32
        %dma_start3A_1346 = arith.constant 0 : i32
        %dma_start3A_1347 = tpu.memref_slice %arg7[%dma_start3A_1337, %dma_start3A_1338, %dma_start3A_1345, %dma_start3A_1346] : memref<3x8x32x128xf32, #tpu.memory_space<vmem>> -> memref<1x1x32x128xf32, #tpu.memory_space<vmem>>
        %dma_start3A_1348 = tpu.memref_squeeze %dma_start3A_1347 : memref<1x1x32x128xf32, #tpu.memory_space<vmem>> -> memref<32x128xf32, #tpu.memory_space<vmem>>
        %dma_start3A_1349 = arith.constant 0 : i32
        %dma_start3A_1350 = tpu.memref_slice %arg3[%dma_start3A_1349, %multiple_of3A_1336] : memref<32x1000000xf32, #tpu.memory_space<hbm>> -> memref<32x128xf32, #tpu.memory_space<hbm>>
        tpu.enqueue_dma source(%dma_start3A_1350 : memref<32x128xf32, #tpu.memory_space<hbm>>) target(%dma_start3A_1348 : memref<32x128xf32, #tpu.memory_space<vmem>>) target_semaphore(%arg11 : memref<!tpu.dma_semaphore, #tpu.memory_space<semaphore_mem>>)
        %slice3A_1351 = vector.extract_strided_slice %get3A_1331 {offsets = [1], sizes = [1], strides = [1]} : vector<16xi32> to vector<1xi32>
        %squeeze3A_1352 = vector.extract %slice3A_1351[0] : i32 from vector<1xi32>
        %and3A_1353 = arith.constant -128 : i32
        %and3A_1354 = arith.andi %squeeze3A_1352, %and3A_1353 : i32
        %multiple_of3A_1355 = tpu.assume_multiple %and3A_1354, 128 : i32
        %dma_start3A_1356 = arith.constant 2 : i32
        %dma_start3A_1357 = arith.constant 1 : i32
        %dma_start3A_1358 = arith.constant 0 : i32
        %dma_start3A_1359 = arith.constant 0 : i32
        %dma_start3A_1360 = tpu.memref_slice %arg7[%dma_start3A_1356, %dma_start3A_1357, %dma_start3A_1358, %dma_start3A_1359] : memref<3x8x32x128xf32, #tpu.memory_space<vmem>> -> memref<1x1x32x128xf32, #tpu.memory_space<vmem>>
        %dma_start3A_1361 = tpu.memref_squeeze %dma_start3A_1360 : memref<1x1x32x128xf32, #tpu.memory_space<vmem>> -> memref<32x128xf32, #tpu.memory_space<vmem>>
        %dma_start3A_1362 = arith.constant 0 : i32
        %dma_start3A_1363 = tpu.memref_slice %arg3[%dma_start3A_1362, %multiple_of3A_1355] : memref<32x1000000xf32, #tpu.memory_space<hbm>> -> memref<32x128xf32, #tpu.memory_space<hbm>>
        %dma_start3A_1364 = arith.constant 0 : i32
        %dma_start3A_1365 = arith.constant 0 : i32
        %dma_start3A_1366 = tpu.memref_slice %arg7[%dma_start3A_1356, %dma_start3A_1357, %dma_start3A_1364, %dma_start3A_1365] : memref<3x8x32x128xf32, #tpu.memory_space<vmem>> -> memref<1x1x32x128xf32, #tpu.memory_space<vmem>>
        %dma_start3A_1367 = tpu.memref_squeeze %dma_start3A_1366 : memref<1x1x32x128xf32, #tpu.memory_space<vmem>> -> memref<32x128xf32, #tpu.memory_space<vmem>>
        %dma_start3A_1368 = arith.constant 0 : i32
        %dma_start3A_1369 = tpu.memref_slice %arg3[%dma_start3A_1368, %multiple_of3A_1355] : memref<32x1000000xf32, #tpu.memory_space<hbm>> -> memref<32x128xf32, #tpu.memory_space<hbm>>
        tpu.enqueue_dma source(%dma_start3A_1369 : memref<32x128xf32, #tpu.memory_space<hbm>>) target(%dma_start3A_1367 : memref<32x128xf32, #tpu.memory_space<vmem>>) target_semaphore(%arg11 : memref<!tpu.dma_semaphore, #tpu.memory_space<semaphore_mem>>)
        %slice3A_1370 = vector.extract_strided_slice %get3A_1331 {offsets = [2], sizes = [1], strides = [1]} : vector<16xi32> to vector<1xi32>
        %squeeze3A_1371 = vector.extract %slice3A_1370[0] : i32 from vector<1xi32>
        %and3A_1372 = arith.constant -128 : i32
        %and3A_1373 = arith.andi %squeeze3A_1371, %and3A_1372 : i32
        %multiple_of3A_1374 = tpu.assume_multiple %and3A_1373, 128 : i32
        %dma_start3A_1375 = arith.constant 2 : i32
        %dma_start3A_1376 = arith.constant 2 : i32
        %dma_start3A_1377 = arith.constant 0 : i32
        %dma_start3A_1378 = arith.constant 0 : i32
        %dma_start3A_1379 = tpu.memref_slice %arg7[%dma_start3A_1375, %dma_start3A_1376, %dma_start3A_1377, %dma_start3A_1378] : memref<3x8x32x128xf32, #tpu.memory_space<vmem>> -> memref<1x1x32x128xf32, #tpu.memory_space<vmem>>
        %dma_start3A_1380 = tpu.memref_squeeze %dma_start3A_1379 : memref<1x1x32x128xf32, #tpu.memory_space<vmem>> -> memref<32x128xf32, #tpu.memory_space<vmem>>
        %dma_start3A_1381 = arith.constant 0 : i32
        %dma_start3A_1382 = tpu.memref_slice %arg3[%dma_start3A_1381, %multiple_of3A_1374] : memref<32x1000000xf32, #tpu.memory_space<hbm>> -> memref<32x128xf32, #tpu.memory_space<hbm>>
        %dma_start3A_1383 = arith.constant 0 : i32
        %dma_start3A_1384 = arith.constant 0 : i32
        %dma_start3A_1385 = tpu.memref_slice %arg7[%dma_start3A_1375, %dma_start3A_1376, %dma_start3A_1383, %dma_start3A_1384] : memref<3x8x32x128xf32, #tpu.memory_space<vmem>> -> memref<1x1x32x128xf32, #tpu.memory_space<vmem>>
        %dma_start3A_1386 = tpu.memref_squeeze %dma_start3A_1385 : memref<1x1x32x128xf32, #tpu.memory_space<vmem>> -> memref<32x128xf32, #tpu.memory_space<vmem>>
        %dma_start3A_1387 = arith.constant 0 : i32
        %dma_start3A_1388 = tpu.memref_slice %arg3[%dma_start3A_1387, %multiple_of3A_1374] : memref<32x1000000xf32, #tpu.memory_space<hbm>> -> memref<32x128xf32, #tpu.memory_space<hbm>>
        tpu.enqueue_dma source(%dma_start3A_1388 : memref<32x128xf32, #tpu.memory_space<hbm>>) target(%dma_start3A_1386 : memref<32x128xf32, #tpu.memory_space<vmem>>) target_semaphore(%arg11 : memref<!tpu.dma_semaphore, #tpu.memory_space<semaphore_mem>>)
        %slice3A_1389 = vector.extract_strided_slice %get3A_1331 {offsets = [3], sizes = [1], strides = [1]} : vector<16xi32> to vector<1xi32>
        %squeeze3A_1390 = vector.extract %slice3A_1389[0] : i32 from vector<1xi32>
        %and3A_1391 = arith.constant -128 : i32
        %and3A_1392 = arith.andi %squeeze3A_1390, %and3A_1391 : i32
        %multiple_of3A_1393 = tpu.assume_multiple %and3A_1392, 128 : i32
        %dma_start3A_1394 = arith.constant 2 : i32
        %dma_start3A_1395 = arith.constant 3 : i32
        %dma_start3A_1396 = arith.constant 0 : i32
        %dma_start3A_1397 = arith.constant 0 : i32
        %dma_start3A_1398 = tpu.memref_slice %arg7[%dma_start3A_1394, %dma_start3A_1395, %dma_start3A_1396, %dma_start3A_1397] : memref<3x8x32x128xf32, #tpu.memory_space<vmem>> -> memref<1x1x32x128xf32, #tpu.memory_space<vmem>>
        %dma_start3A_1399 = tpu.memref_squeeze %dma_start3A_1398 : memref<1x1x32x128xf32, #tpu.memory_space<vmem>> -> memref<32x128xf32, #tpu.memory_space<vmem>>
        %dma_start3A_1400 = arith.constant 0 : i32
        %dma_start3A_1401 = tpu.memref_slice %arg3[%dma_start3A_1400, %multiple_of3A_1393] : memref<32x1000000xf32, #tpu.memory_space<hbm>> -> memref<32x128xf32, #tpu.memory_space<hbm>>
        %dma_start3A_1402 = arith.constant 0 : i32
        %dma_start3A_1403 = arith.constant 0 : i32
        %dma_start3A_1404 = tpu.memref_slice %arg7[%dma_start3A_1394, %dma_start3A_1395, %dma_start3A_1402, %dma_start3A_1403] : memref<3x8x32x128xf32, #tpu.memory_space<vmem>> -> memref<1x1x32x128xf32, #tpu.memory_space<vmem>>
        %dma_start3A_1405 = tpu.memref_squeeze %dma_start3A_1404 : memref<1x1x32x128xf32, #tpu.memory_space<vmem>> -> memref<32x128xf32, #tpu.memory_space<vmem>>
        %dma_start3A_1406 = arith.constant 0 : i32
        %dma_start3A_1407 = tpu.memref_slice %arg3[%dma_start3A_1406, %multiple_of3A_1393] : memref<32x1000000xf32, #tpu.memory_space<hbm>> -> memref<32x128xf32, #tpu.memory_space<hbm>>
        tpu.enqueue_dma source(%dma_start3A_1407 : memref<32x128xf32, #tpu.memory_space<hbm>>) target(%dma_start3A_1405 : memref<32x128xf32, #tpu.memory_space<vmem>>) target_semaphore(%arg11 : memref<!tpu.dma_semaphore, #tpu.memory_space<semaphore_mem>>)
        %slice3A_1408 = vector.extract_strided_slice %get3A_1331 {offsets = [4], sizes = [1], strides = [1]} : vector<16xi32> to vector<1xi32>
        %squeeze3A_1409 = vector.extract %slice3A_1408[0] : i32 from vector<1xi32>
        %and3A_1410 = arith.constant -128 : i32
        %and3A_1411 = arith.andi %squeeze3A_1409, %and3A_1410 : i32
        %multiple_of3A_1412 = tpu.assume_multiple %and3A_1411, 128 : i32
        %dma_start3A_1413 = arith.constant 2 : i32
        %dma_start3A_1414 = arith.constant 4 : i32
        %dma_start3A_1415 = arith.constant 0 : i32
        %dma_start3A_1416 = arith.constant 0 : i32
        %dma_start3A_1417 = tpu.memref_slice %arg7[%dma_start3A_1413, %dma_start3A_1414, %dma_start3A_1415, %dma_start3A_1416] : memref<3x8x32x128xf32, #tpu.memory_space<vmem>> -> memref<1x1x32x128xf32, #tpu.memory_space<vmem>>
        %dma_start3A_1418 = tpu.memref_squeeze %dma_start3A_1417 : memref<1x1x32x128xf32, #tpu.memory_space<vmem>> -> memref<32x128xf32, #tpu.memory_space<vmem>>
        %dma_start3A_1419 = arith.constant 0 : i32
        %dma_start3A_1420 = tpu.memref_slice %arg3[%dma_start3A_1419, %multiple_of3A_1412] : memref<32x1000000xf32, #tpu.memory_space<hbm>> -> memref<32x128xf32, #tpu.memory_space<hbm>>
        %dma_start3A_1421 = arith.constant 0 : i32
        %dma_start3A_1422 = arith.constant 0 : i32
        %dma_start3A_1423 = tpu.memref_slice %arg7[%dma_start3A_1413, %dma_start3A_1414, %dma_start3A_1421, %dma_start3A_1422] : memref<3x8x32x128xf32, #tpu.memory_space<vmem>> -> memref<1x1x32x128xf32, #tpu.memory_space<vmem>>
        %dma_start3A_1424 = tpu.memref_squeeze %dma_start3A_1423 : memref<1x1x32x128xf32, #tpu.memory_space<vmem>> -> memref<32x128xf32, #tpu.memory_space<vmem>>
        %dma_start3A_1425 = arith.constant 0 : i32
        %dma_start3A_1426 = tpu.memref_slice %arg3[%dma_start3A_1425, %multiple_of3A_1412] : memref<32x1000000xf32, #tpu.memory_space<hbm>> -> memref<32x128xf32, #tpu.memory_space<hbm>>
        tpu.enqueue_dma source(%dma_start3A_1426 : memref<32x128xf32, #tpu.memory_space<hbm>>) target(%dma_start3A_1424 : memref<32x128xf32, #tpu.memory_space<vmem>>) target_semaphore(%arg11 : memref<!tpu.dma_semaphore, #tpu.memory_space<semaphore_mem>>)
        %slice3A_1427 = vector.extract_strided_slice %get3A_1331 {offsets = [5], sizes = [1], strides = [1]} : vector<16xi32> to vector<1xi32>
        %squeeze3A_1428 = vector.extract %slice3A_1427[0] : i32 from vector<1xi32>
        %and3A_1429 = arith.constant -128 : i32
        %and3A_1430 = arith.andi %squeeze3A_1428, %and3A_1429 : i32
        %multiple_of3A_1431 = tpu.assume_multiple %and3A_1430, 128 : i32
        %dma_start3A_1432 = arith.constant 2 : i32
        %dma_start3A_1433 = arith.constant 5 : i32
        %dma_start3A_1434 = arith.constant 0 : i32
        %dma_start3A_1435 = arith.constant 0 : i32
        %dma_start3A_1436 = tpu.memref_slice %arg7[%dma_start3A_1432, %dma_start3A_1433, %dma_start3A_1434, %dma_start3A_1435] : memref<3x8x32x128xf32, #tpu.memory_space<vmem>> -> memref<1x1x32x128xf32, #tpu.memory_space<vmem>>
        %dma_start3A_1437 = tpu.memref_squeeze %dma_start3A_1436 : memref<1x1x32x128xf32, #tpu.memory_space<vmem>> -> memref<32x128xf32, #tpu.memory_space<vmem>>
        %dma_start3A_1438 = arith.constant 0 : i32
        %dma_start3A_1439 = tpu.memref_slice %arg3[%dma_start3A_1438, %multiple_of3A_1431] : memref<32x1000000xf32, #tpu.memory_space<hbm>> -> memref<32x128xf32, #tpu.memory_space<hbm>>
        %dma_start3A_1440 = arith.constant 0 : i32
        %dma_start3A_1441 = arith.constant 0 : i32
        %dma_start3A_1442 = tpu.memref_slice %arg7[%dma_start3A_1432, %dma_start3A_1433, %dma_start3A_1440, %dma_start3A_1441] : memref<3x8x32x128xf32, #tpu.memory_space<vmem>> -> memref<1x1x32x128xf32, #tpu.memory_space<vmem>>
        %dma_start3A_1443 = tpu.memref_squeeze %dma_start3A_1442 : memref<1x1x32x128xf32, #tpu.memory_space<vmem>> -> memref<32x128xf32, #tpu.memory_space<vmem>>
        %dma_start3A_1444 = arith.constant 0 : i32
        %dma_start3A_1445 = tpu.memref_slice %arg3[%dma_start3A_1444, %multiple_of3A_1431] : memref<32x1000000xf32, #tpu.memory_space<hbm>> -> memref<32x128xf32, #tpu.memory_space<hbm>>
        tpu.enqueue_dma source(%dma_start3A_1445 : memref<32x128xf32, #tpu.memory_space<hbm>>) target(%dma_start3A_1443 : memref<32x128xf32, #tpu.memory_space<vmem>>) target_semaphore(%arg11 : memref<!tpu.dma_semaphore, #tpu.memory_space<semaphore_mem>>)
        %slice3A_1446 = vector.extract_strided_slice %get3A_1331 {offsets = [6], sizes = [1], strides = [1]} : vector<16xi32> to vector<1xi32>
        %squeeze3A_1447 = vector.extract %slice3A_1446[0] : i32 from vector<1xi32>
        %and3A_1448 = arith.constant -128 : i32
        %and3A_1449 = arith.andi %squeeze3A_1447, %and3A_1448 : i32
        %multiple_of3A_1450 = tpu.assume_multiple %and3A_1449, 128 : i32
        %dma_start3A_1451 = arith.constant 2 : i32
        %dma_start3A_1452 = arith.constant 6 : i32
        %dma_start3A_1453 = arith.constant 0 : i32
        %dma_start3A_1454 = arith.constant 0 : i32
        %dma_start3A_1455 = tpu.memref_slice %arg7[%dma_start3A_1451, %dma_start3A_1452, %dma_start3A_1453, %dma_start3A_1454] : memref<3x8x32x128xf32, #tpu.memory_space<vmem>> -> memref<1x1x32x128xf32, #tpu.memory_space<vmem>>
        %dma_start3A_1456 = tpu.memref_squeeze %dma_start3A_1455 : memref<1x1x32x128xf32, #tpu.memory_space<vmem>> -> memref<32x128xf32, #tpu.memory_space<vmem>>
        %dma_start3A_1457 = arith.constant 0 : i32
        %dma_start3A_1458 = tpu.memref_slice %arg3[%dma_start3A_1457, %multiple_of3A_1450] : memref<32x1000000xf32, #tpu.memory_space<hbm>> -> memref<32x128xf32, #tpu.memory_space<hbm>>
        %dma_start3A_1459 = arith.constant 0 : i32
        %dma_start3A_1460 = arith.constant 0 : i32
        %dma_start3A_1461 = tpu.memref_slice %arg7[%dma_start3A_1451, %dma_start3A_1452, %dma_start3A_1459, %dma_start3A_1460] : memref<3x8x32x128xf32, #tpu.memory_space<vmem>> -> memref<1x1x32x128xf32, #tpu.memory_space<vmem>>
        %dma_start3A_1462 = tpu.memref_squeeze %dma_start3A_1461 : memref<1x1x32x128xf32, #tpu.memory_space<vmem>> -> memref<32x128xf32, #tpu.memory_space<vmem>>
        %dma_start3A_1463 = arith.constant 0 : i32
        %dma_start3A_1464 = tpu.memref_slice %arg3[%dma_start3A_1463, %multiple_of3A_1450] : memref<32x1000000xf32, #tpu.memory_space<hbm>> -> memref<32x128xf32, #tpu.memory_space<hbm>>
        tpu.enqueue_dma source(%dma_start3A_1464 : memref<32x128xf32, #tpu.memory_space<hbm>>) target(%dma_start3A_1462 : memref<32x128xf32, #tpu.memory_space<vmem>>) target_semaphore(%arg11 : memref<!tpu.dma_semaphore, #tpu.memory_space<semaphore_mem>>)
        %slice3A_1465 = vector.extract_strided_slice %get3A_1331 {offsets = [7], sizes = [1], strides = [1]} : vector<16xi32> to vector<1xi32>
        %squeeze3A_1466 = vector.extract %slice3A_1465[0] : i32 from vector<1xi32>
        %and3A_1467 = arith.constant -128 : i32
        %and3A_1468 = arith.andi %squeeze3A_1466, %and3A_1467 : i32
        %multiple_of3A_1469 = tpu.assume_multiple %and3A_1468, 128 : i32
        %dma_start3A_1470 = arith.constant 2 : i32
        %dma_start3A_1471 = arith.constant 7 : i32
        %dma_start3A_1472 = arith.constant 0 : i32
        %dma_start3A_1473 = arith.constant 0 : i32
        %dma_start3A_1474 = tpu.memref_slice %arg7[%dma_start3A_1470, %dma_start3A_1471, %dma_start3A_1472, %dma_start3A_1473] : memref<3x8x32x128xf32, #tpu.memory_space<vmem>> -> memref<1x1x32x128xf32, #tpu.memory_space<vmem>>
        %dma_start3A_1475 = tpu.memref_squeeze %dma_start3A_1474 : memref<1x1x32x128xf32, #tpu.memory_space<vmem>> -> memref<32x128xf32, #tpu.memory_space<vmem>>
        %dma_start3A_1476 = arith.constant 0 : i32
        %dma_start3A_1477 = tpu.memref_slice %arg3[%dma_start3A_1476, %multiple_of3A_1469] : memref<32x1000000xf32, #tpu.memory_space<hbm>> -> memref<32x128xf32, #tpu.memory_space<hbm>>
        %dma_start3A_1478 = arith.constant 0 : i32
        %dma_start3A_1479 = arith.constant 0 : i32
        %dma_start3A_1480 = tpu.memref_slice %arg7[%dma_start3A_1470, %dma_start3A_1471, %dma_start3A_1478, %dma_start3A_1479] : memref<3x8x32x128xf32, #tpu.memory_space<vmem>> -> memref<1x1x32x128xf32, #tpu.memory_space<vmem>>
        %dma_start3A_1481 = tpu.memref_squeeze %dma_start3A_1480 : memref<1x1x32x128xf32, #tpu.memory_space<vmem>> -> memref<32x128xf32, #tpu.memory_space<vmem>>
        %dma_start3A_1482 = arith.constant 0 : i32
        %dma_start3A_1483 = tpu.memref_slice %arg3[%dma_start3A_1482, %multiple_of3A_1469] : memref<32x1000000xf32, #tpu.memory_space<hbm>> -> memref<32x128xf32, #tpu.memory_space<hbm>>
        tpu.enqueue_dma source(%dma_start3A_1483 : memref<32x128xf32, #tpu.memory_space<hbm>>) target(%dma_start3A_1481 : memref<32x128xf32, #tpu.memory_space<vmem>>) target_semaphore(%arg11 : memref<!tpu.dma_semaphore, #tpu.memory_space<semaphore_mem>>)
      } else {
      }
      %add3A_1309 = arith.constant 1 : i32
      %add3A_1310 = arith.addi %add3A_1295, %add3A_1309 : i32
      %rem3A_1311 = arith.constant 3 : i32
      %rem3A_1312 = arith.remsi %add3A_1310, %rem3A_1311 : i32
      %eq3A_1313 = arith.constant 0 : i32
      %eq3A_1314 = arith.cmpi eq, %rem3A_1312, %eq3A_1313 : i32
      %convert_element_type3A_1315 = arith.extui %eq3A_1314 : i1 to i32
      %cond3A_1316 = arith.constant 0 : i32
      %cond3A_1317 = arith.cmpi ne, %convert_element_type3A_1315, %cond3A_1316 : i32
      scf.if %cond3A_1317 {
        %sub3A = arith.constant 2 : i32
        %sub3A_1328 = arith.subi %add3A_1295, %sub3A : i32
        %dma_wait3A_1329 = arith.constant 0 : i32
        %dma_wait3A_1330 = arith.constant 0 : i32
        %dma_wait3A_1331 = arith.constant 0 : i32
        %dma_wait3A_1332 = arith.constant 0 : i32
        %dma_wait3A_1333 = tpu.memref_slice %arg7[%dma_wait3A_1329, %dma_wait3A_1330, %dma_wait3A_1331, %dma_wait3A_1332] : memref<3x8x32x128xf32, #tpu.memory_space<vmem>> -> memref<1x8x32x128xf32, #tpu.memory_space<vmem>>
        %dma_wait3A_1334 = tpu.memref_squeeze %dma_wait3A_1333 : memref<1x8x32x128xf32, #tpu.memory_space<vmem>> -> memref<8x32x128xf32, #tpu.memory_space<vmem>>
        %dma_wait3A_1335 = arith.constant 0 : i32
        %dma_wait3A_1336 = arith.constant 0 : i32
        %dma_wait3A_1337 = arith.constant 0 : i32
        %dma_wait3A_1338 = tpu.memref_slice %arg7[%dma_wait3A_1329, %dma_wait3A_1335, %dma_wait3A_1336, %dma_wait3A_1337] : memref<3x8x32x128xf32, #tpu.memory_space<vmem>> -> memref<1x8x32x128xf32, #tpu.memory_space<vmem>>
        %dma_wait3A_1339 = tpu.memref_squeeze %dma_wait3A_1338 : memref<1x8x32x128xf32, #tpu.memory_space<vmem>> -> memref<8x32x128xf32, #tpu.memory_space<vmem>>
        tpu.wait_dma2 semaphore(%arg9 : memref<!tpu.dma_semaphore, #tpu.memory_space<semaphore_mem>>) src(%arg4 : memref<8x32x128xf32, #tpu.memory_space<hbm>>) dst(%dma_wait3A_1339 : memref<8x32x128xf32, #tpu.memory_space<vmem>>)
        %mul3A_1340 = arith.constant 8 : i32
        %mul3A_1341 = arith.muli %sub3A_1328, %mul3A_1340 : i32
        %get3A_1342 = arith.index_cast %mul3A_1341 : i32 to index
        %get3A_1343 = tpu.vector_load %arg6[%get3A_1342] {strides = array<i32>} : memref<528xi32, #tpu.memory_space<vmem>>, vector<16xi32>,
        %and3A_1344 = arith.constant 127 : i32
        %and3A_1345 = vector.broadcast %and3A_1344 : i32 to vector<16xi32>
        %and3A_1346 = arith.andi %get3A_1343, %and3A_1345 : vector<16xi32>
        %mul3A_1347 = arith.constant 8 : i32
        %mul3A_1348 = arith.muli %sub3A_1328, %mul3A_1347 : i32
        %add3A_1349 = arith.constant 0 : i32
        %add3A_1350 = arith.addi %mul3A_1348, %add3A_1349 : i32
        %slice3A_1351 = vector.extract_strided_slice %and3A_1346 {offsets = [0], sizes = [1], strides = [1]} : vector<16xi32> to vector<1xi32>
        %squeeze3A_1352 = vector.extract %slice3A_1351[0] : i32 from vector<1xi32>
        %broadcast_in_dim3A_1353 = vector.broadcast %squeeze3A_1352 : i32 to vector<16xi32>
        %gather3A_1354 = arith.constant 0 : i32
        %gather3A_1355 = arith.constant 0 : i32
        %gather3A_1356 = arith.constant 0 : i32
        %gather3A_1357 = arith.constant 0 : i32
        %gather3A_1358 = tpu.memref_slice %arg7[%gather3A_1354, %gather3A_1355, %gather3A_1356, %gather3A_1357] : memref<3x8x32x128xf32, #tpu.memory_space<vmem>> -> memref<1x1x32x128xf32, #tpu.memory_space<vmem>>
        %gather3A_1359 = tpu.memref_squeeze %gather3A_1358 : memref<1x1x32x128xf32, #tpu.memory_space<vmem>> -> memref<32x128xf32, #tpu.memory_space<vmem>>
        %gather3A_1360 = tpu.vector_load_idx %gather3A_1359[%iota3A, %broadcast_in_dim3A_1353] : memref<32x128xf32, #tpu.memory_space<vmem>>[vector<16xi32>, vector<16xi32>], vector<16xf32>,
        %gather3A_1361 = arith.constant 0 : i32
        %gather3A_1362 = arith.constant 0 : i32
        %gather3A_1363 = arith.constant 0 : i32
        %gather3A_1364 = arith.constant 0 : i32
        %gather3A_1365 = tpu.memref_slice %arg7[%gather3A_1361, %gather3A_1362, %gather3A_1363, %gather3A_1364] : memref<3x8x32x128xf32, #tpu.memory_space<vmem>> -> memref<1x1x32x128xf32, #tpu.memory_space<vmem>>
        %gather3A_1366 = tpu.memref_squeeze %gather3A_1365 : memref<1x1x32x128xf32, #tpu.memory_space<vmem>> -> memref<32x128xf32, #tpu.memory_space<vmem>>
        %gather3A_1367 = tpu.vector_load_idx %gather3A_1366[%add3A_5, %broadcast_in_dim3A_1353] : memref<32x128xf32, #tpu.memory_space<vmem>>[vector<16xi32>, vector<16xi32>], vector<16xf32>,
        %add3A_1368 = vector.broadcast %add3A_1350 : i32 to vector<16xi32>
        %add3A_1369 = arith.addi %mul3A_8, %add3A_1368 : vector<16xi32>
        tpu.vector_store_idx %arg8[%add3A_1369], %gather3A_1360 : memref<16384xf32, #tpu.memory_space<vmem>>[vector<16xi32>], vector<16xf32>,
        %add3A_1370 = vector.broadcast %add3A_1350 : i32 to vector<16xi32>
        %add3A_1371 = arith.addi %mul3A_11, %add3A_1370 : vector<16xi32>
        tpu.vector_store_idx %arg8[%add3A_1371], %gather3A_1367 : memref<16384xf32, #tpu.memory_space<vmem>>[vector<16xi32>], vector<16xf32>,
        %mul3A_1372 = arith.constant 8 : i32
        %mul3A_1373 = arith.muli %sub3A_1328, %mul3A_1372 : i32
        %add3A_1374 = arith.constant 1 : i32
        %add3A_1375 = arith.addi %mul3A_1373, %add3A_1374 : i32
        %slice3A_1376 = vector.extract_strided_slice %and3A_1346 {offsets = [1], sizes = [1], strides = [1]} : vector<16xi32> to vector<1xi32>
        %squeeze3A_1377 = vector.extract %slice3A_1376[0] : i32 from vector<1xi32>
        %broadcast_in_dim3A_1378 = vector.broadcast %squeeze3A_1377 : i32 to vector<16xi32>
        %gather3A_1379 = arith.constant 0 : i32
        %gather3A_1380 = arith.constant 1 : i32
        %gather3A_1381 = arith.constant 0 : i32
        %gather3A_1382 = arith.constant 0 : i32
        %gather3A_1383 = tpu.memref_slice %arg7[%gather3A_1379, %gather3A_1380, %gather3A_1381, %gather3A_1382] : memref<3x8x32x128xf32, #tpu.memory_space<vmem>> -> memref<1x1x32x128xf32, #tpu.memory_space<vmem>>
        %gather3A_1384 = tpu.memref_squeeze %gather3A_1383 : memref<1x1x32x128xf32, #tpu.memory_space<vmem>> -> memref<32x128xf32, #tpu.memory_space<vmem>>
        %gather3A_1385 = tpu.vector_load_idx %gather3A_1384[%iota3A, %broadcast_in_dim3A_1378] : memref<32x128xf32, #tpu.memory_space<vmem>>[vector<16xi32>, vector<16xi32>], vector<16xf32>,
        %gather3A_1386 = arith.constant 0 : i32
        %gather3A_1387 = arith.constant 1 : i32
        %gather3A_1388 = arith.constant 0 : i32
        %gather3A_1389 = arith.constant 0 : i32
        %gather3A_1390 = tpu.memref_slice %arg7[%gather3A_1386, %gather3A_1387, %gather3A_1388, %gather3A_1389] : memref<3x8x32x128xf32, #tpu.memory_space<vmem>> -> memref<1x1x32x128xf32, #tpu.memory_space<vmem>>
        %gather3A_1391 = tpu.memref_squeeze %gather3A_1390 : memref<1x1x32x128xf32, #tpu.memory_space<vmem>> -> memref<32x128xf32, #tpu.memory_space<vmem>>
        %gather3A_1392 = tpu.vector_load_idx %gather3A_1391[%add3A_5, %broadcast_in_dim3A_1378] : memref<32x128xf32, #tpu.memory_space<vmem>>[vector<16xi32>, vector<16xi32>], vector<16xf32>,
        %add3A_1393 = vector.broadcast %add3A_1375 : i32 to vector<16xi32>
        %add3A_1394 = arith.addi %mul3A_8, %add3A_1393 : vector<16xi32>
        tpu.vector_store_idx %arg8[%add3A_1394], %gather3A_1385 : memref<16384xf32, #tpu.memory_space<vmem>>[vector<16xi32>], vector<16xf32>,
        %add3A_1395 = vector.broadcast %add3A_1375 : i32 to vector<16xi32>
        %add3A_1396 = arith.addi %mul3A_11, %add3A_1395 : vector<16xi32>
        tpu.vector_store_idx %arg8[%add3A_1396], %gather3A_1392 : memref<16384xf32, #tpu.memory_space<vmem>>[vector<16xi32>], vector<16xf32>,
        %mul3A_1397 = arith.constant 8 : i32
        %mul3A_1398 = arith.muli %sub3A_1328, %mul3A_1397 : i32
        %add3A_1399 = arith.constant 2 : i32
        %add3A_1400 = arith.addi %mul3A_1398, %add3A_1399 : i32
        %slice3A_1401 = vector.extract_strided_slice %and3A_1346 {offsets = [2], sizes = [1], strides = [1]} : vector<16xi32> to vector<1xi32>
        %squeeze3A_1402 = vector.extract %slice3A_1401[0] : i32 from vector<1xi32>
        %broadcast_in_dim3A_1403 = vector.broadcast %squeeze3A_1402 : i32 to vector<16xi32>
        %gather3A_1404 = arith.constant 0 : i32
        %gather3A_1405 = arith.constant 2 : i32
        %gather3A_1406 = arith.constant 0 : i32
        %gather3A_1407 = arith.constant 0 : i32
        %gather3A_1408 = tpu.memref_slice %arg7[%gather3A_1404, %gather3A_1405, %gather3A_1406, %gather3A_1407] : memref<3x8x32x128xf32, #tpu.memory_space<vmem>> -> memref<1x1x32x128xf32, #tpu.memory_space<vmem>>
        %gather3A_1409 = tpu.memref_squeeze %gather3A_1408 : memref<1x1x32x128xf32, #tpu.memory_space<vmem>> -> memref<32x128xf32, #tpu.memory_space<vmem>>
        %gather3A_1410 = tpu.vector_load_idx %gather3A_1409[%iota3A, %broadcast_in_dim3A_1403] : memref<32x128xf32, #tpu.memory_space<vmem>>[vector<16xi32>, vector<16xi32>], vector<16xf32>,
        %gather3A_1411 = arith.constant 0 : i32
        %gather3A_1412 = arith.constant 2 : i32
        %gather3A_1413 = arith.constant 0 : i32
        %gather3A_1414 = arith.constant 0 : i32
        %gather3A_1415 = tpu.memref_slice %arg7[%gather3A_1411, %gather3A_1412, %gather3A_1413, %gather3A_1414] : memref<3x8x32x128xf32, #tpu.memory_space<vmem>> -> memref<1x1x32x128xf32, #tpu.memory_space<vmem>>
        %gather3A_1416 = tpu.memref_squeeze %gather3A_1415 : memref<1x1x32x128xf32, #tpu.memory_space<vmem>> -> memref<32x128xf32, #tpu.memory_space<vmem>>
        %gather3A_1417 = tpu.vector_load_idx %gather3A_1416[%add3A_5, %broadcast_in_dim3A_1403] : memref<32x128xf32, #tpu.memory_space<vmem>>[vector<16xi32>, vector<16xi32>], vector<16xf32>,
        %add3A_1418 = vector.broadcast %add3A_1400 : i32 to vector<16xi32>
        %add3A_1419 = arith.addi %mul3A_8, %add3A_1418 : vector<16xi32>
        tpu.vector_store_idx %arg8[%add3A_1419], %gather3A_1410 : memref<16384xf32, #tpu.memory_space<vmem>>[vector<16xi32>], vector<16xf32>,
        %add3A_1420 = vector.broadcast %add3A_1400 : i32 to vector<16xi32>
        %add3A_1421 = arith.addi %mul3A_11, %add3A_1420 : vector<16xi32>
        tpu.vector_store_idx %arg8[%add3A_1421], %gather3A_1417 : memref<16384xf32, #tpu.memory_space<vmem>>[vector<16xi32>], vector<16xf32>,
        %mul3A_1422 = arith.constant 8 : i32
        %mul3A_1423 = arith.muli %sub3A_1328, %mul3A_1422 : i32
        %add3A_1424 = arith.constant 3 : i32
        %add3A_1425 = arith.addi %mul3A_1423, %add3A_1424 : i32
        %slice3A_1426 = vector.extract_strided_slice %and3A_1346 {offsets = [3], sizes = [1], strides = [1]} : vector<16xi32> to vector<1xi32>
        %squeeze3A_1427 = vector.extract %slice3A_1426[0] : i32 from vector<1xi32>
        %broadcast_in_dim3A_1428 = vector.broadcast %squeeze3A_1427 : i32 to vector<16xi32>
        %gather3A_1429 = arith.constant 0 : i32
        %gather3A_1430 = arith.constant 3 : i32
        %gather3A_1431 = arith.constant 0 : i32
        %gather3A_1432 = arith.constant 0 : i32
        %gather3A_1433 = tpu.memref_slice %arg7[%gather3A_1429, %gather3A_1430, %gather3A_1431, %gather3A_1432] : memref<3x8x32x128xf32, #tpu.memory_space<vmem>> -> memref<1x1x32x128xf32, #tpu.memory_space<vmem>>
        %gather3A_1434 = tpu.memref_squeeze %gather3A_1433 : memref<1x1x32x128xf32, #tpu.memory_space<vmem>> -> memref<32x128xf32, #tpu.memory_space<vmem>>
        %gather3A_1435 = tpu.vector_load_idx %gather3A_1434[%iota3A, %broadcast_in_dim3A_1428] : memref<32x128xf32, #tpu.memory_space<vmem>>[vector<16xi32>, vector<16xi32>], vector<16xf32>,
        %gather3A_1436 = arith.constant 0 : i32
        %gather3A_1437 = arith.constant 3 : i32
        %gather3A_1438 = arith.constant 0 : i32
        %gather3A_1439 = arith.constant 0 : i32
        %gather3A_1440 = tpu.memref_slice %arg7[%gather3A_1436, %gather3A_1437, %gather3A_1438, %gather3A_1439] : memref<3x8x32x128xf32, #tpu.memory_space<vmem>> -> memref<1x1x32x128xf32, #tpu.memory_space<vmem>>
        %gather3A_1441 = tpu.memref_squeeze %gather3A_1440 : memref<1x1x32x128xf32, #tpu.memory_space<vmem>> -> memref<32x128xf32, #tpu.memory_space<vmem>>
        %gather3A_1442 = tpu.vector_load_idx %gather3A_1441[%add3A_5, %broadcast_in_dim3A_1428] : memref<32x128xf32, #tpu.memory_space<vmem>>[vector<16xi32>, vector<16xi32>], vector<16xf32>,
        %add3A_1443 = vector.broadcast %add3A_1425 : i32 to vector<16xi32>
        %add3A_1444 = arith.addi %mul3A_8, %add3A_1443 : vector<16xi32>
        tpu.vector_store_idx %arg8[%add3A_1444], %gather3A_1435 : memref<16384xf32, #tpu.memory_space<vmem>>[vector<16xi32>], vector<16xf32>,
        %add3A_1445 = vector.broadcast %add3A_1425 : i32 to vector<16xi32>
        %add3A_1446 = arith.addi %mul3A_11, %add3A_1445 : vector<16xi32>
        tpu.vector_store_idx %arg8[%add3A_1446], %gather3A_1442 : memref<16384xf32, #tpu.memory_space<vmem>>[vector<16xi32>], vector<16xf32>,
        %mul3A_1447 = arith.constant 8 : i32
        %mul3A_1448 = arith.muli %sub3A_1328, %mul3A_1447 : i32
        %add3A_1449 = arith.constant 4 : i32
        %add3A_1450 = arith.addi %mul3A_1448, %add3A_1449 : i32
        %slice3A_1451 = vector.extract_strided_slice %and3A_1346 {offsets = [4], sizes = [1], strides = [1]} : vector<16xi32> to vector<1xi32>
        %squeeze3A_1452 = vector.extract %slice3A_1451[0] : i32 from vector<1xi32>
        %broadcast_in_dim3A_1453 = vector.broadcast %squeeze3A_1452 : i32 to vector<16xi32>
        %gather3A_1454 = arith.constant 0 : i32
        %gather3A_1455 = arith.constant 4 : i32
        %gather3A_1456 = arith.constant 0 : i32
        %gather3A_1457 = arith.constant 0 : i32
        %gather3A_1458 = tpu.memref_slice %arg7[%gather3A_1454, %gather3A_1455, %gather3A_1456, %gather3A_1457] : memref<3x8x32x128xf32, #tpu.memory_space<vmem>> -> memref<1x1x32x128xf32, #tpu.memory_space<vmem>>
        %gather3A_1459 = tpu.memref_squeeze %gather3A_1458 : memref<1x1x32x128xf32, #tpu.memory_space<vmem>> -> memref<32x128xf32, #tpu.memory_space<vmem>>
        %gather3A_1460 = tpu.vector_load_idx %gather3A_1459[%iota3A, %broadcast_in_dim3A_1453] : memref<32x128xf32, #tpu.memory_space<vmem>>[vector<16xi32>, vector<16xi32>], vector<16xf32>,
        %gather3A_1461 = arith.constant 0 : i32
        %gather3A_1462 = arith.constant 4 : i32
        %gather3A_1463 = arith.constant 0 : i32
        %gather3A_1464 = arith.constant 0 : i32
        %gather3A_1465 = tpu.memref_slice %arg7[%gather3A_1461, %gather3A_1462, %gather3A_1463, %gather3A_1464] : memref<3x8x32x128xf32, #tpu.memory_space<vmem>> -> memref<1x1x32x128xf32, #tpu.memory_space<vmem>>
        %gather3A_1466 = tpu.memref_squeeze %gather3A_1465 : memref<1x1x32x128xf32, #tpu.memory_space<vmem>> -> memref<32x128xf32, #tpu.memory_space<vmem>>
        %gather3A_1467 = tpu.vector_load_idx %gather3A_1466[%add3A_5, %broadcast_in_dim3A_1453] : memref<32x128xf32, #tpu.memory_space<vmem>>[vector<16xi32>, vector<16xi32>], vector<16xf32>,
        %add3A_1468 = vector.broadcast %add3A_1450 : i32 to vector<16xi32>
        %add3A_1469 = arith.addi %mul3A_8, %add3A_1468 : vector<16xi32>
        tpu.vector_store_idx %arg8[%add3A_1469], %gather3A_1460 : memref<16384xf32, #tpu.memory_space<vmem>>[vector<16xi32>], vector<16xf32>,
        %add3A_1470 = vector.broadcast %add3A_1450 : i32 to vector<16xi32>
        %add3A_1471 = arith.addi %mul3A_11, %add3A_1470 : vector<16xi32>
        tpu.vector_store_idx %arg8[%add3A_1471], %gather3A_1467 : memref<16384xf32, #tpu.memory_space<vmem>>[vector<16xi32>], vector<16xf32>,
        %mul3A_1472 = arith.constant 8 : i32
        %mul3A_1473 = arith.muli %sub3A_1328, %mul3A_1472 : i32
        %add3A_1474 = arith.constant 5 : i32
        %add3A_1475 = arith.addi %mul3A_1473, %add3A_1474 : i32
        %slice3A_1476 = vector.extract_strided_slice %and3A_1346 {offsets = [5], sizes = [1], strides = [1]} : vector<16xi32> to vector<1xi32>
        %squeeze3A_1477 = vector.extract %slice3A_1476[0] : i32 from vector<1xi32>
        %broadcast_in_dim3A_1478 = vector.broadcast %squeeze3A_1477 : i32 to vector<16xi32>
        %gather3A_1479 = arith.constant 0 : i32
        %gather3A_1480 = arith.constant 5 : i32
        %gather3A_1481 = arith.constant 0 : i32
        %gather3A_1482 = arith.constant 0 : i32
        %gather3A_1483 = tpu.memref_slice %arg7[%gather3A_1479, %gather3A_1480, %gather3A_1481, %gather3A_1482] : memref<3x8x32x128xf32, #tpu.memory_space<vmem>> -> memref<1x1x32x128xf32, #tpu.memory_space<vmem>>
        %gather3A_1484 = tpu.memref_squeeze %gather3A_1483 : memref<1x1x32x128xf32, #tpu.memory_space<vmem>> -> memref<32x128xf32, #tpu.memory_space<vmem>>
        %gather3A_1485 = tpu.vector_load_idx %gather3A_1484[%iota3A, %broadcast_in_dim3A_1478] : memref<32x128xf32, #tpu.memory_space<vmem>>[vector<16xi32>, vector<16xi32>], vector<16xf32>,
        %gather3A_1486 = arith.constant 0 : i32
        %gather3A_1487 = arith.constant 5 : i32
        %gather3A_1488 = arith.constant 0 : i32
        %gather3A_1489 = arith.constant 0 : i32
        %gather3A_1490 = tpu.memref_slice %arg7[%gather3A_1486, %gather3A_1487, %gather3A_1488, %gather3A_1489] : memref<3x8x32x128xf32, #tpu.memory_space<vmem>> -> memref<1x1x32x128xf32, #tpu.memory_space<vmem>>
        %gather3A_1491 = tpu.memref_squeeze %gather3A_1490 : memref<1x1x32x128xf32, #tpu.memory_space<vmem>> -> memref<32x128xf32, #tpu.memory_space<vmem>>
        %gather3A_1492 = tpu.vector_load_idx %gather3A_1491[%add3A_5, %broadcast_in_dim3A_1478] : memref<32x128xf32, #tpu.memory_space<vmem>>[vector<16xi32>, vector<16xi32>], vector<16xf32>,
        %add3A_1493 = vector.broadcast %add3A_1475 : i32 to vector<16xi32>
        %add3A_1494 = arith.addi %mul3A_8, %add3A_1493 : vector<16xi32>
        tpu.vector_store_idx %arg8[%add3A_1494], %gather3A_1485 : memref<16384xf32, #tpu.memory_space<vmem>>[vector<16xi32>], vector<16xf32>,
        %add3A_1495 = vector.broadcast %add3A_1475 : i32 to vector<16xi32>
        %add3A_1496 = arith.addi %mul3A_11, %add3A_1495 : vector<16xi32>
        tpu.vector_store_idx %arg8[%add3A_1496], %gather3A_1492 : memref<16384xf32, #tpu.memory_space<vmem>>[vector<16xi32>], vector<16xf32>,
        %mul3A_1497 = arith.constant 8 : i32
        %mul3A_1498 = arith.muli %sub3A_1328, %mul3A_1497 : i32
        %add3A_1499 = arith.constant 6 : i32
        %add3A_1500 = arith.addi %mul3A_1498, %add3A_1499 : i32
        %slice3A_1501 = vector.extract_strided_slice %and3A_1346 {offsets = [6], sizes = [1], strides = [1]} : vector<16xi32> to vector<1xi32>
        %squeeze3A_1502 = vector.extract %slice3A_1501[0] : i32 from vector<1xi32>
        %broadcast_in_dim3A_1503 = vector.broadcast %squeeze3A_1502 : i32 to vector<16xi32>
        %gather3A_1504 = arith.constant 0 : i32
        %gather3A_1505 = arith.constant 6 : i32
        %gather3A_1506 = arith.constant 0 : i32
        %gather3A_1507 = arith.constant 0 : i32
        %gather3A_1508 = tpu.memref_slice %arg7[%gather3A_1504, %gather3A_1505, %gather3A_1506, %gather3A_1507] : memref<3x8x32x128xf32, #tpu.memory_space<vmem>> -> memref<1x1x32x128xf32, #tpu.memory_space<vmem>>
        %gather3A_1509 = tpu.memref_squeeze %gather3A_1508 : memref<1x1x32x128xf32, #tpu.memory_space<vmem>> -> memref<32x128xf32, #tpu.memory_space<vmem>>
        %gather3A_1510 = tpu.vector_load_idx %gather3A_1509[%iota3A, %broadcast_in_dim3A_1503] : memref<32x128xf32, #tpu.memory_space<vmem>>[vector<16xi32>, vector<16xi32>], vector<16xf32>,
        %gather3A_1511 = arith.constant 0 : i32
        %gather3A_1512 = arith.constant 6 : i32
        %gather3A_1513 = arith.constant 0 : i32
        %gather3A_1514 = arith.constant 0 : i32
        %gather3A_1515 = tpu.memref_slice %arg7[%gather3A_1511, %gather3A_1512, %gather3A_1513, %gather3A_1514] : memref<3x8x32x128xf32, #tpu.memory_space<vmem>> -> memref<1x1x32x128xf32, #tpu.memory_space<vmem>>
        %gather3A_1516 = tpu.memref_squeeze %gather3A_1515 : memref<1x1x32x128xf32, #tpu.memory_space<vmem>> -> memref<32x128xf32, #tpu.memory_space<vmem>>
        %gather3A_1517 = tpu.vector_load_idx %gather3A_1516[%add3A_5, %broadcast_in_dim3A_1503] : memref<32x128xf32, #tpu.memory_space<vmem>>[vector<16xi32>, vector<16xi32>], vector<16xf32>,
        %add3A_1518 = vector.broadcast %add3A_1500 : i32 to vector<16xi32>
        %add3A_1519 = arith.addi %mul3A_8, %add3A_1518 : vector<16xi32>
        tpu.vector_store_idx %arg8[%add3A_1519], %gather3A_1510 : memref<16384xf32, #tpu.memory_space<vmem>>[vector<16xi32>], vector<16xf32>,
        %add3A_1520 = vector.broadcast %add3A_1500 : i32 to vector<16xi32>
        %add3A_1521 = arith.addi %mul3A_11, %add3A_1520 : vector<16xi32>
        tpu.vector_store_idx %arg8[%add3A_1521], %gather3A_1517 : memref<16384xf32, #tpu.memory_space<vmem>>[vector<16xi32>], vector<16xf32>,
        %mul3A_1522 = arith.constant 8 : i32
        %mul3A_1523 = arith.muli %sub3A_1328, %mul3A_1522 : i32
        %add3A_1524 = arith.constant 7 : i32
        %add3A_1525 = arith.addi %mul3A_1523, %add3A_1524 : i32
        %slice3A_1526 = vector.extract_strided_slice %and3A_1346 {offsets = [7], sizes = [1], strides = [1]} : vector<16xi32> to vector<1xi32>
        %squeeze3A_1527 = vector.extract %slice3A_1526[0] : i32 from vector<1xi32>
        %broadcast_in_dim3A_1528 = vector.broadcast %squeeze3A_1527 : i32 to vector<16xi32>
        %gather3A_1529 = arith.constant 0 : i32
        %gather3A_1530 = arith.constant 7 : i32
        %gather3A_1531 = arith.constant 0 : i32
        %gather3A_1532 = arith.constant 0 : i32
        %gather3A_1533 = tpu.memref_slice %arg7[%gather3A_1529, %gather3A_1530, %gather3A_1531, %gather3A_1532] : memref<3x8x32x128xf32, #tpu.memory_space<vmem>> -> memref<1x1x32x128xf32, #tpu.memory_space<vmem>>
        %gather3A_1534 = tpu.memref_squeeze %gather3A_1533 : memref<1x1x32x128xf32, #tpu.memory_space<vmem>> -> memref<32x128xf32, #tpu.memory_space<vmem>>
        %gather3A_1535 = tpu.vector_load_idx %gather3A_1534[%iota3A, %broadcast_in_dim3A_1528] : memref<32x128xf32, #tpu.memory_space<vmem>>[vector<16xi32>, vector<16xi32>], vector<16xf32>,
        %gather3A_1536 = arith.constant 0 : i32
        %gather3A_1537 = arith.constant 7 : i32
        %gather3A_1538 = arith.constant 0 : i32
        %gather3A_1539 = arith.constant 0 : i32
        %gather3A_1540 = tpu.memref_slice %arg7[%gather3A_1536, %gather3A_1537, %gather3A_1538, %gather3A_1539] : memref<3x8x32x128xf32, #tpu.memory_space<vmem>> -> memref<1x1x32x128xf32, #tpu.memory_space<vmem>>
        %gather3A_1541 = tpu.memref_squeeze %gather3A_1540 : memref<1x1x32x128xf32, #tpu.memory_space<vmem>> -> memref<32x128xf32, #tpu.memory_space<vmem>>
        %gather3A_1542 = tpu.vector_load_idx %gather3A_1541[%add3A_5, %broadcast_in_dim3A_1528] : memref<32x128xf32, #tpu.memory_space<vmem>>[vector<16xi32>, vector<16xi32>], vector<16xf32>,
        %add3A_1543 = vector.broadcast %add3A_1525 : i32 to vector<16xi32>
        %add3A_1544 = arith.addi %mul3A_8, %add3A_1543 : vector<16xi32>
        tpu.vector_store_idx %arg8[%add3A_1544], %gather3A_1535 : memref<16384xf32, #tpu.memory_space<vmem>>[vector<16xi32>], vector<16xf32>,
        %add3A_1545 = vector.broadcast %add3A_1525 : i32 to vector<16xi32>
        %add3A_1546 = arith.addi %mul3A_11, %add3A_1545 : vector<16xi32>
        tpu.vector_store_idx %arg8[%add3A_1546], %gather3A_1542 : memref<16384xf32, #tpu.memory_space<vmem>>[vector<16xi32>], vector<16xf32>,
      } else {
      }
      %eq3A_1318 = arith.constant 1 : i32
      %eq3A_1319 = arith.cmpi eq, %rem3A_1312, %eq3A_1318 : i32
      %convert_element_type3A_1320 = arith.extui %eq3A_1319 : i1 to i32
      %cond3A_1321 = arith.constant 0 : i32
      %cond3A_1322 = arith.cmpi ne, %convert_element_type3A_1320, %cond3A_1321 : i32
      scf.if %cond3A_1322 {
        %sub3A = arith.constant 2 : i32
        %sub3A_1328 = arith.subi %add3A_1295, %sub3A : i32
        %dma_wait3A_1329 = arith.constant 1 : i32
        %dma_wait3A_1330 = arith.constant 0 : i32
        %dma_wait3A_1331 = arith.constant 0 : i32
        %dma_wait3A_1332 = arith.constant 0 : i32
        %dma_wait3A_1333 = tpu.memref_slice %arg7[%dma_wait3A_1329, %dma_wait3A_1330, %dma_wait3A_1331, %dma_wait3A_1332] : memref<3x8x32x128xf32, #tpu.memory_space<vmem>> -> memref<1x8x32x128xf32, #tpu.memory_space<vmem>>
        %dma_wait3A_1334 = tpu.memref_squeeze %dma_wait3A_1333 : memref<1x8x32x128xf32, #tpu.memory_space<vmem>> -> memref<8x32x128xf32, #tpu.memory_space<vmem>>
        %dma_wait3A_1335 = arith.constant 0 : i32
        %dma_wait3A_1336 = arith.constant 0 : i32
        %dma_wait3A_1337 = arith.constant 0 : i32
        %dma_wait3A_1338 = tpu.memref_slice %arg7[%dma_wait3A_1329, %dma_wait3A_1335, %dma_wait3A_1336, %dma_wait3A_1337] : memref<3x8x32x128xf32, #tpu.memory_space<vmem>> -> memref<1x8x32x128xf32, #tpu.memory_space<vmem>>
        %dma_wait3A_1339 = tpu.memref_squeeze %dma_wait3A_1338 : memref<1x8x32x128xf32, #tpu.memory_space<vmem>> -> memref<8x32x128xf32, #tpu.memory_space<vmem>>
        tpu.wait_dma2 semaphore(%arg10 : memref<!tpu.dma_semaphore, #tpu.memory_space<semaphore_mem>>) src(%arg4 : memref<8x32x128xf32, #tpu.memory_space<hbm>>) dst(%dma_wait3A_1339 : memref<8x32x128xf32, #tpu.memory_space<vmem>>)
        %mul3A_1340 = arith.constant 8 : i32
        %mul3A_1341 = arith.muli %sub3A_1328, %mul3A_1340 : i32
        %get3A_1342 = arith.index_cast %mul3A_1341 : i32 to index
        %get3A_1343 = tpu.vector_load %arg6[%get3A_1342] {strides = array<i32>} : memref<528xi32, #tpu.memory_space<vmem>>, vector<16xi32>,
        %and3A_1344 = arith.constant 127 : i32
        %and3A_1345 = vector.broadcast %and3A_1344 : i32 to vector<16xi32>
        %and3A_1346 = arith.andi %get3A_1343, %and3A_1345 : vector<16xi32>
        %mul3A_1347 = arith.constant 8 : i32
        %mul3A_1348 = arith.muli %sub3A_1328, %mul3A_1347 : i32
        %add3A_1349 = arith.constant 0 : i32
        %add3A_1350 = arith.addi %mul3A_1348, %add3A_1349 : i32
        %slice3A_1351 = vector.extract_strided_slice %and3A_1346 {offsets = [0], sizes = [1], strides = [1]} : vector<16xi32> to vector<1xi32>
        %squeeze3A_1352 = vector.extract %slice3A_1351[0] : i32 from vector<1xi32>
        %broadcast_in_dim3A_1353 = vector.broadcast %squeeze3A_1352 : i32 to vector<16xi32>
        %gather3A_1354 = arith.constant 1 : i32
        %gather3A_1355 = arith.constant 0 : i32
        %gather3A_1356 = arith.constant 0 : i32
        %gather3A_1357 = arith.constant 0 : i32
        %gather3A_1358 = tpu.memref_slice %arg7[%gather3A_1354, %gather3A_1355, %gather3A_1356, %gather3A_1357] : memref<3x8x32x128xf32, #tpu.memory_space<vmem>> -> memref<1x1x32x128xf32, #tpu.memory_space<vmem>>
        %gather3A_1359 = tpu.memref_squeeze %gather3A_1358 : memref<1x1x32x128xf32, #tpu.memory_space<vmem>> -> memref<32x128xf32, #tpu.memory_space<vmem>>
        %gather3A_1360 = tpu.vector_load_idx %gather3A_1359[%iota3A, %broadcast_in_dim3A_1353] : memref<32x128xf32, #tpu.memory_space<vmem>>[vector<16xi32>, vector<16xi32>], vector<16xf32>,
        %gather3A_1361 = arith.constant 1 : i32
        %gather3A_1362 = arith.constant 0 : i32
        %gather3A_1363 = arith.constant 0 : i32
        %gather3A_1364 = arith.constant 0 : i32
        %gather3A_1365 = tpu.memref_slice %arg7[%gather3A_1361, %gather3A_1362, %gather3A_1363, %gather3A_1364] : memref<3x8x32x128xf32, #tpu.memory_space<vmem>> -> memref<1x1x32x128xf32, #tpu.memory_space<vmem>>
        %gather3A_1366 = tpu.memref_squeeze %gather3A_1365 : memref<1x1x32x128xf32, #tpu.memory_space<vmem>> -> memref<32x128xf32, #tpu.memory_space<vmem>>
        %gather3A_1367 = tpu.vector_load_idx %gather3A_1366[%add3A_5, %broadcast_in_dim3A_1353] : memref<32x128xf32, #tpu.memory_space<vmem>>[vector<16xi32>, vector<16xi32>], vector<16xf32>,
        %add3A_1368 = vector.broadcast %add3A_1350 : i32 to vector<16xi32>
        %add3A_1369 = arith.addi %mul3A_8, %add3A_1368 : vector<16xi32>
        tpu.vector_store_idx %arg8[%add3A_1369], %gather3A_1360 : memref<16384xf32, #tpu.memory_space<vmem>>[vector<16xi32>], vector<16xf32>,
        %add3A_1370 = vector.broadcast %add3A_1350 : i32 to vector<16xi32>
        %add3A_1371 = arith.addi %mul3A_11, %add3A_1370 : vector<16xi32>
        tpu.vector_store_idx %arg8[%add3A_1371], %gather3A_1367 : memref<16384xf32, #tpu.memory_space<vmem>>[vector<16xi32>], vector<16xf32>,
        %mul3A_1372 = arith.constant 8 : i32
        %mul3A_1373 = arith.muli %sub3A_1328, %mul3A_1372 : i32
        %add3A_1374 = arith.constant 1 : i32
        %add3A_1375 = arith.addi %mul3A_1373, %add3A_1374 : i32
        %slice3A_1376 = vector.extract_strided_slice %and3A_1346 {offsets = [1], sizes = [1], strides = [1]} : vector<16xi32> to vector<1xi32>
        %squeeze3A_1377 = vector.extract %slice3A_1376[0] : i32 from vector<1xi32>
        %broadcast_in_dim3A_1378 = vector.broadcast %squeeze3A_1377 : i32 to vector<16xi32>
        %gather3A_1379 = arith.constant 1 : i32
        %gather3A_1380 = arith.constant 1 : i32
        %gather3A_1381 = arith.constant 0 : i32
        %gather3A_1382 = arith.constant 0 : i32
        %gather3A_1383 = tpu.memref_slice %arg7[%gather3A_1379, %gather3A_1380, %gather3A_1381, %gather3A_1382] : memref<3x8x32x128xf32, #tpu.memory_space<vmem>> -> memref<1x1x32x128xf32, #tpu.memory_space<vmem>>
        %gather3A_1384 = tpu.memref_squeeze %gather3A_1383 : memref<1x1x32x128xf32, #tpu.memory_space<vmem>> -> memref<32x128xf32, #tpu.memory_space<vmem>>
        %gather3A_1385 = tpu.vector_load_idx %gather3A_1384[%iota3A, %broadcast_in_dim3A_1378] : memref<32x128xf32, #tpu.memory_space<vmem>>[vector<16xi32>, vector<16xi32>], vector<16xf32>,
        %gather3A_1386 = arith.constant 1 : i32
        %gather3A_1387 = arith.constant 1 : i32
        %gather3A_1388 = arith.constant 0 : i32
        %gather3A_1389 = arith.constant 0 : i32
        %gather3A_1390 = tpu.memref_slice %arg7[%gather3A_1386, %gather3A_1387, %gather3A_1388, %gather3A_1389] : memref<3x8x32x128xf32, #tpu.memory_space<vmem>> -> memref<1x1x32x128xf32, #tpu.memory_space<vmem>>
        %gather3A_1391 = tpu.memref_squeeze %gather3A_1390 : memref<1x1x32x128xf32, #tpu.memory_space<vmem>> -> memref<32x128xf32, #tpu.memory_space<vmem>>
        %gather3A_1392 = tpu.vector_load_idx %gather3A_1391[%add3A_5, %broadcast_in_dim3A_1378] : memref<32x128xf32, #tpu.memory_space<vmem>>[vector<16xi32>, vector<16xi32>], vector<16xf32>,
        %add3A_1393 = vector.broadcast %add3A_1375 : i32 to vector<16xi32>
        %add3A_1394 = arith.addi %mul3A_8, %add3A_1393 : vector<16xi32>
        tpu.vector_store_idx %arg8[%add3A_1394], %gather3A_1385 : memref<16384xf32, #tpu.memory_space<vmem>>[vector<16xi32>], vector<16xf32>,
        %add3A_1395 = vector.broadcast %add3A_1375 : i32 to vector<16xi32>
        %add3A_1396 = arith.addi %mul3A_11, %add3A_1395 : vector<16xi32>
        tpu.vector_store_idx %arg8[%add3A_1396], %gather3A_1392 : memref<16384xf32, #tpu.memory_space<vmem>>[vector<16xi32>], vector<16xf32>,
        %mul3A_1397 = arith.constant 8 : i32
        %mul3A_1398 = arith.muli %sub3A_1328, %mul3A_1397 : i32
        %add3A_1399 = arith.constant 2 : i32
        %add3A_1400 = arith.addi %mul3A_1398, %add3A_1399 : i32
        %slice3A_1401 = vector.extract_strided_slice %and3A_1346 {offsets = [2], sizes = [1], strides = [1]} : vector<16xi32> to vector<1xi32>
        %squeeze3A_1402 = vector.extract %slice3A_1401[0] : i32 from vector<1xi32>
        %broadcast_in_dim3A_1403 = vector.broadcast %squeeze3A_1402 : i32 to vector<16xi32>
        %gather3A_1404 = arith.constant 1 : i32
        %gather3A_1405 = arith.constant 2 : i32
        %gather3A_1406 = arith.constant 0 : i32
        %gather3A_1407 = arith.constant 0 : i32
        %gather3A_1408 = tpu.memref_slice %arg7[%gather3A_1404, %gather3A_1405, %gather3A_1406, %gather3A_1407] : memref<3x8x32x128xf32, #tpu.memory_space<vmem>> -> memref<1x1x32x128xf32, #tpu.memory_space<vmem>>
        %gather3A_1409 = tpu.memref_squeeze %gather3A_1408 : memref<1x1x32x128xf32, #tpu.memory_space<vmem>> -> memref<32x128xf32, #tpu.memory_space<vmem>>
        %gather3A_1410 = tpu.vector_load_idx %gather3A_1409[%iota3A, %broadcast_in_dim3A_1403] : memref<32x128xf32, #tpu.memory_space<vmem>>[vector<16xi32>, vector<16xi32>], vector<16xf32>,
        %gather3A_1411 = arith.constant 1 : i32
        %gather3A_1412 = arith.constant 2 : i32
        %gather3A_1413 = arith.constant 0 : i32
        %gather3A_1414 = arith.constant 0 : i32
        %gather3A_1415 = tpu.memref_slice %arg7[%gather3A_1411, %gather3A_1412, %gather3A_1413, %gather3A_1414] : memref<3x8x32x128xf32, #tpu.memory_space<vmem>> -> memref<1x1x32x128xf32, #tpu.memory_space<vmem>>
        %gather3A_1416 = tpu.memref_squeeze %gather3A_1415 : memref<1x1x32x128xf32, #tpu.memory_space<vmem>> -> memref<32x128xf32, #tpu.memory_space<vmem>>
        %gather3A_1417 = tpu.vector_load_idx %gather3A_1416[%add3A_5, %broadcast_in_dim3A_1403] : memref<32x128xf32, #tpu.memory_space<vmem>>[vector<16xi32>, vector<16xi32>], vector<16xf32>,
        %add3A_1418 = vector.broadcast %add3A_1400 : i32 to vector<16xi32>
        %add3A_1419 = arith.addi %mul3A_8, %add3A_1418 : vector<16xi32>
        tpu.vector_store_idx %arg8[%add3A_1419], %gather3A_1410 : memref<16384xf32, #tpu.memory_space<vmem>>[vector<16xi32>], vector<16xf32>,
        %add3A_1420 = vector.broadcast %add3A_1400 : i32 to vector<16xi32>
        %add3A_1421 = arith.addi %mul3A_11, %add3A_1420 : vector<16xi32>
        tpu.vector_store_idx %arg8[%add3A_1421], %gather3A_1417 : memref<16384xf32, #tpu.memory_space<vmem>>[vector<16xi32>], vector<16xf32>,
        %mul3A_1422 = arith.constant 8 : i32
        %mul3A_1423 = arith.muli %sub3A_1328, %mul3A_1422 : i32
        %add3A_1424 = arith.constant 3 : i32
        %add3A_1425 = arith.addi %mul3A_1423, %add3A_1424 : i32
        %slice3A_1426 = vector.extract_strided_slice %and3A_1346 {offsets = [3], sizes = [1], strides = [1]} : vector<16xi32> to vector<1xi32>
        %squeeze3A_1427 = vector.extract %slice3A_1426[0] : i32 from vector<1xi32>
        %broadcast_in_dim3A_1428 = vector.broadcast %squeeze3A_1427 : i32 to vector<16xi32>
        %gather3A_1429 = arith.constant 1 : i32
        %gather3A_1430 = arith.constant 3 : i32
        %gather3A_1431 = arith.constant 0 : i32
        %gather3A_1432 = arith.constant 0 : i32
        %gather3A_1433 = tpu.memref_slice %arg7[%gather3A_1429, %gather3A_1430, %gather3A_1431, %gather3A_1432] : memref<3x8x32x128xf32, #tpu.memory_space<vmem>> -> memref<1x1x32x128xf32, #tpu.memory_space<vmem>>
        %gather3A_1434 = tpu.memref_squeeze %gather3A_1433 : memref<1x1x32x128xf32, #tpu.memory_space<vmem>> -> memref<32x128xf32, #tpu.memory_space<vmem>>
        %gather3A_1435 = tpu.vector_load_idx %gather3A_1434[%iota3A, %broadcast_in_dim3A_1428] : memref<32x128xf32, #tpu.memory_space<vmem>>[vector<16xi32>, vector<16xi32>], vector<16xf32>,
        %gather3A_1436 = arith.constant 1 : i32
        %gather3A_1437 = arith.constant 3 : i32
        %gather3A_1438 = arith.constant 0 : i32
        %gather3A_1439 = arith.constant 0 : i32
        %gather3A_1440 = tpu.memref_slice %arg7[%gather3A_1436, %gather3A_1437, %gather3A_1438, %gather3A_1439] : memref<3x8x32x128xf32, #tpu.memory_space<vmem>> -> memref<1x1x32x128xf32, #tpu.memory_space<vmem>>
        %gather3A_1441 = tpu.memref_squeeze %gather3A_1440 : memref<1x1x32x128xf32, #tpu.memory_space<vmem>> -> memref<32x128xf32, #tpu.memory_space<vmem>>
        %gather3A_1442 = tpu.vector_load_idx %gather3A_1441[%add3A_5, %broadcast_in_dim3A_1428] : memref<32x128xf32, #tpu.memory_space<vmem>>[vector<16xi32>, vector<16xi32>], vector<16xf32>,
        %add3A_1443 = vector.broadcast %add3A_1425 : i32 to vector<16xi32>
        %add3A_1444 = arith.addi %mul3A_8, %add3A_1443 : vector<16xi32>
        tpu.vector_store_idx %arg8[%add3A_1444], %gather3A_1435 : memref<16384xf32, #tpu.memory_space<vmem>>[vector<16xi32>], vector<16xf32>,
        %add3A_1445 = vector.broadcast %add3A_1425 : i32 to vector<16xi32>
        %add3A_1446 = arith.addi %mul3A_11, %add3A_1445 : vector<16xi32>
        tpu.vector_store_idx %arg8[%add3A_1446], %gather3A_1442 : memref<16384xf32, #tpu.memory_space<vmem>>[vector<16xi32>], vector<16xf32>,
        %mul3A_1447 = arith.constant 8 : i32
        %mul3A_1448 = arith.muli %sub3A_1328, %mul3A_1447 : i32
        %add3A_1449 = arith.constant 4 : i32
        %add3A_1450 = arith.addi %mul3A_1448, %add3A_1449 : i32
        %slice3A_1451 = vector.extract_strided_slice %and3A_1346 {offsets = [4], sizes = [1], strides = [1]} : vector<16xi32> to vector<1xi32>
        %squeeze3A_1452 = vector.extract %slice3A_1451[0] : i32 from vector<1xi32>
        %broadcast_in_dim3A_1453 = vector.broadcast %squeeze3A_1452 : i32 to vector<16xi32>
        %gather3A_1454 = arith.constant 1 : i32
        %gather3A_1455 = arith.constant 4 : i32
        %gather3A_1456 = arith.constant 0 : i32
        %gather3A_1457 = arith.constant 0 : i32
        %gather3A_1458 = tpu.memref_slice %arg7[%gather3A_1454, %gather3A_1455, %gather3A_1456, %gather3A_1457] : memref<3x8x32x128xf32, #tpu.memory_space<vmem>> -> memref<1x1x32x128xf32, #tpu.memory_space<vmem>>
        %gather3A_1459 = tpu.memref_squeeze %gather3A_1458 : memref<1x1x32x128xf32, #tpu.memory_space<vmem>> -> memref<32x128xf32, #tpu.memory_space<vmem>>
        %gather3A_1460 = tpu.vector_load_idx %gather3A_1459[%iota3A, %broadcast_in_dim3A_1453] : memref<32x128xf32, #tpu.memory_space<vmem>>[vector<16xi32>, vector<16xi32>], vector<16xf32>,
        %gather3A_1461 = arith.constant 1 : i32
        %gather3A_1462 = arith.constant 4 : i32
        %gather3A_1463 = arith.constant 0 : i32
        %gather3A_1464 = arith.constant 0 : i32
        %gather3A_1465 = tpu.memref_slice %arg7[%gather3A_1461, %gather3A_1462, %gather3A_1463, %gather3A_1464] : memref<3x8x32x128xf32, #tpu.memory_space<vmem>> -> memref<1x1x32x128xf32, #tpu.memory_space<vmem>>
        %gather3A_1466 = tpu.memref_squeeze %gather3A_1465 : memref<1x1x32x128xf32, #tpu.memory_space<vmem>> -> memref<32x128xf32, #tpu.memory_space<vmem>>
        %gather3A_1467 = tpu.vector_load_idx %gather3A_1466[%add3A_5, %broadcast_in_dim3A_1453] : memref<32x128xf32, #tpu.memory_space<vmem>>[vector<16xi32>, vector<16xi32>], vector<16xf32>,
        %add3A_1468 = vector.broadcast %add3A_1450 : i32 to vector<16xi32>
        %add3A_1469 = arith.addi %mul3A_8, %add3A_1468 : vector<16xi32>
        tpu.vector_store_idx %arg8[%add3A_1469], %gather3A_1460 : memref<16384xf32, #tpu.memory_space<vmem>>[vector<16xi32>], vector<16xf32>,
        %add3A_1470 = vector.broadcast %add3A_1450 : i32 to vector<16xi32>
        %add3A_1471 = arith.addi %mul3A_11, %add3A_1470 : vector<16xi32>
        tpu.vector_store_idx %arg8[%add3A_1471], %gather3A_1467 : memref<16384xf32, #tpu.memory_space<vmem>>[vector<16xi32>], vector<16xf32>,
        %mul3A_1472 = arith.constant 8 : i32
        %mul3A_1473 = arith.muli %sub3A_1328, %mul3A_1472 : i32
        %add3A_1474 = arith.constant 5 : i32
        %add3A_1475 = arith.addi %mul3A_1473, %add3A_1474 : i32
        %slice3A_1476 = vector.extract_strided_slice %and3A_1346 {offsets = [5], sizes = [1], strides = [1]} : vector<16xi32> to vector<1xi32>
        %squeeze3A_1477 = vector.extract %slice3A_1476[0] : i32 from vector<1xi32>
        %broadcast_in_dim3A_1478 = vector.broadcast %squeeze3A_1477 : i32 to vector<16xi32>
        %gather3A_1479 = arith.constant 1 : i32
        %gather3A_1480 = arith.constant 5 : i32
        %gather3A_1481 = arith.constant 0 : i32
        %gather3A_1482 = arith.constant 0 : i32
        %gather3A_1483 = tpu.memref_slice %arg7[%gather3A_1479, %gather3A_1480, %gather3A_1481, %gather3A_1482] : memref<3x8x32x128xf32, #tpu.memory_space<vmem>> -> memref<1x1x32x128xf32, #tpu.memory_space<vmem>>
        %gather3A_1484 = tpu.memref_squeeze %gather3A_1483 : memref<1x1x32x128xf32, #tpu.memory_space<vmem>> -> memref<32x128xf32, #tpu.memory_space<vmem>>
        %gather3A_1485 = tpu.vector_load_idx %gather3A_1484[%iota3A, %broadcast_in_dim3A_1478] : memref<32x128xf32, #tpu.memory_space<vmem>>[vector<16xi32>, vector<16xi32>], vector<16xf32>,
        %gather3A_1486 = arith.constant 1 : i32
        %gather3A_1487 = arith.constant 5 : i32
        %gather3A_1488 = arith.constant 0 : i32
        %gather3A_1489 = arith.constant 0 : i32
        %gather3A_1490 = tpu.memref_slice %arg7[%gather3A_1486, %gather3A_1487, %gather3A_1488, %gather3A_1489] : memref<3x8x32x128xf32, #tpu.memory_space<vmem>> -> memref<1x1x32x128xf32, #tpu.memory_space<vmem>>
        %gather3A_1491 = tpu.memref_squeeze %gather3A_1490 : memref<1x1x32x128xf32, #tpu.memory_space<vmem>> -> memref<32x128xf32, #tpu.memory_space<vmem>>
        %gather3A_1492 = tpu.vector_load_idx %gather3A_1491[%add3A_5, %broadcast_in_dim3A_1478] : memref<32x128xf32, #tpu.memory_space<vmem>>[vector<16xi32>, vector<16xi32>], vector<16xf32>,
        %add3A_1493 = vector.broadcast %add3A_1475 : i32 to vector<16xi32>
        %add3A_1494 = arith.addi %mul3A_8, %add3A_1493 : vector<16xi32>
        tpu.vector_store_idx %arg8[%add3A_1494], %gather3A_1485 : memref<16384xf32, #tpu.memory_space<vmem>>[vector<16xi32>], vector<16xf32>,
        %add3A_1495 = vector.broadcast %add3A_1475 : i32 to vector<16xi32>
        %add3A_1496 = arith.addi %mul3A_11, %add3A_1495 : vector<16xi32>
        tpu.vector_store_idx %arg8[%add3A_1496], %gather3A_1492 : memref<16384xf32, #tpu.memory_space<vmem>>[vector<16xi32>], vector<16xf32>,
        %mul3A_1497 = arith.constant 8 : i32
        %mul3A_1498 = arith.muli %sub3A_1328, %mul3A_1497 : i32
        %add3A_1499 = arith.constant 6 : i32
        %add3A_1500 = arith.addi %mul3A_1498, %add3A_1499 : i32
        %slice3A_1501 = vector.extract_strided_slice %and3A_1346 {offsets = [6], sizes = [1], strides = [1]} : vector<16xi32> to vector<1xi32>
        %squeeze3A_1502 = vector.extract %slice3A_1501[0] : i32 from vector<1xi32>
        %broadcast_in_dim3A_1503 = vector.broadcast %squeeze3A_1502 : i32 to vector<16xi32>
        %gather3A_1504 = arith.constant 1 : i32
        %gather3A_1505 = arith.constant 6 : i32
        %gather3A_1506 = arith.constant 0 : i32
        %gather3A_1507 = arith.constant 0 : i32
        %gather3A_1508 = tpu.memref_slice %arg7[%gather3A_1504, %gather3A_1505, %gather3A_1506, %gather3A_1507] : memref<3x8x32x128xf32, #tpu.memory_space<vmem>> -> memref<1x1x32x128xf32, #tpu.memory_space<vmem>>
        %gather3A_1509 = tpu.memref_squeeze %gather3A_1508 : memref<1x1x32x128xf32, #tpu.memory_space<vmem>> -> memref<32x128xf32, #tpu.memory_space<vmem>>
        %gather3A_1510 = tpu.vector_load_idx %gather3A_1509[%iota3A, %broadcast_in_dim3A_1503] : memref<32x128xf32, #tpu.memory_space<vmem>>[vector<16xi32>, vector<16xi32>], vector<16xf32>,
        %gather3A_1511 = arith.constant 1 : i32
        %gather3A_1512 = arith.constant 6 : i32
        %gather3A_1513 = arith.constant 0 : i32
        %gather3A_1514 = arith.constant 0 : i32
        %gather3A_1515 = tpu.memref_slice %arg7[%gather3A_1511, %gather3A_1512, %gather3A_1513, %gather3A_1514] : memref<3x8x32x128xf32, #tpu.memory_space<vmem>> -> memref<1x1x32x128xf32, #tpu.memory_space<vmem>>
        %gather3A_1516 = tpu.memref_squeeze %gather3A_1515 : memref<1x1x32x128xf32, #tpu.memory_space<vmem>> -> memref<32x128xf32, #tpu.memory_space<vmem>>
        %gather3A_1517 = tpu.vector_load_idx %gather3A_1516[%add3A_5, %broadcast_in_dim3A_1503] : memref<32x128xf32, #tpu.memory_space<vmem>>[vector<16xi32>, vector<16xi32>], vector<16xf32>,
        %add3A_1518 = vector.broadcast %add3A_1500 : i32 to vector<16xi32>
        %add3A_1519 = arith.addi %mul3A_8, %add3A_1518 : vector<16xi32>
        tpu.vector_store_idx %arg8[%add3A_1519], %gather3A_1510 : memref<16384xf32, #tpu.memory_space<vmem>>[vector<16xi32>], vector<16xf32>,
        %add3A_1520 = vector.broadcast %add3A_1500 : i32 to vector<16xi32>
        %add3A_1521 = arith.addi %mul3A_11, %add3A_1520 : vector<16xi32>
        tpu.vector_store_idx %arg8[%add3A_1521], %gather3A_1517 : memref<16384xf32, #tpu.memory_space<vmem>>[vector<16xi32>], vector<16xf32>,
        %mul3A_1522 = arith.constant 8 : i32
        %mul3A_1523 = arith.muli %sub3A_1328, %mul3A_1522 : i32
        %add3A_1524 = arith.constant 7 : i32
        %add3A_1525 = arith.addi %mul3A_1523, %add3A_1524 : i32
        %slice3A_1526 = vector.extract_strided_slice %and3A_1346 {offsets = [7], sizes = [1], strides = [1]} : vector<16xi32> to vector<1xi32>
        %squeeze3A_1527 = vector.extract %slice3A_1526[0] : i32 from vector<1xi32>
        %broadcast_in_dim3A_1528 = vector.broadcast %squeeze3A_1527 : i32 to vector<16xi32>
        %gather3A_1529 = arith.constant 1 : i32
        %gather3A_1530 = arith.constant 7 : i32
        %gather3A_1531 = arith.constant 0 : i32
        %gather3A_1532 = arith.constant 0 : i32
        %gather3A_1533 = tpu.memref_slice %arg7[%gather3A_1529, %gather3A_1530, %gather3A_1531, %gather3A_1532] : memref<3x8x32x128xf32, #tpu.memory_space<vmem>> -> memref<1x1x32x128xf32, #tpu.memory_space<vmem>>
        %gather3A_1534 = tpu.memref_squeeze %gather3A_1533 : memref<1x1x32x128xf32, #tpu.memory_space<vmem>> -> memref<32x128xf32, #tpu.memory_space<vmem>>
        %gather3A_1535 = tpu.vector_load_idx %gather3A_1534[%iota3A, %broadcast_in_dim3A_1528] : memref<32x128xf32, #tpu.memory_space<vmem>>[vector<16xi32>, vector<16xi32>], vector<16xf32>,
        %gather3A_1536 = arith.constant 1 : i32
        %gather3A_1537 = arith.constant 7 : i32
        %gather3A_1538 = arith.constant 0 : i32
        %gather3A_1539 = arith.constant 0 : i32
        %gather3A_1540 = tpu.memref_slice %arg7[%gather3A_1536, %gather3A_1537, %gather3A_1538, %gather3A_1539] : memref<3x8x32x128xf32, #tpu.memory_space<vmem>> -> memref<1x1x32x128xf32, #tpu.memory_space<vmem>>
        %gather3A_1541 = tpu.memref_squeeze %gather3A_1540 : memref<1x1x32x128xf32, #tpu.memory_space<vmem>> -> memref<32x128xf32, #tpu.memory_space<vmem>>
        %gather3A_1542 = tpu.vector_load_idx %gather3A_1541[%add3A_5, %broadcast_in_dim3A_1528] : memref<32x128xf32, #tpu.memory_space<vmem>>[vector<16xi32>, vector<16xi32>], vector<16xf32>,
        %add3A_1543 = vector.broadcast %add3A_1525 : i32 to vector<16xi32>
        %add3A_1544 = arith.addi %mul3A_8, %add3A_1543 : vector<16xi32>
        tpu.vector_store_idx %arg8[%add3A_1544], %gather3A_1535 : memref<16384xf32, #tpu.memory_space<vmem>>[vector<16xi32>], vector<16xf32>,
        %add3A_1545 = vector.broadcast %add3A_1525 : i32 to vector<16xi32>
        %add3A_1546 = arith.addi %mul3A_11, %add3A_1545 : vector<16xi32>
        tpu.vector_store_idx %arg8[%add3A_1546], %gather3A_1542 : memref<16384xf32, #tpu.memory_space<vmem>>[vector<16xi32>], vector<16xf32>,
      } else {
      }
      %eq3A_1323 = arith.constant 2 : i32
      %eq3A_1324 = arith.cmpi eq, %rem3A_1312, %eq3A_1323 : i32
      %convert_element_type3A_1325 = arith.extui %eq3A_1324 : i1 to i32
      %cond3A_1326 = arith.constant 0 : i32
      %cond3A_1327 = arith.cmpi ne, %convert_element_type3A_1325, %cond3A_1326 : i32
      scf.if %cond3A_1327 {
        %sub3A = arith.constant 2 : i32
        %sub3A_1328 = arith.subi %add3A_1295, %sub3A : i32
        %dma_wait3A_1329 = arith.constant 2 : i32
        %dma_wait3A_1330 = arith.constant 0 : i32
        %dma_wait3A_1331 = arith.constant 0 : i32
        %dma_wait3A_1332 = arith.constant 0 : i32
        %dma_wait3A_1333 = tpu.memref_slice %arg7[%dma_wait3A_1329, %dma_wait3A_1330, %dma_wait3A_1331, %dma_wait3A_1332] : memref<3x8x32x128xf32, #tpu.memory_space<vmem>> -> memref<1x8x32x128xf32, #tpu.memory_space<vmem>>
        %dma_wait3A_1334 = tpu.memref_squeeze %dma_wait3A_1333 : memref<1x8x32x128xf32, #tpu.memory_space<vmem>> -> memref<8x32x128xf32, #tpu.memory_space<vmem>>
        %dma_wait3A_1335 = arith.constant 0 : i32
        %dma_wait3A_1336 = arith.constant 0 : i32
        %dma_wait3A_1337 = arith.constant 0 : i32
        %dma_wait3A_1338 = tpu.memref_slice %arg7[%dma_wait3A_1329, %dma_wait3A_1335, %dma_wait3A_1336, %dma_wait3A_1337] : memref<3x8x32x128xf32, #tpu.memory_space<vmem>> -> memref<1x8x32x128xf32, #tpu.memory_space<vmem>>
        %dma_wait3A_1339 = tpu.memref_squeeze %dma_wait3A_1338 : memref<1x8x32x128xf32, #tpu.memory_space<vmem>> -> memref<8x32x128xf32, #tpu.memory_space<vmem>>
        tpu.wait_dma2 semaphore(%arg11 : memref<!tpu.dma_semaphore, #tpu.memory_space<semaphore_mem>>) src(%arg4 : memref<8x32x128xf32, #tpu.memory_space<hbm>>) dst(%dma_wait3A_1339 : memref<8x32x128xf32, #tpu.memory_space<vmem>>)
        %mul3A_1340 = arith.constant 8 : i32
        %mul3A_1341 = arith.muli %sub3A_1328, %mul3A_1340 : i32
        %get3A_1342 = arith.index_cast %mul3A_1341 : i32 to index
        %get3A_1343 = tpu.vector_load %arg6[%get3A_1342] {strides = array<i32>} : memref<528xi32, #tpu.memory_space<vmem>>, vector<16xi32>,
        %and3A_1344 = arith.constant 127 : i32
        %and3A_1345 = vector.broadcast %and3A_1344 : i32 to vector<16xi32>
        %and3A_1346 = arith.andi %get3A_1343, %and3A_1345 : vector<16xi32>
        %mul3A_1347 = arith.constant 8 : i32
        %mul3A_1348 = arith.muli %sub3A_1328, %mul3A_1347 : i32
        %add3A_1349 = arith.constant 0 : i32
        %add3A_1350 = arith.addi %mul3A_1348, %add3A_1349 : i32
        %slice3A_1351 = vector.extract_strided_slice %and3A_1346 {offsets = [0], sizes = [1], strides = [1]} : vector<16xi32> to vector<1xi32>
        %squeeze3A_1352 = vector.extract %slice3A_1351[0] : i32 from vector<1xi32>
        %broadcast_in_dim3A_1353 = vector.broadcast %squeeze3A_1352 : i32 to vector<16xi32>
        %gather3A_1354 = arith.constant 2 : i32
        %gather3A_1355 = arith.constant 0 : i32
        %gather3A_1356 = arith.constant 0 : i32
        %gather3A_1357 = arith.constant 0 : i32
        %gather3A_1358 = tpu.memref_slice %arg7[%gather3A_1354, %gather3A_1355, %gather3A_1356, %gather3A_1357] : memref<3x8x32x128xf32, #tpu.memory_space<vmem>> -> memref<1x1x32x128xf32, #tpu.memory_space<vmem>>
        %gather3A_1359 = tpu.memref_squeeze %gather3A_1358 : memref<1x1x32x128xf32, #tpu.memory_space<vmem>> -> memref<32x128xf32, #tpu.memory_space<vmem>>
        %gather3A_1360 = tpu.vector_load_idx %gather3A_1359[%iota3A, %broadcast_in_dim3A_1353] : memref<32x128xf32, #tpu.memory_space<vmem>>[vector<16xi32>, vector<16xi32>], vector<16xf32>,
        %gather3A_1361 = arith.constant 2 : i32
        %gather3A_1362 = arith.constant 0 : i32
        %gather3A_1363 = arith.constant 0 : i32
        %gather3A_1364 = arith.constant 0 : i32
        %gather3A_1365 = tpu.memref_slice %arg7[%gather3A_1361, %gather3A_1362, %gather3A_1363, %gather3A_1364] : memref<3x8x32x128xf32, #tpu.memory_space<vmem>> -> memref<1x1x32x128xf32, #tpu.memory_space<vmem>>
        %gather3A_1366 = tpu.memref_squeeze %gather3A_1365 : memref<1x1x32x128xf32, #tpu.memory_space<vmem>> -> memref<32x128xf32, #tpu.memory_space<vmem>>
        %gather3A_1367 = tpu.vector_load_idx %gather3A_1366[%add3A_5, %broadcast_in_dim3A_1353] : memref<32x128xf32, #tpu.memory_space<vmem>>[vector<16xi32>, vector<16xi32>], vector<16xf32>,
        %add3A_1368 = vector.broadcast %add3A_1350 : i32 to vector<16xi32>
        %add3A_1369 = arith.addi %mul3A_8, %add3A_1368 : vector<16xi32>
        tpu.vector_store_idx %arg8[%add3A_1369], %gather3A_1360 : memref<16384xf32, #tpu.memory_space<vmem>>[vector<16xi32>], vector<16xf32>,
        %add3A_1370 = vector.broadcast %add3A_1350 : i32 to vector<16xi32>
        %add3A_1371 = arith.addi %mul3A_11, %add3A_1370 : vector<16xi32>
        tpu.vector_store_idx %arg8[%add3A_1371], %gather3A_1367 : memref<16384xf32, #tpu.memory_space<vmem>>[vector<16xi32>], vector<16xf32>,
        %mul3A_1372 = arith.constant 8 : i32
        %mul3A_1373 = arith.muli %sub3A_1328, %mul3A_1372 : i32
        %add3A_1374 = arith.constant 1 : i32
        %add3A_1375 = arith.addi %mul3A_1373, %add3A_1374 : i32
        %slice3A_1376 = vector.extract_strided_slice %and3A_1346 {offsets = [1], sizes = [1], strides = [1]} : vector<16xi32> to vector<1xi32>
        %squeeze3A_1377 = vector.extract %slice3A_1376[0] : i32 from vector<1xi32>
        %broadcast_in_dim3A_1378 = vector.broadcast %squeeze3A_1377 : i32 to vector<16xi32>
        %gather3A_1379 = arith.constant 2 : i32
        %gather3A_1380 = arith.constant 1 : i32
        %gather3A_1381 = arith.constant 0 : i32
        %gather3A_1382 = arith.constant 0 : i32
        %gather3A_1383 = tpu.memref_slice %arg7[%gather3A_1379, %gather3A_1380, %gather3A_1381, %gather3A_1382] : memref<3x8x32x128xf32, #tpu.memory_space<vmem>> -> memref<1x1x32x128xf32, #tpu.memory_space<vmem>>
        %gather3A_1384 = tpu.memref_squeeze %gather3A_1383 : memref<1x1x32x128xf32, #tpu.memory_space<vmem>> -> memref<32x128xf32, #tpu.memory_space<vmem>>
        %gather3A_1385 = tpu.vector_load_idx %gather3A_1384[%iota3A, %broadcast_in_dim3A_1378] : memref<32x128xf32, #tpu.memory_space<vmem>>[vector<16xi32>, vector<16xi32>], vector<16xf32>,
        %gather3A_1386 = arith.constant 2 : i32
        %gather3A_1387 = arith.constant 1 : i32
        %gather3A_1388 = arith.constant 0 : i32
        %gather3A_1389 = arith.constant 0 : i32
        %gather3A_1390 = tpu.memref_slice %arg7[%gather3A_1386, %gather3A_1387, %gather3A_1388, %gather3A_1389] : memref<3x8x32x128xf32, #tpu.memory_space<vmem>> -> memref<1x1x32x128xf32, #tpu.memory_space<vmem>>
        %gather3A_1391 = tpu.memref_squeeze %gather3A_1390 : memref<1x1x32x128xf32, #tpu.memory_space<vmem>> -> memref<32x128xf32, #tpu.memory_space<vmem>>
        %gather3A_1392 = tpu.vector_load_idx %gather3A_1391[%add3A_5, %broadcast_in_dim3A_1378] : memref<32x128xf32, #tpu.memory_space<vmem>>[vector<16xi32>, vector<16xi32>], vector<16xf32>,
        %add3A_1393 = vector.broadcast %add3A_1375 : i32 to vector<16xi32>
        %add3A_1394 = arith.addi %mul3A_8, %add3A_1393 : vector<16xi32>
        tpu.vector_store_idx %arg8[%add3A_1394], %gather3A_1385 : memref<16384xf32, #tpu.memory_space<vmem>>[vector<16xi32>], vector<16xf32>,
        %add3A_1395 = vector.broadcast %add3A_1375 : i32 to vector<16xi32>
        %add3A_1396 = arith.addi %mul3A_11, %add3A_1395 : vector<16xi32>
        tpu.vector_store_idx %arg8[%add3A_1396], %gather3A_1392 : memref<16384xf32, #tpu.memory_space<vmem>>[vector<16xi32>], vector<16xf32>,
        %mul3A_1397 = arith.constant 8 : i32
        %mul3A_1398 = arith.muli %sub3A_1328, %mul3A_1397 : i32
        %add3A_1399 = arith.constant 2 : i32
        %add3A_1400 = arith.addi %mul3A_1398, %add3A_1399 : i32
        %slice3A_1401 = vector.extract_strided_slice %and3A_1346 {offsets = [2], sizes = [1], strides = [1]} : vector<16xi32> to vector<1xi32>
        %squeeze3A_1402 = vector.extract %slice3A_1401[0] : i32 from vector<1xi32>
        %broadcast_in_dim3A_1403 = vector.broadcast %squeeze3A_1402 : i32 to vector<16xi32>
        %gather3A_1404 = arith.constant 2 : i32
        %gather3A_1405 = arith.constant 2 : i32
        %gather3A_1406 = arith.constant 0 : i32
        %gather3A_1407 = arith.constant 0 : i32
        %gather3A_1408 = tpu.memref_slice %arg7[%gather3A_1404, %gather3A_1405, %gather3A_1406, %gather3A_1407] : memref<3x8x32x128xf32, #tpu.memory_space<vmem>> -> memref<1x1x32x128xf32, #tpu.memory_space<vmem>>
        %gather3A_1409 = tpu.memref_squeeze %gather3A_1408 : memref<1x1x32x128xf32, #tpu.memory_space<vmem>> -> memref<32x128xf32, #tpu.memory_space<vmem>>
        %gather3A_1410 = tpu.vector_load_idx %gather3A_1409[%iota3A, %broadcast_in_dim3A_1403] : memref<32x128xf32, #tpu.memory_space<vmem>>[vector<16xi32>, vector<16xi32>], vector<16xf32>,
        %gather3A_1411 = arith.constant 2 : i32
        %gather3A_1412 = arith.constant 2 : i32
        %gather3A_1413 = arith.constant 0 : i32
        %gather3A_1414 = arith.constant 0 : i32
        %gather3A_1415 = tpu.memref_slice %arg7[%gather3A_1411, %gather3A_1412, %gather3A_1413, %gather3A_1414] : memref<3x8x32x128xf32, #tpu.memory_space<vmem>> -> memref<1x1x32x128xf32, #tpu.memory_space<vmem>>
        %gather3A_1416 = tpu.memref_squeeze %gather3A_1415 : memref<1x1x32x128xf32, #tpu.memory_space<vmem>> -> memref<32x128xf32, #tpu.memory_space<vmem>>
        %gather3A_1417 = tpu.vector_load_idx %gather3A_1416[%add3A_5, %broadcast_in_dim3A_1403] : memref<32x128xf32, #tpu.memory_space<vmem>>[vector<16xi32>, vector<16xi32>], vector<16xf32>,
        %add3A_1418 = vector.broadcast %add3A_1400 : i32 to vector<16xi32>
        %add3A_1419 = arith.addi %mul3A_8, %add3A_1418 : vector<16xi32>
        tpu.vector_store_idx %arg8[%add3A_1419], %gather3A_1410 : memref<16384xf32, #tpu.memory_space<vmem>>[vector<16xi32>], vector<16xf32>,
        %add3A_1420 = vector.broadcast %add3A_1400 : i32 to vector<16xi32>
        %add3A_1421 = arith.addi %mul3A_11, %add3A_1420 : vector<16xi32>
        tpu.vector_store_idx %arg8[%add3A_1421], %gather3A_1417 : memref<16384xf32, #tpu.memory_space<vmem>>[vector<16xi32>], vector<16xf32>,
        %mul3A_1422 = arith.constant 8 : i32
        %mul3A_1423 = arith.muli %sub3A_1328, %mul3A_1422 : i32
        %add3A_1424 = arith.constant 3 : i32
        %add3A_1425 = arith.addi %mul3A_1423, %add3A_1424 : i32
        %slice3A_1426 = vector.extract_strided_slice %and3A_1346 {offsets = [3], sizes = [1], strides = [1]} : vector<16xi32> to vector<1xi32>
        %squeeze3A_1427 = vector.extract %slice3A_1426[0] : i32 from vector<1xi32>
        %broadcast_in_dim3A_1428 = vector.broadcast %squeeze3A_1427 : i32 to vector<16xi32>
        %gather3A_1429 = arith.constant 2 : i32
        %gather3A_1430 = arith.constant 3 : i32
        %gather3A_1431 = arith.constant 0 : i32
        %gather3A_1432 = arith.constant 0 : i32
        %gather3A_1433 = tpu.memref_slice %arg7[%gather3A_1429, %gather3A_1430, %gather3A_1431, %gather3A_1432] : memref<3x8x32x128xf32, #tpu.memory_space<vmem>> -> memref<1x1x32x128xf32, #tpu.memory_space<vmem>>
        %gather3A_1434 = tpu.memref_squeeze %gather3A_1433 : memref<1x1x32x128xf32, #tpu.memory_space<vmem>> -> memref<32x128xf32, #tpu.memory_space<vmem>>
        %gather3A_1435 = tpu.vector_load_idx %gather3A_1434[%iota3A, %broadcast_in_dim3A_1428] : memref<32x128xf32, #tpu.memory_space<vmem>>[vector<16xi32>, vector<16xi32>], vector<16xf32>,
        %gather3A_1436 = arith.constant 2 : i32
        %gather3A_1437 = arith.constant 3 : i32
        %gather3A_1438 = arith.constant 0 : i32
        %gather3A_1439 = arith.constant 0 : i32
        %gather3A_1440 = tpu.memref_slice %arg7[%gather3A_1436, %gather3A_1437, %gather3A_1438, %gather3A_1439] : memref<3x8x32x128xf32, #tpu.memory_space<vmem>> -> memref<1x1x32x128xf32, #tpu.memory_space<vmem>>
        %gather3A_1441 = tpu.memref_squeeze %gather3A_1440 : memref<1x1x32x128xf32, #tpu.memory_space<vmem>> -> memref<32x128xf32, #tpu.memory_space<vmem>>
        %gather3A_1442 = tpu.vector_load_idx %gather3A_1441[%add3A_5, %broadcast_in_dim3A_1428] : memref<32x128xf32, #tpu.memory_space<vmem>>[vector<16xi32>, vector<16xi32>], vector<16xf32>,
        %add3A_1443 = vector.broadcast %add3A_1425 : i32 to vector<16xi32>
        %add3A_1444 = arith.addi %mul3A_8, %add3A_1443 : vector<16xi32>
        tpu.vector_store_idx %arg8[%add3A_1444], %gather3A_1435 : memref<16384xf32, #tpu.memory_space<vmem>>[vector<16xi32>], vector<16xf32>,
        %add3A_1445 = vector.broadcast %add3A_1425 : i32 to vector<16xi32>
        %add3A_1446 = arith.addi %mul3A_11, %add3A_1445 : vector<16xi32>
        tpu.vector_store_idx %arg8[%add3A_1446], %gather3A_1442 : memref<16384xf32, #tpu.memory_space<vmem>>[vector<16xi32>], vector<16xf32>,
        %mul3A_1447 = arith.constant 8 : i32
        %mul3A_1448 = arith.muli %sub3A_1328, %mul3A_1447 : i32
        %add3A_1449 = arith.constant 4 : i32
        %add3A_1450 = arith.addi %mul3A_1448, %add3A_1449 : i32
        %slice3A_1451 = vector.extract_strided_slice %and3A_1346 {offsets = [4], sizes = [1], strides = [1]} : vector<16xi32> to vector<1xi32>
        %squeeze3A_1452 = vector.extract %slice3A_1451[0] : i32 from vector<1xi32>
        %broadcast_in_dim3A_1453 = vector.broadcast %squeeze3A_1452 : i32 to vector<16xi32>
        %gather3A_1454 = arith.constant 2 : i32
        %gather3A_1455 = arith.constant 4 : i32
        %gather3A_1456 = arith.constant 0 : i32
        %gather3A_1457 = arith.constant 0 : i32
        %gather3A_1458 = tpu.memref_slice %arg7[%gather3A_1454, %gather3A_1455, %gather3A_1456, %gather3A_1457] : memref<3x8x32x128xf32, #tpu.memory_space<vmem>> -> memref<1x1x32x128xf32, #tpu.memory_space<vmem>>
        %gather3A_1459 = tpu.memref_squeeze %gather3A_1458 : memref<1x1x32x128xf32, #tpu.memory_space<vmem>> -> memref<32x128xf32, #tpu.memory_space<vmem>>
        %gather3A_1460 = tpu.vector_load_idx %gather3A_1459[%iota3A, %broadcast_in_dim3A_1453] : memref<32x128xf32, #tpu.memory_space<vmem>>[vector<16xi32>, vector<16xi32>], vector<16xf32>,
        %gather3A_1461 = arith.constant 2 : i32
        %gather3A_1462 = arith.constant 4 : i32
        %gather3A_1463 = arith.constant 0 : i32
        %gather3A_1464 = arith.constant 0 : i32
        %gather3A_1465 = tpu.memref_slice %arg7[%gather3A_1461, %gather3A_1462, %gather3A_1463, %gather3A_1464] : memref<3x8x32x128xf32, #tpu.memory_space<vmem>> -> memref<1x1x32x128xf32, #tpu.memory_space<vmem>>
        %gather3A_1466 = tpu.memref_squeeze %gather3A_1465 : memref<1x1x32x128xf32, #tpu.memory_space<vmem>> -> memref<32x128xf32, #tpu.memory_space<vmem>>
        %gather3A_1467 = tpu.vector_load_idx %gather3A_1466[%add3A_5, %broadcast_in_dim3A_1453] : memref<32x128xf32, #tpu.memory_space<vmem>>[vector<16xi32>, vector<16xi32>], vector<16xf32>,
        %add3A_1468 = vector.broadcast %add3A_1450 : i32 to vector<16xi32>
        %add3A_1469 = arith.addi %mul3A_8, %add3A_1468 : vector<16xi32>
        tpu.vector_store_idx %arg8[%add3A_1469], %gather3A_1460 : memref<16384xf32, #tpu.memory_space<vmem>>[vector<16xi32>], vector<16xf32>,
        %add3A_1470 = vector.broadcast %add3A_1450 : i32 to vector<16xi32>
        %add3A_1471 = arith.addi %mul3A_11, %add3A_1470 : vector<16xi32>
        tpu.vector_store_idx %arg8[%add3A_1471], %gather3A_1467 : memref<16384xf32, #tpu.memory_space<vmem>>[vector<16xi32>], vector<16xf32>,
        %mul3A_1472 = arith.constant 8 : i32
        %mul3A_1473 = arith.muli %sub3A_1328, %mul3A_1472 : i32
        %add3A_1474 = arith.constant 5 : i32
        %add3A_1475 = arith.addi %mul3A_1473, %add3A_1474 : i32
        %slice3A_1476 = vector.extract_strided_slice %and3A_1346 {offsets = [5], sizes = [1], strides = [1]} : vector<16xi32> to vector<1xi32>
        %squeeze3A_1477 = vector.extract %slice3A_1476[0] : i32 from vector<1xi32>
        %broadcast_in_dim3A_1478 = vector.broadcast %squeeze3A_1477 : i32 to vector<16xi32>
        %gather3A_1479 = arith.constant 2 : i32
        %gather3A_1480 = arith.constant 5 : i32
        %gather3A_1481 = arith.constant 0 : i32
        %gather3A_1482 = arith.constant 0 : i32
        %gather3A_1483 = tpu.memref_slice %arg7[%gather3A_1479, %gather3A_1480, %gather3A_1481, %gather3A_1482] : memref<3x8x32x128xf32, #tpu.memory_space<vmem>> -> memref<1x1x32x128xf32, #tpu.memory_space<vmem>>
        %gather3A_1484 = tpu.memref_squeeze %gather3A_1483 : memref<1x1x32x128xf32, #tpu.memory_space<vmem>> -> memref<32x128xf32, #tpu.memory_space<vmem>>
        %gather3A_1485 = tpu.vector_load_idx %gather3A_1484[%iota3A, %broadcast_in_dim3A_1478] : memref<32x128xf32, #tpu.memory_space<vmem>>[vector<16xi32>, vector<16xi32>], vector<16xf32>,
        %gather3A_1486 = arith.constant 2 : i32
        %gather3A_1487 = arith.constant 5 : i32
        %gather3A_1488 = arith.constant 0 : i32
        %gather3A_1489 = arith.constant 0 : i32
        %gather3A_1490 = tpu.memref_slice %arg7[%gather3A_1486, %gather3A_1487, %gather3A_1488, %gather3A_1489] : memref<3x8x32x128xf32, #tpu.memory_space<vmem>> -> memref<1x1x32x128xf32, #tpu.memory_space<vmem>>
        %gather3A_1491 = tpu.memref_squeeze %gather3A_1490 : memref<1x1x32x128xf32, #tpu.memory_space<vmem>> -> memref<32x128xf32, #tpu.memory_space<vmem>>
        %gather3A_1492 = tpu.vector_load_idx %gather3A_1491[%add3A_5, %broadcast_in_dim3A_1478] : memref<32x128xf32, #tpu.memory_space<vmem>>[vector<16xi32>, vector<16xi32>], vector<16xf32>,
        %add3A_1493 = vector.broadcast %add3A_1475 : i32 to vector<16xi32>
        %add3A_1494 = arith.addi %mul3A_8, %add3A_1493 : vector<16xi32>
        tpu.vector_store_idx %arg8[%add3A_1494], %gather3A_1485 : memref<16384xf32, #tpu.memory_space<vmem>>[vector<16xi32>], vector<16xf32>,
        %add3A_1495 = vector.broadcast %add3A_1475 : i32 to vector<16xi32>
        %add3A_1496 = arith.addi %mul3A_11, %add3A_1495 : vector<16xi32>
        tpu.vector_store_idx %arg8[%add3A_1496], %gather3A_1492 : memref<16384xf32, #tpu.memory_space<vmem>>[vector<16xi32>], vector<16xf32>,
        %mul3A_1497 = arith.constant 8 : i32
        %mul3A_1498 = arith.muli %sub3A_1328, %mul3A_1497 : i32
        %add3A_1499 = arith.constant 6 : i32
        %add3A_1500 = arith.addi %mul3A_1498, %add3A_1499 : i32
        %slice3A_1501 = vector.extract_strided_slice %and3A_1346 {offsets = [6], sizes = [1], strides = [1]} : vector<16xi32> to vector<1xi32>
        %squeeze3A_1502 = vector.extract %slice3A_1501[0] : i32 from vector<1xi32>
        %broadcast_in_dim3A_1503 = vector.broadcast %squeeze3A_1502 : i32 to vector<16xi32>
        %gather3A_1504 = arith.constant 2 : i32
        %gather3A_1505 = arith.constant 6 : i32
        %gather3A_1506 = arith.constant 0 : i32
        %gather3A_1507 = arith.constant 0 : i32
        %gather3A_1508 = tpu.memref_slice %arg7[%gather3A_1504, %gather3A_1505, %gather3A_1506, %gather3A_1507] : memref<3x8x32x128xf32, #tpu.memory_space<vmem>> -> memref<1x1x32x128xf32, #tpu.memory_space<vmem>>
        %gather3A_1509 = tpu.memref_squeeze %gather3A_1508 : memref<1x1x32x128xf32, #tpu.memory_space<vmem>> -> memref<32x128xf32, #tpu.memory_space<vmem>>
        %gather3A_1510 = tpu.vector_load_idx %gather3A_1509[%iota3A, %broadcast_in_dim3A_1503] : memref<32x128xf32, #tpu.memory_space<vmem>>[vector<16xi32>, vector<16xi32>], vector<16xf32>,
        %gather3A_1511 = arith.constant 2 : i32
        %gather3A_1512 = arith.constant 6 : i32
        %gather3A_1513 = arith.constant 0 : i32
        %gather3A_1514 = arith.constant 0 : i32
        %gather3A_1515 = tpu.memref_slice %arg7[%gather3A_1511, %gather3A_1512, %gather3A_1513, %gather3A_1514] : memref<3x8x32x128xf32, #tpu.memory_space<vmem>> -> memref<1x1x32x128xf32, #tpu.memory_space<vmem>>
        %gather3A_1516 = tpu.memref_squeeze %gather3A_1515 : memref<1x1x32x128xf32, #tpu.memory_space<vmem>> -> memref<32x128xf32, #tpu.memory_space<vmem>>
        %gather3A_1517 = tpu.vector_load_idx %gather3A_1516[%add3A_5, %broadcast_in_dim3A_1503] : memref<32x128xf32, #tpu.memory_space<vmem>>[vector<16xi32>, vector<16xi32>], vector<16xf32>,
        %add3A_1518 = vector.broadcast %add3A_1500 : i32 to vector<16xi32>
        %add3A_1519 = arith.addi %mul3A_8, %add3A_1518 : vector<16xi32>
        tpu.vector_store_idx %arg8[%add3A_1519], %gather3A_1510 : memref<16384xf32, #tpu.memory_space<vmem>>[vector<16xi32>], vector<16xf32>,
        %add3A_1520 = vector.broadcast %add3A_1500 : i32 to vector<16xi32>
        %add3A_1521 = arith.addi %mul3A_11, %add3A_1520 : vector<16xi32>
        tpu.vector_store_idx %arg8[%add3A_1521], %gather3A_1517 : memref<16384xf32, #tpu.memory_space<vmem>>[vector<16xi32>], vector<16xf32>,
        %mul3A_1522 = arith.constant 8 : i32
        %mul3A_1523 = arith.muli %sub3A_1328, %mul3A_1522 : i32
        %add3A_1524 = arith.constant 7 : i32
        %add3A_1525 = arith.addi %mul3A_1523, %add3A_1524 : i32
        %slice3A_1526 = vector.extract_strided_slice %and3A_1346 {offsets = [7], sizes = [1], strides = [1]} : vector<16xi32> to vector<1xi32>
        %squeeze3A_1527 = vector.extract %slice3A_1526[0] : i32 from vector<1xi32>
        %broadcast_in_dim3A_1528 = vector.broadcast %squeeze3A_1527 : i32 to vector<16xi32>
        %gather3A_1529 = arith.constant 2 : i32
        %gather3A_1530 = arith.constant 7 : i32
        %gather3A_1531 = arith.constant 0 : i32
        %gather3A_1532 = arith.constant 0 : i32
        %gather3A_1533 = tpu.memref_slice %arg7[%gather3A_1529, %gather3A_1530, %gather3A_1531, %gather3A_1532] : memref<3x8x32x128xf32, #tpu.memory_space<vmem>> -> memref<1x1x32x128xf32, #tpu.memory_space<vmem>>
        %gather3A_1534 = tpu.memref_squeeze %gather3A_1533 : memref<1x1x32x128xf32, #tpu.memory_space<vmem>> -> memref<32x128xf32, #tpu.memory_space<vmem>>
        %gather3A_1535 = tpu.vector_load_idx %gather3A_1534[%iota3A, %broadcast_in_dim3A_1528] : memref<32x128xf32, #tpu.memory_space<vmem>>[vector<16xi32>, vector<16xi32>], vector<16xf32>,
        %gather3A_1536 = arith.constant 2 : i32
        %gather3A_1537 = arith.constant 7 : i32
        %gather3A_1538 = arith.constant 0 : i32
        %gather3A_1539 = arith.constant 0 : i32
        %gather3A_1540 = tpu.memref_slice %arg7[%gather3A_1536, %gather3A_1537, %gather3A_1538, %gather3A_1539] : memref<3x8x32x128xf32, #tpu.memory_space<vmem>> -> memref<1x1x32x128xf32, #tpu.memory_space<vmem>>
        %gather3A_1541 = tpu.memref_squeeze %gather3A_1540 : memref<1x1x32x128xf32, #tpu.memory_space<vmem>> -> memref<32x128xf32, #tpu.memory_space<vmem>>
        %gather3A_1542 = tpu.vector_load_idx %gather3A_1541[%add3A_5, %broadcast_in_dim3A_1528] : memref<32x128xf32, #tpu.memory_space<vmem>>[vector<16xi32>, vector<16xi32>], vector<16xf32>,
        %add3A_1543 = vector.broadcast %add3A_1525 : i32 to vector<16xi32>
        %add3A_1544 = arith.addi %mul3A_8, %add3A_1543 : vector<16xi32>
        tpu.vector_store_idx %arg8[%add3A_1544], %gather3A_1535 : memref<16384xf32, #tpu.memory_space<vmem>>[vector<16xi32>], vector<16xf32>,
        %add3A_1545 = vector.broadcast %add3A_1525 : i32 to vector<16xi32>
        %add3A_1546 = arith.addi %mul3A_11, %add3A_1545 : vector<16xi32>
        tpu.vector_store_idx %arg8[%add3A_1546], %gather3A_1542 : memref<16384xf32, #tpu.memory_space<vmem>>[vector<16xi32>], vector<16xf32>,
      } else {
      }
    }
    %scan3A_317 = arith.constant 62 : i32
    %dma_wait3A = arith.constant 2 : i32
    %dma_wait3A_318 = arith.constant 0 : i32
    %dma_wait3A_319 = arith.constant 0 : i32
    %dma_wait3A_320 = arith.constant 0 : i32
    %dma_wait3A_321 = tpu.memref_slice %arg7[%dma_wait3A, %dma_wait3A_318, %dma_wait3A_319, %dma_wait3A_320] : memref<3x8x32x128xf32, #tpu.memory_space<vmem>> -> memref<1x8x32x128xf32, #tpu.memory_space<vmem>>
    %dma_wait3A_322 = tpu.memref_squeeze %dma_wait3A_321 : memref<1x8x32x128xf32, #tpu.memory_space<vmem>> -> memref<8x32x128xf32, #tpu.memory_space<vmem>>
    %dma_wait3A_323 = arith.constant 0 : i32
    %dma_wait3A_324 = arith.constant 0 : i32
    %dma_wait3A_325 = arith.constant 0 : i32
    %dma_wait3A_326 = tpu.memref_slice %arg7[%dma_wait3A, %dma_wait3A_323, %dma_wait3A_324, %dma_wait3A_325] : memref<3x8x32x128xf32, #tpu.memory_space<vmem>> -> memref<1x8x32x128xf32, #tpu.memory_space<vmem>>
    %dma_wait3A_327 = tpu.memref_squeeze %dma_wait3A_326 : memref<1x8x32x128xf32, #tpu.memory_space<vmem>> -> memref<8x32x128xf32, #tpu.memory_space<vmem>>
    tpu.wait_dma2 semaphore(%arg11 : memref<!tpu.dma_semaphore, #tpu.memory_space<semaphore_mem>>) src(%arg4 : memref<8x32x128xf32, #tpu.memory_space<hbm>>) dst(%dma_wait3A_327 : memref<8x32x128xf32, #tpu.memory_space<vmem>>)
    %get3A_328 = arith.constant 496 : index
    %get3A_329 = tpu.vector_load %arg6[%get3A_328] {strides = array<i32>} : memref<528xi32, #tpu.memory_space<vmem>>, vector<16xi32>,
    %and3A_330 = arith.constant 127 : i32
    %and3A_331 = vector.broadcast %and3A_330 : i32 to vector<16xi32>
    %and3A_332 = arith.andi %get3A_329, %and3A_331 : vector<16xi32>
    %slice3A_333 = vector.extract_strided_slice %and3A_332 {offsets = [0], sizes = [1], strides = [1]} : vector<16xi32> to vector<1xi32>
    %squeeze3A_334 = vector.extract %slice3A_333[0] : i32 from vector<1xi32>
    %broadcast_in_dim3A = vector.broadcast %squeeze3A_334 : i32 to vector<16xi32>
    %gather3A = arith.constant 2 : i32
    %gather3A_335 = arith.constant 0 : i32
    %gather3A_336 = arith.constant 0 : i32
    %gather3A_337 = arith.constant 0 : i32
    %gather3A_338 = tpu.memref_slice %arg7[%gather3A, %gather3A_335, %gather3A_336, %gather3A_337] : memref<3x8x32x128xf32, #tpu.memory_space<vmem>> -> memref<1x1x32x128xf32, #tpu.memory_space<vmem>>
    %gather3A_339 = tpu.memref_squeeze %gather3A_338 : memref<1x1x32x128xf32, #tpu.memory_space<vmem>> -> memref<32x128xf32, #tpu.memory_space<vmem>>
    %gather3A_340 = tpu.vector_load_idx %gather3A_339[%iota3A, %broadcast_in_dim3A] : memref<32x128xf32, #tpu.memory_space<vmem>>[vector<16xi32>, vector<16xi32>], vector<16xf32>,
    %gather3A_341 = arith.constant 2 : i32
    %gather3A_342 = arith.constant 0 : i32
    %gather3A_343 = arith.constant 0 : i32
    %gather3A_344 = arith.constant 0 : i32
    %gather3A_345 = tpu.memref_slice %arg7[%gather3A_341, %gather3A_342, %gather3A_343, %gather3A_344] : memref<3x8x32x128xf32, #tpu.memory_space<vmem>> -> memref<1x1x32x128xf32, #tpu.memory_space<vmem>>
    %gather3A_346 = tpu.memref_squeeze %gather3A_345 : memref<1x1x32x128xf32, #tpu.memory_space<vmem>> -> memref<32x128xf32, #tpu.memory_space<vmem>>
    %gather3A_347 = tpu.vector_load_idx %gather3A_346[%add3A_5, %broadcast_in_dim3A] : memref<32x128xf32, #tpu.memory_space<vmem>>[vector<16xi32>, vector<16xi32>], vector<16xf32>,
    %add3A_348 = arith.constant 496 : i32
    %add3A_349 = vector.broadcast %add3A_348 : i32 to vector<16xi32>
    %add3A_350 = arith.addi %mul3A_8, %add3A_349 : vector<16xi32>
    tpu.vector_store_idx %arg8[%add3A_350], %gather3A_340 : memref<16384xf32, #tpu.memory_space<vmem>>[vector<16xi32>], vector<16xf32>,
    %add3A_351 = arith.constant 496 : i32
    %add3A_352 = vector.broadcast %add3A_351 : i32 to vector<16xi32>
    %add3A_353 = arith.addi %mul3A_11, %add3A_352 : vector<16xi32>
    tpu.vector_store_idx %arg8[%add3A_353], %gather3A_347 : memref<16384xf32, #tpu.memory_space<vmem>>[vector<16xi32>], vector<16xf32>,
    %slice3A_354 = vector.extract_strided_slice %and3A_332 {offsets = [1], sizes = [1], strides = [1]} : vector<16xi32> to vector<1xi32>
    %squeeze3A_355 = vector.extract %slice3A_354[0] : i32 from vector<1xi32>
    %broadcast_in_dim3A_356 = vector.broadcast %squeeze3A_355 : i32 to vector<16xi32>
    %gather3A_357 = arith.constant 2 : i32
    %gather3A_358 = arith.constant 1 : i32
    %gather3A_359 = arith.constant 0 : i32
    %gather3A_360 = arith.constant 0 : i32
    %gather3A_361 = tpu.memref_slice %arg7[%gather3A_357, %gather3A_358, %gather3A_359, %gather3A_360] : memref<3x8x32x128xf32, #tpu.memory_space<vmem>> -> memref<1x1x32x128xf32, #tpu.memory_space<vmem>>
    %gather3A_362 = tpu.memref_squeeze %gather3A_361 : memref<1x1x32x128xf32, #tpu.memory_space<vmem>> -> memref<32x128xf32, #tpu.memory_space<vmem>>
    %gather3A_363 = tpu.vector_load_idx %gather3A_362[%iota3A, %broadcast_in_dim3A_356] : memref<32x128xf32, #tpu.memory_space<vmem>>[vector<16xi32>, vector<16xi32>], vector<16xf32>,
    %gather3A_364 = arith.constant 2 : i32
    %gather3A_365 = arith.constant 1 : i32
    %gather3A_366 = arith.constant 0 : i32
    %gather3A_367 = arith.constant 0 : i32
    %gather3A_368 = tpu.memref_slice %arg7[%gather3A_364, %gather3A_365, %gather3A_366, %gather3A_367] : memref<3x8x32x128xf32, #tpu.memory_space<vmem>> -> memref<1x1x32x128xf32, #tpu.memory_space<vmem>>
    %gather3A_369 = tpu.memref_squeeze %gather3A_368 : memref<1x1x32x128xf32, #tpu.memory_space<vmem>> -> memref<32x128xf32, #tpu.memory_space<vmem>>
    %gather3A_370 = tpu.vector_load_idx %gather3A_369[%add3A_5, %broadcast_in_dim3A_356] : memref<32x128xf32, #tpu.memory_space<vmem>>[vector<16xi32>, vector<16xi32>], vector<16xf32>,
    %add3A_371 = arith.constant 497 : i32
    %add3A_372 = vector.broadcast %add3A_371 : i32 to vector<16xi32>
    %add3A_373 = arith.addi %mul3A_8, %add3A_372 : vector<16xi32>
    tpu.vector_store_idx %arg8[%add3A_373], %gather3A_363 : memref<16384xf32, #tpu.memory_space<vmem>>[vector<16xi32>], vector<16xf32>,
    %add3A_374 = arith.constant 497 : i32
    %add3A_375 = vector.broadcast %add3A_374 : i32 to vector<16xi32>
    %add3A_376 = arith.addi %mul3A_11, %add3A_375 : vector<16xi32>
    tpu.vector_store_idx %arg8[%add3A_376], %gather3A_370 : memref<16384xf32, #tpu.memory_space<vmem>>[vector<16xi32>], vector<16xf32>,
    %slice3A_377 = vector.extract_strided_slice %and3A_332 {offsets = [2], sizes = [1], strides = [1]} : vector<16xi32> to vector<1xi32>
    %squeeze3A_378 = vector.extract %slice3A_377[0] : i32 from vector<1xi32>
    %broadcast_in_dim3A_379 = vector.broadcast %squeeze3A_378 : i32 to vector<16xi32>
    %gather3A_380 = arith.constant 2 : i32
    %gather3A_381 = arith.constant 2 : i32
    %gather3A_382 = arith.constant 0 : i32
    %gather3A_383 = arith.constant 0 : i32
    %gather3A_384 = tpu.memref_slice %arg7[%gather3A_380, %gather3A_381, %gather3A_382, %gather3A_383] : memref<3x8x32x128xf32, #tpu.memory_space<vmem>> -> memref<1x1x32x128xf32, #tpu.memory_space<vmem>>
    %gather3A_385 = tpu.memref_squeeze %gather3A_384 : memref<1x1x32x128xf32, #tpu.memory_space<vmem>> -> memref<32x128xf32, #tpu.memory_space<vmem>>
    %gather3A_386 = tpu.vector_load_idx %gather3A_385[%iota3A, %broadcast_in_dim3A_379] : memref<32x128xf32, #tpu.memory_space<vmem>>[vector<16xi32>, vector<16xi32>], vector<16xf32>,
    %gather3A_387 = arith.constant 2 : i32
    %gather3A_388 = arith.constant 2 : i32
    %gather3A_389 = arith.constant 0 : i32
    %gather3A_390 = arith.constant 0 : i32
    %gather3A_391 = tpu.memref_slice %arg7[%gather3A_387, %gather3A_388, %gather3A_389, %gather3A_390] : memref<3x8x32x128xf32, #tpu.memory_space<vmem>> -> memref<1x1x32x128xf32, #tpu.memory_space<vmem>>
    %gather3A_392 = tpu.memref_squeeze %gather3A_391 : memref<1x1x32x128xf32, #tpu.memory_space<vmem>> -> memref<32x128xf32, #tpu.memory_space<vmem>>
    %gather3A_393 = tpu.vector_load_idx %gather3A_392[%add3A_5, %broadcast_in_dim3A_379] : memref<32x128xf32, #tpu.memory_space<vmem>>[vector<16xi32>, vector<16xi32>], vector<16xf32>,
    %add3A_394 = arith.constant 498 : i32
    %add3A_395 = vector.broadcast %add3A_394 : i32 to vector<16xi32>
    %add3A_396 = arith.addi %mul3A_8, %add3A_395 : vector<16xi32>
    tpu.vector_store_idx %arg8[%add3A_396], %gather3A_386 : memref<16384xf32, #tpu.memory_space<vmem>>[vector<16xi32>], vector<16xf32>,
    %add3A_397 = arith.constant 498 : i32
    %add3A_398 = vector.broadcast %add3A_397 : i32 to vector<16xi32>
    %add3A_399 = arith.addi %mul3A_11, %add3A_398 : vector<16xi32>
    tpu.vector_store_idx %arg8[%add3A_399], %gather3A_393 : memref<16384xf32, #tpu.memory_space<vmem>>[vector<16xi32>], vector<16xf32>,
    %slice3A_400 = vector.extract_strided_slice %and3A_332 {offsets = [3], sizes = [1], strides = [1]} : vector<16xi32> to vector<1xi32>
    %squeeze3A_401 = vector.extract %slice3A_400[0] : i32 from vector<1xi32>
    %broadcast_in_dim3A_402 = vector.broadcast %squeeze3A_401 : i32 to vector<16xi32>
    %gather3A_403 = arith.constant 2 : i32
    %gather3A_404 = arith.constant 3 : i32
    %gather3A_405 = arith.constant 0 : i32
    %gather3A_406 = arith.constant 0 : i32
    %gather3A_407 = tpu.memref_slice %arg7[%gather3A_403, %gather3A_404, %gather3A_405, %gather3A_406] : memref<3x8x32x128xf32, #tpu.memory_space<vmem>> -> memref<1x1x32x128xf32, #tpu.memory_space<vmem>>
    %gather3A_408 = tpu.memref_squeeze %gather3A_407 : memref<1x1x32x128xf32, #tpu.memory_space<vmem>> -> memref<32x128xf32, #tpu.memory_space<vmem>>
    %gather3A_409 = tpu.vector_load_idx %gather3A_408[%iota3A, %broadcast_in_dim3A_402] : memref<32x128xf32, #tpu.memory_space<vmem>>[vector<16xi32>, vector<16xi32>], vector<16xf32>,
    %gather3A_410 = arith.constant 2 : i32
    %gather3A_411 = arith.constant 3 : i32
    %gather3A_412 = arith.constant 0 : i32
    %gather3A_413 = arith.constant 0 : i32
    %gather3A_414 = tpu.memref_slice %arg7[%gather3A_410, %gather3A_411, %gather3A_412, %gather3A_413] : memref<3x8x32x128xf32, #tpu.memory_space<vmem>> -> memref<1x1x32x128xf32, #tpu.memory_space<vmem>>
    %gather3A_415 = tpu.memref_squeeze %gather3A_414 : memref<1x1x32x128xf32, #tpu.memory_space<vmem>> -> memref<32x128xf32, #tpu.memory_space<vmem>>
    %gather3A_416 = tpu.vector_load_idx %gather3A_415[%add3A_5, %broadcast_in_dim3A_402] : memref<32x128xf32, #tpu.memory_space<vmem>>[vector<16xi32>, vector<16xi32>], vector<16xf32>,
    %add3A_417 = arith.constant 499 : i32
    %add3A_418 = vector.broadcast %add3A_417 : i32 to vector<16xi32>
    %add3A_419 = arith.addi %mul3A_8, %add3A_418 : vector<16xi32>
    tpu.vector_store_idx %arg8[%add3A_419], %gather3A_409 : memref<16384xf32, #tpu.memory_space<vmem>>[vector<16xi32>], vector<16xf32>,
    %add3A_420 = arith.constant 499 : i32
    %add3A_421 = vector.broadcast %add3A_420 : i32 to vector<16xi32>
    %add3A_422 = arith.addi %mul3A_11, %add3A_421 : vector<16xi32>
    tpu.vector_store_idx %arg8[%add3A_422], %gather3A_416 : memref<16384xf32, #tpu.memory_space<vmem>>[vector<16xi32>], vector<16xf32>,
    %slice3A_423 = vector.extract_strided_slice %and3A_332 {offsets = [4], sizes = [1], strides = [1]} : vector<16xi32> to vector<1xi32>
    %squeeze3A_424 = vector.extract %slice3A_423[0] : i32 from vector<1xi32>
    %broadcast_in_dim3A_425 = vector.broadcast %squeeze3A_424 : i32 to vector<16xi32>
    %gather3A_426 = arith.constant 2 : i32
    %gather3A_427 = arith.constant 4 : i32
    %gather3A_428 = arith.constant 0 : i32
    %gather3A_429 = arith.constant 0 : i32
    %gather3A_430 = tpu.memref_slice %arg7[%gather3A_426, %gather3A_427, %gather3A_428, %gather3A_429] : memref<3x8x32x128xf32, #tpu.memory_space<vmem>> -> memref<1x1x32x128xf32, #tpu.memory_space<vmem>>
    %gather3A_431 = tpu.memref_squeeze %gather3A_430 : memref<1x1x32x128xf32, #tpu.memory_space<vmem>> -> memref<32x128xf32, #tpu.memory_space<vmem>>
    %gather3A_432 = tpu.vector_load_idx %gather3A_431[%iota3A, %broadcast_in_dim3A_425] : memref<32x128xf32, #tpu.memory_space<vmem>>[vector<16xi32>, vector<16xi32>], vector<16xf32>,
    %gather3A_433 = arith.constant 2 : i32
    %gather3A_434 = arith.constant 4 : i32
    %gather3A_435 = arith.constant 0 : i32
    %gather3A_436 = arith.constant 0 : i32
    %gather3A_437 = tpu.memref_slice %arg7[%gather3A_433, %gather3A_434, %gather3A_435, %gather3A_436] : memref<3x8x32x128xf32, #tpu.memory_space<vmem>> -> memref<1x1x32x128xf32, #tpu.memory_space<vmem>>
    %gather3A_438 = tpu.memref_squeeze %gather3A_437 : memref<1x1x32x128xf32, #tpu.memory_space<vmem>> -> memref<32x128xf32, #tpu.memory_space<vmem>>
    %gather3A_439 = tpu.vector_load_idx %gather3A_438[%add3A_5, %broadcast_in_dim3A_425] : memref<32x128xf32, #tpu.memory_space<vmem>>[vector<16xi32>, vector<16xi32>], vector<16xf32>,
    %add3A_440 = arith.constant 500 : i32
    %add3A_441 = vector.broadcast %add3A_440 : i32 to vector<16xi32>
    %add3A_442 = arith.addi %mul3A_8, %add3A_441 : vector<16xi32>
    tpu.vector_store_idx %arg8[%add3A_442], %gather3A_432 : memref<16384xf32, #tpu.memory_space<vmem>>[vector<16xi32>], vector<16xf32>,
    %add3A_443 = arith.constant 500 : i32
    %add3A_444 = vector.broadcast %add3A_443 : i32 to vector<16xi32>
    %add3A_445 = arith.addi %mul3A_11, %add3A_444 : vector<16xi32>
    tpu.vector_store_idx %arg8[%add3A_445], %gather3A_439 : memref<16384xf32, #tpu.memory_space<vmem>>[vector<16xi32>], vector<16xf32>,
    %slice3A_446 = vector.extract_strided_slice %and3A_332 {offsets = [5], sizes = [1], strides = [1]} : vector<16xi32> to vector<1xi32>
    %squeeze3A_447 = vector.extract %slice3A_446[0] : i32 from vector<1xi32>
    %broadcast_in_dim3A_448 = vector.broadcast %squeeze3A_447 : i32 to vector<16xi32>
    %gather3A_449 = arith.constant 2 : i32
    %gather3A_450 = arith.constant 5 : i32
    %gather3A_451 = arith.constant 0 : i32
    %gather3A_452 = arith.constant 0 : i32
    %gather3A_453 = tpu.memref_slice %arg7[%gather3A_449, %gather3A_450, %gather3A_451, %gather3A_452] : memref<3x8x32x128xf32, #tpu.memory_space<vmem>> -> memref<1x1x32x128xf32, #tpu.memory_space<vmem>>
    %gather3A_454 = tpu.memref_squeeze %gather3A_453 : memref<1x1x32x128xf32, #tpu.memory_space<vmem>> -> memref<32x128xf32, #tpu.memory_space<vmem>>
    %gather3A_455 = tpu.vector_load_idx %gather3A_454[%iota3A, %broadcast_in_dim3A_448] : memref<32x128xf32, #tpu.memory_space<vmem>>[vector<16xi32>, vector<16xi32>], vector<16xf32>,
    %gather3A_456 = arith.constant 2 : i32
    %gather3A_457 = arith.constant 5 : i32
    %gather3A_458 = arith.constant 0 : i32
    %gather3A_459 = arith.constant 0 : i32
    %gather3A_460 = tpu.memref_slice %arg7[%gather3A_456, %gather3A_457, %gather3A_458, %gather3A_459] : memref<3x8x32x128xf32, #tpu.memory_space<vmem>> -> memref<1x1x32x128xf32, #tpu.memory_space<vmem>>
    %gather3A_461 = tpu.memref_squeeze %gather3A_460 : memref<1x1x32x128xf32, #tpu.memory_space<vmem>> -> memref<32x128xf32, #tpu.memory_space<vmem>>
    %gather3A_462 = tpu.vector_load_idx %gather3A_461[%add3A_5, %broadcast_in_dim3A_448] : memref<32x128xf32, #tpu.memory_space<vmem>>[vector<16xi32>, vector<16xi32>], vector<16xf32>,
    %add3A_463 = arith.constant 501 : i32
    %add3A_464 = vector.broadcast %add3A_463 : i32 to vector<16xi32>
    %add3A_465 = arith.addi %mul3A_8, %add3A_464 : vector<16xi32>
    tpu.vector_store_idx %arg8[%add3A_465], %gather3A_455 : memref<16384xf32, #tpu.memory_space<vmem>>[vector<16xi32>], vector<16xf32>,
    %add3A_466 = arith.constant 501 : i32
    %add3A_467 = vector.broadcast %add3A_466 : i32 to vector<16xi32>
    %add3A_468 = arith.addi %mul3A_11, %add3A_467 : vector<16xi32>
    tpu.vector_store_idx %arg8[%add3A_468], %gather3A_462 : memref<16384xf32, #tpu.memory_space<vmem>>[vector<16xi32>], vector<16xf32>,
    %slice3A_469 = vector.extract_strided_slice %and3A_332 {offsets = [6], sizes = [1], strides = [1]} : vector<16xi32> to vector<1xi32>
    %squeeze3A_470 = vector.extract %slice3A_469[0] : i32 from vector<1xi32>
    %broadcast_in_dim3A_471 = vector.broadcast %squeeze3A_470 : i32 to vector<16xi32>
    %gather3A_472 = arith.constant 2 : i32
    %gather3A_473 = arith.constant 6 : i32
    %gather3A_474 = arith.constant 0 : i32
    %gather3A_475 = arith.constant 0 : i32
    %gather3A_476 = tpu.memref_slice %arg7[%gather3A_472, %gather3A_473, %gather3A_474, %gather3A_475] : memref<3x8x32x128xf32, #tpu.memory_space<vmem>> -> memref<1x1x32x128xf32, #tpu.memory_space<vmem>>
    %gather3A_477 = tpu.memref_squeeze %gather3A_476 : memref<1x1x32x128xf32, #tpu.memory_space<vmem>> -> memref<32x128xf32, #tpu.memory_space<vmem>>
    %gather3A_478 = tpu.vector_load_idx %gather3A_477[%iota3A, %broadcast_in_dim3A_471] : memref<32x128xf32, #tpu.memory_space<vmem>>[vector<16xi32>, vector<16xi32>], vector<16xf32>,
    %gather3A_479 = arith.constant 2 : i32
    %gather3A_480 = arith.constant 6 : i32
    %gather3A_481 = arith.constant 0 : i32
    %gather3A_482 = arith.constant 0 : i32
    %gather3A_483 = tpu.memref_slice %arg7[%gather3A_479, %gather3A_480, %gather3A_481, %gather3A_482] : memref<3x8x32x128xf32, #tpu.memory_space<vmem>> -> memref<1x1x32x128xf32, #tpu.memory_space<vmem>>
    %gather3A_484 = tpu.memref_squeeze %gather3A_483 : memref<1x1x32x128xf32, #tpu.memory_space<vmem>> -> memref<32x128xf32, #tpu.memory_space<vmem>>
    %gather3A_485 = tpu.vector_load_idx %gather3A_484[%add3A_5, %broadcast_in_dim3A_471] : memref<32x128xf32, #tpu.memory_space<vmem>>[vector<16xi32>, vector<16xi32>], vector<16xf32>,
    %add3A_486 = arith.constant 502 : i32
    %add3A_487 = vector.broadcast %add3A_486 : i32 to vector<16xi32>
    %add3A_488 = arith.addi %mul3A_8, %add3A_487 : vector<16xi32>
    tpu.vector_store_idx %arg8[%add3A_488], %gather3A_478 : memref<16384xf32, #tpu.memory_space<vmem>>[vector<16xi32>], vector<16xf32>,
    %add3A_489 = arith.constant 502 : i32
    %add3A_490 = vector.broadcast %add3A_489 : i32 to vector<16xi32>
    %add3A_491 = arith.addi %mul3A_11, %add3A_490 : vector<16xi32>
    tpu.vector_store_idx %arg8[%add3A_491], %gather3A_485 : memref<16384xf32, #tpu.memory_space<vmem>>[vector<16xi32>], vector<16xf32>,
    %slice3A_492 = vector.extract_strided_slice %and3A_332 {offsets = [7], sizes = [1], strides = [1]} : vector<16xi32> to vector<1xi32>
    %squeeze3A_493 = vector.extract %slice3A_492[0] : i32 from vector<1xi32>
    %broadcast_in_dim3A_494 = vector.broadcast %squeeze3A_493 : i32 to vector<16xi32>
    %gather3A_495 = arith.constant 2 : i32
    %gather3A_496 = arith.constant 7 : i32
    %gather3A_497 = arith.constant 0 : i32
    %gather3A_498 = arith.constant 0 : i32
    %gather3A_499 = tpu.memref_slice %arg7[%gather3A_495, %gather3A_496, %gather3A_497, %gather3A_498] : memref<3x8x32x128xf32, #tpu.memory_space<vmem>> -> memref<1x1x32x128xf32, #tpu.memory_space<vmem>>
    %gather3A_500 = tpu.memref_squeeze %gather3A_499 : memref<1x1x32x128xf32, #tpu.memory_space<vmem>> -> memref<32x128xf32, #tpu.memory_space<vmem>>
    %gather3A_501 = tpu.vector_load_idx %gather3A_500[%iota3A, %broadcast_in_dim3A_494] : memref<32x128xf32, #tpu.memory_space<vmem>>[vector<16xi32>, vector<16xi32>], vector<16xf32>,
    %gather3A_502 = arith.constant 2 : i32
    %gather3A_503 = arith.constant 7 : i32
    %gather3A_504 = arith.constant 0 : i32
    %gather3A_505 = arith.constant 0 : i32
    %gather3A_506 = tpu.memref_slice %arg7[%gather3A_502, %gather3A_503, %gather3A_504, %gather3A_505] : memref<3x8x32x128xf32, #tpu.memory_space<vmem>> -> memref<1x1x32x128xf32, #tpu.memory_space<vmem>>
    %gather3A_507 = tpu.memref_squeeze %gather3A_506 : memref<1x1x32x128xf32, #tpu.memory_space<vmem>> -> memref<32x128xf32, #tpu.memory_space<vmem>>
    %gather3A_508 = tpu.vector_load_idx %gather3A_507[%add3A_5, %broadcast_in_dim3A_494] : memref<32x128xf32, #tpu.memory_space<vmem>>[vector<16xi32>, vector<16xi32>], vector<16xf32>,
    %add3A_509 = arith.constant 503 : i32
    %add3A_510 = vector.broadcast %add3A_509 : i32 to vector<16xi32>
    %add3A_511 = arith.addi %mul3A_8, %add3A_510 : vector<16xi32>
    tpu.vector_store_idx %arg8[%add3A_511], %gather3A_501 : memref<16384xf32, #tpu.memory_space<vmem>>[vector<16xi32>], vector<16xf32>,
    %add3A_512 = arith.constant 503 : i32
    %add3A_513 = vector.broadcast %add3A_512 : i32 to vector<16xi32>
    %add3A_514 = arith.addi %mul3A_11, %add3A_513 : vector<16xi32>
    tpu.vector_store_idx %arg8[%add3A_514], %gather3A_508 : memref<16384xf32, #tpu.memory_space<vmem>>[vector<16xi32>], vector<16xf32>,
    %dma_wait3A_515 = arith.constant 0 : i32
    %dma_wait3A_516 = arith.constant 0 : i32
    %dma_wait3A_517 = arith.constant 0 : i32
    %dma_wait3A_518 = arith.constant 0 : i32
    %dma_wait3A_519 = tpu.memref_slice %arg7[%dma_wait3A_515, %dma_wait3A_516, %dma_wait3A_517, %dma_wait3A_518] : memref<3x8x32x128xf32, #tpu.memory_space<vmem>> -> memref<1x8x32x128xf32, #tpu.memory_space<vmem>>
    %dma_wait3A_520 = tpu.memref_squeeze %dma_wait3A_519 : memref<1x8x32x128xf32, #tpu.memory_space<vmem>> -> memref<8x32x128xf32, #tpu.memory_space<vmem>>
    %dma_wait3A_521 = arith.constant 0 : i32
    %dma_wait3A_522 = arith.constant 0 : i32
    %dma_wait3A_523 = arith.constant 0 : i32
    %dma_wait3A_524 = tpu.memref_slice %arg7[%dma_wait3A_515, %dma_wait3A_521, %dma_wait3A_522, %dma_wait3A_523] : memref<3x8x32x128xf32, #tpu.memory_space<vmem>> -> memref<1x8x32x128xf32, #tpu.memory_space<vmem>>
    %dma_wait3A_525 = tpu.memref_squeeze %dma_wait3A_524 : memref<1x8x32x128xf32, #tpu.memory_space<vmem>> -> memref<8x32x128xf32, #tpu.memory_space<vmem>>
    tpu.wait_dma2 semaphore(%arg9 : memref<!tpu.dma_semaphore, #tpu.memory_space<semaphore_mem>>) src(%arg4 : memref<8x32x128xf32, #tpu.memory_space<hbm>>) dst(%dma_wait3A_525 : memref<8x32x128xf32, #tpu.memory_space<vmem>>)
    %get3A_526 = arith.constant 504 : index
    %get3A_527 = tpu.vector_load %arg6[%get3A_526] {strides = array<i32>} : memref<528xi32, #tpu.memory_space<vmem>>, vector<16xi32>,
    %and3A_528 = arith.constant 127 : i32
    %and3A_529 = vector.broadcast %and3A_528 : i32 to vector<16xi32>
    %and3A_530 = arith.andi %get3A_527, %and3A_529 : vector<16xi32>
    %slice3A_531 = vector.extract_strided_slice %and3A_530 {offsets = [0], sizes = [1], strides = [1]} : vector<16xi32> to vector<1xi32>
    %squeeze3A_532 = vector.extract %slice3A_531[0] : i32 from vector<1xi32>
    %broadcast_in_dim3A_533 = vector.broadcast %squeeze3A_532 : i32 to vector<16xi32>
    %gather3A_534 = arith.constant 0 : i32
    %gather3A_535 = arith.constant 0 : i32
    %gather3A_536 = arith.constant 0 : i32
    %gather3A_537 = arith.constant 0 : i32
    %gather3A_538 = tpu.memref_slice %arg7[%gather3A_534, %gather3A_535, %gather3A_536, %gather3A_537] : memref<3x8x32x128xf32, #tpu.memory_space<vmem>> -> memref<1x1x32x128xf32, #tpu.memory_space<vmem>>
    %gather3A_539 = tpu.memref_squeeze %gather3A_538 : memref<1x1x32x128xf32, #tpu.memory_space<vmem>> -> memref<32x128xf32, #tpu.memory_space<vmem>>
    %gather3A_540 = tpu.vector_load_idx %gather3A_539[%iota3A, %broadcast_in_dim3A_533] : memref<32x128xf32, #tpu.memory_space<vmem>>[vector<16xi32>, vector<16xi32>], vector<16xf32>,
    %gather3A_541 = arith.constant 0 : i32
    %gather3A_542 = arith.constant 0 : i32
    %gather3A_543 = arith.constant 0 : i32
    %gather3A_544 = arith.constant 0 : i32
    %gather3A_545 = tpu.memref_slice %arg7[%gather3A_541, %gather3A_542, %gather3A_543, %gather3A_544] : memref<3x8x32x128xf32, #tpu.memory_space<vmem>> -> memref<1x1x32x128xf32, #tpu.memory_space<vmem>>
    %gather3A_546 = tpu.memref_squeeze %gather3A_545 : memref<1x1x32x128xf32, #tpu.memory_space<vmem>> -> memref<32x128xf32, #tpu.memory_space<vmem>>
    %gather3A_547 = tpu.vector_load_idx %gather3A_546[%add3A_5, %broadcast_in_dim3A_533] : memref<32x128xf32, #tpu.memory_space<vmem>>[vector<16xi32>, vector<16xi32>], vector<16xf32>,
    %add3A_548 = arith.constant 504 : i32
    %add3A_549 = vector.broadcast %add3A_548 : i32 to vector<16xi32>
    %add3A_550 = arith.addi %mul3A_8, %add3A_549 : vector<16xi32>
    tpu.vector_store_idx %arg8[%add3A_550], %gather3A_540 : memref<16384xf32, #tpu.memory_space<vmem>>[vector<16xi32>], vector<16xf32>,
    %add3A_551 = arith.constant 504 : i32
    %add3A_552 = vector.broadcast %add3A_551 : i32 to vector<16xi32>
    %add3A_553 = arith.addi %mul3A_11, %add3A_552 : vector<16xi32>
    tpu.vector_store_idx %arg8[%add3A_553], %gather3A_547 : memref<16384xf32, #tpu.memory_space<vmem>>[vector<16xi32>], vector<16xf32>,
    %slice3A_554 = vector.extract_strided_slice %and3A_530 {offsets = [1], sizes = [1], strides = [1]} : vector<16xi32> to vector<1xi32>
    %squeeze3A_555 = vector.extract %slice3A_554[0] : i32 from vector<1xi32>
    %broadcast_in_dim3A_556 = vector.broadcast %squeeze3A_555 : i32 to vector<16xi32>
    %gather3A_557 = arith.constant 0 : i32
    %gather3A_558 = arith.constant 1 : i32
    %gather3A_559 = arith.constant 0 : i32
    %gather3A_560 = arith.constant 0 : i32
    %gather3A_561 = tpu.memref_slice %arg7[%gather3A_557, %gather3A_558, %gather3A_559, %gather3A_560] : memref<3x8x32x128xf32, #tpu.memory_space<vmem>> -> memref<1x1x32x128xf32, #tpu.memory_space<vmem>>
    %gather3A_562 = tpu.memref_squeeze %gather3A_561 : memref<1x1x32x128xf32, #tpu.memory_space<vmem>> -> memref<32x128xf32, #tpu.memory_space<vmem>>
    %gather3A_563 = tpu.vector_load_idx %gather3A_562[%iota3A, %broadcast_in_dim3A_556] : memref<32x128xf32, #tpu.memory_space<vmem>>[vector<16xi32>, vector<16xi32>], vector<16xf32>,
    %gather3A_564 = arith.constant 0 : i32
    %gather3A_565 = arith.constant 1 : i32
    %gather3A_566 = arith.constant 0 : i32
    %gather3A_567 = arith.constant 0 : i32
    %gather3A_568 = tpu.memref_slice %arg7[%gather3A_564, %gather3A_565, %gather3A_566, %gather3A_567] : memref<3x8x32x128xf32, #tpu.memory_space<vmem>> -> memref<1x1x32x128xf32, #tpu.memory_space<vmem>>
    %gather3A_569 = tpu.memref_squeeze %gather3A_568 : memref<1x1x32x128xf32, #tpu.memory_space<vmem>> -> memref<32x128xf32, #tpu.memory_space<vmem>>
    %gather3A_570 = tpu.vector_load_idx %gather3A_569[%add3A_5, %broadcast_in_dim3A_556] : memref<32x128xf32, #tpu.memory_space<vmem>>[vector<16xi32>, vector<16xi32>], vector<16xf32>,
    %add3A_571 = arith.constant 505 : i32
    %add3A_572 = vector.broadcast %add3A_571 : i32 to vector<16xi32>
    %add3A_573 = arith.addi %mul3A_8, %add3A_572 : vector<16xi32>
    tpu.vector_store_idx %arg8[%add3A_573], %gather3A_563 : memref<16384xf32, #tpu.memory_space<vmem>>[vector<16xi32>], vector<16xf32>,
    %add3A_574 = arith.constant 505 : i32
    %add3A_575 = vector.broadcast %add3A_574 : i32 to vector<16xi32>
    %add3A_576 = arith.addi %mul3A_11, %add3A_575 : vector<16xi32>
    tpu.vector_store_idx %arg8[%add3A_576], %gather3A_570 : memref<16384xf32, #tpu.memory_space<vmem>>[vector<16xi32>], vector<16xf32>,
    %slice3A_577 = vector.extract_strided_slice %and3A_530 {offsets = [2], sizes = [1], strides = [1]} : vector<16xi32> to vector<1xi32>
    %squeeze3A_578 = vector.extract %slice3A_577[0] : i32 from vector<1xi32>
    %broadcast_in_dim3A_579 = vector.broadcast %squeeze3A_578 : i32 to vector<16xi32>
    %gather3A_580 = arith.constant 0 : i32
    %gather3A_581 = arith.constant 2 : i32
    %gather3A_582 = arith.constant 0 : i32
    %gather3A_583 = arith.constant 0 : i32
    %gather3A_584 = tpu.memref_slice %arg7[%gather3A_580, %gather3A_581, %gather3A_582, %gather3A_583] : memref<3x8x32x128xf32, #tpu.memory_space<vmem>> -> memref<1x1x32x128xf32, #tpu.memory_space<vmem>>
    %gather3A_585 = tpu.memref_squeeze %gather3A_584 : memref<1x1x32x128xf32, #tpu.memory_space<vmem>> -> memref<32x128xf32, #tpu.memory_space<vmem>>
    %gather3A_586 = tpu.vector_load_idx %gather3A_585[%iota3A, %broadcast_in_dim3A_579] : memref<32x128xf32, #tpu.memory_space<vmem>>[vector<16xi32>, vector<16xi32>], vector<16xf32>,
    %gather3A_587 = arith.constant 0 : i32
    %gather3A_588 = arith.constant 2 : i32
    %gather3A_589 = arith.constant 0 : i32
    %gather3A_590 = arith.constant 0 : i32
    %gather3A_591 = tpu.memref_slice %arg7[%gather3A_587, %gather3A_588, %gather3A_589, %gather3A_590] : memref<3x8x32x128xf32, #tpu.memory_space<vmem>> -> memref<1x1x32x128xf32, #tpu.memory_space<vmem>>
    %gather3A_592 = tpu.memref_squeeze %gather3A_591 : memref<1x1x32x128xf32, #tpu.memory_space<vmem>> -> memref<32x128xf32, #tpu.memory_space<vmem>>
    %gather3A_593 = tpu.vector_load_idx %gather3A_592[%add3A_5, %broadcast_in_dim3A_579] : memref<32x128xf32, #tpu.memory_space<vmem>>[vector<16xi32>, vector<16xi32>], vector<16xf32>,
    %add3A_594 = arith.constant 506 : i32
    %add3A_595 = vector.broadcast %add3A_594 : i32 to vector<16xi32>
    %add3A_596 = arith.addi %mul3A_8, %add3A_595 : vector<16xi32>
    tpu.vector_store_idx %arg8[%add3A_596], %gather3A_586 : memref<16384xf32, #tpu.memory_space<vmem>>[vector<16xi32>], vector<16xf32>,
    %add3A_597 = arith.constant 506 : i32
    %add3A_598 = vector.broadcast %add3A_597 : i32 to vector<16xi32>
    %add3A_599 = arith.addi %mul3A_11, %add3A_598 : vector<16xi32>
    tpu.vector_store_idx %arg8[%add3A_599], %gather3A_593 : memref<16384xf32, #tpu.memory_space<vmem>>[vector<16xi32>], vector<16xf32>,
    %slice3A_600 = vector.extract_strided_slice %and3A_530 {offsets = [3], sizes = [1], strides = [1]} : vector<16xi32> to vector<1xi32>
    %squeeze3A_601 = vector.extract %slice3A_600[0] : i32 from vector<1xi32>
    %broadcast_in_dim3A_602 = vector.broadcast %squeeze3A_601 : i32 to vector<16xi32>
    %gather3A_603 = arith.constant 0 : i32
    %gather3A_604 = arith.constant 3 : i32
    %gather3A_605 = arith.constant 0 : i32
    %gather3A_606 = arith.constant 0 : i32
    %gather3A_607 = tpu.memref_slice %arg7[%gather3A_603, %gather3A_604, %gather3A_605, %gather3A_606] : memref<3x8x32x128xf32, #tpu.memory_space<vmem>> -> memref<1x1x32x128xf32, #tpu.memory_space<vmem>>
    %gather3A_608 = tpu.memref_squeeze %gather3A_607 : memref<1x1x32x128xf32, #tpu.memory_space<vmem>> -> memref<32x128xf32, #tpu.memory_space<vmem>>
    %gather3A_609 = tpu.vector_load_idx %gather3A_608[%iota3A, %broadcast_in_dim3A_602] : memref<32x128xf32, #tpu.memory_space<vmem>>[vector<16xi32>, vector<16xi32>], vector<16xf32>,
    %gather3A_610 = arith.constant 0 : i32
    %gather3A_611 = arith.constant 3 : i32
    %gather3A_612 = arith.constant 0 : i32
    %gather3A_613 = arith.constant 0 : i32
    %gather3A_614 = tpu.memref_slice %arg7[%gather3A_610, %gather3A_611, %gather3A_612, %gather3A_613] : memref<3x8x32x128xf32, #tpu.memory_space<vmem>> -> memref<1x1x32x128xf32, #tpu.memory_space<vmem>>
    %gather3A_615 = tpu.memref_squeeze %gather3A_614 : memref<1x1x32x128xf32, #tpu.memory_space<vmem>> -> memref<32x128xf32, #tpu.memory_space<vmem>>
    %gather3A_616 = tpu.vector_load_idx %gather3A_615[%add3A_5, %broadcast_in_dim3A_602] : memref<32x128xf32, #tpu.memory_space<vmem>>[vector<16xi32>, vector<16xi32>], vector<16xf32>,
    %add3A_617 = arith.constant 507 : i32
    %add3A_618 = vector.broadcast %add3A_617 : i32 to vector<16xi32>
    %add3A_619 = arith.addi %mul3A_8, %add3A_618 : vector<16xi32>
    tpu.vector_store_idx %arg8[%add3A_619], %gather3A_609 : memref<16384xf32, #tpu.memory_space<vmem>>[vector<16xi32>], vector<16xf32>,
    %add3A_620 = arith.constant 507 : i32
    %add3A_621 = vector.broadcast %add3A_620 : i32 to vector<16xi32>
    %add3A_622 = arith.addi %mul3A_11, %add3A_621 : vector<16xi32>
    tpu.vector_store_idx %arg8[%add3A_622], %gather3A_616 : memref<16384xf32, #tpu.memory_space<vmem>>[vector<16xi32>], vector<16xf32>,
    %slice3A_623 = vector.extract_strided_slice %and3A_530 {offsets = [4], sizes = [1], strides = [1]} : vector<16xi32> to vector<1xi32>
    %squeeze3A_624 = vector.extract %slice3A_623[0] : i32 from vector<1xi32>
    %broadcast_in_dim3A_625 = vector.broadcast %squeeze3A_624 : i32 to vector<16xi32>
    %gather3A_626 = arith.constant 0 : i32
    %gather3A_627 = arith.constant 4 : i32
    %gather3A_628 = arith.constant 0 : i32
    %gather3A_629 = arith.constant 0 : i32
    %gather3A_630 = tpu.memref_slice %arg7[%gather3A_626, %gather3A_627, %gather3A_628, %gather3A_629] : memref<3x8x32x128xf32, #tpu.memory_space<vmem>> -> memref<1x1x32x128xf32, #tpu.memory_space<vmem>>
    %gather3A_631 = tpu.memref_squeeze %gather3A_630 : memref<1x1x32x128xf32, #tpu.memory_space<vmem>> -> memref<32x128xf32, #tpu.memory_space<vmem>>
    %gather3A_632 = tpu.vector_load_idx %gather3A_631[%iota3A, %broadcast_in_dim3A_625] : memref<32x128xf32, #tpu.memory_space<vmem>>[vector<16xi32>, vector<16xi32>], vector<16xf32>,
    %gather3A_633 = arith.constant 0 : i32
    %gather3A_634 = arith.constant 4 : i32
    %gather3A_635 = arith.constant 0 : i32
    %gather3A_636 = arith.constant 0 : i32
    %gather3A_637 = tpu.memref_slice %arg7[%gather3A_633, %gather3A_634, %gather3A_635, %gather3A_636] : memref<3x8x32x128xf32, #tpu.memory_space<vmem>> -> memref<1x1x32x128xf32, #tpu.memory_space<vmem>>
    %gather3A_638 = tpu.memref_squeeze %gather3A_637 : memref<1x1x32x128xf32, #tpu.memory_space<vmem>> -> memref<32x128xf32, #tpu.memory_space<vmem>>
    %gather3A_639 = tpu.vector_load_idx %gather3A_638[%add3A_5, %broadcast_in_dim3A_625] : memref<32x128xf32, #tpu.memory_space<vmem>>[vector<16xi32>, vector<16xi32>], vector<16xf32>,
    %add3A_640 = arith.constant 508 : i32
    %add3A_641 = vector.broadcast %add3A_640 : i32 to vector<16xi32>
    %add3A_642 = arith.addi %mul3A_8, %add3A_641 : vector<16xi32>
    tpu.vector_store_idx %arg8[%add3A_642], %gather3A_632 : memref<16384xf32, #tpu.memory_space<vmem>>[vector<16xi32>], vector<16xf32>,
    %add3A_643 = arith.constant 508 : i32
    %add3A_644 = vector.broadcast %add3A_643 : i32 to vector<16xi32>
    %add3A_645 = arith.addi %mul3A_11, %add3A_644 : vector<16xi32>
    tpu.vector_store_idx %arg8[%add3A_645], %gather3A_639 : memref<16384xf32, #tpu.memory_space<vmem>>[vector<16xi32>], vector<16xf32>,
    %slice3A_646 = vector.extract_strided_slice %and3A_530 {offsets = [5], sizes = [1], strides = [1]} : vector<16xi32> to vector<1xi32>
    %squeeze3A_647 = vector.extract %slice3A_646[0] : i32 from vector<1xi32>
    %broadcast_in_dim3A_648 = vector.broadcast %squeeze3A_647 : i32 to vector<16xi32>
    %gather3A_649 = arith.constant 0 : i32
    %gather3A_650 = arith.constant 5 : i32
    %gather3A_651 = arith.constant 0 : i32
    %gather3A_652 = arith.constant 0 : i32
    %gather3A_653 = tpu.memref_slice %arg7[%gather3A_649, %gather3A_650, %gather3A_651, %gather3A_652] : memref<3x8x32x128xf32, #tpu.memory_space<vmem>> -> memref<1x1x32x128xf32, #tpu.memory_space<vmem>>
    %gather3A_654 = tpu.memref_squeeze %gather3A_653 : memref<1x1x32x128xf32, #tpu.memory_space<vmem>> -> memref<32x128xf32, #tpu.memory_space<vmem>>
    %gather3A_655 = tpu.vector_load_idx %gather3A_654[%iota3A, %broadcast_in_dim3A_648] : memref<32x128xf32, #tpu.memory_space<vmem>>[vector<16xi32>, vector<16xi32>], vector<16xf32>,
    %gather3A_656 = arith.constant 0 : i32
    %gather3A_657 = arith.constant 5 : i32
    %gather3A_658 = arith.constant 0 : i32
    %gather3A_659 = arith.constant 0 : i32
    %gather3A_660 = tpu.memref_slice %arg7[%gather3A_656, %gather3A_657, %gather3A_658, %gather3A_659] : memref<3x8x32x128xf32, #tpu.memory_space<vmem>> -> memref<1x1x32x128xf32, #tpu.memory_space<vmem>>
    %gather3A_661 = tpu.memref_squeeze %gather3A_660 : memref<1x1x32x128xf32, #tpu.memory_space<vmem>> -> memref<32x128xf32, #tpu.memory_space<vmem>>
    %gather3A_662 = tpu.vector_load_idx %gather3A_661[%add3A_5, %broadcast_in_dim3A_648] : memref<32x128xf32, #tpu.memory_space<vmem>>[vector<16xi32>, vector<16xi32>], vector<16xf32>,
    %add3A_663 = arith.constant 509 : i32
    %add3A_664 = vector.broadcast %add3A_663 : i32 to vector<16xi32>
    %add3A_665 = arith.addi %mul3A_8, %add3A_664 : vector<16xi32>
    tpu.vector_store_idx %arg8[%add3A_665], %gather3A_655 : memref<16384xf32, #tpu.memory_space<vmem>>[vector<16xi32>], vector<16xf32>,
    %add3A_666 = arith.constant 509 : i32
    %add3A_667 = vector.broadcast %add3A_666 : i32 to vector<16xi32>
    %add3A_668 = arith.addi %mul3A_11, %add3A_667 : vector<16xi32>
    tpu.vector_store_idx %arg8[%add3A_668], %gather3A_662 : memref<16384xf32, #tpu.memory_space<vmem>>[vector<16xi32>], vector<16xf32>,
    %slice3A_669 = vector.extract_strided_slice %and3A_530 {offsets = [6], sizes = [1], strides = [1]} : vector<16xi32> to vector<1xi32>
    %squeeze3A_670 = vector.extract %slice3A_669[0] : i32 from vector<1xi32>
    %broadcast_in_dim3A_671 = vector.broadcast %squeeze3A_670 : i32 to vector<16xi32>
    %gather3A_672 = arith.constant 0 : i32
    %gather3A_673 = arith.constant 6 : i32
    %gather3A_674 = arith.constant 0 : i32
    %gather3A_675 = arith.constant 0 : i32
    %gather3A_676 = tpu.memref_slice %arg7[%gather3A_672, %gather3A_673, %gather3A_674, %gather3A_675] : memref<3x8x32x128xf32, #tpu.memory_space<vmem>> -> memref<1x1x32x128xf32, #tpu.memory_space<vmem>>
    %gather3A_677 = tpu.memref_squeeze %gather3A_676 : memref<1x1x32x128xf32, #tpu.memory_space<vmem>> -> memref<32x128xf32, #tpu.memory_space<vmem>>
    %gather3A_678 = tpu.vector_load_idx %gather3A_677[%iota3A, %broadcast_in_dim3A_671] : memref<32x128xf32, #tpu.memory_space<vmem>>[vector<16xi32>, vector<16xi32>], vector<16xf32>,
    %gather3A_679 = arith.constant 0 : i32
    %gather3A_680 = arith.constant 6 : i32
    %gather3A_681 = arith.constant 0 : i32
    %gather3A_682 = arith.constant 0 : i32
    %gather3A_683 = tpu.memref_slice %arg7[%gather3A_679, %gather3A_680, %gather3A_681, %gather3A_682] : memref<3x8x32x128xf32, #tpu.memory_space<vmem>> -> memref<1x1x32x128xf32, #tpu.memory_space<vmem>>
    %gather3A_684 = tpu.memref_squeeze %gather3A_683 : memref<1x1x32x128xf32, #tpu.memory_space<vmem>> -> memref<32x128xf32, #tpu.memory_space<vmem>>
    %gather3A_685 = tpu.vector_load_idx %gather3A_684[%add3A_5, %broadcast_in_dim3A_671] : memref<32x128xf32, #tpu.memory_space<vmem>>[vector<16xi32>, vector<16xi32>], vector<16xf32>,
    %add3A_686 = arith.constant 510 : i32
    %add3A_687 = vector.broadcast %add3A_686 : i32 to vector<16xi32>
    %add3A_688 = arith.addi %mul3A_8, %add3A_687 : vector<16xi32>
    tpu.vector_store_idx %arg8[%add3A_688], %gather3A_678 : memref<16384xf32, #tpu.memory_space<vmem>>[vector<16xi32>], vector<16xf32>,
    %add3A_689 = arith.constant 510 : i32
    %add3A_690 = vector.broadcast %add3A_689 : i32 to vector<16xi32>
    %add3A_691 = arith.addi %mul3A_11, %add3A_690 : vector<16xi32>
    tpu.vector_store_idx %arg8[%add3A_691], %gather3A_685 : memref<16384xf32, #tpu.memory_space<vmem>>[vector<16xi32>], vector<16xf32>,
    %slice3A_692 = vector.extract_strided_slice %and3A_530 {offsets = [7], sizes = [1], strides = [1]} : vector<16xi32> to vector<1xi32>
    %squeeze3A_693 = vector.extract %slice3A_692[0] : i32 from vector<1xi32>
    %broadcast_in_dim3A_694 = vector.broadcast %squeeze3A_693 : i32 to vector<16xi32>
    %gather3A_695 = arith.constant 0 : i32
    %gather3A_696 = arith.constant 7 : i32
    %gather3A_697 = arith.constant 0 : i32
    %gather3A_698 = arith.constant 0 : i32
    %gather3A_699 = tpu.memref_slice %arg7[%gather3A_695, %gather3A_696, %gather3A_697, %gather3A_698] : memref<3x8x32x128xf32, #tpu.memory_space<vmem>> -> memref<1x1x32x128xf32, #tpu.memory_space<vmem>>
    %gather3A_700 = tpu.memref_squeeze %gather3A_699 : memref<1x1x32x128xf32, #tpu.memory_space<vmem>> -> memref<32x128xf32, #tpu.memory_space<vmem>>
    %gather3A_701 = tpu.vector_load_idx %gather3A_700[%iota3A, %broadcast_in_dim3A_694] : memref<32x128xf32, #tpu.memory_space<vmem>>[vector<16xi32>, vector<16xi32>], vector<16xf32>,
    %gather3A_702 = arith.constant 0 : i32
    %gather3A_703 = arith.constant 7 : i32
    %gather3A_704 = arith.constant 0 : i32
    %gather3A_705 = arith.constant 0 : i32
    %gather3A_706 = tpu.memref_slice %arg7[%gather3A_702, %gather3A_703, %gather3A_704, %gather3A_705] : memref<3x8x32x128xf32, #tpu.memory_space<vmem>> -> memref<1x1x32x128xf32, #tpu.memory_space<vmem>>
    %gather3A_707 = tpu.memref_squeeze %gather3A_706 : memref<1x1x32x128xf32, #tpu.memory_space<vmem>> -> memref<32x128xf32, #tpu.memory_space<vmem>>
    %gather3A_708 = tpu.vector_load_idx %gather3A_707[%add3A_5, %broadcast_in_dim3A_694] : memref<32x128xf32, #tpu.memory_space<vmem>>[vector<16xi32>, vector<16xi32>], vector<16xf32>,
    %add3A_709 = arith.constant 511 : i32
    %add3A_710 = vector.broadcast %add3A_709 : i32 to vector<16xi32>
    %add3A_711 = arith.addi %mul3A_8, %add3A_710 : vector<16xi32>
    tpu.vector_store_idx %arg8[%add3A_711], %gather3A_701 : memref<16384xf32, #tpu.memory_space<vmem>>[vector<16xi32>], vector<16xf32>,
    %add3A_712 = arith.constant 511 : i32
    %add3A_713 = vector.broadcast %add3A_712 : i32 to vector<16xi32>
    %add3A_714 = arith.addi %mul3A_11, %add3A_713 : vector<16xi32>
    tpu.vector_store_idx %arg8[%add3A_714], %gather3A_708 : memref<16384xf32, #tpu.memory_space<vmem>>[vector<16xi32>], vector<16xf32>,
    %dma_start3A_715 = arith.constant 0 : i32
    %dma_start3A_716 = arith.constant 0 : i32
    %dma_start3A_717 = tpu.memref_slice %arg8[%dma_start3A_716] : memref<16384xf32, #tpu.memory_space<vmem>> -> memref<512xf32, #tpu.memory_space<vmem>>
    %dma_start3A_718 = tpu.memref_slice %arg5[%dma_start3A_715, %mul3A_2] : memref<32x16384xf32, #tpu.memory_space<hbm>> -> memref<1x512xf32, #tpu.memory_space<hbm>>
    %dma_start3A_719 = tpu.memref_squeeze %dma_start3A_718 : memref<1x512xf32, #tpu.memory_space<hbm>> -> memref<512xf32, #tpu.memory_space<hbm>>
    %dma_start3A_720 = tpu.memref_slice %arg5[%dma_start3A_715, %mul3A_2] : memref<32x16384xf32, #tpu.memory_space<hbm>> -> memref<1x512xf32, #tpu.memory_space<hbm>>
    %dma_start3A_721 = tpu.memref_squeeze %dma_start3A_720 : memref<1x512xf32, #tpu.memory_space<hbm>> -> memref<512xf32, #tpu.memory_space<hbm>>
    %dma_start3A_722 = arith.constant 0 : i32
    %dma_start3A_723 = tpu.memref_slice %arg8[%dma_start3A_722] : memref<16384xf32, #tpu.memory_space<vmem>> -> memref<512xf32, #tpu.memory_space<vmem>>
    tpu.enqueue_dma source(%dma_start3A_723 : memref<512xf32, #tpu.memory_space<vmem>>) target(%dma_start3A_721 : memref<512xf32, #tpu.memory_space<hbm>>) target_semaphore(%arg12 : memref<!tpu.dma_semaphore, #tpu.memory_space<semaphore_mem>>)
    %dma_start3A_724 = arith.constant 1 : i32
    %dma_start3A_725 = arith.constant 512 : i32
    %dma_start3A_726 = tpu.memref_slice %arg8[%dma_start3A_725] : memref<16384xf32, #tpu.memory_space<vmem>> -> memref<512xf32, #tpu.memory_space<vmem>>
    %dma_start3A_727 = tpu.memref_slice %arg5[%dma_start3A_724, %mul3A_2] : memref<32x16384xf32, #tpu.memory_space<hbm>> -> memref<1x512xf32, #tpu.memory_space<hbm>>
    %dma_start3A_728 = tpu.memref_squeeze %dma_start3A_727 : memref<1x512xf32, #tpu.memory_space<hbm>> -> memref<512xf32, #tpu.memory_space<hbm>>
    %dma_start3A_729 = tpu.memref_slice %arg5[%dma_start3A_724, %mul3A_2] : memref<32x16384xf32, #tpu.memory_space<hbm>> -> memref<1x512xf32, #tpu.memory_space<hbm>>
    %dma_start3A_730 = tpu.memref_squeeze %dma_start3A_729 : memref<1x512xf32, #tpu.memory_space<hbm>> -> memref<512xf32, #tpu.memory_space<hbm>>
    %dma_start3A_731 = arith.constant 512 : i32
    %dma_start3A_732 = tpu.memref_slice %arg8[%dma_start3A_731] : memref<16384xf32, #tpu.memory_space<vmem>> -> memref<512xf32, #tpu.memory_space<vmem>>
    tpu.enqueue_dma source(%dma_start3A_732 : memref<512xf32, #tpu.memory_space<vmem>>) target(%dma_start3A_730 : memref<512xf32, #tpu.memory_space<hbm>>) target_semaphore(%arg12 : memref<!tpu.dma_semaphore, #tpu.memory_space<semaphore_mem>>)
    %dma_start3A_733 = arith.constant 2 : i32
    %dma_start3A_734 = arith.constant 1024 : i32
    %dma_start3A_735 = tpu.memref_slice %arg8[%dma_start3A_734] : memref<16384xf32, #tpu.memory_space<vmem>> -> memref<512xf32, #tpu.memory_space<vmem>>
    %dma_start3A_736 = tpu.memref_slice %arg5[%dma_start3A_733, %mul3A_2] : memref<32x16384xf32, #tpu.memory_space<hbm>> -> memref<1x512xf32, #tpu.memory_space<hbm>>
    %dma_start3A_737 = tpu.memref_squeeze %dma_start3A_736 : memref<1x512xf32, #tpu.memory_space<hbm>> -> memref<512xf32, #tpu.memory_space<hbm>>
    %dma_start3A_738 = tpu.memref_slice %arg5[%dma_start3A_733, %mul3A_2] : memref<32x16384xf32, #tpu.memory_space<hbm>> -> memref<1x512xf32, #tpu.memory_space<hbm>>
    %dma_start3A_739 = tpu.memref_squeeze %dma_start3A_738 : memref<1x512xf32, #tpu.memory_space<hbm>> -> memref<512xf32, #tpu.memory_space<hbm>>
    %dma_start3A_740 = arith.constant 1024 : i32
    %dma_start3A_741 = tpu.memref_slice %arg8[%dma_start3A_740] : memref<16384xf32, #tpu.memory_space<vmem>> -> memref<512xf32, #tpu.memory_space<vmem>>
    tpu.enqueue_dma source(%dma_start3A_741 : memref<512xf32, #tpu.memory_space<vmem>>) target(%dma_start3A_739 : memref<512xf32, #tpu.memory_space<hbm>>) target_semaphore(%arg12 : memref<!tpu.dma_semaphore, #tpu.memory_space<semaphore_mem>>)
    %dma_start3A_742 = arith.constant 3 : i32
    %dma_start3A_743 = arith.constant 1536 : i32
    %dma_start3A_744 = tpu.memref_slice %arg8[%dma_start3A_743] : memref<16384xf32, #tpu.memory_space<vmem>> -> memref<512xf32, #tpu.memory_space<vmem>>
    %dma_start3A_745 = tpu.memref_slice %arg5[%dma_start3A_742, %mul3A_2] : memref<32x16384xf32, #tpu.memory_space<hbm>> -> memref<1x512xf32, #tpu.memory_space<hbm>>
    %dma_start3A_746 = tpu.memref_squeeze %dma_start3A_745 : memref<1x512xf32, #tpu.memory_space<hbm>> -> memref<512xf32, #tpu.memory_space<hbm>>
    %dma_start3A_747 = tpu.memref_slice %arg5[%dma_start3A_742, %mul3A_2] : memref<32x16384xf32, #tpu.memory_space<hbm>> -> memref<1x512xf32, #tpu.memory_space<hbm>>
    %dma_start3A_748 = tpu.memref_squeeze %dma_start3A_747 : memref<1x512xf32, #tpu.memory_space<hbm>> -> memref<512xf32, #tpu.memory_space<hbm>>
    %dma_start3A_749 = arith.constant 1536 : i32
    %dma_start3A_750 = tpu.memref_slice %arg8[%dma_start3A_749] : memref<16384xf32, #tpu.memory_space<vmem>> -> memref<512xf32, #tpu.memory_space<vmem>>
    tpu.enqueue_dma source(%dma_start3A_750 : memref<512xf32, #tpu.memory_space<vmem>>) target(%dma_start3A_748 : memref<512xf32, #tpu.memory_space<hbm>>) target_semaphore(%arg12 : memref<!tpu.dma_semaphore, #tpu.memory_space<semaphore_mem>>)
    %dma_start3A_751 = arith.constant 4 : i32
    %dma_start3A_752 = arith.constant 2048 : i32
    %dma_start3A_753 = tpu.memref_slice %arg8[%dma_start3A_752] : memref<16384xf32, #tpu.memory_space<vmem>> -> memref<512xf32, #tpu.memory_space<vmem>>
    %dma_start3A_754 = tpu.memref_slice %arg5[%dma_start3A_751, %mul3A_2] : memref<32x16384xf32, #tpu.memory_space<hbm>> -> memref<1x512xf32, #tpu.memory_space<hbm>>
    %dma_start3A_755 = tpu.memref_squeeze %dma_start3A_754 : memref<1x512xf32, #tpu.memory_space<hbm>> -> memref<512xf32, #tpu.memory_space<hbm>>
    %dma_start3A_756 = tpu.memref_slice %arg5[%dma_start3A_751, %mul3A_2] : memref<32x16384xf32, #tpu.memory_space<hbm>> -> memref<1x512xf32, #tpu.memory_space<hbm>>
    %dma_start3A_757 = tpu.memref_squeeze %dma_start3A_756 : memref<1x512xf32, #tpu.memory_space<hbm>> -> memref<512xf32, #tpu.memory_space<hbm>>
    %dma_start3A_758 = arith.constant 2048 : i32
    %dma_start3A_759 = tpu.memref_slice %arg8[%dma_start3A_758] : memref<16384xf32, #tpu.memory_space<vmem>> -> memref<512xf32, #tpu.memory_space<vmem>>
    tpu.enqueue_dma source(%dma_start3A_759 : memref<512xf32, #tpu.memory_space<vmem>>) target(%dma_start3A_757 : memref<512xf32, #tpu.memory_space<hbm>>) target_semaphore(%arg12 : memref<!tpu.dma_semaphore, #tpu.memory_space<semaphore_mem>>)
    %dma_start3A_760 = arith.constant 5 : i32
    %dma_start3A_761 = arith.constant 2560 : i32
    %dma_start3A_762 = tpu.memref_slice %arg8[%dma_start3A_761] : memref<16384xf32, #tpu.memory_space<vmem>> -> memref<512xf32, #tpu.memory_space<vmem>>
    %dma_start3A_763 = tpu.memref_slice %arg5[%dma_start3A_760, %mul3A_2] : memref<32x16384xf32, #tpu.memory_space<hbm>> -> memref<1x512xf32, #tpu.memory_space<hbm>>
    %dma_start3A_764 = tpu.memref_squeeze %dma_start3A_763 : memref<1x512xf32, #tpu.memory_space<hbm>> -> memref<512xf32, #tpu.memory_space<hbm>>
    %dma_start3A_765 = tpu.memref_slice %arg5[%dma_start3A_760, %mul3A_2] : memref<32x16384xf32, #tpu.memory_space<hbm>> -> memref<1x512xf32, #tpu.memory_space<hbm>>
    %dma_start3A_766 = tpu.memref_squeeze %dma_start3A_765 : memref<1x512xf32, #tpu.memory_space<hbm>> -> memref<512xf32, #tpu.memory_space<hbm>>
    %dma_start3A_767 = arith.constant 2560 : i32
    %dma_start3A_768 = tpu.memref_slice %arg8[%dma_start3A_767] : memref<16384xf32, #tpu.memory_space<vmem>> -> memref<512xf32, #tpu.memory_space<vmem>>
    tpu.enqueue_dma source(%dma_start3A_768 : memref<512xf32, #tpu.memory_space<vmem>>) target(%dma_start3A_766 : memref<512xf32, #tpu.memory_space<hbm>>) target_semaphore(%arg12 : memref<!tpu.dma_semaphore, #tpu.memory_space<semaphore_mem>>)
    %dma_start3A_769 = arith.constant 6 : i32
    %dma_start3A_770 = arith.constant 3072 : i32
    %dma_start3A_771 = tpu.memref_slice %arg8[%dma_start3A_770] : memref<16384xf32, #tpu.memory_space<vmem>> -> memref<512xf32, #tpu.memory_space<vmem>>
    %dma_start3A_772 = tpu.memref_slice %arg5[%dma_start3A_769, %mul3A_2] : memref<32x16384xf32, #tpu.memory_space<hbm>> -> memref<1x512xf32, #tpu.memory_space<hbm>>
    %dma_start3A_773 = tpu.memref_squeeze %dma_start3A_772 : memref<1x512xf32, #tpu.memory_space<hbm>> -> memref<512xf32, #tpu.memory_space<hbm>>
    %dma_start3A_774 = tpu.memref_slice %arg5[%dma_start3A_769, %mul3A_2] : memref<32x16384xf32, #tpu.memory_space<hbm>> -> memref<1x512xf32, #tpu.memory_space<hbm>>
    %dma_start3A_775 = tpu.memref_squeeze %dma_start3A_774 : memref<1x512xf32, #tpu.memory_space<hbm>> -> memref<512xf32, #tpu.memory_space<hbm>>
    %dma_start3A_776 = arith.constant 3072 : i32
    %dma_start3A_777 = tpu.memref_slice %arg8[%dma_start3A_776] : memref<16384xf32, #tpu.memory_space<vmem>> -> memref<512xf32, #tpu.memory_space<vmem>>
    tpu.enqueue_dma source(%dma_start3A_777 : memref<512xf32, #tpu.memory_space<vmem>>) target(%dma_start3A_775 : memref<512xf32, #tpu.memory_space<hbm>>) target_semaphore(%arg12 : memref<!tpu.dma_semaphore, #tpu.memory_space<semaphore_mem>>)
    %dma_start3A_778 = arith.constant 7 : i32
    %dma_start3A_779 = arith.constant 3584 : i32
    %dma_start3A_780 = tpu.memref_slice %arg8[%dma_start3A_779] : memref<16384xf32, #tpu.memory_space<vmem>> -> memref<512xf32, #tpu.memory_space<vmem>>
    %dma_start3A_781 = tpu.memref_slice %arg5[%dma_start3A_778, %mul3A_2] : memref<32x16384xf32, #tpu.memory_space<hbm>> -> memref<1x512xf32, #tpu.memory_space<hbm>>
    %dma_start3A_782 = tpu.memref_squeeze %dma_start3A_781 : memref<1x512xf32, #tpu.memory_space<hbm>> -> memref<512xf32, #tpu.memory_space<hbm>>
    %dma_start3A_783 = tpu.memref_slice %arg5[%dma_start3A_778, %mul3A_2] : memref<32x16384xf32, #tpu.memory_space<hbm>> -> memref<1x512xf32, #tpu.memory_space<hbm>>
    %dma_start3A_784 = tpu.memref_squeeze %dma_start3A_783 : memref<1x512xf32, #tpu.memory_space<hbm>> -> memref<512xf32, #tpu.memory_space<hbm>>
    %dma_start3A_785 = arith.constant 3584 : i32
    %dma_start3A_786 = tpu.memref_slice %arg8[%dma_start3A_785] : memref<16384xf32, #tpu.memory_space<vmem>> -> memref<512xf32, #tpu.memory_space<vmem>>
    tpu.enqueue_dma source(%dma_start3A_786 : memref<512xf32, #tpu.memory_space<vmem>>) target(%dma_start3A_784 : memref<512xf32, #tpu.memory_space<hbm>>) target_semaphore(%arg12 : memref<!tpu.dma_semaphore, #tpu.memory_space<semaphore_mem>>)
    %dma_start3A_787 = arith.constant 8 : i32
    %dma_start3A_788 = arith.constant 4096 : i32
    %dma_start3A_789 = tpu.memref_slice %arg8[%dma_start3A_788] : memref<16384xf32, #tpu.memory_space<vmem>> -> memref<512xf32, #tpu.memory_space<vmem>>
    %dma_start3A_790 = tpu.memref_slice %arg5[%dma_start3A_787, %mul3A_2] : memref<32x16384xf32, #tpu.memory_space<hbm>> -> memref<1x512xf32, #tpu.memory_space<hbm>>
    %dma_start3A_791 = tpu.memref_squeeze %dma_start3A_790 : memref<1x512xf32, #tpu.memory_space<hbm>> -> memref<512xf32, #tpu.memory_space<hbm>>
    %dma_start3A_792 = tpu.memref_slice %arg5[%dma_start3A_787, %mul3A_2] : memref<32x16384xf32, #tpu.memory_space<hbm>> -> memref<1x512xf32, #tpu.memory_space<hbm>>
    %dma_start3A_793 = tpu.memref_squeeze %dma_start3A_792 : memref<1x512xf32, #tpu.memory_space<hbm>> -> memref<512xf32, #tpu.memory_space<hbm>>
    %dma_start3A_794 = arith.constant 4096 : i32
    %dma_start3A_795 = tpu.memref_slice %arg8[%dma_start3A_794] : memref<16384xf32, #tpu.memory_space<vmem>> -> memref<512xf32, #tpu.memory_space<vmem>>
    tpu.enqueue_dma source(%dma_start3A_795 : memref<512xf32, #tpu.memory_space<vmem>>) target(%dma_start3A_793 : memref<512xf32, #tpu.memory_space<hbm>>) target_semaphore(%arg12 : memref<!tpu.dma_semaphore, #tpu.memory_space<semaphore_mem>>)
    %dma_start3A_796 = arith.constant 9 : i32
    %dma_start3A_797 = arith.constant 4608 : i32
    %dma_start3A_798 = tpu.memref_slice %arg8[%dma_start3A_797] : memref<16384xf32, #tpu.memory_space<vmem>> -> memref<512xf32, #tpu.memory_space<vmem>>
    %dma_start3A_799 = tpu.memref_slice %arg5[%dma_start3A_796, %mul3A_2] : memref<32x16384xf32, #tpu.memory_space<hbm>> -> memref<1x512xf32, #tpu.memory_space<hbm>>
    %dma_start3A_800 = tpu.memref_squeeze %dma_start3A_799 : memref<1x512xf32, #tpu.memory_space<hbm>> -> memref<512xf32, #tpu.memory_space<hbm>>
    %dma_start3A_801 = tpu.memref_slice %arg5[%dma_start3A_796, %mul3A_2] : memref<32x16384xf32, #tpu.memory_space<hbm>> -> memref<1x512xf32, #tpu.memory_space<hbm>>
    %dma_start3A_802 = tpu.memref_squeeze %dma_start3A_801 : memref<1x512xf32, #tpu.memory_space<hbm>> -> memref<512xf32, #tpu.memory_space<hbm>>
    %dma_start3A_803 = arith.constant 4608 : i32
    %dma_start3A_804 = tpu.memref_slice %arg8[%dma_start3A_803] : memref<16384xf32, #tpu.memory_space<vmem>> -> memref<512xf32, #tpu.memory_space<vmem>>
    tpu.enqueue_dma source(%dma_start3A_804 : memref<512xf32, #tpu.memory_space<vmem>>) target(%dma_start3A_802 : memref<512xf32, #tpu.memory_space<hbm>>) target_semaphore(%arg12 : memref<!tpu.dma_semaphore, #tpu.memory_space<semaphore_mem>>)
    %dma_start3A_805 = arith.constant 10 : i32
    %dma_start3A_806 = arith.constant 5120 : i32
    %dma_start3A_807 = tpu.memref_slice %arg8[%dma_start3A_806] : memref<16384xf32, #tpu.memory_space<vmem>> -> memref<512xf32, #tpu.memory_space<vmem>>
    %dma_start3A_808 = tpu.memref_slice %arg5[%dma_start3A_805, %mul3A_2] : memref<32x16384xf32, #tpu.memory_space<hbm>> -> memref<1x512xf32, #tpu.memory_space<hbm>>
    %dma_start3A_809 = tpu.memref_squeeze %dma_start3A_808 : memref<1x512xf32, #tpu.memory_space<hbm>> -> memref<512xf32, #tpu.memory_space<hbm>>
    %dma_start3A_810 = tpu.memref_slice %arg5[%dma_start3A_805, %mul3A_2] : memref<32x16384xf32, #tpu.memory_space<hbm>> -> memref<1x512xf32, #tpu.memory_space<hbm>>
    %dma_start3A_811 = tpu.memref_squeeze %dma_start3A_810 : memref<1x512xf32, #tpu.memory_space<hbm>> -> memref<512xf32, #tpu.memory_space<hbm>>
    %dma_start3A_812 = arith.constant 5120 : i32
    %dma_start3A_813 = tpu.memref_slice %arg8[%dma_start3A_812] : memref<16384xf32, #tpu.memory_space<vmem>> -> memref<512xf32, #tpu.memory_space<vmem>>
    tpu.enqueue_dma source(%dma_start3A_813 : memref<512xf32, #tpu.memory_space<vmem>>) target(%dma_start3A_811 : memref<512xf32, #tpu.memory_space<hbm>>) target_semaphore(%arg12 : memref<!tpu.dma_semaphore, #tpu.memory_space<semaphore_mem>>)
    %dma_start3A_814 = arith.constant 11 : i32
    %dma_start3A_815 = arith.constant 5632 : i32
    %dma_start3A_816 = tpu.memref_slice %arg8[%dma_start3A_815] : memref<16384xf32, #tpu.memory_space<vmem>> -> memref<512xf32, #tpu.memory_space<vmem>>
    %dma_start3A_817 = tpu.memref_slice %arg5[%dma_start3A_814, %mul3A_2] : memref<32x16384xf32, #tpu.memory_space<hbm>> -> memref<1x512xf32, #tpu.memory_space<hbm>>
    %dma_start3A_818 = tpu.memref_squeeze %dma_start3A_817 : memref<1x512xf32, #tpu.memory_space<hbm>> -> memref<512xf32, #tpu.memory_space<hbm>>
    %dma_start3A_819 = tpu.memref_slice %arg5[%dma_start3A_814, %mul3A_2] : memref<32x16384xf32, #tpu.memory_space<hbm>> -> memref<1x512xf32, #tpu.memory_space<hbm>>
    %dma_start3A_820 = tpu.memref_squeeze %dma_start3A_819 : memref<1x512xf32, #tpu.memory_space<hbm>> -> memref<512xf32, #tpu.memory_space<hbm>>
    %dma_start3A_821 = arith.constant 5632 : i32
    %dma_start3A_822 = tpu.memref_slice %arg8[%dma_start3A_821] : memref<16384xf32, #tpu.memory_space<vmem>> -> memref<512xf32, #tpu.memory_space<vmem>>
    tpu.enqueue_dma source(%dma_start3A_822 : memref<512xf32, #tpu.memory_space<vmem>>) target(%dma_start3A_820 : memref<512xf32, #tpu.memory_space<hbm>>) target_semaphore(%arg12 : memref<!tpu.dma_semaphore, #tpu.memory_space<semaphore_mem>>)
    %dma_start3A_823 = arith.constant 12 : i32
    %dma_start3A_824 = arith.constant 6144 : i32
    %dma_start3A_825 = tpu.memref_slice %arg8[%dma_start3A_824] : memref<16384xf32, #tpu.memory_space<vmem>> -> memref<512xf32, #tpu.memory_space<vmem>>
    %dma_start3A_826 = tpu.memref_slice %arg5[%dma_start3A_823, %mul3A_2] : memref<32x16384xf32, #tpu.memory_space<hbm>> -> memref<1x512xf32, #tpu.memory_space<hbm>>
    %dma_start3A_827 = tpu.memref_squeeze %dma_start3A_826 : memref<1x512xf32, #tpu.memory_space<hbm>> -> memref<512xf32, #tpu.memory_space<hbm>>
    %dma_start3A_828 = tpu.memref_slice %arg5[%dma_start3A_823, %mul3A_2] : memref<32x16384xf32, #tpu.memory_space<hbm>> -> memref<1x512xf32, #tpu.memory_space<hbm>>
    %dma_start3A_829 = tpu.memref_squeeze %dma_start3A_828 : memref<1x512xf32, #tpu.memory_space<hbm>> -> memref<512xf32, #tpu.memory_space<hbm>>
    %dma_start3A_830 = arith.constant 6144 : i32
    %dma_start3A_831 = tpu.memref_slice %arg8[%dma_start3A_830] : memref<16384xf32, #tpu.memory_space<vmem>> -> memref<512xf32, #tpu.memory_space<vmem>>
    tpu.enqueue_dma source(%dma_start3A_831 : memref<512xf32, #tpu.memory_space<vmem>>) target(%dma_start3A_829 : memref<512xf32, #tpu.memory_space<hbm>>) target_semaphore(%arg12 : memref<!tpu.dma_semaphore, #tpu.memory_space<semaphore_mem>>)
    %dma_start3A_832 = arith.constant 13 : i32
    %dma_start3A_833 = arith.constant 6656 : i32
    %dma_start3A_834 = tpu.memref_slice %arg8[%dma_start3A_833] : memref<16384xf32, #tpu.memory_space<vmem>> -> memref<512xf32, #tpu.memory_space<vmem>>
    %dma_start3A_835 = tpu.memref_slice %arg5[%dma_start3A_832, %mul3A_2] : memref<32x16384xf32, #tpu.memory_space<hbm>> -> memref<1x512xf32, #tpu.memory_space<hbm>>
    %dma_start3A_836 = tpu.memref_squeeze %dma_start3A_835 : memref<1x512xf32, #tpu.memory_space<hbm>> -> memref<512xf32, #tpu.memory_space<hbm>>
    %dma_start3A_837 = tpu.memref_slice %arg5[%dma_start3A_832, %mul3A_2] : memref<32x16384xf32, #tpu.memory_space<hbm>> -> memref<1x512xf32, #tpu.memory_space<hbm>>
    %dma_start3A_838 = tpu.memref_squeeze %dma_start3A_837 : memref<1x512xf32, #tpu.memory_space<hbm>> -> memref<512xf32, #tpu.memory_space<hbm>>
    %dma_start3A_839 = arith.constant 6656 : i32
    %dma_start3A_840 = tpu.memref_slice %arg8[%dma_start3A_839] : memref<16384xf32, #tpu.memory_space<vmem>> -> memref<512xf32, #tpu.memory_space<vmem>>
    tpu.enqueue_dma source(%dma_start3A_840 : memref<512xf32, #tpu.memory_space<vmem>>) target(%dma_start3A_838 : memref<512xf32, #tpu.memory_space<hbm>>) target_semaphore(%arg12 : memref<!tpu.dma_semaphore, #tpu.memory_space<semaphore_mem>>)
    %dma_start3A_841 = arith.constant 14 : i32
    %dma_start3A_842 = arith.constant 7168 : i32
    %dma_start3A_843 = tpu.memref_slice %arg8[%dma_start3A_842] : memref<16384xf32, #tpu.memory_space<vmem>> -> memref<512xf32, #tpu.memory_space<vmem>>
    %dma_start3A_844 = tpu.memref_slice %arg5[%dma_start3A_841, %mul3A_2] : memref<32x16384xf32, #tpu.memory_space<hbm>> -> memref<1x512xf32, #tpu.memory_space<hbm>>
    %dma_start3A_845 = tpu.memref_squeeze %dma_start3A_844 : memref<1x512xf32, #tpu.memory_space<hbm>> -> memref<512xf32, #tpu.memory_space<hbm>>
    %dma_start3A_846 = tpu.memref_slice %arg5[%dma_start3A_841, %mul3A_2] : memref<32x16384xf32, #tpu.memory_space<hbm>> -> memref<1x512xf32, #tpu.memory_space<hbm>>
    %dma_start3A_847 = tpu.memref_squeeze %dma_start3A_846 : memref<1x512xf32, #tpu.memory_space<hbm>> -> memref<512xf32, #tpu.memory_space<hbm>>
    %dma_start3A_848 = arith.constant 7168 : i32
    %dma_start3A_849 = tpu.memref_slice %arg8[%dma_start3A_848] : memref<16384xf32, #tpu.memory_space<vmem>> -> memref<512xf32, #tpu.memory_space<vmem>>
    tpu.enqueue_dma source(%dma_start3A_849 : memref<512xf32, #tpu.memory_space<vmem>>) target(%dma_start3A_847 : memref<512xf32, #tpu.memory_space<hbm>>) target_semaphore(%arg12 : memref<!tpu.dma_semaphore, #tpu.memory_space<semaphore_mem>>)
    %dma_start3A_850 = arith.constant 15 : i32
    %dma_start3A_851 = arith.constant 7680 : i32
    %dma_start3A_852 = tpu.memref_slice %arg8[%dma_start3A_851] : memref<16384xf32, #tpu.memory_space<vmem>> -> memref<512xf32, #tpu.memory_space<vmem>>
    %dma_start3A_853 = tpu.memref_slice %arg5[%dma_start3A_850, %mul3A_2] : memref<32x16384xf32, #tpu.memory_space<hbm>> -> memref<1x512xf32, #tpu.memory_space<hbm>>
    %dma_start3A_854 = tpu.memref_squeeze %dma_start3A_853 : memref<1x512xf32, #tpu.memory_space<hbm>> -> memref<512xf32, #tpu.memory_space<hbm>>
    %dma_start3A_855 = tpu.memref_slice %arg5[%dma_start3A_850, %mul3A_2] : memref<32x16384xf32, #tpu.memory_space<hbm>> -> memref<1x512xf32, #tpu.memory_space<hbm>>
    %dma_start3A_856 = tpu.memref_squeeze %dma_start3A_855 : memref<1x512xf32, #tpu.memory_space<hbm>> -> memref<512xf32, #tpu.memory_space<hbm>>
    %dma_start3A_857 = arith.constant 7680 : i32
    %dma_start3A_858 = tpu.memref_slice %arg8[%dma_start3A_857] : memref<16384xf32, #tpu.memory_space<vmem>> -> memref<512xf32, #tpu.memory_space<vmem>>
    tpu.enqueue_dma source(%dma_start3A_858 : memref<512xf32, #tpu.memory_space<vmem>>) target(%dma_start3A_856 : memref<512xf32, #tpu.memory_space<hbm>>) target_semaphore(%arg12 : memref<!tpu.dma_semaphore, #tpu.memory_space<semaphore_mem>>)
    %dma_start3A_859 = arith.constant 16 : i32
    %dma_start3A_860 = arith.constant 8192 : i32
    %dma_start3A_861 = tpu.memref_slice %arg8[%dma_start3A_860] : memref<16384xf32, #tpu.memory_space<vmem>> -> memref<512xf32, #tpu.memory_space<vmem>>
    %dma_start3A_862 = tpu.memref_slice %arg5[%dma_start3A_859, %mul3A_2] : memref<32x16384xf32, #tpu.memory_space<hbm>> -> memref<1x512xf32, #tpu.memory_space<hbm>>
    %dma_start3A_863 = tpu.memref_squeeze %dma_start3A_862 : memref<1x512xf32, #tpu.memory_space<hbm>> -> memref<512xf32, #tpu.memory_space<hbm>>
    %dma_start3A_864 = tpu.memref_slice %arg5[%dma_start3A_859, %mul3A_2] : memref<32x16384xf32, #tpu.memory_space<hbm>> -> memref<1x512xf32, #tpu.memory_space<hbm>>
    %dma_start3A_865 = tpu.memref_squeeze %dma_start3A_864 : memref<1x512xf32, #tpu.memory_space<hbm>> -> memref<512xf32, #tpu.memory_space<hbm>>
    %dma_start3A_866 = arith.constant 8192 : i32
    %dma_start3A_867 = tpu.memref_slice %arg8[%dma_start3A_866] : memref<16384xf32, #tpu.memory_space<vmem>> -> memref<512xf32, #tpu.memory_space<vmem>>
    tpu.enqueue_dma source(%dma_start3A_867 : memref<512xf32, #tpu.memory_space<vmem>>) target(%dma_start3A_865 : memref<512xf32, #tpu.memory_space<hbm>>) target_semaphore(%arg12 : memref<!tpu.dma_semaphore, #tpu.memory_space<semaphore_mem>>)
    %dma_start3A_868 = arith.constant 17 : i32
    %dma_start3A_869 = arith.constant 8704 : i32
    %dma_start3A_870 = tpu.memref_slice %arg8[%dma_start3A_869] : memref<16384xf32, #tpu.memory_space<vmem>> -> memref<512xf32, #tpu.memory_space<vmem>>
    %dma_start3A_871 = tpu.memref_slice %arg5[%dma_start3A_868, %mul3A_2] : memref<32x16384xf32, #tpu.memory_space<hbm>> -> memref<1x512xf32, #tpu.memory_space<hbm>>
    %dma_start3A_872 = tpu.memref_squeeze %dma_start3A_871 : memref<1x512xf32, #tpu.memory_space<hbm>> -> memref<512xf32, #tpu.memory_space<hbm>>
    %dma_start3A_873 = tpu.memref_slice %arg5[%dma_start3A_868, %mul3A_2] : memref<32x16384xf32, #tpu.memory_space<hbm>> -> memref<1x512xf32, #tpu.memory_space<hbm>>
    %dma_start3A_874 = tpu.memref_squeeze %dma_start3A_873 : memref<1x512xf32, #tpu.memory_space<hbm>> -> memref<512xf32, #tpu.memory_space<hbm>>
    %dma_start3A_875 = arith.constant 8704 : i32
    %dma_start3A_876 = tpu.memref_slice %arg8[%dma_start3A_875] : memref<16384xf32, #tpu.memory_space<vmem>> -> memref<512xf32, #tpu.memory_space<vmem>>
    tpu.enqueue_dma source(%dma_start3A_876 : memref<512xf32, #tpu.memory_space<vmem>>) target(%dma_start3A_874 : memref<512xf32, #tpu.memory_space<hbm>>) target_semaphore(%arg12 : memref<!tpu.dma_semaphore, #tpu.memory_space<semaphore_mem>>)
    %dma_start3A_877 = arith.constant 18 : i32
    %dma_start3A_878 = arith.constant 9216 : i32
    %dma_start3A_879 = tpu.memref_slice %arg8[%dma_start3A_878] : memref<16384xf32, #tpu.memory_space<vmem>> -> memref<512xf32, #tpu.memory_space<vmem>>
    %dma_start3A_880 = tpu.memref_slice %arg5[%dma_start3A_877, %mul3A_2] : memref<32x16384xf32, #tpu.memory_space<hbm>> -> memref<1x512xf32, #tpu.memory_space<hbm>>
    %dma_start3A_881 = tpu.memref_squeeze %dma_start3A_880 : memref<1x512xf32, #tpu.memory_space<hbm>> -> memref<512xf32, #tpu.memory_space<hbm>>
    %dma_start3A_882 = tpu.memref_slice %arg5[%dma_start3A_877, %mul3A_2] : memref<32x16384xf32, #tpu.memory_space<hbm>> -> memref<1x512xf32, #tpu.memory_space<hbm>>
    %dma_start3A_883 = tpu.memref_squeeze %dma_start3A_882 : memref<1x512xf32, #tpu.memory_space<hbm>> -> memref<512xf32, #tpu.memory_space<hbm>>
    %dma_start3A_884 = arith.constant 9216 : i32
    %dma_start3A_885 = tpu.memref_slice %arg8[%dma_start3A_884] : memref<16384xf32, #tpu.memory_space<vmem>> -> memref<512xf32, #tpu.memory_space<vmem>>
    tpu.enqueue_dma source(%dma_start3A_885 : memref<512xf32, #tpu.memory_space<vmem>>) target(%dma_start3A_883 : memref<512xf32, #tpu.memory_space<hbm>>) target_semaphore(%arg12 : memref<!tpu.dma_semaphore, #tpu.memory_space<semaphore_mem>>)
    %dma_start3A_886 = arith.constant 19 : i32
    %dma_start3A_887 = arith.constant 9728 : i32
    %dma_start3A_888 = tpu.memref_slice %arg8[%dma_start3A_887] : memref<16384xf32, #tpu.memory_space<vmem>> -> memref<512xf32, #tpu.memory_space<vmem>>
    %dma_start3A_889 = tpu.memref_slice %arg5[%dma_start3A_886, %mul3A_2] : memref<32x16384xf32, #tpu.memory_space<hbm>> -> memref<1x512xf32, #tpu.memory_space<hbm>>
    %dma_start3A_890 = tpu.memref_squeeze %dma_start3A_889 : memref<1x512xf32, #tpu.memory_space<hbm>> -> memref<512xf32, #tpu.memory_space<hbm>>
    %dma_start3A_891 = tpu.memref_slice %arg5[%dma_start3A_886, %mul3A_2] : memref<32x16384xf32, #tpu.memory_space<hbm>> -> memref<1x512xf32, #tpu.memory_space<hbm>>
    %dma_start3A_892 = tpu.memref_squeeze %dma_start3A_891 : memref<1x512xf32, #tpu.memory_space<hbm>> -> memref<512xf32, #tpu.memory_space<hbm>>
    %dma_start3A_893 = arith.constant 9728 : i32
    %dma_start3A_894 = tpu.memref_slice %arg8[%dma_start3A_893] : memref<16384xf32, #tpu.memory_space<vmem>> -> memref<512xf32, #tpu.memory_space<vmem>>
    tpu.enqueue_dma source(%dma_start3A_894 : memref<512xf32, #tpu.memory_space<vmem>>) target(%dma_start3A_892 : memref<512xf32, #tpu.memory_space<hbm>>) target_semaphore(%arg12 : memref<!tpu.dma_semaphore, #tpu.memory_space<semaphore_mem>>)
    %dma_start3A_895 = arith.constant 20 : i32
    %dma_start3A_896 = arith.constant 10240 : i32
    %dma_start3A_897 = tpu.memref_slice %arg8[%dma_start3A_896] : memref<16384xf32, #tpu.memory_space<vmem>> -> memref<512xf32, #tpu.memory_space<vmem>>
    %dma_start3A_898 = tpu.memref_slice %arg5[%dma_start3A_895, %mul3A_2] : memref<32x16384xf32, #tpu.memory_space<hbm>> -> memref<1x512xf32, #tpu.memory_space<hbm>>
    %dma_start3A_899 = tpu.memref_squeeze %dma_start3A_898 : memref<1x512xf32, #tpu.memory_space<hbm>> -> memref<512xf32, #tpu.memory_space<hbm>>
    %dma_start3A_900 = tpu.memref_slice %arg5[%dma_start3A_895, %mul3A_2] : memref<32x16384xf32, #tpu.memory_space<hbm>> -> memref<1x512xf32, #tpu.memory_space<hbm>>
    %dma_start3A_901 = tpu.memref_squeeze %dma_start3A_900 : memref<1x512xf32, #tpu.memory_space<hbm>> -> memref<512xf32, #tpu.memory_space<hbm>>
    %dma_start3A_902 = arith.constant 10240 : i32
    %dma_start3A_903 = tpu.memref_slice %arg8[%dma_start3A_902] : memref<16384xf32, #tpu.memory_space<vmem>> -> memref<512xf32, #tpu.memory_space<vmem>>
    tpu.enqueue_dma source(%dma_start3A_903 : memref<512xf32, #tpu.memory_space<vmem>>) target(%dma_start3A_901 : memref<512xf32, #tpu.memory_space<hbm>>) target_semaphore(%arg12 : memref<!tpu.dma_semaphore, #tpu.memory_space<semaphore_mem>>)
    %dma_start3A_904 = arith.constant 21 : i32
    %dma_start3A_905 = arith.constant 10752 : i32
    %dma_start3A_906 = tpu.memref_slice %arg8[%dma_start3A_905] : memref<16384xf32, #tpu.memory_space<vmem>> -> memref<512xf32, #tpu.memory_space<vmem>>
    %dma_start3A_907 = tpu.memref_slice %arg5[%dma_start3A_904, %mul3A_2] : memref<32x16384xf32, #tpu.memory_space<hbm>> -> memref<1x512xf32, #tpu.memory_space<hbm>>
    %dma_start3A_908 = tpu.memref_squeeze %dma_start3A_907 : memref<1x512xf32, #tpu.memory_space<hbm>> -> memref<512xf32, #tpu.memory_space<hbm>>
    %dma_start3A_909 = tpu.memref_slice %arg5[%dma_start3A_904, %mul3A_2] : memref<32x16384xf32, #tpu.memory_space<hbm>> -> memref<1x512xf32, #tpu.memory_space<hbm>>
    %dma_start3A_910 = tpu.memref_squeeze %dma_start3A_909 : memref<1x512xf32, #tpu.memory_space<hbm>> -> memref<512xf32, #tpu.memory_space<hbm>>
    %dma_start3A_911 = arith.constant 10752 : i32
    %dma_start3A_912 = tpu.memref_slice %arg8[%dma_start3A_911] : memref<16384xf32, #tpu.memory_space<vmem>> -> memref<512xf32, #tpu.memory_space<vmem>>
    tpu.enqueue_dma source(%dma_start3A_912 : memref<512xf32, #tpu.memory_space<vmem>>) target(%dma_start3A_910 : memref<512xf32, #tpu.memory_space<hbm>>) target_semaphore(%arg12 : memref<!tpu.dma_semaphore, #tpu.memory_space<semaphore_mem>>)
    %dma_start3A_913 = arith.constant 22 : i32
    %dma_start3A_914 = arith.constant 11264 : i32
    %dma_start3A_915 = tpu.memref_slice %arg8[%dma_start3A_914] : memref<16384xf32, #tpu.memory_space<vmem>> -> memref<512xf32, #tpu.memory_space<vmem>>
    %dma_start3A_916 = tpu.memref_slice %arg5[%dma_start3A_913, %mul3A_2] : memref<32x16384xf32, #tpu.memory_space<hbm>> -> memref<1x512xf32, #tpu.memory_space<hbm>>
    %dma_start3A_917 = tpu.memref_squeeze %dma_start3A_916 : memref<1x512xf32, #tpu.memory_space<hbm>> -> memref<512xf32, #tpu.memory_space<hbm>>
    %dma_start3A_918 = tpu.memref_slice %arg5[%dma_start3A_913, %mul3A_2] : memref<32x16384xf32, #tpu.memory_space<hbm>> -> memref<1x512xf32, #tpu.memory_space<hbm>>
    %dma_start3A_919 = tpu.memref_squeeze %dma_start3A_918 : memref<1x512xf32, #tpu.memory_space<hbm>> -> memref<512xf32, #tpu.memory_space<hbm>>
    %dma_start3A_920 = arith.constant 11264 : i32
    %dma_start3A_921 = tpu.memref_slice %arg8[%dma_start3A_920] : memref<16384xf32, #tpu.memory_space<vmem>> -> memref<512xf32, #tpu.memory_space<vmem>>
    tpu.enqueue_dma source(%dma_start3A_921 : memref<512xf32, #tpu.memory_space<vmem>>) target(%dma_start3A_919 : memref<512xf32, #tpu.memory_space<hbm>>) target_semaphore(%arg12 : memref<!tpu.dma_semaphore, #tpu.memory_space<semaphore_mem>>)
    %dma_start3A_922 = arith.constant 23 : i32
    %dma_start3A_923 = arith.constant 11776 : i32
    %dma_start3A_924 = tpu.memref_slice %arg8[%dma_start3A_923] : memref<16384xf32, #tpu.memory_space<vmem>> -> memref<512xf32, #tpu.memory_space<vmem>>
    %dma_start3A_925 = tpu.memref_slice %arg5[%dma_start3A_922, %mul3A_2] : memref<32x16384xf32, #tpu.memory_space<hbm>> -> memref<1x512xf32, #tpu.memory_space<hbm>>
    %dma_start3A_926 = tpu.memref_squeeze %dma_start3A_925 : memref<1x512xf32, #tpu.memory_space<hbm>> -> memref<512xf32, #tpu.memory_space<hbm>>
    %dma_start3A_927 = tpu.memref_slice %arg5[%dma_start3A_922, %mul3A_2] : memref<32x16384xf32, #tpu.memory_space<hbm>> -> memref<1x512xf32, #tpu.memory_space<hbm>>
    %dma_start3A_928 = tpu.memref_squeeze %dma_start3A_927 : memref<1x512xf32, #tpu.memory_space<hbm>> -> memref<512xf32, #tpu.memory_space<hbm>>
    %dma_start3A_929 = arith.constant 11776 : i32
    %dma_start3A_930 = tpu.memref_slice %arg8[%dma_start3A_929] : memref<16384xf32, #tpu.memory_space<vmem>> -> memref<512xf32, #tpu.memory_space<vmem>>
    tpu.enqueue_dma source(%dma_start3A_930 : memref<512xf32, #tpu.memory_space<vmem>>) target(%dma_start3A_928 : memref<512xf32, #tpu.memory_space<hbm>>) target_semaphore(%arg12 : memref<!tpu.dma_semaphore, #tpu.memory_space<semaphore_mem>>)
    %dma_start3A_931 = arith.constant 24 : i32
    %dma_start3A_932 = arith.constant 12288 : i32
    %dma_start3A_933 = tpu.memref_slice %arg8[%dma_start3A_932] : memref<16384xf32, #tpu.memory_space<vmem>> -> memref<512xf32, #tpu.memory_space<vmem>>
    %dma_start3A_934 = tpu.memref_slice %arg5[%dma_start3A_931, %mul3A_2] : memref<32x16384xf32, #tpu.memory_space<hbm>> -> memref<1x512xf32, #tpu.memory_space<hbm>>
    %dma_start3A_935 = tpu.memref_squeeze %dma_start3A_934 : memref<1x512xf32, #tpu.memory_space<hbm>> -> memref<512xf32, #tpu.memory_space<hbm>>
    %dma_start3A_936 = tpu.memref_slice %arg5[%dma_start3A_931, %mul3A_2] : memref<32x16384xf32, #tpu.memory_space<hbm>> -> memref<1x512xf32, #tpu.memory_space<hbm>>
    %dma_start3A_937 = tpu.memref_squeeze %dma_start3A_936 : memref<1x512xf32, #tpu.memory_space<hbm>> -> memref<512xf32, #tpu.memory_space<hbm>>
    %dma_start3A_938 = arith.constant 12288 : i32
    %dma_start3A_939 = tpu.memref_slice %arg8[%dma_start3A_938] : memref<16384xf32, #tpu.memory_space<vmem>> -> memref<512xf32, #tpu.memory_space<vmem>>
    tpu.enqueue_dma source(%dma_start3A_939 : memref<512xf32, #tpu.memory_space<vmem>>) target(%dma_start3A_937 : memref<512xf32, #tpu.memory_space<hbm>>) target_semaphore(%arg12 : memref<!tpu.dma_semaphore, #tpu.memory_space<semaphore_mem>>)
    %dma_start3A_940 = arith.constant 25 : i32
    %dma_start3A_941 = arith.constant 12800 : i32
    %dma_start3A_942 = tpu.memref_slice %arg8[%dma_start3A_941] : memref<16384xf32, #tpu.memory_space<vmem>> -> memref<512xf32, #tpu.memory_space<vmem>>
    %dma_start3A_943 = tpu.memref_slice %arg5[%dma_start3A_940, %mul3A_2] : memref<32x16384xf32, #tpu.memory_space<hbm>> -> memref<1x512xf32, #tpu.memory_space<hbm>>
    %dma_start3A_944 = tpu.memref_squeeze %dma_start3A_943 : memref<1x512xf32, #tpu.memory_space<hbm>> -> memref<512xf32, #tpu.memory_space<hbm>>
    %dma_start3A_945 = tpu.memref_slice %arg5[%dma_start3A_940, %mul3A_2] : memref<32x16384xf32, #tpu.memory_space<hbm>> -> memref<1x512xf32, #tpu.memory_space<hbm>>
    %dma_start3A_946 = tpu.memref_squeeze %dma_start3A_945 : memref<1x512xf32, #tpu.memory_space<hbm>> -> memref<512xf32, #tpu.memory_space<hbm>>
    %dma_start3A_947 = arith.constant 12800 : i32
    %dma_start3A_948 = tpu.memref_slice %arg8[%dma_start3A_947] : memref<16384xf32, #tpu.memory_space<vmem>> -> memref<512xf32, #tpu.memory_space<vmem>>
    tpu.enqueue_dma source(%dma_start3A_948 : memref<512xf32, #tpu.memory_space<vmem>>) target(%dma_start3A_946 : memref<512xf32, #tpu.memory_space<hbm>>) target_semaphore(%arg12 : memref<!tpu.dma_semaphore, #tpu.memory_space<semaphore_mem>>)
    %dma_start3A_949 = arith.constant 26 : i32
    %dma_start3A_950 = arith.constant 13312 : i32
    %dma_start3A_951 = tpu.memref_slice %arg8[%dma_start3A_950] : memref<16384xf32, #tpu.memory_space<vmem>> -> memref<512xf32, #tpu.memory_space<vmem>>
    %dma_start3A_952 = tpu.memref_slice %arg5[%dma_start3A_949, %mul3A_2] : memref<32x16384xf32, #tpu.memory_space<hbm>> -> memref<1x512xf32, #tpu.memory_space<hbm>>
    %dma_start3A_953 = tpu.memref_squeeze %dma_start3A_952 : memref<1x512xf32, #tpu.memory_space<hbm>> -> memref<512xf32, #tpu.memory_space<hbm>>
    %dma_start3A_954 = tpu.memref_slice %arg5[%dma_start3A_949, %mul3A_2] : memref<32x16384xf32, #tpu.memory_space<hbm>> -> memref<1x512xf32, #tpu.memory_space<hbm>>
    %dma_start3A_955 = tpu.memref_squeeze %dma_start3A_954 : memref<1x512xf32, #tpu.memory_space<hbm>> -> memref<512xf32, #tpu.memory_space<hbm>>
    %dma_start3A_956 = arith.constant 13312 : i32
    %dma_start3A_957 = tpu.memref_slice %arg8[%dma_start3A_956] : memref<16384xf32, #tpu.memory_space<vmem>> -> memref<512xf32, #tpu.memory_space<vmem>>
    tpu.enqueue_dma source(%dma_start3A_957 : memref<512xf32, #tpu.memory_space<vmem>>) target(%dma_start3A_955 : memref<512xf32, #tpu.memory_space<hbm>>) target_semaphore(%arg12 : memref<!tpu.dma_semaphore, #tpu.memory_space<semaphore_mem>>)
    %dma_start3A_958 = arith.constant 27 : i32
    %dma_start3A_959 = arith.constant 13824 : i32
    %dma_start3A_960 = tpu.memref_slice %arg8[%dma_start3A_959] : memref<16384xf32, #tpu.memory_space<vmem>> -> memref<512xf32, #tpu.memory_space<vmem>>
    %dma_start3A_961 = tpu.memref_slice %arg5[%dma_start3A_958, %mul3A_2] : memref<32x16384xf32, #tpu.memory_space<hbm>> -> memref<1x512xf32, #tpu.memory_space<hbm>>
    %dma_start3A_962 = tpu.memref_squeeze %dma_start3A_961 : memref<1x512xf32, #tpu.memory_space<hbm>> -> memref<512xf32, #tpu.memory_space<hbm>>
    %dma_start3A_963 = tpu.memref_slice %arg5[%dma_start3A_958, %mul3A_2] : memref<32x16384xf32, #tpu.memory_space<hbm>> -> memref<1x512xf32, #tpu.memory_space<hbm>>
    %dma_start3A_964 = tpu.memref_squeeze %dma_start3A_963 : memref<1x512xf32, #tpu.memory_space<hbm>> -> memref<512xf32, #tpu.memory_space<hbm>>
    %dma_start3A_965 = arith.constant 13824 : i32
    %dma_start3A_966 = tpu.memref_slice %arg8[%dma_start3A_965] : memref<16384xf32, #tpu.memory_space<vmem>> -> memref<512xf32, #tpu.memory_space<vmem>>
    tpu.enqueue_dma source(%dma_start3A_966 : memref<512xf32, #tpu.memory_space<vmem>>) target(%dma_start3A_964 : memref<512xf32, #tpu.memory_space<hbm>>) target_semaphore(%arg12 : memref<!tpu.dma_semaphore, #tpu.memory_space<semaphore_mem>>)
    %dma_start3A_967 = arith.constant 28 : i32
    %dma_start3A_968 = arith.constant 14336 : i32
    %dma_start3A_969 = tpu.memref_slice %arg8[%dma_start3A_968] : memref<16384xf32, #tpu.memory_space<vmem>> -> memref<512xf32, #tpu.memory_space<vmem>>
    %dma_start3A_970 = tpu.memref_slice %arg5[%dma_start3A_967, %mul3A_2] : memref<32x16384xf32, #tpu.memory_space<hbm>> -> memref<1x512xf32, #tpu.memory_space<hbm>>
    %dma_start3A_971 = tpu.memref_squeeze %dma_start3A_970 : memref<1x512xf32, #tpu.memory_space<hbm>> -> memref<512xf32, #tpu.memory_space<hbm>>
    %dma_start3A_972 = tpu.memref_slice %arg5[%dma_start3A_967, %mul3A_2] : memref<32x16384xf32, #tpu.memory_space<hbm>> -> memref<1x512xf32, #tpu.memory_space<hbm>>
    %dma_start3A_973 = tpu.memref_squeeze %dma_start3A_972 : memref<1x512xf32, #tpu.memory_space<hbm>> -> memref<512xf32, #tpu.memory_space<hbm>>
    %dma_start3A_974 = arith.constant 14336 : i32
    %dma_start3A_975 = tpu.memref_slice %arg8[%dma_start3A_974] : memref<16384xf32, #tpu.memory_space<vmem>> -> memref<512xf32, #tpu.memory_space<vmem>>
    tpu.enqueue_dma source(%dma_start3A_975 : memref<512xf32, #tpu.memory_space<vmem>>) target(%dma_start3A_973 : memref<512xf32, #tpu.memory_space<hbm>>) target_semaphore(%arg12 : memref<!tpu.dma_semaphore, #tpu.memory_space<semaphore_mem>>)
    %dma_start3A_976 = arith.constant 29 : i32
    %dma_start3A_977 = arith.constant 14848 : i32
    %dma_start3A_978 = tpu.memref_slice %arg8[%dma_start3A_977] : memref<16384xf32, #tpu.memory_space<vmem>> -> memref<512xf32, #tpu.memory_space<vmem>>
    %dma_start3A_979 = tpu.memref_slice %arg5[%dma_start3A_976, %mul3A_2] : memref<32x16384xf32, #tpu.memory_space<hbm>> -> memref<1x512xf32, #tpu.memory_space<hbm>>
    %dma_start3A_980 = tpu.memref_squeeze %dma_start3A_979 : memref<1x512xf32, #tpu.memory_space<hbm>> -> memref<512xf32, #tpu.memory_space<hbm>>
    %dma_start3A_981 = tpu.memref_slice %arg5[%dma_start3A_976, %mul3A_2] : memref<32x16384xf32, #tpu.memory_space<hbm>> -> memref<1x512xf32, #tpu.memory_space<hbm>>
    %dma_start3A_982 = tpu.memref_squeeze %dma_start3A_981 : memref<1x512xf32, #tpu.memory_space<hbm>> -> memref<512xf32, #tpu.memory_space<hbm>>
    %dma_start3A_983 = arith.constant 14848 : i32
    %dma_start3A_984 = tpu.memref_slice %arg8[%dma_start3A_983] : memref<16384xf32, #tpu.memory_space<vmem>> -> memref<512xf32, #tpu.memory_space<vmem>>
    tpu.enqueue_dma source(%dma_start3A_984 : memref<512xf32, #tpu.memory_space<vmem>>) target(%dma_start3A_982 : memref<512xf32, #tpu.memory_space<hbm>>) target_semaphore(%arg12 : memref<!tpu.dma_semaphore, #tpu.memory_space<semaphore_mem>>)
    %dma_start3A_985 = arith.constant 30 : i32
    %dma_start3A_986 = arith.constant 15360 : i32
    %dma_start3A_987 = tpu.memref_slice %arg8[%dma_start3A_986] : memref<16384xf32, #tpu.memory_space<vmem>> -> memref<512xf32, #tpu.memory_space<vmem>>
    %dma_start3A_988 = tpu.memref_slice %arg5[%dma_start3A_985, %mul3A_2] : memref<32x16384xf32, #tpu.memory_space<hbm>> -> memref<1x512xf32, #tpu.memory_space<hbm>>
    %dma_start3A_989 = tpu.memref_squeeze %dma_start3A_988 : memref<1x512xf32, #tpu.memory_space<hbm>> -> memref<512xf32, #tpu.memory_space<hbm>>
    %dma_start3A_990 = tpu.memref_slice %arg5[%dma_start3A_985, %mul3A_2] : memref<32x16384xf32, #tpu.memory_space<hbm>> -> memref<1x512xf32, #tpu.memory_space<hbm>>
    %dma_start3A_991 = tpu.memref_squeeze %dma_start3A_990 : memref<1x512xf32, #tpu.memory_space<hbm>> -> memref<512xf32, #tpu.memory_space<hbm>>
    %dma_start3A_992 = arith.constant 15360 : i32
    %dma_start3A_993 = tpu.memref_slice %arg8[%dma_start3A_992] : memref<16384xf32, #tpu.memory_space<vmem>> -> memref<512xf32, #tpu.memory_space<vmem>>
    tpu.enqueue_dma source(%dma_start3A_993 : memref<512xf32, #tpu.memory_space<vmem>>) target(%dma_start3A_991 : memref<512xf32, #tpu.memory_space<hbm>>) target_semaphore(%arg12 : memref<!tpu.dma_semaphore, #tpu.memory_space<semaphore_mem>>)
    %dma_start3A_994 = arith.constant 31 : i32
    %dma_start3A_995 = arith.constant 15872 : i32
    %dma_start3A_996 = tpu.memref_slice %arg8[%dma_start3A_995] : memref<16384xf32, #tpu.memory_space<vmem>> -> memref<512xf32, #tpu.memory_space<vmem>>
    %dma_start3A_997 = tpu.memref_slice %arg5[%dma_start3A_994, %mul3A_2] : memref<32x16384xf32, #tpu.memory_space<hbm>> -> memref<1x512xf32, #tpu.memory_space<hbm>>
    %dma_start3A_998 = tpu.memref_squeeze %dma_start3A_997 : memref<1x512xf32, #tpu.memory_space<hbm>> -> memref<512xf32, #tpu.memory_space<hbm>>
    %dma_start3A_999 = tpu.memref_slice %arg5[%dma_start3A_994, %mul3A_2] : memref<32x16384xf32, #tpu.memory_space<hbm>> -> memref<1x512xf32, #tpu.memory_space<hbm>>
    %dma_start3A_1000 = tpu.memref_squeeze %dma_start3A_999 : memref<1x512xf32, #tpu.memory_space<hbm>> -> memref<512xf32, #tpu.memory_space<hbm>>
    %dma_start3A_1001 = arith.constant 15872 : i32
    %dma_start3A_1002 = tpu.memref_slice %arg8[%dma_start3A_1001] : memref<16384xf32, #tpu.memory_space<vmem>> -> memref<512xf32, #tpu.memory_space<vmem>>
    tpu.enqueue_dma source(%dma_start3A_1002 : memref<512xf32, #tpu.memory_space<vmem>>) target(%dma_start3A_1000 : memref<512xf32, #tpu.memory_space<hbm>>) target_semaphore(%arg12 : memref<!tpu.dma_semaphore, #tpu.memory_space<semaphore_mem>>)
    %dma_wait3A_1003 = arith.constant 0 : i32
    %dma_wait3A_1004 = arith.constant 0 : i32
    %dma_wait3A_1005 = tpu.memref_slice %arg8[%dma_wait3A_1004] : memref<16384xf32, #tpu.memory_space<vmem>> -> memref<512xf32, #tpu.memory_space<vmem>>
    %dma_wait3A_1006 = tpu.memref_slice %arg5[%dma_wait3A_1003, %mul3A_2] : memref<32x16384xf32, #tpu.memory_space<hbm>> -> memref<1x512xf32, #tpu.memory_space<hbm>>
    %dma_wait3A_1007 = tpu.memref_squeeze %dma_wait3A_1006 : memref<1x512xf32, #tpu.memory_space<hbm>> -> memref<512xf32, #tpu.memory_space<hbm>>
    %dma_wait3A_1008 = tpu.memref_slice %arg5[%dma_wait3A_1003, %mul3A_2] : memref<32x16384xf32, #tpu.memory_space<hbm>> -> memref<1x512xf32, #tpu.memory_space<hbm>>
    %dma_wait3A_1009 = tpu.memref_squeeze %dma_wait3A_1008 : memref<1x512xf32, #tpu.memory_space<hbm>> -> memref<512xf32, #tpu.memory_space<hbm>>
    %dma_wait3A_1010 = arith.constant 0 : i32
    %dma_wait3A_1011 = tpu.memref_slice %arg8[%dma_wait3A_1010] : memref<16384xf32, #tpu.memory_space<vmem>> -> memref<512xf32, #tpu.memory_space<vmem>>
    tpu.wait_dma2 semaphore(%arg12 : memref<!tpu.dma_semaphore, #tpu.memory_space<semaphore_mem>>) src(%dma_wait3A_1011 : memref<512xf32, #tpu.memory_space<vmem>>) dst(%dma_wait3A_1009 : memref<512xf32, #tpu.memory_space<hbm>>)
    %dma_wait3A_1012 = arith.constant 1 : i32
    %dma_wait3A_1013 = arith.constant 512 : i32
    %dma_wait3A_1014 = tpu.memref_slice %arg8[%dma_wait3A_1013] : memref<16384xf32, #tpu.memory_space<vmem>> -> memref<512xf32, #tpu.memory_space<vmem>>
    %dma_wait3A_1015 = tpu.memref_slice %arg5[%dma_wait3A_1012, %mul3A_2] : memref<32x16384xf32, #tpu.memory_space<hbm>> -> memref<1x512xf32, #tpu.memory_space<hbm>>
    %dma_wait3A_1016 = tpu.memref_squeeze %dma_wait3A_1015 : memref<1x512xf32, #tpu.memory_space<hbm>> -> memref<512xf32, #tpu.memory_space<hbm>>
    %dma_wait3A_1017 = tpu.memref_slice %arg5[%dma_wait3A_1012, %mul3A_2] : memref<32x16384xf32, #tpu.memory_space<hbm>> -> memref<1x512xf32, #tpu.memory_space<hbm>>
    %dma_wait3A_1018 = tpu.memref_squeeze %dma_wait3A_1017 : memref<1x512xf32, #tpu.memory_space<hbm>> -> memref<512xf32, #tpu.memory_space<hbm>>
    %dma_wait3A_1019 = arith.constant 512 : i32
    %dma_wait3A_1020 = tpu.memref_slice %arg8[%dma_wait3A_1019] : memref<16384xf32, #tpu.memory_space<vmem>> -> memref<512xf32, #tpu.memory_space<vmem>>
    tpu.wait_dma2 semaphore(%arg12 : memref<!tpu.dma_semaphore, #tpu.memory_space<semaphore_mem>>) src(%dma_wait3A_1020 : memref<512xf32, #tpu.memory_space<vmem>>) dst(%dma_wait3A_1018 : memref<512xf32, #tpu.memory_space<hbm>>)
    %dma_wait3A_1021 = arith.constant 2 : i32
    %dma_wait3A_1022 = arith.constant 1024 : i32
    %dma_wait3A_1023 = tpu.memref_slice %arg8[%dma_wait3A_1022] : memref<16384xf32, #tpu.memory_space<vmem>> -> memref<512xf32, #tpu.memory_space<vmem>>
    %dma_wait3A_1024 = tpu.memref_slice %arg5[%dma_wait3A_1021, %mul3A_2] : memref<32x16384xf32, #tpu.memory_space<hbm>> -> memref<1x512xf32, #tpu.memory_space<hbm>>
    %dma_wait3A_1025 = tpu.memref_squeeze %dma_wait3A_1024 : memref<1x512xf32, #tpu.memory_space<hbm>> -> memref<512xf32, #tpu.memory_space<hbm>>
    %dma_wait3A_1026 = tpu.memref_slice %arg5[%dma_wait3A_1021, %mul3A_2] : memref<32x16384xf32, #tpu.memory_space<hbm>> -> memref<1x512xf32, #tpu.memory_space<hbm>>
    %dma_wait3A_1027 = tpu.memref_squeeze %dma_wait3A_1026 : memref<1x512xf32, #tpu.memory_space<hbm>> -> memref<512xf32, #tpu.memory_space<hbm>>
    %dma_wait3A_1028 = arith.constant 1024 : i32
    %dma_wait3A_1029 = tpu.memref_slice %arg8[%dma_wait3A_1028] : memref<16384xf32, #tpu.memory_space<vmem>> -> memref<512xf32, #tpu.memory_space<vmem>>
    tpu.wait_dma2 semaphore(%arg12 : memref<!tpu.dma_semaphore, #tpu.memory_space<semaphore_mem>>) src(%dma_wait3A_1029 : memref<512xf32, #tpu.memory_space<vmem>>) dst(%dma_wait3A_1027 : memref<512xf32, #tpu.memory_space<hbm>>)
    %dma_wait3A_1030 = arith.constant 3 : i32
    %dma_wait3A_1031 = arith.constant 1536 : i32
    %dma_wait3A_1032 = tpu.memref_slice %arg8[%dma_wait3A_1031] : memref<16384xf32, #tpu.memory_space<vmem>> -> memref<512xf32, #tpu.memory_space<vmem>>
    %dma_wait3A_1033 = tpu.memref_slice %arg5[%dma_wait3A_1030, %mul3A_2] : memref<32x16384xf32, #tpu.memory_space<hbm>> -> memref<1x512xf32, #tpu.memory_space<hbm>>
    %dma_wait3A_1034 = tpu.memref_squeeze %dma_wait3A_1033 : memref<1x512xf32, #tpu.memory_space<hbm>> -> memref<512xf32, #tpu.memory_space<hbm>>
    %dma_wait3A_1035 = tpu.memref_slice %arg5[%dma_wait3A_1030, %mul3A_2] : memref<32x16384xf32, #tpu.memory_space<hbm>> -> memref<1x512xf32, #tpu.memory_space<hbm>>
    %dma_wait3A_1036 = tpu.memref_squeeze %dma_wait3A_1035 : memref<1x512xf32, #tpu.memory_space<hbm>> -> memref<512xf32, #tpu.memory_space<hbm>>
    %dma_wait3A_1037 = arith.constant 1536 : i32
    %dma_wait3A_1038 = tpu.memref_slice %arg8[%dma_wait3A_1037] : memref<16384xf32, #tpu.memory_space<vmem>> -> memref<512xf32, #tpu.memory_space<vmem>>
    tpu.wait_dma2 semaphore(%arg12 : memref<!tpu.dma_semaphore, #tpu.memory_space<semaphore_mem>>) src(%dma_wait3A_1038 : memref<512xf32, #tpu.memory_space<vmem>>) dst(%dma_wait3A_1036 : memref<512xf32, #tpu.memory_space<hbm>>)
    %dma_wait3A_1039 = arith.constant 4 : i32
    %dma_wait3A_1040 = arith.constant 2048 : i32
    %dma_wait3A_1041 = tpu.memref_slice %arg8[%dma_wait3A_1040] : memref<16384xf32, #tpu.memory_space<vmem>> -> memref<512xf32, #tpu.memory_space<vmem>>
    %dma_wait3A_1042 = tpu.memref_slice %arg5[%dma_wait3A_1039, %mul3A_2] : memref<32x16384xf32, #tpu.memory_space<hbm>> -> memref<1x512xf32, #tpu.memory_space<hbm>>
    %dma_wait3A_1043 = tpu.memref_squeeze %dma_wait3A_1042 : memref<1x512xf32, #tpu.memory_space<hbm>> -> memref<512xf32, #tpu.memory_space<hbm>>
    %dma_wait3A_1044 = tpu.memref_slice %arg5[%dma_wait3A_1039, %mul3A_2] : memref<32x16384xf32, #tpu.memory_space<hbm>> -> memref<1x512xf32, #tpu.memory_space<hbm>>
    %dma_wait3A_1045 = tpu.memref_squeeze %dma_wait3A_1044 : memref<1x512xf32, #tpu.memory_space<hbm>> -> memref<512xf32, #tpu.memory_space<hbm>>
    %dma_wait3A_1046 = arith.constant 2048 : i32
    %dma_wait3A_1047 = tpu.memref_slice %arg8[%dma_wait3A_1046] : memref<16384xf32, #tpu.memory_space<vmem>> -> memref<512xf32, #tpu.memory_space<vmem>>
    tpu.wait_dma2 semaphore(%arg12 : memref<!tpu.dma_semaphore, #tpu.memory_space<semaphore_mem>>) src(%dma_wait3A_1047 : memref<512xf32, #tpu.memory_space<vmem>>) dst(%dma_wait3A_1045 : memref<512xf32, #tpu.memory_space<hbm>>)
    %dma_wait3A_1048 = arith.constant 5 : i32
    %dma_wait3A_1049 = arith.constant 2560 : i32
    %dma_wait3A_1050 = tpu.memref_slice %arg8[%dma_wait3A_1049] : memref<16384xf32, #tpu.memory_space<vmem>> -> memref<512xf32, #tpu.memory_space<vmem>>
    %dma_wait3A_1051 = tpu.memref_slice %arg5[%dma_wait3A_1048, %mul3A_2] : memref<32x16384xf32, #tpu.memory_space<hbm>> -> memref<1x512xf32, #tpu.memory_space<hbm>>
    %dma_wait3A_1052 = tpu.memref_squeeze %dma_wait3A_1051 : memref<1x512xf32, #tpu.memory_space<hbm>> -> memref<512xf32, #tpu.memory_space<hbm>>
    %dma_wait3A_1053 = tpu.memref_slice %arg5[%dma_wait3A_1048, %mul3A_2] : memref<32x16384xf32, #tpu.memory_space<hbm>> -> memref<1x512xf32, #tpu.memory_space<hbm>>
    %dma_wait3A_1054 = tpu.memref_squeeze %dma_wait3A_1053 : memref<1x512xf32, #tpu.memory_space<hbm>> -> memref<512xf32, #tpu.memory_space<hbm>>
    %dma_wait3A_1055 = arith.constant 2560 : i32
    %dma_wait3A_1056 = tpu.memref_slice %arg8[%dma_wait3A_1055] : memref<16384xf32, #tpu.memory_space<vmem>> -> memref<512xf32, #tpu.memory_space<vmem>>
    tpu.wait_dma2 semaphore(%arg12 : memref<!tpu.dma_semaphore, #tpu.memory_space<semaphore_mem>>) src(%dma_wait3A_1056 : memref<512xf32, #tpu.memory_space<vmem>>) dst(%dma_wait3A_1054 : memref<512xf32, #tpu.memory_space<hbm>>)
    %dma_wait3A_1057 = arith.constant 6 : i32
    %dma_wait3A_1058 = arith.constant 3072 : i32
    %dma_wait3A_1059 = tpu.memref_slice %arg8[%dma_wait3A_1058] : memref<16384xf32, #tpu.memory_space<vmem>> -> memref<512xf32, #tpu.memory_space<vmem>>
    %dma_wait3A_1060 = tpu.memref_slice %arg5[%dma_wait3A_1057, %mul3A_2] : memref<32x16384xf32, #tpu.memory_space<hbm>> -> memref<1x512xf32, #tpu.memory_space<hbm>>
    %dma_wait3A_1061 = tpu.memref_squeeze %dma_wait3A_1060 : memref<1x512xf32, #tpu.memory_space<hbm>> -> memref<512xf32, #tpu.memory_space<hbm>>
    %dma_wait3A_1062 = tpu.memref_slice %arg5[%dma_wait3A_1057, %mul3A_2] : memref<32x16384xf32, #tpu.memory_space<hbm>> -> memref<1x512xf32, #tpu.memory_space<hbm>>
    %dma_wait3A_1063 = tpu.memref_squeeze %dma_wait3A_1062 : memref<1x512xf32, #tpu.memory_space<hbm>> -> memref<512xf32, #tpu.memory_space<hbm>>
    %dma_wait3A_1064 = arith.constant 3072 : i32
    %dma_wait3A_1065 = tpu.memref_slice %arg8[%dma_wait3A_1064] : memref<16384xf32, #tpu.memory_space<vmem>> -> memref<512xf32, #tpu.memory_space<vmem>>
    tpu.wait_dma2 semaphore(%arg12 : memref<!tpu.dma_semaphore, #tpu.memory_space<semaphore_mem>>) src(%dma_wait3A_1065 : memref<512xf32, #tpu.memory_space<vmem>>) dst(%dma_wait3A_1063 : memref<512xf32, #tpu.memory_space<hbm>>)
    %dma_wait3A_1066 = arith.constant 7 : i32
    %dma_wait3A_1067 = arith.constant 3584 : i32
    %dma_wait3A_1068 = tpu.memref_slice %arg8[%dma_wait3A_1067] : memref<16384xf32, #tpu.memory_space<vmem>> -> memref<512xf32, #tpu.memory_space<vmem>>
    %dma_wait3A_1069 = tpu.memref_slice %arg5[%dma_wait3A_1066, %mul3A_2] : memref<32x16384xf32, #tpu.memory_space<hbm>> -> memref<1x512xf32, #tpu.memory_space<hbm>>
    %dma_wait3A_1070 = tpu.memref_squeeze %dma_wait3A_1069 : memref<1x512xf32, #tpu.memory_space<hbm>> -> memref<512xf32, #tpu.memory_space<hbm>>
    %dma_wait3A_1071 = tpu.memref_slice %arg5[%dma_wait3A_1066, %mul3A_2] : memref<32x16384xf32, #tpu.memory_space<hbm>> -> memref<1x512xf32, #tpu.memory_space<hbm>>
    %dma_wait3A_1072 = tpu.memref_squeeze %dma_wait3A_1071 : memref<1x512xf32, #tpu.memory_space<hbm>> -> memref<512xf32, #tpu.memory_space<hbm>>
    %dma_wait3A_1073 = arith.constant 3584 : i32
    %dma_wait3A_1074 = tpu.memref_slice %arg8[%dma_wait3A_1073] : memref<16384xf32, #tpu.memory_space<vmem>> -> memref<512xf32, #tpu.memory_space<vmem>>
    tpu.wait_dma2 semaphore(%arg12 : memref<!tpu.dma_semaphore, #tpu.memory_space<semaphore_mem>>) src(%dma_wait3A_1074 : memref<512xf32, #tpu.memory_space<vmem>>) dst(%dma_wait3A_1072 : memref<512xf32, #tpu.memory_space<hbm>>)
    %dma_wait3A_1075 = arith.constant 8 : i32
    %dma_wait3A_1076 = arith.constant 4096 : i32
    %dma_wait3A_1077 = tpu.memref_slice %arg8[%dma_wait3A_1076] : memref<16384xf32, #tpu.memory_space<vmem>> -> memref<512xf32, #tpu.memory_space<vmem>>
    %dma_wait3A_1078 = tpu.memref_slice %arg5[%dma_wait3A_1075, %mul3A_2] : memref<32x16384xf32, #tpu.memory_space<hbm>> -> memref<1x512xf32, #tpu.memory_space<hbm>>
    %dma_wait3A_1079 = tpu.memref_squeeze %dma_wait3A_1078 : memref<1x512xf32, #tpu.memory_space<hbm>> -> memref<512xf32, #tpu.memory_space<hbm>>
    %dma_wait3A_1080 = tpu.memref_slice %arg5[%dma_wait3A_1075, %mul3A_2] : memref<32x16384xf32, #tpu.memory_space<hbm>> -> memref<1x512xf32, #tpu.memory_space<hbm>>
    %dma_wait3A_1081 = tpu.memref_squeeze %dma_wait3A_1080 : memref<1x512xf32, #tpu.memory_space<hbm>> -> memref<512xf32, #tpu.memory_space<hbm>>
    %dma_wait3A_1082 = arith.constant 4096 : i32
    %dma_wait3A_1083 = tpu.memref_slice %arg8[%dma_wait3A_1082] : memref<16384xf32, #tpu.memory_space<vmem>> -> memref<512xf32, #tpu.memory_space<vmem>>
    tpu.wait_dma2 semaphore(%arg12 : memref<!tpu.dma_semaphore, #tpu.memory_space<semaphore_mem>>) src(%dma_wait3A_1083 : memref<512xf32, #tpu.memory_space<vmem>>) dst(%dma_wait3A_1081 : memref<512xf32, #tpu.memory_space<hbm>>)
    %dma_wait3A_1084 = arith.constant 9 : i32
    %dma_wait3A_1085 = arith.constant 4608 : i32
    %dma_wait3A_1086 = tpu.memref_slice %arg8[%dma_wait3A_1085] : memref<16384xf32, #tpu.memory_space<vmem>> -> memref<512xf32, #tpu.memory_space<vmem>>
    %dma_wait3A_1087 = tpu.memref_slice %arg5[%dma_wait3A_1084, %mul3A_2] : memref<32x16384xf32, #tpu.memory_space<hbm>> -> memref<1x512xf32, #tpu.memory_space<hbm>>
    %dma_wait3A_1088 = tpu.memref_squeeze %dma_wait3A_1087 : memref<1x512xf32, #tpu.memory_space<hbm>> -> memref<512xf32, #tpu.memory_space<hbm>>
    %dma_wait3A_1089 = tpu.memref_slice %arg5[%dma_wait3A_1084, %mul3A_2] : memref<32x16384xf32, #tpu.memory_space<hbm>> -> memref<1x512xf32, #tpu.memory_space<hbm>>
    %dma_wait3A_1090 = tpu.memref_squeeze %dma_wait3A_1089 : memref<1x512xf32, #tpu.memory_space<hbm>> -> memref<512xf32, #tpu.memory_space<hbm>>
    %dma_wait3A_1091 = arith.constant 4608 : i32
    %dma_wait3A_1092 = tpu.memref_slice %arg8[%dma_wait3A_1091] : memref<16384xf32, #tpu.memory_space<vmem>> -> memref<512xf32, #tpu.memory_space<vmem>>
    tpu.wait_dma2 semaphore(%arg12 : memref<!tpu.dma_semaphore, #tpu.memory_space<semaphore_mem>>) src(%dma_wait3A_1092 : memref<512xf32, #tpu.memory_space<vmem>>) dst(%dma_wait3A_1090 : memref<512xf32, #tpu.memory_space<hbm>>)
    %dma_wait3A_1093 = arith.constant 10 : i32
    %dma_wait3A_1094 = arith.constant 5120 : i32
    %dma_wait3A_1095 = tpu.memref_slice %arg8[%dma_wait3A_1094] : memref<16384xf32, #tpu.memory_space<vmem>> -> memref<512xf32, #tpu.memory_space<vmem>>
    %dma_wait3A_1096 = tpu.memref_slice %arg5[%dma_wait3A_1093, %mul3A_2] : memref<32x16384xf32, #tpu.memory_space<hbm>> -> memref<1x512xf32, #tpu.memory_space<hbm>>
    %dma_wait3A_1097 = tpu.memref_squeeze %dma_wait3A_1096 : memref<1x512xf32, #tpu.memory_space<hbm>> -> memref<512xf32, #tpu.memory_space<hbm>>
    %dma_wait3A_1098 = tpu.memref_slice %arg5[%dma_wait3A_1093, %mul3A_2] : memref<32x16384xf32, #tpu.memory_space<hbm>> -> memref<1x512xf32, #tpu.memory_space<hbm>>
    %dma_wait3A_1099 = tpu.memref_squeeze %dma_wait3A_1098 : memref<1x512xf32, #tpu.memory_space<hbm>> -> memref<512xf32, #tpu.memory_space<hbm>>
    %dma_wait3A_1100 = arith.constant 5120 : i32
    %dma_wait3A_1101 = tpu.memref_slice %arg8[%dma_wait3A_1100] : memref<16384xf32, #tpu.memory_space<vmem>> -> memref<512xf32, #tpu.memory_space<vmem>>
    tpu.wait_dma2 semaphore(%arg12 : memref<!tpu.dma_semaphore, #tpu.memory_space<semaphore_mem>>) src(%dma_wait3A_1101 : memref<512xf32, #tpu.memory_space<vmem>>) dst(%dma_wait3A_1099 : memref<512xf32, #tpu.memory_space<hbm>>)
    %dma_wait3A_1102 = arith.constant 11 : i32
    %dma_wait3A_1103 = arith.constant 5632 : i32
    %dma_wait3A_1104 = tpu.memref_slice %arg8[%dma_wait3A_1103] : memref<16384xf32, #tpu.memory_space<vmem>> -> memref<512xf32, #tpu.memory_space<vmem>>
    %dma_wait3A_1105 = tpu.memref_slice %arg5[%dma_wait3A_1102, %mul3A_2] : memref<32x16384xf32, #tpu.memory_space<hbm>> -> memref<1x512xf32, #tpu.memory_space<hbm>>
    %dma_wait3A_1106 = tpu.memref_squeeze %dma_wait3A_1105 : memref<1x512xf32, #tpu.memory_space<hbm>> -> memref<512xf32, #tpu.memory_space<hbm>>
    %dma_wait3A_1107 = tpu.memref_slice %arg5[%dma_wait3A_1102, %mul3A_2] : memref<32x16384xf32, #tpu.memory_space<hbm>> -> memref<1x512xf32, #tpu.memory_space<hbm>>
    %dma_wait3A_1108 = tpu.memref_squeeze %dma_wait3A_1107 : memref<1x512xf32, #tpu.memory_space<hbm>> -> memref<512xf32, #tpu.memory_space<hbm>>
    %dma_wait3A_1109 = arith.constant 5632 : i32
    %dma_wait3A_1110 = tpu.memref_slice %arg8[%dma_wait3A_1109] : memref<16384xf32, #tpu.memory_space<vmem>> -> memref<512xf32, #tpu.memory_space<vmem>>
    tpu.wait_dma2 semaphore(%arg12 : memref<!tpu.dma_semaphore, #tpu.memory_space<semaphore_mem>>) src(%dma_wait3A_1110 : memref<512xf32, #tpu.memory_space<vmem>>) dst(%dma_wait3A_1108 : memref<512xf32, #tpu.memory_space<hbm>>)
    %dma_wait3A_1111 = arith.constant 12 : i32
    %dma_wait3A_1112 = arith.constant 6144 : i32
    %dma_wait3A_1113 = tpu.memref_slice %arg8[%dma_wait3A_1112] : memref<16384xf32, #tpu.memory_space<vmem>> -> memref<512xf32, #tpu.memory_space<vmem>>
    %dma_wait3A_1114 = tpu.memref_slice %arg5[%dma_wait3A_1111, %mul3A_2] : memref<32x16384xf32, #tpu.memory_space<hbm>> -> memref<1x512xf32, #tpu.memory_space<hbm>>
    %dma_wait3A_1115 = tpu.memref_squeeze %dma_wait3A_1114 : memref<1x512xf32, #tpu.memory_space<hbm>> -> memref<512xf32, #tpu.memory_space<hbm>>
    %dma_wait3A_1116 = tpu.memref_slice %arg5[%dma_wait3A_1111, %mul3A_2] : memref<32x16384xf32, #tpu.memory_space<hbm>> -> memref<1x512xf32, #tpu.memory_space<hbm>>
    %dma_wait3A_1117 = tpu.memref_squeeze %dma_wait3A_1116 : memref<1x512xf32, #tpu.memory_space<hbm>> -> memref<512xf32, #tpu.memory_space<hbm>>
    %dma_wait3A_1118 = arith.constant 6144 : i32
    %dma_wait3A_1119 = tpu.memref_slice %arg8[%dma_wait3A_1118] : memref<16384xf32, #tpu.memory_space<vmem>> -> memref<512xf32, #tpu.memory_space<vmem>>
    tpu.wait_dma2 semaphore(%arg12 : memref<!tpu.dma_semaphore, #tpu.memory_space<semaphore_mem>>) src(%dma_wait3A_1119 : memref<512xf32, #tpu.memory_space<vmem>>) dst(%dma_wait3A_1117 : memref<512xf32, #tpu.memory_space<hbm>>)
    %dma_wait3A_1120 = arith.constant 13 : i32
    %dma_wait3A_1121 = arith.constant 6656 : i32
    %dma_wait3A_1122 = tpu.memref_slice %arg8[%dma_wait3A_1121] : memref<16384xf32, #tpu.memory_space<vmem>> -> memref<512xf32, #tpu.memory_space<vmem>>
    %dma_wait3A_1123 = tpu.memref_slice %arg5[%dma_wait3A_1120, %mul3A_2] : memref<32x16384xf32, #tpu.memory_space<hbm>> -> memref<1x512xf32, #tpu.memory_space<hbm>>
    %dma_wait3A_1124 = tpu.memref_squeeze %dma_wait3A_1123 : memref<1x512xf32, #tpu.memory_space<hbm>> -> memref<512xf32, #tpu.memory_space<hbm>>
    %dma_wait3A_1125 = tpu.memref_slice %arg5[%dma_wait3A_1120, %mul3A_2] : memref<32x16384xf32, #tpu.memory_space<hbm>> -> memref<1x512xf32, #tpu.memory_space<hbm>>
    %dma_wait3A_1126 = tpu.memref_squeeze %dma_wait3A_1125 : memref<1x512xf32, #tpu.memory_space<hbm>> -> memref<512xf32, #tpu.memory_space<hbm>>
    %dma_wait3A_1127 = arith.constant 6656 : i32
    %dma_wait3A_1128 = tpu.memref_slice %arg8[%dma_wait3A_1127] : memref<16384xf32, #tpu.memory_space<vmem>> -> memref<512xf32, #tpu.memory_space<vmem>>
    tpu.wait_dma2 semaphore(%arg12 : memref<!tpu.dma_semaphore, #tpu.memory_space<semaphore_mem>>) src(%dma_wait3A_1128 : memref<512xf32, #tpu.memory_space<vmem>>) dst(%dma_wait3A_1126 : memref<512xf32, #tpu.memory_space<hbm>>)
    %dma_wait3A_1129 = arith.constant 14 : i32
    %dma_wait3A_1130 = arith.constant 7168 : i32
    %dma_wait3A_1131 = tpu.memref_slice %arg8[%dma_wait3A_1130] : memref<16384xf32, #tpu.memory_space<vmem>> -> memref<512xf32, #tpu.memory_space<vmem>>
    %dma_wait3A_1132 = tpu.memref_slice %arg5[%dma_wait3A_1129, %mul3A_2] : memref<32x16384xf32, #tpu.memory_space<hbm>> -> memref<1x512xf32, #tpu.memory_space<hbm>>
    %dma_wait3A_1133 = tpu.memref_squeeze %dma_wait3A_1132 : memref<1x512xf32, #tpu.memory_space<hbm>> -> memref<512xf32, #tpu.memory_space<hbm>>
    %dma_wait3A_1134 = tpu.memref_slice %arg5[%dma_wait3A_1129, %mul3A_2] : memref<32x16384xf32, #tpu.memory_space<hbm>> -> memref<1x512xf32, #tpu.memory_space<hbm>>
    %dma_wait3A_1135 = tpu.memref_squeeze %dma_wait3A_1134 : memref<1x512xf32, #tpu.memory_space<hbm>> -> memref<512xf32, #tpu.memory_space<hbm>>
    %dma_wait3A_1136 = arith.constant 7168 : i32
    %dma_wait3A_1137 = tpu.memref_slice %arg8[%dma_wait3A_1136] : memref<16384xf32, #tpu.memory_space<vmem>> -> memref<512xf32, #tpu.memory_space<vmem>>
    tpu.wait_dma2 semaphore(%arg12 : memref<!tpu.dma_semaphore, #tpu.memory_space<semaphore_mem>>) src(%dma_wait3A_1137 : memref<512xf32, #tpu.memory_space<vmem>>) dst(%dma_wait3A_1135 : memref<512xf32, #tpu.memory_space<hbm>>)
    %dma_wait3A_1138 = arith.constant 15 : i32
    %dma_wait3A_1139 = arith.constant 7680 : i32
    %dma_wait3A_1140 = tpu.memref_slice %arg8[%dma_wait3A_1139] : memref<16384xf32, #tpu.memory_space<vmem>> -> memref<512xf32, #tpu.memory_space<vmem>>
    %dma_wait3A_1141 = tpu.memref_slice %arg5[%dma_wait3A_1138, %mul3A_2] : memref<32x16384xf32, #tpu.memory_space<hbm>> -> memref<1x512xf32, #tpu.memory_space<hbm>>
    %dma_wait3A_1142 = tpu.memref_squeeze %dma_wait3A_1141 : memref<1x512xf32, #tpu.memory_space<hbm>> -> memref<512xf32, #tpu.memory_space<hbm>>
    %dma_wait3A_1143 = tpu.memref_slice %arg5[%dma_wait3A_1138, %mul3A_2] : memref<32x16384xf32, #tpu.memory_space<hbm>> -> memref<1x512xf32, #tpu.memory_space<hbm>>
    %dma_wait3A_1144 = tpu.memref_squeeze %dma_wait3A_1143 : memref<1x512xf32, #tpu.memory_space<hbm>> -> memref<512xf32, #tpu.memory_space<hbm>>
    %dma_wait3A_1145 = arith.constant 7680 : i32
    %dma_wait3A_1146 = tpu.memref_slice %arg8[%dma_wait3A_1145] : memref<16384xf32, #tpu.memory_space<vmem>> -> memref<512xf32, #tpu.memory_space<vmem>>
    tpu.wait_dma2 semaphore(%arg12 : memref<!tpu.dma_semaphore, #tpu.memory_space<semaphore_mem>>) src(%dma_wait3A_1146 : memref<512xf32, #tpu.memory_space<vmem>>) dst(%dma_wait3A_1144 : memref<512xf32, #tpu.memory_space<hbm>>)
    %dma_wait3A_1147 = arith.constant 16 : i32
    %dma_wait3A_1148 = arith.constant 8192 : i32
    %dma_wait3A_1149 = tpu.memref_slice %arg8[%dma_wait3A_1148] : memref<16384xf32, #tpu.memory_space<vmem>> -> memref<512xf32, #tpu.memory_space<vmem>>
    %dma_wait3A_1150 = tpu.memref_slice %arg5[%dma_wait3A_1147, %mul3A_2] : memref<32x16384xf32, #tpu.memory_space<hbm>> -> memref<1x512xf32, #tpu.memory_space<hbm>>
    %dma_wait3A_1151 = tpu.memref_squeeze %dma_wait3A_1150 : memref<1x512xf32, #tpu.memory_space<hbm>> -> memref<512xf32, #tpu.memory_space<hbm>>
    %dma_wait3A_1152 = tpu.memref_slice %arg5[%dma_wait3A_1147, %mul3A_2] : memref<32x16384xf32, #tpu.memory_space<hbm>> -> memref<1x512xf32, #tpu.memory_space<hbm>>
    %dma_wait3A_1153 = tpu.memref_squeeze %dma_wait3A_1152 : memref<1x512xf32, #tpu.memory_space<hbm>> -> memref<512xf32, #tpu.memory_space<hbm>>
    %dma_wait3A_1154 = arith.constant 8192 : i32
    %dma_wait3A_1155 = tpu.memref_slice %arg8[%dma_wait3A_1154] : memref<16384xf32, #tpu.memory_space<vmem>> -> memref<512xf32, #tpu.memory_space<vmem>>
    tpu.wait_dma2 semaphore(%arg12 : memref<!tpu.dma_semaphore, #tpu.memory_space<semaphore_mem>>) src(%dma_wait3A_1155 : memref<512xf32, #tpu.memory_space<vmem>>) dst(%dma_wait3A_1153 : memref<512xf32, #tpu.memory_space<hbm>>)
    %dma_wait3A_1156 = arith.constant 17 : i32
    %dma_wait3A_1157 = arith.constant 8704 : i32
    %dma_wait3A_1158 = tpu.memref_slice %arg8[%dma_wait3A_1157] : memref<16384xf32, #tpu.memory_space<vmem>> -> memref<512xf32, #tpu.memory_space<vmem>>
    %dma_wait3A_1159 = tpu.memref_slice %arg5[%dma_wait3A_1156, %mul3A_2] : memref<32x16384xf32, #tpu.memory_space<hbm>> -> memref<1x512xf32, #tpu.memory_space<hbm>>
    %dma_wait3A_1160 = tpu.memref_squeeze %dma_wait3A_1159 : memref<1x512xf32, #tpu.memory_space<hbm>> -> memref<512xf32, #tpu.memory_space<hbm>>
    %dma_wait3A_1161 = tpu.memref_slice %arg5[%dma_wait3A_1156, %mul3A_2] : memref<32x16384xf32, #tpu.memory_space<hbm>> -> memref<1x512xf32, #tpu.memory_space<hbm>>
    %dma_wait3A_1162 = tpu.memref_squeeze %dma_wait3A_1161 : memref<1x512xf32, #tpu.memory_space<hbm>> -> memref<512xf32, #tpu.memory_space<hbm>>
    %dma_wait3A_1163 = arith.constant 8704 : i32
    %dma_wait3A_1164 = tpu.memref_slice %arg8[%dma_wait3A_1163] : memref<16384xf32, #tpu.memory_space<vmem>> -> memref<512xf32, #tpu.memory_space<vmem>>
    tpu.wait_dma2 semaphore(%arg12 : memref<!tpu.dma_semaphore, #tpu.memory_space<semaphore_mem>>) src(%dma_wait3A_1164 : memref<512xf32, #tpu.memory_space<vmem>>) dst(%dma_wait3A_1162 : memref<512xf32, #tpu.memory_space<hbm>>)
    %dma_wait3A_1165 = arith.constant 18 : i32
    %dma_wait3A_1166 = arith.constant 9216 : i32
    %dma_wait3A_1167 = tpu.memref_slice %arg8[%dma_wait3A_1166] : memref<16384xf32, #tpu.memory_space<vmem>> -> memref<512xf32, #tpu.memory_space<vmem>>
    %dma_wait3A_1168 = tpu.memref_slice %arg5[%dma_wait3A_1165, %mul3A_2] : memref<32x16384xf32, #tpu.memory_space<hbm>> -> memref<1x512xf32, #tpu.memory_space<hbm>>
    %dma_wait3A_1169 = tpu.memref_squeeze %dma_wait3A_1168 : memref<1x512xf32, #tpu.memory_space<hbm>> -> memref<512xf32, #tpu.memory_space<hbm>>
    %dma_wait3A_1170 = tpu.memref_slice %arg5[%dma_wait3A_1165, %mul3A_2] : memref<32x16384xf32, #tpu.memory_space<hbm>> -> memref<1x512xf32, #tpu.memory_space<hbm>>
    %dma_wait3A_1171 = tpu.memref_squeeze %dma_wait3A_1170 : memref<1x512xf32, #tpu.memory_space<hbm>> -> memref<512xf32, #tpu.memory_space<hbm>>
    %dma_wait3A_1172 = arith.constant 9216 : i32
    %dma_wait3A_1173 = tpu.memref_slice %arg8[%dma_wait3A_1172] : memref<16384xf32, #tpu.memory_space<vmem>> -> memref<512xf32, #tpu.memory_space<vmem>>
    tpu.wait_dma2 semaphore(%arg12 : memref<!tpu.dma_semaphore, #tpu.memory_space<semaphore_mem>>) src(%dma_wait3A_1173 : memref<512xf32, #tpu.memory_space<vmem>>) dst(%dma_wait3A_1171 : memref<512xf32, #tpu.memory_space<hbm>>)
    %dma_wait3A_1174 = arith.constant 19 : i32
    %dma_wait3A_1175 = arith.constant 9728 : i32
    %dma_wait3A_1176 = tpu.memref_slice %arg8[%dma_wait3A_1175] : memref<16384xf32, #tpu.memory_space<vmem>> -> memref<512xf32, #tpu.memory_space<vmem>>
    %dma_wait3A_1177 = tpu.memref_slice %arg5[%dma_wait3A_1174, %mul3A_2] : memref<32x16384xf32, #tpu.memory_space<hbm>> -> memref<1x512xf32, #tpu.memory_space<hbm>>
    %dma_wait3A_1178 = tpu.memref_squeeze %dma_wait3A_1177 : memref<1x512xf32, #tpu.memory_space<hbm>> -> memref<512xf32, #tpu.memory_space<hbm>>
    %dma_wait3A_1179 = tpu.memref_slice %arg5[%dma_wait3A_1174, %mul3A_2] : memref<32x16384xf32, #tpu.memory_space<hbm>> -> memref<1x512xf32, #tpu.memory_space<hbm>>
    %dma_wait3A_1180 = tpu.memref_squeeze %dma_wait3A_1179 : memref<1x512xf32, #tpu.memory_space<hbm>> -> memref<512xf32, #tpu.memory_space<hbm>>
    %dma_wait3A_1181 = arith.constant 9728 : i32
    %dma_wait3A_1182 = tpu.memref_slice %arg8[%dma_wait3A_1181] : memref<16384xf32, #tpu.memory_space<vmem>> -> memref<512xf32, #tpu.memory_space<vmem>>
    tpu.wait_dma2 semaphore(%arg12 : memref<!tpu.dma_semaphore, #tpu.memory_space<semaphore_mem>>) src(%dma_wait3A_1182 : memref<512xf32, #tpu.memory_space<vmem>>) dst(%dma_wait3A_1180 : memref<512xf32, #tpu.memory_space<hbm>>)
    %dma_wait3A_1183 = arith.constant 20 : i32
    %dma_wait3A_1184 = arith.constant 10240 : i32
    %dma_wait3A_1185 = tpu.memref_slice %arg8[%dma_wait3A_1184] : memref<16384xf32, #tpu.memory_space<vmem>> -> memref<512xf32, #tpu.memory_space<vmem>>
    %dma_wait3A_1186 = tpu.memref_slice %arg5[%dma_wait3A_1183, %mul3A_2] : memref<32x16384xf32, #tpu.memory_space<hbm>> -> memref<1x512xf32, #tpu.memory_space<hbm>>
    %dma_wait3A_1187 = tpu.memref_squeeze %dma_wait3A_1186 : memref<1x512xf32, #tpu.memory_space<hbm>> -> memref<512xf32, #tpu.memory_space<hbm>>
    %dma_wait3A_1188 = tpu.memref_slice %arg5[%dma_wait3A_1183, %mul3A_2] : memref<32x16384xf32, #tpu.memory_space<hbm>> -> memref<1x512xf32, #tpu.memory_space<hbm>>
    %dma_wait3A_1189 = tpu.memref_squeeze %dma_wait3A_1188 : memref<1x512xf32, #tpu.memory_space<hbm>> -> memref<512xf32, #tpu.memory_space<hbm>>
    %dma_wait3A_1190 = arith.constant 10240 : i32
    %dma_wait3A_1191 = tpu.memref_slice %arg8[%dma_wait3A_1190] : memref<16384xf32, #tpu.memory_space<vmem>> -> memref<512xf32, #tpu.memory_space<vmem>>
    tpu.wait_dma2 semaphore(%arg12 : memref<!tpu.dma_semaphore, #tpu.memory_space<semaphore_mem>>) src(%dma_wait3A_1191 : memref<512xf32, #tpu.memory_space<vmem>>) dst(%dma_wait3A_1189 : memref<512xf32, #tpu.memory_space<hbm>>)
    %dma_wait3A_1192 = arith.constant 21 : i32
    %dma_wait3A_1193 = arith.constant 10752 : i32
    %dma_wait3A_1194 = tpu.memref_slice %arg8[%dma_wait3A_1193] : memref<16384xf32, #tpu.memory_space<vmem>> -> memref<512xf32, #tpu.memory_space<vmem>>
    %dma_wait3A_1195 = tpu.memref_slice %arg5[%dma_wait3A_1192, %mul3A_2] : memref<32x16384xf32, #tpu.memory_space<hbm>> -> memref<1x512xf32, #tpu.memory_space<hbm>>
    %dma_wait3A_1196 = tpu.memref_squeeze %dma_wait3A_1195 : memref<1x512xf32, #tpu.memory_space<hbm>> -> memref<512xf32, #tpu.memory_space<hbm>>
    %dma_wait3A_1197 = tpu.memref_slice %arg5[%dma_wait3A_1192, %mul3A_2] : memref<32x16384xf32, #tpu.memory_space<hbm>> -> memref<1x512xf32, #tpu.memory_space<hbm>>
    %dma_wait3A_1198 = tpu.memref_squeeze %dma_wait3A_1197 : memref<1x512xf32, #tpu.memory_space<hbm>> -> memref<512xf32, #tpu.memory_space<hbm>>
    %dma_wait3A_1199 = arith.constant 10752 : i32
    %dma_wait3A_1200 = tpu.memref_slice %arg8[%dma_wait3A_1199] : memref<16384xf32, #tpu.memory_space<vmem>> -> memref<512xf32, #tpu.memory_space<vmem>>
    tpu.wait_dma2 semaphore(%arg12 : memref<!tpu.dma_semaphore, #tpu.memory_space<semaphore_mem>>) src(%dma_wait3A_1200 : memref<512xf32, #tpu.memory_space<vmem>>) dst(%dma_wait3A_1198 : memref<512xf32, #tpu.memory_space<hbm>>)
    %dma_wait3A_1201 = arith.constant 22 : i32
    %dma_wait3A_1202 = arith.constant 11264 : i32
    %dma_wait3A_1203 = tpu.memref_slice %arg8[%dma_wait3A_1202] : memref<16384xf32, #tpu.memory_space<vmem>> -> memref<512xf32, #tpu.memory_space<vmem>>
    %dma_wait3A_1204 = tpu.memref_slice %arg5[%dma_wait3A_1201, %mul3A_2] : memref<32x16384xf32, #tpu.memory_space<hbm>> -> memref<1x512xf32, #tpu.memory_space<hbm>>
    %dma_wait3A_1205 = tpu.memref_squeeze %dma_wait3A_1204 : memref<1x512xf32, #tpu.memory_space<hbm>> -> memref<512xf32, #tpu.memory_space<hbm>>
    %dma_wait3A_1206 = tpu.memref_slice %arg5[%dma_wait3A_1201, %mul3A_2] : memref<32x16384xf32, #tpu.memory_space<hbm>> -> memref<1x512xf32, #tpu.memory_space<hbm>>
    %dma_wait3A_1207 = tpu.memref_squeeze %dma_wait3A_1206 : memref<1x512xf32, #tpu.memory_space<hbm>> -> memref<512xf32, #tpu.memory_space<hbm>>
    %dma_wait3A_1208 = arith.constant 11264 : i32
    %dma_wait3A_1209 = tpu.memref_slice %arg8[%dma_wait3A_1208] : memref<16384xf32, #tpu.memory_space<vmem>> -> memref<512xf32, #tpu.memory_space<vmem>>
    tpu.wait_dma2 semaphore(%arg12 : memref<!tpu.dma_semaphore, #tpu.memory_space<semaphore_mem>>) src(%dma_wait3A_1209 : memref<512xf32, #tpu.memory_space<vmem>>) dst(%dma_wait3A_1207 : memref<512xf32, #tpu.memory_space<hbm>>)
    %dma_wait3A_1210 = arith.constant 23 : i32
    %dma_wait3A_1211 = arith.constant 11776 : i32
    %dma_wait3A_1212 = tpu.memref_slice %arg8[%dma_wait3A_1211] : memref<16384xf32, #tpu.memory_space<vmem>> -> memref<512xf32, #tpu.memory_space<vmem>>
    %dma_wait3A_1213 = tpu.memref_slice %arg5[%dma_wait3A_1210, %mul3A_2] : memref<32x16384xf32, #tpu.memory_space<hbm>> -> memref<1x512xf32, #tpu.memory_space<hbm>>
    %dma_wait3A_1214 = tpu.memref_squeeze %dma_wait3A_1213 : memref<1x512xf32, #tpu.memory_space<hbm>> -> memref<512xf32, #tpu.memory_space<hbm>>
    %dma_wait3A_1215 = tpu.memref_slice %arg5[%dma_wait3A_1210, %mul3A_2] : memref<32x16384xf32, #tpu.memory_space<hbm>> -> memref<1x512xf32, #tpu.memory_space<hbm>>
    %dma_wait3A_1216 = tpu.memref_squeeze %dma_wait3A_1215 : memref<1x512xf32, #tpu.memory_space<hbm>> -> memref<512xf32, #tpu.memory_space<hbm>>
    %dma_wait3A_1217 = arith.constant 11776 : i32
    %dma_wait3A_1218 = tpu.memref_slice %arg8[%dma_wait3A_1217] : memref<16384xf32, #tpu.memory_space<vmem>> -> memref<512xf32, #tpu.memory_space<vmem>>
    tpu.wait_dma2 semaphore(%arg12 : memref<!tpu.dma_semaphore, #tpu.memory_space<semaphore_mem>>) src(%dma_wait3A_1218 : memref<512xf32, #tpu.memory_space<vmem>>) dst(%dma_wait3A_1216 : memref<512xf32, #tpu.memory_space<hbm>>)
    %dma_wait3A_1219 = arith.constant 24 : i32
    %dma_wait3A_1220 = arith.constant 12288 : i32
    %dma_wait3A_1221 = tpu.memref_slice %arg8[%dma_wait3A_1220] : memref<16384xf32, #tpu.memory_space<vmem>> -> memref<512xf32, #tpu.memory_space<vmem>>
    %dma_wait3A_1222 = tpu.memref_slice %arg5[%dma_wait3A_1219, %mul3A_2] : memref<32x16384xf32, #tpu.memory_space<hbm>> -> memref<1x512xf32, #tpu.memory_space<hbm>>
    %dma_wait3A_1223 = tpu.memref_squeeze %dma_wait3A_1222 : memref<1x512xf32, #tpu.memory_space<hbm>> -> memref<512xf32, #tpu.memory_space<hbm>>
    %dma_wait3A_1224 = tpu.memref_slice %arg5[%dma_wait3A_1219, %mul3A_2] : memref<32x16384xf32, #tpu.memory_space<hbm>> -> memref<1x512xf32, #tpu.memory_space<hbm>>
    %dma_wait3A_1225 = tpu.memref_squeeze %dma_wait3A_1224 : memref<1x512xf32, #tpu.memory_space<hbm>> -> memref<512xf32, #tpu.memory_space<hbm>>
    %dma_wait3A_1226 = arith.constant 12288 : i32
    %dma_wait3A_1227 = tpu.memref_slice %arg8[%dma_wait3A_1226] : memref<16384xf32, #tpu.memory_space<vmem>> -> memref<512xf32, #tpu.memory_space<vmem>>
    tpu.wait_dma2 semaphore(%arg12 : memref<!tpu.dma_semaphore, #tpu.memory_space<semaphore_mem>>) src(%dma_wait3A_1227 : memref<512xf32, #tpu.memory_space<vmem>>) dst(%dma_wait3A_1225 : memref<512xf32, #tpu.memory_space<hbm>>)
    %dma_wait3A_1228 = arith.constant 25 : i32
    %dma_wait3A_1229 = arith.constant 12800 : i32
    %dma_wait3A_1230 = tpu.memref_slice %arg8[%dma_wait3A_1229] : memref<16384xf32, #tpu.memory_space<vmem>> -> memref<512xf32, #tpu.memory_space<vmem>>
    %dma_wait3A_1231 = tpu.memref_slice %arg5[%dma_wait3A_1228, %mul3A_2] : memref<32x16384xf32, #tpu.memory_space<hbm>> -> memref<1x512xf32, #tpu.memory_space<hbm>>
    %dma_wait3A_1232 = tpu.memref_squeeze %dma_wait3A_1231 : memref<1x512xf32, #tpu.memory_space<hbm>> -> memref<512xf32, #tpu.memory_space<hbm>>
    %dma_wait3A_1233 = tpu.memref_slice %arg5[%dma_wait3A_1228, %mul3A_2] : memref<32x16384xf32, #tpu.memory_space<hbm>> -> memref<1x512xf32, #tpu.memory_space<hbm>>
    %dma_wait3A_1234 = tpu.memref_squeeze %dma_wait3A_1233 : memref<1x512xf32, #tpu.memory_space<hbm>> -> memref<512xf32, #tpu.memory_space<hbm>>
    %dma_wait3A_1235 = arith.constant 12800 : i32
    %dma_wait3A_1236 = tpu.memref_slice %arg8[%dma_wait3A_1235] : memref<16384xf32, #tpu.memory_space<vmem>> -> memref<512xf32, #tpu.memory_space<vmem>>
    tpu.wait_dma2 semaphore(%arg12 : memref<!tpu.dma_semaphore, #tpu.memory_space<semaphore_mem>>) src(%dma_wait3A_1236 : memref<512xf32, #tpu.memory_space<vmem>>) dst(%dma_wait3A_1234 : memref<512xf32, #tpu.memory_space<hbm>>)
    %dma_wait3A_1237 = arith.constant 26 : i32
    %dma_wait3A_1238 = arith.constant 13312 : i32
    %dma_wait3A_1239 = tpu.memref_slice %arg8[%dma_wait3A_1238] : memref<16384xf32, #tpu.memory_space<vmem>> -> memref<512xf32, #tpu.memory_space<vmem>>
    %dma_wait3A_1240 = tpu.memref_slice %arg5[%dma_wait3A_1237, %mul3A_2] : memref<32x16384xf32, #tpu.memory_space<hbm>> -> memref<1x512xf32, #tpu.memory_space<hbm>>
    %dma_wait3A_1241 = tpu.memref_squeeze %dma_wait3A_1240 : memref<1x512xf32, #tpu.memory_space<hbm>> -> memref<512xf32, #tpu.memory_space<hbm>>
    %dma_wait3A_1242 = tpu.memref_slice %arg5[%dma_wait3A_1237, %mul3A_2] : memref<32x16384xf32, #tpu.memory_space<hbm>> -> memref<1x512xf32, #tpu.memory_space<hbm>>
    %dma_wait3A_1243 = tpu.memref_squeeze %dma_wait3A_1242 : memref<1x512xf32, #tpu.memory_space<hbm>> -> memref<512xf32, #tpu.memory_space<hbm>>
    %dma_wait3A_1244 = arith.constant 13312 : i32
    %dma_wait3A_1245 = tpu.memref_slice %arg8[%dma_wait3A_1244] : memref<16384xf32, #tpu.memory_space<vmem>> -> memref<512xf32, #tpu.memory_space<vmem>>
    tpu.wait_dma2 semaphore(%arg12 : memref<!tpu.dma_semaphore, #tpu.memory_space<semaphore_mem>>) src(%dma_wait3A_1245 : memref<512xf32, #tpu.memory_space<vmem>>) dst(%dma_wait3A_1243 : memref<512xf32, #tpu.memory_space<hbm>>)
    %dma_wait3A_1246 = arith.constant 27 : i32
    %dma_wait3A_1247 = arith.constant 13824 : i32
    %dma_wait3A_1248 = tpu.memref_slice %arg8[%dma_wait3A_1247] : memref<16384xf32, #tpu.memory_space<vmem>> -> memref<512xf32, #tpu.memory_space<vmem>>
    %dma_wait3A_1249 = tpu.memref_slice %arg5[%dma_wait3A_1246, %mul3A_2] : memref<32x16384xf32, #tpu.memory_space<hbm>> -> memref<1x512xf32, #tpu.memory_space<hbm>>
    %dma_wait3A_1250 = tpu.memref_squeeze %dma_wait3A_1249 : memref<1x512xf32, #tpu.memory_space<hbm>> -> memref<512xf32, #tpu.memory_space<hbm>>
    %dma_wait3A_1251 = tpu.memref_slice %arg5[%dma_wait3A_1246, %mul3A_2] : memref<32x16384xf32, #tpu.memory_space<hbm>> -> memref<1x512xf32, #tpu.memory_space<hbm>>
    %dma_wait3A_1252 = tpu.memref_squeeze %dma_wait3A_1251 : memref<1x512xf32, #tpu.memory_space<hbm>> -> memref<512xf32, #tpu.memory_space<hbm>>
    %dma_wait3A_1253 = arith.constant 13824 : i32
    %dma_wait3A_1254 = tpu.memref_slice %arg8[%dma_wait3A_1253] : memref<16384xf32, #tpu.memory_space<vmem>> -> memref<512xf32, #tpu.memory_space<vmem>>
    tpu.wait_dma2 semaphore(%arg12 : memref<!tpu.dma_semaphore, #tpu.memory_space<semaphore_mem>>) src(%dma_wait3A_1254 : memref<512xf32, #tpu.memory_space<vmem>>) dst(%dma_wait3A_1252 : memref<512xf32, #tpu.memory_space<hbm>>)
    %dma_wait3A_1255 = arith.constant 28 : i32
    %dma_wait3A_1256 = arith.constant 14336 : i32
    %dma_wait3A_1257 = tpu.memref_slice %arg8[%dma_wait3A_1256] : memref<16384xf32, #tpu.memory_space<vmem>> -> memref<512xf32, #tpu.memory_space<vmem>>
    %dma_wait3A_1258 = tpu.memref_slice %arg5[%dma_wait3A_1255, %mul3A_2] : memref<32x16384xf32, #tpu.memory_space<hbm>> -> memref<1x512xf32, #tpu.memory_space<hbm>>
    %dma_wait3A_1259 = tpu.memref_squeeze %dma_wait3A_1258 : memref<1x512xf32, #tpu.memory_space<hbm>> -> memref<512xf32, #tpu.memory_space<hbm>>
    %dma_wait3A_1260 = tpu.memref_slice %arg5[%dma_wait3A_1255, %mul3A_2] : memref<32x16384xf32, #tpu.memory_space<hbm>> -> memref<1x512xf32, #tpu.memory_space<hbm>>
    %dma_wait3A_1261 = tpu.memref_squeeze %dma_wait3A_1260 : memref<1x512xf32, #tpu.memory_space<hbm>> -> memref<512xf32, #tpu.memory_space<hbm>>
    %dma_wait3A_1262 = arith.constant 14336 : i32
    %dma_wait3A_1263 = tpu.memref_slice %arg8[%dma_wait3A_1262] : memref<16384xf32, #tpu.memory_space<vmem>> -> memref<512xf32, #tpu.memory_space<vmem>>
    tpu.wait_dma2 semaphore(%arg12 : memref<!tpu.dma_semaphore, #tpu.memory_space<semaphore_mem>>) src(%dma_wait3A_1263 : memref<512xf32, #tpu.memory_space<vmem>>) dst(%dma_wait3A_1261 : memref<512xf32, #tpu.memory_space<hbm>>)
    %dma_wait3A_1264 = arith.constant 29 : i32
    %dma_wait3A_1265 = arith.constant 14848 : i32
    %dma_wait3A_1266 = tpu.memref_slice %arg8[%dma_wait3A_1265] : memref<16384xf32, #tpu.memory_space<vmem>> -> memref<512xf32, #tpu.memory_space<vmem>>
    %dma_wait3A_1267 = tpu.memref_slice %arg5[%dma_wait3A_1264, %mul3A_2] : memref<32x16384xf32, #tpu.memory_space<hbm>> -> memref<1x512xf32, #tpu.memory_space<hbm>>
    %dma_wait3A_1268 = tpu.memref_squeeze %dma_wait3A_1267 : memref<1x512xf32, #tpu.memory_space<hbm>> -> memref<512xf32, #tpu.memory_space<hbm>>
    %dma_wait3A_1269 = tpu.memref_slice %arg5[%dma_wait3A_1264, %mul3A_2] : memref<32x16384xf32, #tpu.memory_space<hbm>> -> memref<1x512xf32, #tpu.memory_space<hbm>>
    %dma_wait3A_1270 = tpu.memref_squeeze %dma_wait3A_1269 : memref<1x512xf32, #tpu.memory_space<hbm>> -> memref<512xf32, #tpu.memory_space<hbm>>
    %dma_wait3A_1271 = arith.constant 14848 : i32
    %dma_wait3A_1272 = tpu.memref_slice %arg8[%dma_wait3A_1271] : memref<16384xf32, #tpu.memory_space<vmem>> -> memref<512xf32, #tpu.memory_space<vmem>>
    tpu.wait_dma2 semaphore(%arg12 : memref<!tpu.dma_semaphore, #tpu.memory_space<semaphore_mem>>) src(%dma_wait3A_1272 : memref<512xf32, #tpu.memory_space<vmem>>) dst(%dma_wait3A_1270 : memref<512xf32, #tpu.memory_space<hbm>>)
    %dma_wait3A_1273 = arith.constant 30 : i32
    %dma_wait3A_1274 = arith.constant 15360 : i32
    %dma_wait3A_1275 = tpu.memref_slice %arg8[%dma_wait3A_1274] : memref<16384xf32, #tpu.memory_space<vmem>> -> memref<512xf32, #tpu.memory_space<vmem>>
    %dma_wait3A_1276 = tpu.memref_slice %arg5[%dma_wait3A_1273, %mul3A_2] : memref<32x16384xf32, #tpu.memory_space<hbm>> -> memref<1x512xf32, #tpu.memory_space<hbm>>
    %dma_wait3A_1277 = tpu.memref_squeeze %dma_wait3A_1276 : memref<1x512xf32, #tpu.memory_space<hbm>> -> memref<512xf32, #tpu.memory_space<hbm>>
    %dma_wait3A_1278 = tpu.memref_slice %arg5[%dma_wait3A_1273, %mul3A_2] : memref<32x16384xf32, #tpu.memory_space<hbm>> -> memref<1x512xf32, #tpu.memory_space<hbm>>
    %dma_wait3A_1279 = tpu.memref_squeeze %dma_wait3A_1278 : memref<1x512xf32, #tpu.memory_space<hbm>> -> memref<512xf32, #tpu.memory_space<hbm>>
    %dma_wait3A_1280 = arith.constant 15360 : i32
    %dma_wait3A_1281 = tpu.memref_slice %arg8[%dma_wait3A_1280] : memref<16384xf32, #tpu.memory_space<vmem>> -> memref<512xf32, #tpu.memory_space<vmem>>
    tpu.wait_dma2 semaphore(%arg12 : memref<!tpu.dma_semaphore, #tpu.memory_space<semaphore_mem>>) src(%dma_wait3A_1281 : memref<512xf32, #tpu.memory_space<vmem>>) dst(%dma_wait3A_1279 : memref<512xf32, #tpu.memory_space<hbm>>)
    %dma_wait3A_1282 = arith.constant 31 : i32
    %dma_wait3A_1283 = arith.constant 15872 : i32
    %dma_wait3A_1284 = tpu.memref_slice %arg8[%dma_wait3A_1283] : memref<16384xf32, #tpu.memory_space<vmem>> -> memref<512xf32, #tpu.memory_space<vmem>>
    %dma_wait3A_1285 = tpu.memref_slice %arg5[%dma_wait3A_1282, %mul3A_2] : memref<32x16384xf32, #tpu.memory_space<hbm>> -> memref<1x512xf32, #tpu.memory_space<hbm>>
    %dma_wait3A_1286 = tpu.memref_squeeze %dma_wait3A_1285 : memref<1x512xf32, #tpu.memory_space<hbm>> -> memref<512xf32, #tpu.memory_space<hbm>>
    %dma_wait3A_1287 = tpu.memref_slice %arg5[%dma_wait3A_1282, %mul3A_2] : memref<32x16384xf32, #tpu.memory_space<hbm>> -> memref<1x512xf32, #tpu.memory_space<hbm>>
    %dma_wait3A_1288 = tpu.memref_squeeze %dma_wait3A_1287 : memref<1x512xf32, #tpu.memory_space<hbm>> -> memref<512xf32, #tpu.memory_space<hbm>>
    %dma_wait3A_1289 = arith.constant 15872 : i32
    %dma_wait3A_1290 = tpu.memref_slice %arg8[%dma_wait3A_1289] : memref<16384xf32, #tpu.memory_space<vmem>> -> memref<512xf32, #tpu.memory_space<vmem>>
    tpu.wait_dma2 semaphore(%arg12 : memref<!tpu.dma_semaphore, #tpu.memory_space<semaphore_mem>>) src(%dma_wait3A_1290 : memref<512xf32, #tpu.memory_space<vmem>>) dst(%dma_wait3A_1288 : memref<512xf32, #tpu.memory_space<hbm>>)
    return
  }
}

</mosaic_0001>

<sc_bundles>
// kernel: kernel.3.cloned.1.call-start
scs
__scs_entry_jumppad:
0x0: {  	(pc) =	sbr.rel $0x88, $3  }
0x1: {  	(tag) =	ssettag $0x0;
	lr =	simm.s32 $0x1  }
0x2: {  	[smem:$0x3F9F] =	sst lr;
	_ =	strace $0xD0000000  }
0x3: {  	_ = 	snop  }
0x4: {  	_ = 	snop  }
0x5: {  	_ = 	snop  }
0x6: {  	_ = 	snop  }
0x7: {  	_ = 	snop  }
__scs_overlays_trampoline_lowered:
0x8: {  	[smem:$0x3FAE] =	sst s0  }
0x9: {  	[smem:$0x3FAF] =	sst s1  }
0xa: {  	[smem:$0x3FB0] =	sst s2  }
0xb: {  	[smem:$0x3FB1] =	sst s3  }
0xc: {  	[smem:$0x3FB2] =	sst s4  }
0xd: {  	[smem:$0x3FB3] =	sst s5  }
0xe: {  	[smem:$0x3FB4] =	sst s6  }
0xf: {  	[smem:$0x3FB5] =	sst s7  }
0x10: {  	[smem:$0x3FB6] =	sst s8  }
0x11: {  	[smem:$0x3FB7] =	sst s9;
	s0 =	simm.s32 @!p0 $0x0  }
0x12: {  	s1 =	sld [smem:$0x3F9D];
	s0 =	simm.s32 @p0 $0x1  }
0x13: {  	[smem:$0x3FB8] =	sst s0;
	s0 =	simm.s32 @!p1 $0x0  }
0x14: {  	s2 =	sld [smem:$0x3F9C];
	s0 =	simm.s32 @p1 $0x1  }
0x15: {  	[smem:$0x3FB9] =	sst s0;
	s0 =	simm.s32 @!p2 $0x0  }
0x16: {  	s3 =	sld [smem:$0x3FDB];
	s0 =	simm.s32 @p2 $0x1  }
0x17: {  	s4 =	simm.s32 $0x1BF5;
	[smem:$0x3FBB] =	sst s0  }
0x18: {  	s0 =	sld [smem:$0x3F9E];
	_ =	swait.ge [sflag:s4], $0x0  }
0x19: {  	s7 =	sld [smem:$0x3F9F]  }
0x1a: {  	s8 =	sadd.s32 $0xFFFFE003, lr  }
0x1b: {  	s9 =	sadd.s32 $0xFFFFFEF7, lr;
	s5 =	simm.s32 $0xFFFFFFFF;
	p2 =	slt.u32 s8, $0xFFFFF086  }
0x1c: {  	p1 =	slt.u32 s9, $0xF7A;
	s5 =	simm.s32 @!p2 $0x0  }
0x1d: {  	s5 =	simm.s32 @p1 $0x1;
	p0 =	seq.s32 s7, s2  }
0x1e: {  	s7 =	smul.u32 @!p0 $0xF7A, s2;
	p2 =	seq.s32 @!p0 s5, $0x0  }
0x1f: {  	s9 =	smul.u32 $0xF7A, s1;
	s8 =	simm.s32 @!p0 $0x1BF5;
	p2 =	por !p2, p0  }
0x20: {  	[sflag:s8] =	ssyncset.s32 @!p0 $0xFFFFF086;
	s6 =	sadd.s32 @!p0 s3, s7;
	s7 =	simm.s32 @!p0 $0x108  }
0x21: {  	s3 =	sadd.s32 s3, s9;
	s6 =	sadd.s32 @!p0 $0x88, s6;
	s7 =	simm.s32 @p2 $0x1082  }
0x22: {  	[simem:s7], [sflag:s8] =	dma.local @!p0 [hbm:s6], $0xF7A  }
0x23: {  	s9 =	sor.u32 $0xD0000000, s2;
	s6 =	simm.s32 $0x108;
	_ =	swait.ge @!p0 [sflag:s8], $0x0  }
0x24: {  	s3 =	sadd.s32 $0x88, s3;
	s6 =	simm.s32 @!p1 $0x1082;
	[sflag:s4] =	ssyncset.s32 $0xFFFFF086  }
0x25: {  	[simem:s6], [sflag:s4] =	dma.local [hbm:s3], $0xF7A  }
0x26: {  	[smem:$0x3F9F] =	sst s1;
	(tag) =	ssettag s2;
	_ =	strace s9  }
0x27: {  	s1 =	sld [smem:$0x3FAF]  }
0x28: {  	s2 =	sld [smem:$0x3FB0]  }
0x29: {  	s4 =	sld [smem:$0x3FB2]  }
0x2a: {  	p0 =	seq.s32 s5, $0x0;
	s5 =	sld [smem:$0x3FB3]  }
0x2b: {  	s6 =	sld [smem:$0x3FB4]  }
0x2c: {  	s7 =	sld [smem:$0x3FB5]  }
0x2d: {  	s3 =	simm.s32 $0x108;
	s8 =	sld [smem:$0x3FB6]  }
0x2e: {  	s3 =	simm.s32 @!p0 $0x1082;
	s9 =	sld [smem:$0x3FB7]  }
0x2f: {  	lr =	sadd.s32 s0, s3;
	s0 =	sld [smem:$0x3FAE]  }
0x30: {  	s3 =	sld [smem:$0x3FB1]  }
0x31: {  	[smem:$0x3FBA] =	sst s10  }
0x32: {  	s10 =	sld [smem:$0x3FB8];
	_ =	sdelay $0x3  }
0x33: {  	p0 =	seq.s32 s10, $0x1;
	s10 =	sld [smem:$0x3FBA];
	_ =	sdelay $0x3  }
0x34: {  	[smem:$0x3FBA] =	sst s10  }
0x35: {  	s10 =	sld [smem:$0x3FB9];
	_ =	sdelay $0x3  }
0x36: {  	p1 =	seq.s32 s10, $0x1;
	s10 =	sld [smem:$0x3FBA];
	_ =	sdelay $0x3  }
0x37: {  	[smem:$0x3FBA] =	sst s10  }
0x38: {  	s10 =	sld [smem:$0x3FBB]  }
0x39: {  	_ = 	snop;
	(pc) =	sbr.ind lr, $3  }
0x3a: {  	_ = 	snop  }
0x3b: {  	_ = 	snop  }
0x3c: {  	p2 =	seq.s32 s10, $0x1;
	s10 =	sld [smem:$0x3FBA]  }
0x3d: {  	_ =	shalt  }
0x3e: {  	_ =	shalt  }
0x3f: {  	_ =	shalt  }
0x40: {  	_ =	shalt  }
0x41: {  	_ =	shalt  }
0x42: {  	_ =	shalt  }
0x43: {  	_ =	shalt  }
0x44: {  	_ =	shalt  }
0x45: {  	_ =	shalt  }
0x46: {  	_ =	shalt  }
0x47: {  	_ =	shalt  }
0x48: {  	_ =	shalt  }
0x49: {  	_ =	shalt  }
0x4a: {  	_ =	shalt  }
0x4b: {  	_ =	shalt  }
0x4c: {  	_ =	shalt  }
0x4d: {  	_ =	shalt  }
0x4e: {  	_ =	shalt  }
0x4f: {  	_ =	shalt  }
0x50: {  	_ =	shalt  }
0x51: {  	_ =	shalt  }
0x52: {  	_ =	shalt  }
0x53: {  	_ =	shalt  }
0x54: {  	_ =	shalt  }
0x55: {  	_ =	shalt  }
0x56: {  	_ =	shalt  }
0x57: {  	_ =	shalt  }
0x58: {  	_ =	shalt  }
0x59: {  	_ =	shalt  }
0x5a: {  	_ =	shalt  }
0x5b: {  	_ =	shalt  }
0x5c: {  	_ =	shalt  }
0x5d: {  	_ =	shalt  }
0x5e: {  	_ =	shalt  }
0x5f: {  	_ =	shalt  }
0x60: {  	_ =	shalt  }
0x61: {  	_ =	shalt  }
0x62: {  	_ =	shalt  }
0x63: {  	_ =	shalt  }
0x64: {  	_ =	shalt  }
0x65: {  	_ =	shalt  }
0x66: {  	_ =	shalt  }
0x67: {  	_ =	shalt  }
0x68: {  	_ =	shalt  }
0x69: {  	_ =	shalt  }
0x6a: {  	_ =	shalt  }
0x6b: {  	_ =	shalt  }
0x6c: {  	_ =	shalt  }
0x6d: {  	_ =	shalt  }
0x6e: {  	_ =	shalt  }
0x6f: {  	_ =	shalt  }
0x70: {  	_ =	shalt  }
0x71: {  	_ =	shalt  }
0x72: {  	_ =	shalt  }
0x73: {  	_ =	shalt  }
0x74: {  	_ =	shalt  }
0x75: {  	_ =	shalt  }
0x76: {  	_ =	shalt  }
0x77: {  	_ =	shalt  }
0x78: {  	_ =	shalt  }
0x79: {  	_ =	shalt  }
0x7a: {  	_ =	shalt  }
0x7b: {  	_ =	shalt  }
0x7c: {  	_ =	shalt  }
0x7d: {  	_ =	shalt  }
0x7e: {  	_ =	shalt  }
0x7f: {  	_ =	shalt  }
0x80: {  	_ =	shalt  }
0x81: {  	_ =	shalt  }
0x82: {  	_ =	shalt  }
0x83: {  	_ =	shalt  }
0x84: {  	_ =	shalt  }
0x85: {  	_ =	shalt  }
0x86: {  	_ =	shalt  }
0x87: {  	_ =	shalt  }
.Lfunc_end0:
.L_simem_size_0:
called_computation_lowered:
.L_overlay_start_0:
0x88: {  	s2 =	sld [smem:$0x3FD9]  }
0x89: {  	s3 =	sld [smem:$0x3FFE];
	_ =	sdelay $0x1  }
0x8a: {  	s1 =	srdreg.scid  }
0x8b: {  	s0 =	sand.u32 $0x1, s1  }
0x8c: {  	s18 =	sshll.u32 s0, $0xA;
	s2 =	sadd.s32 s3, s2  }
0x8d: {  	s2 =	sadd.s32 s2, s18  }
0x8e: {  	[smem:$0x3FC6] =	sst s2  }
0x8f: {  	_ = 	snop  }
0x90: {  	s2 =	sld [smem:$0x3FC9]  }
0x91: {  	s19 =	sld [smem:$0x3FC8]  }
0x92: {  	s4 =	sld [smem:$0x3FD0];
	(tm) =	ssettm $0x1  }
0x93: {  	s5 =	sld [smem:$0x3FFB];
	_ =	sdelay $0x3  }
0x94: {  	_ =	strace s5  }
0x95: {  	s5 =	sld [smem:$0x3FFC];
	_ =	sdelay $0x3  }
0x96: {  	_ =	strace s5  }
0x97: {  	s5 =	sld [smem:$0x3FFD];
	_ =	sdelay $0x3  }
0x98: {  	_ =	strace s5  }
0x99: {  	_ =	strace $0x8FFFFFFF  }
0x9a: {  	s20 =	sld [smem:$0x3FDB];
	_ =	sdelay $0x1  }
0x9b: {  	s6 =	simm.s32 $_scs_section_size  }
0x9c: {  	s7 =	simm.s32 $_size__tile_overlayer_lowered;
	s8 =	simm.s32 $_tile_overlayer_lowered  }
0x9d: {  	s23 =	simm.s32 $0x1BFF;
	s22 =	sshll.u32 s8, $0x1;
	s5 =	sadd.s32 s6, s20  }
0x9e: {  	s9 =	simm.s32 $0x0;
	s21 =	sshll.u32 s7, $0x1;
	s7 =	sadd.s32 s22, s5  }
0x9f: {  	[timem:s9], [sflag:s23] =	dma.local [hbm:s7], s21  }
0xa0: {  	_ =	swait.ge [sflag:s23], s21  }
0xa1: {  	s6 =	ssub.s32 $0x0, s21;
	[sflag:s23] =	ssyncset.done $0x0  }
0xa2: {  	[sflag:s23] =	ssyncadd.s32 s6;
	_ =	sdelay $0x1  }
0xa3: {  	s24 =	simm.s32 $0x1B8B  }
0xa4: {  	_ =	swait.ge [sflag:s24], $0x1  }
0xa5: {  	[sflag:s24] =	ssyncset.done $0x0  }
0xa6: {  	s25 =	simm.s32 $0x1B8E;
	[sflag:s24] =	ssyncadd.s32 $0xFFFFFFFF  }
0xa7: {  	s26 =	simm.s32 $execute0_lowered;
	[smem:$0x3FD2] =	sst s25  }
0xa8: {  	s6 =	sshll.u32 s26, $0x1;
	_ =	strace $0x80000046;
	[dreg:$0x1] =	wrdreg $0xFFFFFFFF  }
0xa9: {  	s28 =	simm.s32 $_size_execute0_lowered;
	s5 =	sadd.s32 s5, s6;
	[dreg:$0x0] =	wrdreg $0x0  }
0xaa: {  	s6 =	sshll.u32 s28, $0x1;
	[dreg:$0x2] =	wrdreg s5  }
0xab: {  	[dreg:$0x3] =	wrdreg s6  }
0xac: {  	[dreg:$0x4] =	wrdreg $0xC0  }
0xad: {  	_ =	task [dreg:s9], $0x5FFFF  }
0xae: {  	[dreg:$0x1] =	wrdreg $0xFFFFFFFF  }
0xaf: {  	[dreg:$0x0] =	wrdreg $0x60  }
0xb0: {  	[dreg:$0x2] =	wrdreg s2  }
0xb1: {  	[dreg:$0x3] =	wrdreg s19  }
0xb2: {  	[dreg:$0x4] =	wrdreg s4  }
0xb3: {  	[dreg:$0x5] =	wrdreg $0x9  }
0xb4: {  	_ =	task.clear_ibuf [dreg:s9], $0x6FFFF;
	_ =	strace $0x90000046  }
0xb5: {  	s29 =	simm.s32 $0x9;
	_ =	strace $0x80000048  }
0xb6: {  	_ =	swait.ge [sflag:s29], $0x1  }
0xb7: {  	[sflag:s29] =	ssyncadd.s32 $0xFFFFFFFF  }
0xb8: {  	_ =	strace $0x90000048  }
0xb9: {  	_ =	sfence  }
0xba: {  	s30 =	sld [smem:$0x0];
	_ =	sdelay $0x2  }
0xbb: {  	s31 =	sshll.u32 s1, $0xD;
	s1 =	sshrl.u32 s1, $0x2  }
0xbc: {  	s3 =	sand.u32 $0x4000, s31;
	s1 =	sadd.s32 s1, s30  }
0xbd: {  	s0 =	sor.u32 s3, s0;
	s1 =	sshll.u32 s1, $0x11  }
0xbe: {  	s0 =	sor.u32 s1, s0  }
0xbf: {  	s0 =	sadd.s32 $0x8F2B, s0  }
0xc0: {  	[sflag:s0] =	ssyncadd.remote.s32 $0x1  }
0xc1: {  	_ =	sfence.sel $0xFFFF  }
0xc2: {  	[dreg:$0x0] =	wrdreg $0xFFFFFFFF;
	(pc) =	sbr.abs _section_cstart, $3  }
0xc3: {  	[dreg:$0x1] =	wrdreg $0xFFFFFFFF  }
0xc4: {  	_ =	task.clear_ibuf [dreg:s9], $0x2FFFF;
	_ =	strace $0x9FFFFFFF  }
0xc5: {  	(tm) =	ssettm $0x7FFFFFFF  }
tec
execute0_lowered:
.L_overlay_start_1:
0x0: {  	(tag) =	ssettag $0x1  }
0x1: {  	s3 =	srdreg.scid  }
0x2: {  	s0 =	rddreg [dreg:$0x0];
	s4 =	stileid.u32;
	s3 =	sand.u32 $0x1, s3  }
0x3: {  	s2 =	rddreg [dreg:$0x1];
	s4 =	sshll.u32 s4, $0xA;
	s5 =	sshll.u32 s3, $0x9  }
0x4: {  	s1 =	rddreg [dreg:$0x2];
	s3 =	ssub.s32 $0x2, s3;
	s4 =	sor.u32 s5, s4  }
0x5: {  	s6 =	simm.s32 $0x0;
	s26 =	sshrl.u32 s3, $0x1;
	s28 =	sshrl.u32 s4, $0x3  }
0x6: {  	[smem:$0x7FF] =	sst s6;
	s3 =	ssub.s32 s3, s26;
	s0 =	sadd.s32 s0, s28  }
0x7: {  	_ =	strace $0x80000047;
	s19 =	smax.u32 s3, $0x1;
	[dreg:$0x4] =	wrdreg s0  }
0x8: {  	s0 =	sadd.s32 s1, s4;
	[dreg:$0x19] =	wrdreg s19  }
0x9: {  	s1 =	sadd.s32 $0x10, s0;
	[dreg:$0x5] =	wrdreg s0  }
0xa: {  	s29 =	sadd.s32 $0x20, s0;
	[dreg:$0x6] =	wrdreg s1  }
0xb: {  	s30 =	sadd.s32 $0x30, s0;
	[dreg:$0x7] =	wrdreg s29  }
0xc: {  	s31 =	sadd.s32 $0x40, s0;
	[dreg:$0x8] =	wrdreg s30  }
0xd: {  	s4 =	sadd.s32 $0x50, s0;
	[dreg:$0x9] =	wrdreg s31  }
0xe: {  	s5 =	sadd.s32 $0x60, s0;
	[dreg:$0xa] =	wrdreg s4  }
0xf: {  	s6 =	sadd.s32 $0x70, s0;
	[dreg:$0xb] =	wrdreg s5  }
0x10: {  	s7 =	sadd.s32 $0x4000, s0;
	[dreg:$0xc] =	wrdreg s6  }
0x11: {  	s8 =	sadd.s32 $0x4010, s0;
	[dreg:$0xd] =	wrdreg s7  }
0x12: {  	s9 =	sadd.s32 $0x4020, s0;
	[dreg:$0xe] =	wrdreg s8  }
0x13: {  	s10 =	sadd.s32 $0x4030, s0;
	[dreg:$0xf] =	wrdreg s9  }
0x14: {  	s11 =	sadd.s32 $0x4040, s0;
	[dreg:$0x10] =	wrdreg s10  }
0x15: {  	s12 =	sadd.s32 $0x4050, s0;
	[dreg:$0x11] =	wrdreg s11  }
0x16: {  	s13 =	sadd.s32 $0x4060, s0;
	[dreg:$0x12] =	wrdreg s12  }
0x17: {  	s14 =	sadd.s32 $0x4070, s0;
	[dreg:$0x13] =	wrdreg s13  }
0x18: {  	s15 =	sadd.s32 $0x8000, s0;
	[dreg:$0x14] =	wrdreg s14  }
0x19: {  	s16 =	sadd.s32 $0x8010, s0;
	[dreg:$0x15] =	wrdreg s15  }
0x1a: {  	s17 =	sadd.s32 $0x8020, s0;
	[dreg:$0x16] =	wrdreg s16  }
0x1b: {  	s18 =	sadd.s32 $0x8030, s0;
	[dreg:$0x17] =	wrdreg s17  }
0x1c: {  	s20 =	sadd.s32 $0x8040, s0;
	[dreg:$0x18] =	wrdreg s18  }
0x1d: {  	s21 =	sadd.s32 $0x8050, s0;
	[dreg:$0x1a] =	wrdreg s20  }
0x1e: {  	s22 =	sadd.s32 $0x8060, s0;
	[dreg:$0x1b] =	wrdreg s21  }
0x1f: {  	v1 =	vlaneseq.u32;
	s23 =	sadd.s32 $0x8070, s0;
	[dreg:$0x1c] =	wrdreg s22  }
0x20: {  	v0 =	vmul.u32 $0x200, v1;
	v1 =	vmul.u32 $0x80, v1;
	s24 =	sadd.s32 $0xC000, s0;
	[dreg:$0x1d] =	wrdreg s23  }
0x21: {  	s25 =	sadd.s32 $0xC010, s0;
	[dreg:$0x1e] =	wrdreg s24  }
0x22: {  	v2 =	vor.u32 $0x2000, v0;
	v3 =	vor.u32 $0x800, v1;
	s3 =	simm.s32 $0x11280;
	s26 =	sadd.s32 $0xC020, s0;
	[dreg:$0x1f] =	wrdreg s25  }
0x23: {  	v4 =	vor.u32 $0x1F0, v0;
	v5 =	vor.u32 $0x21F0, v0;
	v6 =	vor.u32 $0x1F1, v0;
	s19 =	simm.s32 $0x6280;
	s28 =	sadd.s32 $0xC030, s0;
	[smem:$0x7F8] =	sst s26  }
0x24: {  	v7 =	vor.u32 $0x21F1, v0;
	v8 =	vor.u32 $0x1F2, v0;
	v9 =	vor.u32 $0x21F2, v0;
	[smem:$0x7F9] =	sst s28;
	s29 =	sadd.s32 $0xC040, s0;
	s30 =	sadd.s32 $0xC050, s0  }
0x25: {  	v10 =	vor.u32 $0x1F3, v0;
	v11 =	vor.u32 $0x21F3, v0;
	v12 =	vor.u32 $0x1F4, v0;
	s31 =	sadd.s32 $0xC060, s0;
	s0 =	sadd.s32 $0xC070, s0;
	s10 =	simm.s32 $0x400  }
0x26: {  	v13 =	vor.u32 $0x21F4, v0;
	v14 =	vor.u32 $0x1F5, v0;
	s11 =	simm.s32 $0x7A1400;
	s21 =	simm.s32 $0x280;
	s22 =	simm.s32 $0x1280  }
0x27: {  	v15 =	vor.u32 $0x21F5, v0;
	v16 =	vor.u32 $0x1F6, v0;
	v17 =	vor.u32 $0x21F6, v0;
	s23 =	simm.s32 $0x2280;
	s24 =	simm.s32 $0x3280;
	s1 =	simm.s32 $0x10280  }
0x28: {  	v18 =	vor.u32 $0x1F7, v0;
	v19 =	vor.u32 $0x21F7, v0;
	v20 =	vor.u32 $0x1F8, v0;
	s4 =	simm.s32 $0x12280;
	s6 =	simm.s32 $0x13280;
	s12 =	simm.s32 $0x14280  }
.Ltmp0:
0x29: {  	v21 =	vor.u32 $0x21F8, v0;
	v22 =	vor.u32 $0x1F9, v0;
	v23 =	vor.u32 $0x21F9, v0;
	s13 =	simm.s32 $0x15280;
	s14 =	simm.s32 $0x16280;
	(pc) =	sbr.rel .LBB2_1-.Ltmp0, $4  }
0x2a: {  	v24 =	vor.u32 $0x1FA, v0;
	v25 =	vor.u32 $0x21FA, v0;
	v26 =	vor.u32 $0x1FB, v0;
	s15 =	simm.s32 $0x17280;
	s7 =	simm.s32 $0x18280;
	[smem:$0x7FA] =	sst s29  }
0x2b: {  	v27 =	vor.u32 $0x21FB, v0;
	v28 =	vor.u32 $0x1FC, v0;
	v29 =	vor.u32 $0x21FC, v0;
	s8 =	simm.s32 $0x80;
	s9 =	simm.s32 $0x4;
	[smem:$0x7FB] =	sst s30  }
0x2c: {  	v30 =	vor.u32 $0x1FD, v0;
	v31 =	vor.u32 $0x21FD, v0;
	v32 =	vor.u32 $0x1FE, v0;
	s5 =	simm.s32 $0x0;
	s16 =	simm.s32 $0x3280;
	[smem:$0x7FC] =	sst s31  }
0x2d: {  	v33 =	vor.u32 $0x21FE, v0;
	v34 =	vor.u32 $0x1FF, v0;
	v35 =	vor.u32 $0x21FF, v0;
	s17 =	simm.s32 $0x4280;
	s18 =	simm.s32 $0x5280;
	[smem:$0x7FD] =	sst s0  }
.LBB2_11:
0x2e: {  	s0 =	simm.s32 $0x3  }
0x2f: {  	_ =	swait.ge [sflag:s0], $0x8000  }
0x30: {  	[sflag:s0] =	ssyncset.done $0x0  }
0x31: {  	[sflag:s0] =	ssyncadd.s32 $0xFFFF8000  }
0x32: {  	v36 =	vld [tilespmem:$0x1F0];
	_ =	sdelay $0x4  }
0x33: {  	v36 =	vand.u32 $0x7F, v36  }
0x34: {  	v37 =	vbroadcast v36, $0x0;
	_ =	sdelay $0x1  }
0x35: {  	v38 =	vor.u32 v1, v37  }
0x36: {  	v37 =	vor.u32 v3, v37;
	_ =	sdelay $0x2  }
0x37: {  	s14 =	simm.s32 $0x10280  }
0x38: {  	v39 =	vbroadcast v36, $0x1;
	v38 =	vld.idx.msk [tilespmem:v38+s14+$0x0], $0xffff  }
0x39: {  	v37 =	vld.idx.msk [tilespmem:v37+s14+$0x0], $0xffff  }
0x3a: {  	v40 =	vor.u32 v1, v39  }
0x3b: {  	v39 =	vor.u32 v3, v39;
	_ =	sdelay $0x1  }
0x3c: {  	[tilespmem:v4+s7+$0x0] =	vst.idx.msk $0xffff, v38  }
0x3d: {  	s15 =	simm.s32 $0x11280;
	[tilespmem:v5+s7+$0x0] =	vst.idx.msk $0xffff, v37  }
0x3e: {  	v57 =	vbroadcast v36, $0x2;
	v37 =	vld.idx.msk [tilespmem:v40+s15+$0x0], $0xffff  }
0x3f: {  	v39 =	vld.idx.msk [tilespmem:v39+s15+$0x0], $0xffff  }
0x40: {  	v58 =	vor.u32 v1, v57  }
0x41: {  	v38 =	vor.u32 v3, v57;
	_ =	sdelay $0x1  }
0x42: {  	[tilespmem:v6+s7+$0x0] =	vst.idx.msk $0xffff, v37  }
0x43: {  	s20 =	simm.s32 $0x12280;
	[tilespmem:v7+s7+$0x0] =	vst.idx.msk $0xffff, v39  }
0x44: {  	v59 =	vbroadcast v36, $0x3;
	v37 =	vld.idx.msk [tilespmem:v58+s20+$0x0], $0xffff  }
0x45: {  	v38 =	vld.idx.msk [tilespmem:v38+s20+$0x0], $0xffff  }
0x46: {  	v60 =	vor.u32 v1, v59  }
0x47: {  	v39 =	vor.u32 v3, v59;
	_ =	sdelay $0x1  }
0x48: {  	[tilespmem:v8+s7+$0x0] =	vst.idx.msk $0xffff, v37  }
0x49: {  	s21 =	simm.s32 $0x13280;
	[tilespmem:v9+s7+$0x0] =	vst.idx.msk $0xffff, v38  }
0x4a: {  	v61 =	vbroadcast v36, $0x4;
	v37 =	vld.idx.msk [tilespmem:v60+s21+$0x0], $0xffff  }
0x4b: {  	v39 =	vld.idx.msk [tilespmem:v39+s21+$0x0], $0xffff  }
0x4c: {  	v62 =	vor.u32 v1, v61  }
0x4d: {  	v38 =	vor.u32 v3, v61;
	_ =	sdelay $0x1  }
0x4e: {  	[tilespmem:v10+s7+$0x0] =	vst.idx.msk $0xffff, v37  }
0x4f: {  	s22 =	simm.s32 $0x14280;
	[tilespmem:v11+s7+$0x0] =	vst.idx.msk $0xffff, v39  }
0x50: {  	v63 =	vbroadcast v36, $0x5;
	v37 =	vld.idx.msk [tilespmem:v62+s22+$0x0], $0xffff  }
0x51: {  	v38 =	vld.idx.msk [tilespmem:v38+s22+$0x0], $0xffff  }
0x52: {  	v44 =	vor.u32 v1, v63  }
0x53: {  	v39 =	vor.u32 v3, v63;
	_ =	sdelay $0x1  }
0x54: {  	[tilespmem:v12+s7+$0x0] =	vst.idx.msk $0xffff, v37  }
0x55: {  	s23 =	simm.s32 $0x15280;
	[tilespmem:v13+s7+$0x0] =	vst.idx.msk $0xffff, v38  }
0x56: {  	v45 =	vbroadcast v36, $0x6;
	v37 =	vld.idx.msk [tilespmem:v44+s23+$0x0], $0xffff  }
0x57: {  	v39 =	vld.idx.msk [tilespmem:v39+s23+$0x0], $0xffff  }
0x58: {  	v46 =	vor.u32 v1, v45  }
0x59: {  	v38 =	vor.u32 v3, v45;
	_ =	sdelay $0x1  }
0x5a: {  	[tilespmem:v14+s7+$0x0] =	vst.idx.msk $0xffff, v37  }
0x5b: {  	s24 =	simm.s32 $0x16280;
	[tilespmem:v15+s7+$0x0] =	vst.idx.msk $0xffff, v39  }
0x5c: {  	v36 =	vbroadcast v36, $0x7;
	v37 =	vld.idx.msk [tilespmem:v46+s24+$0x0], $0xffff  }
0x5d: {  	v38 =	vld.idx.msk [tilespmem:v38+s24+$0x0], $0xffff  }
0x5e: {  	v47 =	vor.u32 v1, v36  }
0x5f: {  	v36 =	vor.u32 v3, v36;
	_ =	sdelay $0x1  }
0x60: {  	[tilespmem:v16+s7+$0x0] =	vst.idx.msk $0xffff, v37  }
0x61: {  	s25 =	simm.s32 $0x17280;
	[tilespmem:v17+s7+$0x0] =	vst.idx.msk $0xffff, v38  }
0x62: {  	v37 =	vld.idx.msk [tilespmem:v47+s25+$0x0], $0xffff  }
0x63: {  	v36 =	vld.idx.msk [tilespmem:v36+s25+$0x0], $0xffff;
	_ =	sdelay $0x3  }
0x64: {  	[tilespmem:v18+s7+$0x0] =	vst.idx.msk $0xffff, v37  }
0x65: {  	s26 =	simm.s32 $0x1;
	[tilespmem:v19+s7+$0x0] =	vst.idx.msk $0xffff, v36  }
0x66: {  	_ =	swait.ge [sflag:s26], $0x8000  }
0x67: {  	[sflag:s26] =	ssyncset.done $0x0  }
0x68: {  	[sflag:s26] =	ssyncadd.s32 $0xFFFF8000  }
0x69: {  	v48 =	vld [tilespmem:$0x1F8];
	_ =	sdelay $0x4  }
0x6a: {  	v36 =	vand.u32 $0x7F, v48  }
0x6b: {  	v49 =	vbroadcast v36, $0x0;
	_ =	sdelay $0x1  }
0x6c: {  	v50 =	vor.u32 v1, v49  }
0x6d: {  	v37 =	vor.u32 v3, v49;
	_ =	sdelay $0x2  }
0x6e: {  	s21 =	simm.s32 $0x280  }
0x6f: {  	v51 =	vbroadcast v36, $0x1;
	v38 =	vld.idx.msk [tilespmem:v50+s21+$0x0], $0xffff  }
0x70: {  	v37 =	vld.idx.msk [tilespmem:v37+s21+$0x0], $0xffff  }
0x71: {  	v52 =	vor.u32 v1, v51  }
0x72: {  	v39 =	vor.u32 v3, v51;
	_ =	sdelay $0x1  }
0x73: {  	[tilespmem:v20+s7+$0x0] =	vst.idx.msk $0xffff, v38  }
0x74: {  	s22 =	simm.s32 $0x1280;
	[tilespmem:v21+s7+$0x0] =	vst.idx.msk $0xffff, v37  }
0x75: {  	v53 =	vbroadcast v36, $0x2;
	v37 =	vld.idx.msk [tilespmem:v52+s22+$0x0], $0xffff  }
0x76: {  	v39 =	vld.idx.msk [tilespmem:v39+s22+$0x0], $0xffff  }
0x77: {  	v54 =	vor.u32 v1, v53  }
0x78: {  	v38 =	vor.u32 v3, v53;
	_ =	sdelay $0x1  }
0x79: {  	[tilespmem:v22+s7+$0x0] =	vst.idx.msk $0xffff, v37  }
0x7a: {  	s23 =	simm.s32 $0x2280;
	[tilespmem:v23+s7+$0x0] =	vst.idx.msk $0xffff, v39  }
0x7b: {  	v55 =	vbroadcast v36, $0x3;
	v37 =	vld.idx.msk [tilespmem:v54+s23+$0x0], $0xffff  }
0x7c: {  	v38 =	vld.idx.msk [tilespmem:v38+s23+$0x0], $0xffff  }
0x7d: {  	v56 =	vor.u32 v1, v55  }
0x7e: {  	v39 =	vor.u32 v3, v55;
	_ =	sdelay $0x1  }
0x7f: {  	[tilespmem:v24+s7+$0x0] =	vst.idx.msk $0xffff, v37  }
0x80: {  	s24 =	simm.s32 $0x3280;
	[tilespmem:v25+s7+$0x0] =	vst.idx.msk $0xffff, v38  }
0x81: {  	v57 =	vbroadcast v36, $0x4;
	v37 =	vld.idx.msk [tilespmem:v56+s24+$0x0], $0xffff  }
0x82: {  	v39 =	vld.idx.msk [tilespmem:v39+s24+$0x0], $0xffff  }
0x83: {  	v58 =	vor.u32 v1, v57  }
0x84: {  	v38 =	vor.u32 v3, v57;
	_ =	sdelay $0x1  }
0x85: {  	[tilespmem:v26+s7+$0x0] =	vst.idx.msk $0xffff, v37  }
0x86: {  	s28 =	simm.s32 $0x4280;
	[tilespmem:v27+s7+$0x0] =	vst.idx.msk $0xffff, v39  }
0x87: {  	v59 =	vbroadcast v36, $0x5;
	v37 =	vld.idx.msk [tilespmem:v58+s28+$0x0], $0xffff  }
0x88: {  	v38 =	vld.idx.msk [tilespmem:v38+s28+$0x0], $0xffff  }
0x89: {  	v60 =	vor.u32 v1, v59  }
0x8a: {  	v39 =	vor.u32 v3, v59;
	_ =	sdelay $0x1  }
0x8b: {  	[tilespmem:v28+s7+$0x0] =	vst.idx.msk $0xffff, v37  }
0x8c: {  	s29 =	simm.s32 $0x5280;
	[tilespmem:v29+s7+$0x0] =	vst.idx.msk $0xffff, v38  }
0x8d: {  	v61 =	vbroadcast v36, $0x6;
	v37 =	vld.idx.msk [tilespmem:v60+s29+$0x0], $0xffff  }
0x8e: {  	v39 =	vld.idx.msk [tilespmem:v39+s29+$0x0], $0xffff  }
0x8f: {  	v62 =	vor.u32 v1, v61  }
0x90: {  	v38 =	vor.u32 v3, v61;
	_ =	sdelay $0x1  }
0x91: {  	[tilespmem:v30+s7+$0x0] =	vst.idx.msk $0xffff, v37  }
0x92: {  	s30 =	simm.s32 $0x6280;
	[tilespmem:v31+s7+$0x0] =	vst.idx.msk $0xffff, v39  }
0x93: {  	v36 =	vbroadcast v36, $0x7;
	v37 =	vld.idx.msk [tilespmem:v62+s30+$0x0], $0xffff  }
0x94: {  	v38 =	vld.idx.msk [tilespmem:v38+s30+$0x0], $0xffff  }
0x95: {  	v63 =	vor.u32 v1, v36  }
0x96: {  	v36 =	vor.u32 v3, v36;
	_ =	sdelay $0x1  }
0x97: {  	[tilespmem:v32+s7+$0x0] =	vst.idx.msk $0xffff, v37  }
0x98: {  	s31 =	simm.s32 $0x7280;
	[tilespmem:v33+s7+$0x0] =	vst.idx.msk $0xffff, v38  }
0x99: {  	v37 =	vld.idx.msk [tilespmem:v63+s31+$0x0], $0xffff  }
0x9a: {  	v36 =	vld.idx.msk [tilespmem:v36+s31+$0x0], $0xffff;
	_ =	sdelay $0x3  }
0x9b: {  	s5 =	rddreg [dreg:$0x5];
	[tilespmem:v34+s7+$0x0] =	vst.idx.msk $0xffff, v37  }
0x9c: {  	s20 =	rddreg [dreg:$0x6];
	[tilespmem:v35+s7+$0x0] =	vst.idx.msk $0xffff, v36  }
0x9d: {  	[hbm4b:s5+s8] =	stream.strided.scatter [tilespmem:s7], [sflag:$0x4], $0x200, s10, s8, $0x38;
	[tilespmem:$0x1C280] =	vst v63  }
0x9e: {  	s25 =	rddreg [dreg:$0x7];
	s5 =	simm.s32 $0x18480  }
0x9f: {  	[hbm4b:s20+s8] =	stream.strided.scatter [tilespmem:s5], [sflag:$0x4], $0x200, s10, s8, $0x38;
	[tilespmem:$0x1C280] =	vst v63  }
0xa0: {  	s26 =	simm.s32 $0x18680;
	s28 =	rddreg [dreg:$0x8]  }
0xa1: {  	[hbm4b:s25+s8] =	stream.strided.scatter [tilespmem:s26], [sflag:$0x4], $0x200, s10, s8, $0x38;
	[tilespmem:$0x1C280] =	vst v63  }
0xa2: {  	s29 =	simm.s32 $0x18880;
	s30 =	rddreg [dreg:$0x9]  }
0xa3: {  	[hbm4b:s28+s8] =	stream.strided.scatter [tilespmem:s29], [sflag:$0x4], $0x200, s10, s8, $0x38;
	[tilespmem:$0x1C280] =	vst v63  }
0xa4: {  	s31 =	simm.s32 $0x18A80;
	s5 =	rddreg [dreg:$0xa]  }
0xa5: {  	[hbm4b:s30+s8] =	stream.strided.scatter [tilespmem:s31], [sflag:$0x4], $0x200, s10, s8, $0x38;
	[tilespmem:$0x1C280] =	vst v63  }
0xa6: {  	s20 =	simm.s32 $0x18C80;
	s25 =	rddreg [dreg:$0xb]  }
0xa7: {  	[hbm4b:s5+s8] =	stream.strided.scatter [tilespmem:s20], [sflag:$0x4], $0x200, s10, s8, $0x38;
	[tilespmem:$0x1C280] =	vst v63  }
0xa8: {  	s26 =	simm.s32 $0x18E80;
	s28 =	rddreg [dreg:$0xc]  }
0xa9: {  	[hbm4b:s25+s8] =	stream.strided.scatter [tilespmem:s26], [sflag:$0x4], $0x200, s10, s8, $0x38;
	[tilespmem:$0x1C280] =	vst v63  }
0xaa: {  	s29 =	simm.s32 $0x19080;
	s30 =	rddreg [dreg:$0xd]  }
0xab: {  	[hbm4b:s28+s8] =	stream.strided.scatter [tilespmem:s29], [sflag:$0x4], $0x200, s10, s8, $0x38;
	[tilespmem:$0x1C280] =	vst v63  }
0xac: {  	s31 =	simm.s32 $0x19280;
	s5 =	rddreg [dreg:$0xe]  }
0xad: {  	[hbm4b:s30+s8] =	stream.strided.scatter [tilespmem:s31], [sflag:$0x4], $0x200, s10, s8, $0x38;
	[tilespmem:$0x1C280] =	vst v63  }
0xae: {  	s20 =	simm.s32 $0x19480;
	s25 =	rddreg [dreg:$0xf]  }
0xaf: {  	[hbm4b:s5+s8] =	stream.strided.scatter [tilespmem:s20], [sflag:$0x4], $0x200, s10, s8, $0x38;
	[tilespmem:$0x1C280] =	vst v63  }
0xb0: {  	s26 =	simm.s32 $0x19680;
	s28 =	rddreg [dreg:$0x10]  }
0xb1: {  	[hbm4b:s25+s8] =	stream.strided.scatter [tilespmem:s26], [sflag:$0x4], $0x200, s10, s8, $0x38;
	[tilespmem:$0x1C280] =	vst v63  }
0xb2: {  	s29 =	simm.s32 $0x19880;
	s30 =	rddreg [dreg:$0x11]  }
0xb3: {  	[hbm4b:s28+s8] =	stream.strided.scatter [tilespmem:s29], [sflag:$0x4], $0x200, s10, s8, $0x38;
	[tilespmem:$0x1C280] =	vst v63  }
0xb4: {  	s31 =	simm.s32 $0x19A80;
	s5 =	rddreg [dreg:$0x12]  }
0xb5: {  	[hbm4b:s30+s8] =	stream.strided.scatter [tilespmem:s31], [sflag:$0x4], $0x200, s10, s8, $0x38;
	[tilespmem:$0x1C280] =	vst v63  }
0xb6: {  	s20 =	simm.s32 $0x19C80;
	s25 =	rddreg [dreg:$0x13]  }
0xb7: {  	[hbm4b:s5+s8] =	stream.strided.scatter [tilespmem:s20], [sflag:$0x4], $0x200, s10, s8, $0x38;
	[tilespmem:$0x1C280] =	vst v63  }
0xb8: {  	s26 =	simm.s32 $0x19E80;
	s28 =	rddreg [dreg:$0x14]  }
0xb9: {  	[hbm4b:s25+s8] =	stream.strided.scatter [tilespmem:s26], [sflag:$0x4], $0x200, s10, s8, $0x38;
	[tilespmem:$0x1C280] =	vst v63  }
0xba: {  	s29 =	simm.s32 $0x1A080;
	s30 =	rddreg [dreg:$0x15]  }
0xbb: {  	[hbm4b:s28+s8] =	stream.strided.scatter [tilespmem:s29], [sflag:$0x4], $0x200, s10, s8, $0x38;
	[tilespmem:$0x1C280] =	vst v63  }
0xbc: {  	s31 =	simm.s32 $0x1A280;
	s5 =	rddreg [dreg:$0x16]  }
0xbd: {  	[hbm4b:s30+s8] =	stream.strided.scatter [tilespmem:s31], [sflag:$0x4], $0x200, s10, s8, $0x38;
	[tilespmem:$0x1C280] =	vst v63  }
0xbe: {  	s20 =	simm.s32 $0x1A480;
	s25 =	rddreg [dreg:$0x17]  }
0xbf: {  	[hbm4b:s5+s8] =	stream.strided.scatter [tilespmem:s20], [sflag:$0x4], $0x200, s10, s8, $0x38;
	[tilespmem:$0x1C280] =	vst v63  }
0xc0: {  	s26 =	simm.s32 $0x1A680;
	s28 =	rddreg [dreg:$0x18]  }
0xc1: {  	[hbm4b:s25+s8] =	stream.strided.scatter [tilespmem:s26], [sflag:$0x4], $0x200, s10, s8, $0x38;
	[tilespmem:$0x1C280] =	vst v63  }
0xc2: {  	s29 =	simm.s32 $0x1A880;
	s30 =	rddreg [dreg:$0x1a]  }
0xc3: {  	[hbm4b:s28+s8] =	stream.strided.scatter [tilespmem:s29], [sflag:$0x4], $0x200, s10, s8, $0x38;
	[tilespmem:$0x1C280] =	vst v63  }
0xc4: {  	s31 =	simm.s32 $0x1AA80;
	s5 =	rddreg [dreg:$0x1b]  }
0xc5: {  	[hbm4b:s30+s8] =	stream.strided.scatter [tilespmem:s31], [sflag:$0x4], $0x200, s10, s8, $0x38;
	[tilespmem:$0x1C280] =	vst v63  }
0xc6: {  	s20 =	simm.s32 $0x1AC80;
	s25 =	rddreg [dreg:$0x1c]  }
0xc7: {  	[hbm4b:s5+s8] =	stream.strided.scatter [tilespmem:s20], [sflag:$0x4], $0x200, s10, s8, $0x38;
	[tilespmem:$0x1C280] =	vst v63  }
0xc8: {  	s26 =	simm.s32 $0x1AE80;
	s28 =	rddreg [dreg:$0x1d]  }
0xc9: {  	[hbm4b:s25+s8] =	stream.strided.scatter [tilespmem:s26], [sflag:$0x4], $0x200, s10, s8, $0x38;
	[tilespmem:$0x1C280] =	vst v63  }
0xca: {  	s29 =	simm.s32 $0x1B080;
	s30 =	rddreg [dreg:$0x1e]  }
0xcb: {  	[hbm4b:s28+s8] =	stream.strided.scatter [tilespmem:s29], [sflag:$0x4], $0x200, s10, s8, $0x38;
	[tilespmem:$0x1C280] =	vst v63  }
0xcc: {  	s31 =	simm.s32 $0x1B280;
	s5 =	rddreg [dreg:$0x1f]  }
0xcd: {  	[hbm4b:s30+s8] =	stream.strided.scatter [tilespmem:s31], [sflag:$0x4], $0x200, s10, s8, $0x38;
	[tilespmem:$0x1C280] =	vst v63  }
0xce: {  	s20 =	simm.s32 $0x1B480;
	s25 =	sld [smem:$0x7F8]  }
0xcf: {  	[hbm4b:s5+s8] =	stream.strided.scatter [tilespmem:s20], [sflag:$0x4], $0x200, s10, s8, $0x38;
	[tilespmem:$0x1C280] =	vst v63  }
0xd0: {  	s26 =	simm.s32 $0x1B680;
	s28 =	sld [smem:$0x7F9]  }
0xd1: {  	[hbm4b:s25+s8] =	stream.strided.scatter [tilespmem:s26], [sflag:$0x4], $0x200, s10, s8, $0x38;
	[tilespmem:$0x1C280] =	vst v63  }
0xd2: {  	s29 =	simm.s32 $0x1B880;
	s30 =	sld [smem:$0x7FA]  }
0xd3: {  	[hbm4b:s28+s8] =	stream.strided.scatter [tilespmem:s29], [sflag:$0x4], $0x200, s10, s8, $0x38;
	[tilespmem:$0x1C280] =	vst v63  }
0xd4: {  	s31 =	simm.s32 $0x1BA80;
	s5 =	sld [smem:$0x7FB]  }
0xd5: {  	[hbm4b:s30+s8] =	stream.strided.scatter [tilespmem:s31], [sflag:$0x4], $0x200, s10, s8, $0x38;
	[tilespmem:$0x1C280] =	vst v63  }
0xd6: {  	s20 =	simm.s32 $0x1BC80;
	s25 =	sld [smem:$0x7FC]  }
0xd7: {  	[hbm4b:s5+s8] =	stream.strided.scatter [tilespmem:s20], [sflag:$0x4], $0x200, s10, s8, $0x38;
	[tilespmem:$0x1C280] =	vst v63  }
0xd8: {  	s26 =	simm.s32 $0x1BE80;
	s28 =	sld [smem:$0x7FD]  }
0xd9: {  	[hbm4b:s25+s8] =	stream.strided.scatter [tilespmem:s26], [sflag:$0x4], $0x200, s10, s8, $0x38;
	[tilespmem:$0x1C280] =	vst v63  }
0xda: {  	s29 =	simm.s32 $0x1C080  }
0xdb: {  	[hbm4b:s28+s8] =	stream.strided.scatter [tilespmem:s29], [sflag:$0x4], $0x200, s10, s8, $0x38;
	[tilespmem:$0x1C280] =	vst v63  }
0xdc: {  	_ =	swait.ge [sflag:s9], $0x200  }
0xdd: {  	[sflag:s9] =	ssyncset.done $0x0  }
0xde: {  	[sflag:s9] =	ssyncadd.s32 $0xFFFFFE00  }
0xdf: {  	_ =	swait.ge [sflag:s9], $0x200  }
0xe0: {  	[sflag:s9] =	ssyncset.done $0x0  }
0xe1: {  	[sflag:s9] =	ssyncadd.s32 $0xFFFFFE00  }
0xe2: {  	_ =	swait.ge [sflag:s9], $0x200  }
0xe3: {  	[sflag:s9] =	ssyncset.done $0x0  }
0xe4: {  	[sflag:s9] =	ssyncadd.s32 $0xFFFFFE00  }
0xe5: {  	_ =	swait.ge [sflag:s9], $0x200  }
0xe6: {  	[sflag:s9] =	ssyncset.done $0x0  }
0xe7: {  	[sflag:s9] =	ssyncadd.s32 $0xFFFFFE00  }
0xe8: {  	_ =	swait.ge [sflag:s9], $0x200  }
0xe9: {  	[sflag:s9] =	ssyncset.done $0x0  }
0xea: {  	[sflag:s9] =	ssyncadd.s32 $0xFFFFFE00  }
0xeb: {  	_ =	swait.ge [sflag:s9], $0x200  }
0xec: {  	[sflag:s9] =	ssyncset.done $0x0  }
0xed: {  	[sflag:s9] =	ssyncadd.s32 $0xFFFFFE00  }
0xee: {  	_ =	swait.ge [sflag:s9], $0x200  }
0xef: {  	[sflag:s9] =	ssyncset.done $0x0  }
0xf0: {  	[sflag:s9] =	ssyncadd.s32 $0xFFFFFE00  }
0xf1: {  	_ =	swait.ge [sflag:s9], $0x200  }
0xf2: {  	[sflag:s9] =	ssyncset.done $0x0  }
0xf3: {  	[sflag:s9] =	ssyncadd.s32 $0xFFFFFE00  }
0xf4: {  	_ =	swait.ge [sflag:s9], $0x200  }
0xf5: {  	[sflag:s9] =	ssyncset.done $0x0  }
0xf6: {  	[sflag:s9] =	ssyncadd.s32 $0xFFFFFE00  }
0xf7: {  	_ =	swait.ge [sflag:s9], $0x200  }
0xf8: {  	[sflag:s9] =	ssyncset.done $0x0  }
0xf9: {  	[sflag:s9] =	ssyncadd.s32 $0xFFFFFE00  }
0xfa: {  	_ =	swait.ge [sflag:s9], $0x200  }
0xfb: {  	[sflag:s9] =	ssyncset.done $0x0  }
0xfc: {  	[sflag:s9] =	ssyncadd.s32 $0xFFFFFE00  }
0xfd: {  	_ =	swait.ge [sflag:s9], $0x200  }
0xfe: {  	[sflag:s9] =	ssyncset.done $0x0  }
0xff: {  	[sflag:s9] =	ssyncadd.s32 $0xFFFFFE00  }
0x100: {  	_ =	swait.ge [sflag:s9], $0x200  }
0x101: {  	[sflag:s9] =	ssyncset.done $0x0  }
0x102: {  	[sflag:s9] =	ssyncadd.s32 $0xFFFFFE00  }
0x103: {  	_ =	swait.ge [sflag:s9], $0x200  }
0x104: {  	[sflag:s9] =	ssyncset.done $0x0  }
0x105: {  	[sflag:s9] =	ssyncadd.s32 $0xFFFFFE00  }
0x106: {  	_ =	swait.ge [sflag:s9], $0x200  }
0x107: {  	[sflag:s9] =	ssyncset.done $0x0  }
0x108: {  	[sflag:s9] =	ssyncadd.s32 $0xFFFFFE00  }
0x109: {  	_ =	swait.ge [sflag:s9], $0x200  }
0x10a: {  	[sflag:s9] =	ssyncset.done $0x0  }
0x10b: {  	[sflag:s9] =	ssyncadd.s32 $0xFFFFFE00  }
0x10c: {  	_ =	swait.ge [sflag:s9], $0x200  }
0x10d: {  	[sflag:s9] =	ssyncset.done $0x0  }
0x10e: {  	[sflag:s9] =	ssyncadd.s32 $0xFFFFFE00  }
0x10f: {  	_ =	swait.ge [sflag:s9], $0x200  }
0x110: {  	[sflag:s9] =	ssyncset.done $0x0  }
0x111: {  	[sflag:s9] =	ssyncadd.s32 $0xFFFFFE00  }
0x112: {  	_ =	swait.ge [sflag:s9], $0x200  }
0x113: {  	[sflag:s9] =	ssyncset.done $0x0  }
0x114: {  	[sflag:s9] =	ssyncadd.s32 $0xFFFFFE00  }
0x115: {  	_ =	swait.ge [sflag:s9], $0x200  }
0x116: {  	[sflag:s9] =	ssyncset.done $0x0  }
0x117: {  	[sflag:s9] =	ssyncadd.s32 $0xFFFFFE00  }
0x118: {  	_ =	swait.ge [sflag:s9], $0x200  }
0x119: {  	[sflag:s9] =	ssyncset.done $0x0  }
0x11a: {  	[sflag:s9] =	ssyncadd.s32 $0xFFFFFE00  }
0x11b: {  	_ =	swait.ge [sflag:s9], $0x200  }
0x11c: {  	[sflag:s9] =	ssyncset.done $0x0  }
0x11d: {  	[sflag:s9] =	ssyncadd.s32 $0xFFFFFE00  }
0x11e: {  	_ =	swait.ge [sflag:s9], $0x200  }
0x11f: {  	[sflag:s9] =	ssyncset.done $0x0  }
0x120: {  	[sflag:s9] =	ssyncadd.s32 $0xFFFFFE00  }
0x121: {  	_ =	swait.ge [sflag:s9], $0x200  }
0x122: {  	[sflag:s9] =	ssyncset.done $0x0  }
0x123: {  	[sflag:s9] =	ssyncadd.s32 $0xFFFFFE00  }
0x124: {  	_ =	swait.ge [sflag:s9], $0x200  }
0x125: {  	[sflag:s9] =	ssyncset.done $0x0  }
0x126: {  	[sflag:s9] =	ssyncadd.s32 $0xFFFFFE00  }
0x127: {  	_ =	swait.ge [sflag:s9], $0x200  }
0x128: {  	[sflag:s9] =	ssyncset.done $0x0  }
0x129: {  	[sflag:s9] =	ssyncadd.s32 $0xFFFFFE00  }
0x12a: {  	_ =	swait.ge [sflag:s9], $0x200  }
0x12b: {  	[sflag:s9] =	ssyncset.done $0x0  }
0x12c: {  	[sflag:s9] =	ssyncadd.s32 $0xFFFFFE00  }
0x12d: {  	_ =	swait.ge [sflag:s9], $0x200  }
0x12e: {  	[sflag:s9] =	ssyncset.done $0x0  }
0x12f: {  	[sflag:s9] =	ssyncadd.s32 $0xFFFFFE00  }
0x130: {  	_ =	swait.ge [sflag:s9], $0x200  }
0x131: {  	[sflag:s9] =	ssyncset.done $0x0  }
0x132: {  	[sflag:s9] =	ssyncadd.s32 $0xFFFFFE00  }
0x133: {  	_ =	swait.ge [sflag:s9], $0x200  }
0x134: {  	[sflag:s9] =	ssyncset.done $0x0  }
0x135: {  	[sflag:s9] =	ssyncadd.s32 $0xFFFFFE00  }
0x136: {  	_ =	swait.ge [sflag:s9], $0x200  }
0x137: {  	[sflag:s9] =	ssyncset.done $0x0  }
0x138: {  	[sflag:s9] =	ssyncadd.s32 $0xFFFFFE00  }
0x139: {  	_ =	swait.ge [sflag:s9], $0x200  }
0x13a: {  	s30 =	sld [smem:$0x7F7];
	_ =	sdelay $0x2  }
0x13b: {  	s31 =	rddreg [dreg:$0x19];
	s5 =	sadd.s32 $0x1, s30  }
0x13c: {  	p0 =	sne.s32 s5, s31  }
.Ltmp1:
0x13d: {  	_ = 	snop;
	(pc) =	sbr.rel @!p0 .LBB2_12-.Ltmp1, $4  }
0x13e: {  	s1 =	simm.s32 $0x10280  }
0x13f: {  	s3 =	simm.s32 $0x11280;
	s4 =	simm.s32 $0x12280;
	s6 =	simm.s32 $0x13280  }
0x140: {  	s12 =	simm.s32 $0x14280;
	s13 =	simm.s32 $0x15280;
	[sflag:s9] =	ssyncset.done $0x0  }
0x141: {  	s14 =	simm.s32 $0x16280;
	s15 =	simm.s32 $0x17280;
	[sflag:s9] =	ssyncadd.s32 $0xFFFFFE00  }
.LBB2_1:
0x142: {  	[smem:$0x7F7] =	sst s5  }
0x143: {  	s0 =	simm.s32 $0x0;
	s20 =	rddreg [dreg:$0x4];
	s30 =	simm.s32 $0x5  }
0x144: {  	[tilespmem:s0], [sflag:$0x5] =	stream.linear.gather [hbm4b:s20+s0], $0x200, $0x38;
	[tilespmem:$0x1C280] =	vst v63  }
0x145: {  	_ =	swait.ge [sflag:s30], $0x200  }
0x146: {  	[sflag:s30] =	ssyncset.done $0x0  }
0x147: {  	[sflag:s30] =	ssyncadd.s32 $0xFFFFFE00  }
0x148: {  	v36 =	vld [tilespmem:$0x0];
	_ =	sdelay $0x4  }
0x149: {  	(v2sf) =	vpush v36, $0x0;
	_ =	sdelay $0x3  }
0x14a: {  	(v2sf) =	vpush v36, $0x1;
	_ =	sdelay $0x3  }
0x14b: {  	(v2sf) =	vpush v36, $0x2;
	_ =	sdelay $0x1  }
0x14c: {  	(v2sf) =	vpush v36, $0x3;
	_ =	sdelay $0x4  }
0x14d: {  	s31 =	spop (v2sf);
	(v2sf) =	vpush v36, $0x4  }
0x14e: {  	s0 =	sand.u32 $0xFFFFF80, s31  }
0x14f: {  	s0 =	sadd.s32 s2, s0  }
0x150: {  	[tilespmem:s21], [sflag:$0x1] =	stream.strided.gather [hbm4b:s0+s10], $0x1000, s11, s10, $0x38;
	[tilespmem:$0x1C280] =	vst v63  }
0x151: {  	s21 =	spop (v2sf);
	(v2sf) =	vpush v36, $0x5  }
0x152: {  	s0 =	sand.u32 $0xFFFFF80, s21  }
0x153: {  	s0 =	sadd.s32 s2, s0  }
0x154: {  	[tilespmem:s22], [sflag:$0x1] =	stream.strided.gather [hbm4b:s0+s10], $0x1000, s11, s10, $0x38;
	[tilespmem:$0x1C280] =	vst v63  }
0x155: {  	s22 =	spop (v2sf);
	(v2sf) =	vpush v36, $0x6  }
0x156: {  	s0 =	sand.u32 $0xFFFFF80, s22  }
0x157: {  	s29 =	spop (v2sf);
	(v2sf) =	vpush v36, $0x7;
	s0 =	sadd.s32 s2, s0  }
0x158: {  	[tilespmem:s23], [sflag:$0x1] =	stream.strided.gather [hbm4b:s0+s10], $0x1000, s11, s10, $0x38;
	[tilespmem:$0x1C280] =	vst v63  }
0x159: {  	s0 =	sand.u32 $0xFFFFF80, s29  }
0x15a: {  	s0 =	sadd.s32 s2, s0  }
0x15b: {  	[tilespmem:s24], [sflag:$0x1] =	stream.strided.gather [hbm4b:s0+s10], $0x1000, s11, s10, $0x38;
	[tilespmem:$0x1C280] =	vst v63  }
0x15c: {  	s30 =	spop (v2sf)  }
0x15d: {  	s0 =	sand.u32 $0xFFFFF80, s30  }
0x15e: {  	s5 =	simm.s32 $0x4280;
	s0 =	sadd.s32 s2, s0  }
0x15f: {  	[tilespmem:s5], [sflag:$0x1] =	stream.strided.gather [hbm4b:s0+s10], $0x1000, s11, s10, $0x38;
	[tilespmem:$0x1C280] =	vst v63  }
0x160: {  	s31 =	spop (v2sf)  }
0x161: {  	s0 =	sand.u32 $0xFFFFF80, s31  }
0x162: {  	s25 =	simm.s32 $0x5280;
	s0 =	sadd.s32 s2, s0  }
0x163: {  	[tilespmem:s25], [sflag:$0x1] =	stream.strided.gather [hbm4b:s0+s10], $0x1000, s11, s10, $0x38;
	[tilespmem:$0x1C280] =	vst v63  }
0x164: {  	s5 =	spop (v2sf)  }
0x165: {  	s0 =	sand.u32 $0xFFFFF80, s5  }
0x166: {  	s26 =	simm.s32 $0x6280;
	s20 =	spop (v2sf);
	s0 =	sadd.s32 s2, s0  }
0x167: {  	[tilespmem:s26], [sflag:$0x1] =	stream.strided.gather [hbm4b:s0+s10], $0x1000, s11, s10, $0x38;
	[tilespmem:$0x1C280] =	vst v63  }
0x168: {  	s0 =	sand.u32 $0xFFFFF80, s20  }
0x169: {  	s28 =	simm.s32 $0x7280;
	s0 =	sadd.s32 s2, s0  }
0x16a: {  	[tilespmem:s28], [sflag:$0x1] =	stream.strided.gather [hbm4b:s0+s10], $0x1000, s11, s10, $0x38;
	[tilespmem:$0x1C280] =	vst v63  }
0x16b: {  	v63 =	vld [tilespmem:$0x8];
	_ =	sdelay $0x4  }
0x16c: {  	(v2sf) =	vpush v63, $0x0  }
0x16d: {  	(v2sf) =	vpush v63, $0x1;
	_ =	sdelay $0x1  }
0x16e: {  	(v2sf) =	vpush v63, $0x2;
	_ =	sdelay $0x4  }
0x16f: {  	(v2sf) =	vpush v63, $0x3  }
0x170: {  	(v2sf) =	vpush v63, $0x4;
	_ =	sdelay $0x5  }
0x171: {  	s21 =	spop (v2sf);
	(v2sf) =	vpush v63, $0x5  }
0x172: {  	s23 =	spop (v2sf);
	(v2sf) =	vpush v63, $0x6  }
0x173: {  	s0 =	sand.u32 $0xFFFFF80, s21  }
0x174: {  	s22 =	simm.s32 $0x8280;
	s0 =	sadd.s32 s2, s0;
	s25 =	spop (v2sf)  }
0x175: {  	(v2sf) =	vpush v63, $0x7;
	[tilespmem:s22], [sflag:$0x2] =	stream.strided.gather [hbm4b:s0+s10], $0x1000, s11, s10, $0x38;
	[tilespmem:$0x1C280] =	vst v63  }
0x176: {  	s0 =	sand.u32 $0xFFFFF80, s23  }
0x177: {  	s24 =	simm.s32 $0x9280;
	s0 =	sadd.s32 s2, s0  }
0x178: {  	[tilespmem:s24], [sflag:$0x2] =	stream.strided.gather [hbm4b:s0+s10], $0x1000, s11, s10, $0x38;
	[tilespmem:$0x1C280] =	vst v63  }
0x179: {  	s28 =	simm.s32 $0xA280;
	s26 =	spop (v2sf);
	s0 =	sand.u32 $0xFFFFF80, s25  }
0x17a: {  	s29 =	sand.u32 $0xFFFFF80, s26;
	s30 =	spop (v2sf);
	s0 =	sadd.s32 s2, s0  }
0x17b: {  	[tilespmem:s28], [sflag:$0x2] =	stream.strided.gather [hbm4b:s0+s10], $0x1000, s11, s10, $0x38;
	[tilespmem:$0x1C280] =	vst v63  }
0x17c: {  	s31 =	simm.s32 $0xB280;
	s21 =	sand.u32 $0xFFFFF80, s30;
	s0 =	sadd.s32 s2, s29  }
0x17d: {  	[tilespmem:s31], [sflag:$0x2] =	stream.strided.gather [hbm4b:s0+s10], $0x1000, s11, s10, $0x38;
	[tilespmem:$0x1C280] =	vst v63  }
0x17e: {  	s23 =	simm.s32 $0xC280;
	s0 =	sadd.s32 s2, s21  }
0x17f: {  	[tilespmem:s23], [sflag:$0x2] =	stream.strided.gather [hbm4b:s0+s10], $0x1000, s11, s10, $0x38;
	[tilespmem:$0x1C280] =	vst v63  }
0x180: {  	s5 =	simm.s32 $0x7280;
	s22 =	spop (v2sf)  }
0x181: {  	s26 =	simm.s32 $0xD280;
	s24 =	sand.u32 $0xFFFFF80, s22;
	s25 =	spop (v2sf)  }
0x182: {  	s29 =	simm.s32 $0xE280;
	s0 =	sadd.s32 s2, s24;
	s28 =	sand.u32 $0xFFFFF80, s25  }
0x183: {  	[tilespmem:s26], [sflag:$0x2] =	stream.strided.gather [hbm4b:s0+s10], $0x1000, s11, s10, $0x38;
	[tilespmem:$0x1C280] =	vst v63  }
.Ltmp2:
0x184: {  	s30 =	spop (v2sf);
	s0 =	sadd.s32 s2, s28;
	(pc) =	sbr.rel .LBB2_2-.Ltmp2, $4  }
0x185: {  	[tilespmem:s29], [sflag:$0x2] =	stream.strided.gather [hbm4b:s0+s10], $0x1000, s11, s10, $0x38;
	[tilespmem:$0x1C280] =	vst v63  }
0x186: {  	s20 =	simm.s32 $0x7;
	s31 =	simm.s32 $0xF280;
	s0 =	sand.u32 $0xFFFFF80, s30  }
0x187: {  	s21 =	simm.s32 $0x10;
	s22 =	simm.s32 $0x0;
	s0 =	sadd.s32 s2, s0  }
0x188: {  	[tilespmem:s31], [sflag:$0x2] =	stream.strided.gather [hbm4b:s0+s10], $0x1000, s11, s10, $0x38;
	[tilespmem:$0x1C280] =	vst v63  }
.LBB2_9:
0x189: {  	p0 =	seq.s32 s23, $0x2  }
0x18a: {  	s23 =	simm.s32 @p0 $0x17280;
	s24 =	simm.s32 @p0 $0x16280;
	s25 =	simm.s32 @p0 $0x15280  }
0x18b: {  	s26 =	simm.s32 @p0 $0x14280;
	s28 =	simm.s32 @p0 $0x13280;
	s29 =	simm.s32 @p0 $0x12280  }
0x18c: {  	s30 =	simm.s32 @p0 $0x11280;
	s31 =	simm.s32 @p0 $0x10280;
	s0 =	simm.s32 @p0 $0x3  }
0x18d: {  	s23 =	simm.s32 @!p0 $0xF280;
	s24 =	simm.s32 @!p0 $0xE280;
	s25 =	simm.s32 @!p0 $0xD280  }
0x18e: {  	s26 =	simm.s32 @!p0 $0xC280;
	s28 =	simm.s32 @!p0 $0xB280;
	s29 =	simm.s32 @!p0 $0xA280  }
0x18f: {  	s30 =	simm.s32 @!p0 $0x9280;
	s31 =	simm.s32 @!p0 $0x8280;
	s0 =	simm.s32 @!p0 $0x2  }
.LBB2_10:
0x190: {  	_ =	swait.ge [sflag:s0], $0x8000  }
0x191: {  	[sflag:s0] =	ssyncset.done $0x0  }
0x192: {  	[sflag:s0] =	ssyncadd.s32 $0xFFFF8000  }
0x193: {  	v40 =	vld [tilespmem:s21+$0xFFFFFFF0];
	_ =	sdelay $0x4  }
0x194: {  	v40 =	vand.u32 $0x7F, v40  }
0x195: {  	v41 =	vbroadcast v40, $0x0;
	_ =	sdelay $0x1  }
0x196: {  	v42 =	vor.u32 v1, v41  }
0x197: {  	v41 =	vor.u32 v3, v41;
	_ =	sdelay $0x3  }
0x198: {  	v43 =	vbroadcast v40, $0x1;
	v42 =	vld.idx.msk [tilespmem:v42+s31+$0x0], $0xffff  }
0x199: {  	v41 =	vld.idx.msk [tilespmem:v41+s31+$0x0], $0xffff  }
0x19a: {  	v44 =	vor.u32 v1, v43  }
0x19b: {  	v43 =	vor.u32 v3, v43;
	_ =	sdelay $0x1  }
0x19c: {  	[tilespmem:v38+s7+$0x0] =	vst.idx.msk $0xffff, v42  }
0x19d: {  	[tilespmem:v39+s7+$0x0] =	vst.idx.msk $0xffff, v41  }
0x19e: {  	v59 =	vbroadcast v40, $0x2;
	v38 =	vld.idx.msk [tilespmem:v44+s30+$0x0], $0xffff  }
0x19f: {  	v41 =	vld.idx.msk [tilespmem:v43+s30+$0x0], $0xffff  }
0x1a0: {  	v60 =	vor.u32 v1, v59  }
0x1a1: {  	v39 =	vor.u32 v3, v59;
	_ =	sdelay $0x1  }
0x1a2: {  	[tilespmem:v37+s7+$0x0] =	vst.idx.msk $0xffff, v38  }
0x1a3: {  	s30 =	sadd.s32 $0xFFFFFFFB, s20;
	[tilespmem:v36+s7+$0x0] =	vst.idx.msk $0xffff, v41  }
0x1a4: {  	v62 =	vbroadcast v40, $0x3;
	v61 =	vor.u32 s30, v0;
	v36 =	vld.idx.msk [tilespmem:v60+s29+$0x0], $0xffff  }
0x1a5: {  	v63 =	vor.u32 s30, v2;
	v39 =	vld.idx.msk [tilespmem:v39+s29+$0x0], $0xffff  }
0x1a6: {  	v45 =	vor.u32 v1, v62  }
0x1a7: {  	v38 =	vor.u32 v3, v62;
	_ =	sdelay $0x1  }
0x1a8: {  	[tilespmem:v61+s7+$0x0] =	vst.idx.msk $0xffff, v36  }
0x1a9: {  	s31 =	sadd.s32 $0xFFFFFFFC, s20;
	[tilespmem:v63+s7+$0x0] =	vst.idx.msk $0xffff, v39  }
0x1aa: {  	v47 =	vbroadcast v40, $0x4;
	v46 =	vor.u32 s31, v0;
	v36 =	vld.idx.msk [tilespmem:v45+s28+$0x0], $0xffff  }
0x1ab: {  	v48 =	vor.u32 s31, v2;
	v38 =	vld.idx.msk [tilespmem:v38+s28+$0x0], $0xffff  }
0x1ac: {  	v49 =	vor.u32 v1, v47  }
0x1ad: {  	v39 =	vor.u32 v3, v47;
	_ =	sdelay $0x1  }
0x1ae: {  	[tilespmem:v46+s7+$0x0] =	vst.idx.msk $0xffff, v36  }
0x1af: {  	s29 =	sadd.s32 $0xFFFFFFFD, s20;
	[tilespmem:v48+s7+$0x0] =	vst.idx.msk $0xffff, v38  }
0x1b0: {  	v51 =	vbroadcast v40, $0x5;
	v50 =	vor.u32 s29, v0;
	v36 =	vld.idx.msk [tilespmem:v49+s26+$0x0], $0xffff  }
0x1b1: {  	v52 =	vor.u32 s29, v2;
	v39 =	vld.idx.msk [tilespmem:v39+s26+$0x0], $0xffff  }
0x1b2: {  	v53 =	vor.u32 v1, v51  }
0x1b3: {  	v38 =	vor.u32 v3, v51;
	_ =	sdelay $0x1  }
0x1b4: {  	[tilespmem:v50+s7+$0x0] =	vst.idx.msk $0xffff, v36  }
0x1b5: {  	s30 =	sadd.s32 $0xFFFFFFFE, s20;
	[tilespmem:v52+s7+$0x0] =	vst.idx.msk $0xffff, v39  }
0x1b6: {  	v55 =	vbroadcast v40, $0x6;
	v54 =	vor.u32 s30, v0;
	v36 =	vld.idx.msk [tilespmem:v53+s25+$0x0], $0xffff  }
0x1b7: {  	v56 =	vor.u32 s30, v2;
	v38 =	vld.idx.msk [tilespmem:v38+s25+$0x0], $0xffff  }
0x1b8: {  	v57 =	vor.u32 v1, v55  }
0x1b9: {  	v39 =	vor.u32 v3, v55;
	_ =	sdelay $0x1  }
0x1ba: {  	[tilespmem:v54+s7+$0x0] =	vst.idx.msk $0xffff, v36  }
0x1bb: {  	s31 =	sadd.s32 $0xFFFFFFFF, s20;
	[tilespmem:v56+s7+$0x0] =	vst.idx.msk $0xffff, v38  }
0x1bc: {  	v58 =	vor.u32 s31, v0;
	v59 =	vbroadcast v40, $0x7;
	v36 =	vld.idx.msk [tilespmem:v57+s24+$0x0], $0xffff  }
0x1bd: {  	v60 =	vor.u32 s31, v2;
	v39 =	vld.idx.msk [tilespmem:v39+s24+$0x0], $0xffff  }
0x1be: {  	v61 =	vor.u32 v1, v59  }
0x1bf: {  	v38 =	vor.u32 v3, v59;
	_ =	sdelay $0x1  }
0x1c0: {  	[tilespmem:v58+s7+$0x0] =	vst.idx.msk $0xffff, v36  }
0x1c1: {  	[tilespmem:v60+s7+$0x0] =	vst.idx.msk $0xffff, v39  }
0x1c2: {  	v62 =	vor.u32 s20, v0;
	v63 =	vor.u32 s20, v2;
	s20 =	sadd.s32 $0x8, s20;
	v36 =	vld.idx.msk [tilespmem:v61+s23+$0x0], $0xffff  }
0x1c3: {  	p0 =	sne.s32 s20, $0x1F7;
	v38 =	vld.idx.msk [tilespmem:v38+s23+$0x0], $0xffff  }
.Ltmp3:
0x1c4: {  	_ = 	snop;
	(pc) =	sbr.rel @!p0 .LBB2_11-.Ltmp3, $3  }
0x1c5: {  	_ =	sdelay $0x1  }
0x1c6: {  	[tilespmem:v62+s7+$0x0] =	vst.idx.msk $0xffff, v36  }
0x1c7: {  	s22 =	sadd.s32 $0x1, s22;
	s21 =	sadd.s32 $0x8, s21;
	[tilespmem:v63+s7+$0x0] =	vst.idx.msk $0xffff, v38  }
.LBB2_2:
0x1c8: {  	v36 =	vld [tilespmem:s21+$0x0];
	_ =	sdelay $0x4  }
0x1c9: {  	(v2sf) =	vpush v36, $0x0  }
0x1ca: {  	(v2sf) =	vpush v36, $0x1  }
0x1cb: {  	(v2sf) =	vpush v36, $0x2  }
0x1cc: {  	(v2sf) =	vpush v36, $0x3  }
0x1cd: {  	(v2sf) =	vpush v36, $0x4  }
0x1ce: {  	(v2sf) =	vpush v36, $0x5;
	_ =	sdelay $0x2  }
0x1cf: {  	s0 =	sadd.s32 $0x2, s22  }
0x1d0: {  	s23 =	smul.u32 $0xAB, s0;
	_ =	sdelay $0x1  }
0x1d1: {  	s23 =	sshrl.u32 s23, $0x9  }
0x1d2: {  	s23 =	sand.u32 $0x7F, s23  }
0x1d3: {  	s23 =	smul.u32 $0x3, s23;
	_ =	sdelay $0x1  }
0x1d4: {  	s0 =	ssub.s32 s0, s23;
	s24 =	spop (v2sf)  }
0x1d5: {  	s30 =	sand.u32 $0xFF, s0;
	s25 =	spop (v2sf)  }
0x1d6: {  	p0 =	seq.s32 s30, $0x2;
	s24 =	sand.u32 $0xFFFFF80, s24;
	s26 =	spop (v2sf)  }
.Ltmp4:
0x1d7: {  	s25 =	sand.u32 $0xFFFFF80, s25;
	s29 =	spop (v2sf);
	(pc) =	sbr.rel @p0 .LBB2_6-.Ltmp4, $4  }
0x1d8: {  	s28 =	sadd.s32 s2, s24;
	s24 =	sand.u32 $0xFFFFF80, s26;
	s31 =	spop (v2sf)  }
0x1d9: {  	s25 =	sadd.s32 s2, s25;
	s24 =	sadd.s32 s2, s24;
	s26 =	spop (v2sf)  }
0x1da: {  	s0 =	sand.u32 $0xFFFFF80, s29;
	s31 =	sand.u32 $0xFFFFF80, s31;
	s23 =	sand.u32 $0xFFFFF80, s26  }
0x1db: {  	s29 =	sadd.s32 s2, s0;
	s26 =	sadd.s32 s2, s31;
	s23 =	sadd.s32 s2, s23  }
0x1dc: {  	p0 =	seq.s32 s30, $0x1  }
.Ltmp5:
0x1dd: {  	_ = 	snop;
	(pc) =	sbr.rel @!p0 .LBB2_4-.Ltmp5, $1  }
0x1de: {  	_ =	sdelay $0x3  }
0x1df: {  	(v2sf) =	vpush v36, $0x6;
	_ =	sdelay $0x1  }
0x1e0: {  	(v2sf) =	vpush v36, $0x7  }
0x1e1: {  	s0 =	simm.s32 $0x8280  }
0x1e2: {  	[tilespmem:s0], [sflag:$0x2] =	stream.strided.gather [hbm4b:s28+s10], $0x1000, s11, s10, $0x38;
	[tilespmem:$0x1C280] =	vst v63  }
0x1e3: {  	s30 =	simm.s32 $0x9280  }
0x1e4: {  	[tilespmem:s30], [sflag:$0x2] =	stream.strided.gather [hbm4b:s25+s10], $0x1000, s11, s10, $0x38;
	[tilespmem:$0x1C280] =	vst v63  }
0x1e5: {  	s31 =	simm.s32 $0xA280  }
0x1e6: {  	[tilespmem:s31], [sflag:$0x2] =	stream.strided.gather [hbm4b:s24+s10], $0x1000, s11, s10, $0x38;
	[tilespmem:$0x1C280] =	vst v63  }
0x1e7: {  	s24 =	simm.s32 $0xB280  }
0x1e8: {  	[tilespmem:s24], [sflag:$0x2] =	stream.strided.gather [hbm4b:s29+s10], $0x1000, s11, s10, $0x38;
	[tilespmem:$0x1C280] =	vst v63  }
0x1e9: {  	s25 =	simm.s32 $0xC280  }
0x1ea: {  	[tilespmem:s25], [sflag:$0x2] =	stream.strided.gather [hbm4b:s26+s10], $0x1000, s11, s10, $0x38;
	[tilespmem:$0x1C280] =	vst v63  }
0x1eb: {  	s28 =	simm.s32 $0xD280  }
0x1ec: {  	[tilespmem:s28], [sflag:$0x2] =	stream.strided.gather [hbm4b:s23+s10], $0x1000, s11, s10, $0x38;
	[tilespmem:$0x1C280] =	vst v63  }
0x1ed: {  	s26 =	spop (v2sf)  }
0x1ee: {  	s29 =	simm.s32 $0xE280;
	s0 =	sand.u32 $0xFFFFF80, s26  }
.Ltmp6:
0x1ef: {  	s30 =	spop (v2sf);
	s0 =	sadd.s32 s2, s0;
	(pc) =	sbr.rel .LBB2_7-.Ltmp6, $4  }
0x1f0: {  	[tilespmem:s29], [sflag:$0x2] =	stream.strided.gather [hbm4b:s0+s10], $0x1000, s11, s10, $0x38;
	[tilespmem:$0x1C280] =	vst v63  }
0x1f1: {  	s0 =	sand.u32 $0xFFFFF80, s30  }
0x1f2: {  	s31 =	simm.s32 $0xF280;
	s0 =	sadd.s32 s2, s0  }
0x1f3: {  	[tilespmem:s31], [sflag:$0x2] =	stream.strided.gather [hbm4b:s0+s10], $0x1000, s11, s10, $0x38;
	[tilespmem:$0x1C280] =	vst v63  }
.LBB2_6:
0x1f4: {  	(v2sf) =	vpush v36, $0x6;
	_ =	sdelay $0x1  }
0x1f5: {  	(v2sf) =	vpush v36, $0x7;
	_ =	sdelay $0x1  }
0x1f6: {  	[tilespmem:s1], [sflag:$0x3] =	stream.strided.gather [hbm4b:s28+s10], $0x1000, s11, s10, $0x38;
	[tilespmem:$0x1C280] =	vst v63  }
0x1f7: {  	_ = 	snop  }
0x1f8: {  	[tilespmem:s3], [sflag:$0x3] =	stream.strided.gather [hbm4b:s25+s10], $0x1000, s11, s10, $0x38;
	[tilespmem:$0x1C280] =	vst v63  }
0x1f9: {  	_ = 	snop  }
0x1fa: {  	[tilespmem:s4], [sflag:$0x3] =	stream.strided.gather [hbm4b:s24+s10], $0x1000, s11, s10, $0x38;
	[tilespmem:$0x1C280] =	vst v63  }
0x1fb: {  	_ = 	snop  }
0x1fc: {  	[tilespmem:s6], [sflag:$0x3] =	stream.strided.gather [hbm4b:s29+s10], $0x1000, s11, s10, $0x38;
	[tilespmem:$0x1C280] =	vst v63  }
0x1fd: {  	_ = 	snop  }
0x1fe: {  	[tilespmem:s12], [sflag:$0x3] =	stream.strided.gather [hbm4b:s26+s10], $0x1000, s11, s10, $0x38;
	[tilespmem:$0x1C280] =	vst v63  }
0x1ff: {  	_ = 	snop  }
0x200: {  	[tilespmem:s13], [sflag:$0x3] =	stream.strided.gather [hbm4b:s23+s10], $0x1000, s11, s10, $0x38;
	[tilespmem:$0x1C280] =	vst v63  }
0x201: {  	s0 =	spop (v2sf)  }
0x202: {  	s0 =	sand.u32 $0xFFFFF80, s0  }
.Ltmp7:
0x203: {  	s31 =	spop (v2sf);
	s0 =	sadd.s32 s2, s0;
	(pc) =	sbr.rel .LBB2_7-.Ltmp7, $4  }
0x204: {  	[tilespmem:s14], [sflag:$0x3] =	stream.strided.gather [hbm4b:s0+s10], $0x1000, s11, s10, $0x38;
	[tilespmem:$0x1C280] =	vst v63  }
0x205: {  	s0 =	sand.u32 $0xFFFFF80, s31  }
0x206: {  	s0 =	sadd.s32 s2, s0  }
0x207: {  	[tilespmem:s15], [sflag:$0x3] =	stream.strided.gather [hbm4b:s0+s10], $0x1000, s11, s10, $0x38;
	[tilespmem:$0x1C280] =	vst v63  }
.LBB2_4:
0x208: {  	(v2sf) =	vpush v36, $0x6;
	_ =	sdelay $0x1  }
0x209: {  	(v2sf) =	vpush v36, $0x7  }
0x20a: {  	s0 =	simm.s32 $0x280  }
0x20b: {  	[tilespmem:s0], [sflag:$0x1] =	stream.strided.gather [hbm4b:s28+s10], $0x1000, s11, s10, $0x38;
	[tilespmem:$0x1C280] =	vst v63  }
0x20c: {  	s31 =	simm.s32 $0x1280  }
0x20d: {  	[tilespmem:s31], [sflag:$0x1] =	stream.strided.gather [hbm4b:s25+s10], $0x1000, s11, s10, $0x38;
	[tilespmem:$0x1C280] =	vst v63  }
0x20e: {  	s28 =	simm.s32 $0x2280  }
0x20f: {  	[tilespmem:s28], [sflag:$0x1] =	stream.strided.gather [hbm4b:s24+s10], $0x1000, s11, s10, $0x38;
	[tilespmem:$0x1C280] =	vst v63  }
0x210: {  	_ = 	snop  }
0x211: {  	[tilespmem:s16], [sflag:$0x1] =	stream.strided.gather [hbm4b:s29+s10], $0x1000, s11, s10, $0x38;
	[tilespmem:$0x1C280] =	vst v63  }
0x212: {  	_ = 	snop  }
0x213: {  	[tilespmem:s17], [sflag:$0x1] =	stream.strided.gather [hbm4b:s26+s10], $0x1000, s11, s10, $0x38;
	[tilespmem:$0x1C280] =	vst v63  }
0x214: {  	_ = 	snop  }
0x215: {  	[tilespmem:s18], [sflag:$0x1] =	stream.strided.gather [hbm4b:s23+s10], $0x1000, s11, s10, $0x38;
	[tilespmem:$0x1C280] =	vst v63  }
0x216: {  	s30 =	spop (v2sf)  }
0x217: {  	s0 =	sand.u32 $0xFFFFF80, s30  }
0x218: {  	s31 =	spop (v2sf);
	s0 =	sadd.s32 s2, s0  }
0x219: {  	[tilespmem:s19], [sflag:$0x1] =	stream.strided.gather [hbm4b:s0+s10], $0x1000, s11, s10, $0x38;
	[tilespmem:$0x1C280] =	vst v63  }
0x21a: {  	s0 =	sand.u32 $0xFFFFF80, s31  }
0x21b: {  	s0 =	sadd.s32 s2, s0  }
0x21c: {  	[tilespmem:s5], [sflag:$0x1] =	stream.strided.gather [hbm4b:s0+s10], $0x1000, s11, s10, $0x38;
	[tilespmem:$0x1C280] =	vst v63  }
.LBB2_7:
0x21d: {  	s0 =	sadd.s32 $0x3, s22  }
0x21e: {  	s23 =	sand.u32 $0xFF, s0  }
0x21f: {  	s23 =	smul.u32 $0xAB, s23;
	_ =	sdelay $0x1  }
0x220: {  	s23 =	sshrl.u32 s23, $0x9  }
0x221: {  	s23 =	smul.u32 $0x3, s23;
	_ =	sdelay $0x1  }
0x222: {  	s0 =	ssub.s32 s0, s23  }
0x223: {  	s23 =	sand.u32 $0xFF, s0  }
0x224: {  	p0 =	seq.s32 s23, $0x0  }
.Ltmp8:
0x225: {  	_ = 	snop;
	(pc) =	sbr.rel @!p0 .LBB2_9-.Ltmp8, $4  }
0x226: {  	_ = 	snop  }
0x227: {  	s31 =	sadd.s32 $0xFFFFFFF9, s20  }
0x228: {  	s24 =	sadd.s32 $0xFFFFFFFA, s20;
	v38 =	vor.u32 s31, v0  }
0x229: {  	v39 =	vor.u32 s31, v2;
	v37 =	vor.u32 s24, v0;
	v36 =	vor.u32 s24, v2  }
.Ltmp9:
0x22a: {  	(pc) =	sbr.rel .LBB2_10-.Ltmp9, $4  }
0x22b: {  	_ = 	snop  }
0x22c: {  	s23 =	simm.s32 $0x7280;
	s24 =	simm.s32 $0x6280;
	s25 =	simm.s32 $0x5280  }
0x22d: {  	s26 =	simm.s32 $0x4280;
	s28 =	simm.s32 $0x3280;
	s29 =	simm.s32 $0x2280  }
0x22e: {  	s30 =	simm.s32 $0x1280;
	s31 =	simm.s32 $0x280;
	s0 =	simm.s32 $0x1  }
.LBB2_12:
0x22f: {  	_ =	sfence.sel $0x180000  }
0x230: {  	[bflag:$0x0] =	sbarrier.arrive $0xFFFF  }
0x231: {  	_ =	strace $0x90000047  }
0x232: {  	s0 =	stileid.u32;
	[bflag:$0x2] =	sbarrier.arrive $0xFFFF  }
0x233: {  	p0 =	sne.s32 s0, $0x0;
	s0 =	rddreg [dreg:$0x3]  }
0x234: {  	s0 =	sadd.s32 @!p0 $0x100000, s0  }
0x235: {  	[sflag:s0] =	ssyncadd.tile.s32 @!p0 $0x1;
	_ =	shalt  }
.Lfunc_end2:
_tile_overlayer_lowered:
.L_overlay_start_2:
0x236: {  	(tag) =	ssettag $0x2  }
0x237: {  	s0 =	rddreg [dreg:$0x0];
	s2 =	stileid.u32  }
0x238: {  	s1 =	rddreg [dreg:$0x1];
	p0 =	sne.s32 s2, $0x0  }
0x239: {  	s3 =	rddreg [dreg:$0x2];
	[bflag:$0x3] =	sbarrier.arrive $0xFFFF;
	s2 =	simm.s32 @!p0 $0x1C05  }
0x23a: {  	[timem:s3], [sflag:s2] =	dma.local @!p0 [hbm:s0], s1  }
0x23b: {  	s0 =	simm.s32 @!p0 $0x5  }
0x23c: {  	_ =	swait.ge @!p0 [sflag:s0], s1  }
0x23d: {  	s1 =	ssub.s32 @!p0 $0x0, s1;
	[sflag:s0] =	ssyncset.done @!p0 $0x0  }
0x23e: {  	[sflag:s0] =	ssyncadd.s32 @!p0 s1  }
0x23f: {  	[bflag:$0x3] =	sbarrier.arrive $0xFFFF  }
0x240: {  	_ =	shalt  }

</sc_bundles>
